<compile_context>
chip_gen: v7x
topology: tpu7x:2x2x1
jax: 0.10.2.dev20260603
libtpu: 0.0.44.dev20260713+nightly
codegen_flags: <defaults>
</compile_context>

<pallas_src>
import functools

import jax
import jax.numpy as jnp
from jax import lax
from jax.experimental import pallas as pl
from jax.experimental.pallas import tpu as pltpu
from jax.experimental.pallas import tpu_sc as plsc

BS = 4
NPTS = 100000
MID = 32
RESO = 32
D3 = RESO ** 3
NC = 2
NS = 16
CH = 49
TPB = CH * 128
NP = NS * TPB
TROWS = D3 + 16
RPT = D3 // NS
DEN = 1.0 + 0.1 + 0.001
HI = 1.0 - 0.001
RB = 1024


def _mesh():
    return plsc.VectorSubcoreMesh(core_axis_name="c", subcore_axis_name="s")


def _iota16():
    return lax.iota(jnp.int32, 16)


def _fill_rows(ref, nrows, ncols, value):
    iota = _iota16()
    vec = jnp.full((16,), value, jnp.float32)

    def body(r, _):
        rr = jnp.full((16,), r, jnp.int32)
        for cb in range(ncols // 16):
            plsc.store_scatter(ref, [rr, iota + cb * 16], vec)
        return 0

    lax.fori_loop(0, nrows, body, 0)


def _sc_counts_body(p_hbm, idx_out, inv_out, cnt_tbl, pbuf, obuf, ibuf, cbuf,
                    invb):
    c = lax.axis_index("c")
    s = lax.axis_index("s")
    iota = _iota16()
    zeros_i = jnp.zeros((16,), jnp.int32)

    _fill_rows(obuf, 128, 16, 1.0)

    for k in range(NC):
        b = c * NC + k
        base = pl.multiple_of(s * RPT, 8)

        _fill_rows(cbuf, RPT, 16, 0.0)
        pltpu.sync_copy(cbuf, cnt_tbl.at[pl.ds(base, RPT)])

        @pl.when(s == NS - 1)
        def _():
            pltpu.sync_copy(cbuf.at[pl.ds(0, TROWS - D3)],
                            cnt_tbl.at[pl.ds(D3, TROWS - D3)])

        plsc.subcore_barrier()

        def chunk(ch, _):
            off = pl.multiple_of(s * TPB + ch * 128, 8)
            pltpu.sync_copy(p_hbm.at[b, pl.ds(off, 128), :], pbuf)
            for g in range(8):
                rows = jnp.full((16,), g * 16, jnp.int32) + iota

                def coord(col):
                    v = plsc.load_gather(
                        pbuf, [rows, jnp.full((16,), col, jnp.int32)])
                    ncv = jnp.clip(v / DEN + 0.5, 0.0, HI)
                    return (ncv * float(RESO)).astype(jnp.int32)

                qx, qy, qz = coord(0), coord(1), coord(2)
                idxv = qx + RESO * (qy + RESO * qz)
                pos = jnp.full((16,), off + g * 16, jnp.int32) + iota
                idxv = jnp.where(pos < NPTS, idxv, D3)
                ibuf[pl.ds(g * 16, 16)] = idxv
            pltpu.sync_copy(obuf, cnt_tbl.at[ibuf], add=True)
            pltpu.sync_copy(ibuf, idx_out.at[b, s, ch])
            return 0

        lax.fori_loop(0, CH, chunk, 0)
        plsc.subcore_barrier()

        pltpu.sync_copy(cnt_tbl.at[pl.ds(base, RPT)], cbuf)

        def invrow(i, _):
            rows = jnp.full((16,), i * 16, jnp.int32) + iota
            cv = plsc.load_gather(cbuf, [rows, zeros_i])
            invb[pl.ds(i * 16, 16)] = 1.0 / jnp.maximum(cv, 1.0)
            return 0

        lax.fori_loop(0, RPT // 16, invrow, 0)
        pltpu.sync_copy(invb, inv_out.at[b, pl.ds(base, RPT)])
        plsc.subcore_barrier()


def _sc_pool_body(p1_hbm, idx_hbm, inv_hbm, pooled_out, tbl_out, ftbl,
                  rbuf, nbuf, ibuf, invb):
    c = lax.axis_index("c")
    s = lax.axis_index("s")
    iota = _iota16()

    for k in range(NC):
        b = c * NC + k
        base = pl.multiple_of(s * RPT, 8)

        _fill_rows(nbuf, 256, 32, 0.0)
        for zblk in range(RPT // 256):
            pltpu.sync_copy(nbuf, ftbl.at[pl.ds(base + zblk * 256, 256)])

        @pl.when(s == NS - 1)
        def _():
            pltpu.sync_copy(nbuf.at[pl.ds(0, TROWS - D3)],
                            ftbl.at[pl.ds(D3, TROWS - D3)])

        pltpu.sync_copy(idx_hbm.at[b, s], ibuf)
        pltpu.sync_copy(inv_hbm.at[b, pl.ds(base, RPT)], invb)
        plsc.subcore_barrier()

        def scatter(ch, _):
            off = pl.multiple_of(b * NP + s * TPB + ch * 128, 8)
            pltpu.sync_copy(p1_hbm.at[pl.ds(off, 128), :], rbuf)
            pltpu.sync_copy(rbuf, ftbl.at[ibuf.at[ch]], add=True)
            return 0

        lax.fori_loop(0, CH, scatter, 0)
        plsc.subcore_barrier()

        for nb in range(RPT // 256):
            pltpu.sync_copy(ftbl.at[pl.ds(base + nb * 256, 256)], nbuf)

            def norm(i, _, _nb=nb):
                ii = jnp.full((16,), i, jnp.int32)
                spl = plsc.load_gather(invb, [jnp.full((16,), _nb * 256,
                                                       jnp.int32) + ii])
                r0 = plsc.load_gather(nbuf, [ii, iota])
                r1 = plsc.load_gather(nbuf, [ii, iota + 16])
                plsc.store_scatter(nbuf, [ii, iota], r0 * spl)
                plsc.store_scatter(nbuf, [ii, iota + 16], r1 * spl)
                return 0

            lax.fori_loop(0, 256, norm, 0)
            pltpu.sync_copy(nbuf, tbl_out.at[b, pl.ds(base + nb * 256, 256), :])
            pltpu.sync_copy(nbuf, ftbl.at[pl.ds(base + nb * 256, 256)])
        plsc.subcore_barrier()

        def gather(ch, _):
            off = pl.multiple_of(b * NP + s * TPB + ch * 128, 8)
            pltpu.sync_copy(ftbl.at[ibuf.at[ch]], rbuf)
            pltpu.sync_copy(rbuf, pooled_out.at[pl.ds(off, 128), :])
            return 0

        lax.fori_loop(0, CH, gather, 0)
        plsc.subcore_barrier()


def _sc_counts(p_pad):
    return pl.kernel(
        _sc_counts_body,
        out_type=(jax.ShapeDtypeStruct((BS, NS, CH, 128), jnp.int32),
                  jax.ShapeDtypeStruct((BS, D3), jnp.float32)),
        mesh=_mesh(),
        compiler_params=pltpu.CompilerParams(needs_layout_passes=False, use_tc_tiling_on_sc=False),
        scratch_types=[
            pltpu.VMEM_SHARED((TROWS, 16), jnp.float32),
            pltpu.VMEM((128, 4), jnp.float32),
            pltpu.VMEM((128, 16), jnp.float32),
            pltpu.VMEM((128,), jnp.int32),
            pltpu.VMEM((RPT, 16), jnp.float32),
            pltpu.VMEM((RPT,), jnp.float32),
        ],
    )(p_pad)


def _sc_pool(p1, idx, inv):
    return pl.kernel(
        _sc_pool_body,
        out_type=(jax.ShapeDtypeStruct((BS * NP, MID), jnp.float32),
                  jax.ShapeDtypeStruct((BS, D3, MID), jnp.float32)),
        mesh=_mesh(),
        compiler_params=pltpu.CompilerParams(needs_layout_passes=False, use_tc_tiling_on_sc=False),
        scratch_types=[
            pltpu.VMEM_SHARED((TROWS, MID), jnp.float32),
            pltpu.VMEM((128, MID), jnp.float32),
            pltpu.VMEM((256, MID), jnp.float32),
            pltpu.VMEM((CH, 128), jnp.int32),
            pltpu.VMEM((RPT,), jnp.float32),
        ],
    )(p1, idx, inv)


def _res(x, wa, ba, wb, bb, wc):
    h = jnp.maximum(x, 0.0)
    h = jnp.dot(h, wa, preferred_element_type=jnp.float32) + ba
    h = jnp.maximum(h, 0.0)
    h = jnp.dot(h, wb, preferred_element_type=jnp.float32) + bb
    return jnp.dot(x, wc, preferred_element_type=jnp.float32) + h


def _tc_init_body(pf, w1e, b1, wa, ba, wb, bb, wc, o):
    x = (jnp.dot(pf[0], w1e[...], preferred_element_type=jnp.float32)
         + b1[...])
    o[...] = _res(x, wa[...], ba[...], wb[...], bb[...], wc[...])


def _tc_init(p4, w1t, b1, wa, ba, wb, bb, wc):
    extras = [w1t, b1, wa, ba, wb, bb, wc]
    return pl.pallas_call(
        _tc_init_body,
        grid=(BS * NP // RB,),
        in_specs=([pl.BlockSpec((1, RB, 4), lambda i: (i // (NP // RB),
                                                       i % (NP // RB), 0))]
                  + [_full_spec(a) for a in extras]),
        out_specs=pl.BlockSpec((RB, MID), lambda i: (i, 0)),
        out_shape=jax.ShapeDtypeStruct((BS * NP, MID), jnp.float32),
        compiler_params=pltpu.CompilerParams(
            dimension_semantics=("parallel",)),
    )(p4, *extras)


def _tc_res_packed_body(pa, pb, at, ab, ba, wb, bb, ct, cb, wf, bf, o):
    xa, xb = pa[...], pb[...]
    ra = jnp.maximum(xa, 0.0)
    rb = jnp.maximum(xb, 0.0)
    dot = lambda x, w: jnp.dot(x, w, preferred_element_type=jnp.float32)
    h = dot(ra, at[...]) + dot(rb, ab[...]) + ba[...]
    h = dot(jnp.maximum(h, 0.0), wb[...]) + bb[...]
    y = dot(xa, ct[...]) + dot(xb, cb[...]) + h
    o[...] = dot(y, wf[...]) + bf[...]


def _tc_transpose_body(x, o):
    o[...] = jnp.transpose(x[...], (0, 2, 1))


def _tc_transpose(tbl):
    return pl.pallas_call(
        _tc_transpose_body,
        grid=(BS, D3 // 512),
        in_specs=[pl.BlockSpec((1, 512, MID), lambda b, j: (b, j, 0))],
        out_specs=pl.BlockSpec((1, MID, 512), lambda b, j: (b, 0, j)),
        out_shape=jax.ShapeDtypeStruct((BS, MID, D3), jnp.float32),
        compiler_params=pltpu.CompilerParams(
            dimension_semantics=("parallel", "parallel")),
    )(tbl)


def _full_spec(arr):
    nd = arr.ndim
    return pl.BlockSpec(arr.shape, lambda i, _nd=nd: (0,) * _nd)


def _tc_res_packed(p1p, pooledp, w):
    rows = p1p.shape[0]
    rb = RB // 2
    in_specs = ([pl.BlockSpec((rb, 128), lambda i: (i, 0))] * 2
                + [_full_spec(a) for a in w])
    return pl.pallas_call(
        _tc_res_packed_body,
        grid=(rows // rb,),
        in_specs=in_specs,
        out_specs=pl.BlockSpec((rb, 128), lambda i: (i, 0)),
        out_shape=jax.ShapeDtypeStruct((rows, 128), jnp.float32),
        input_output_aliases={0: 0},
        compiler_params=pltpu.CompilerParams(
            dimension_semantics=("parallel",)),
    )(p1p, pooledp, *w)


def kernel(p, params):
    p4 = jnp.pad(p, ((0, 0), (0, NP - NPTS), (0, 1)))
    idx, inv = _sc_counts(p4)

    def blk(i):
        return (params['blk%d_fc1_w' % i].T, params['blk%d_fc1_b' % i][None],
                params['blk%d_fc2_w' % i].T, params['blk%d_fc2_b' % i][None],
                params['blk%d_fc3_w' % i].T)

    w1t4 = jnp.pad(params['w1'].T, ((0, 1), (0, 0)))
    p1 = _tc_init(p4, w1t4, params['b1'][None], *blk(0))

    eye4 = jnp.eye(4, dtype=jnp.float32)
    bd = lambda w: jnp.kron(eye4, w)
    t4 = lambda b: jnp.tile(b, (1, 4))

    def pack_stage(wa, ba, wb, bb, wc, wf, bf):
        return (bd(wa[:MID]), bd(wa[MID:]), t4(ba), bd(wb), t4(bb),
                bd(wc[:MID]), bd(wc[MID:]), bd(wf), t4(bf))

    eye = jnp.eye(MID, dtype=jnp.float32)
    zb = jnp.zeros((1, MID), jnp.float32)
    zw = jnp.zeros((2 * MID, MID), jnp.float32)
    stages = [pack_stage(*blk(i), eye, zb) for i in range(1, 4)]
    stages.append(pack_stage(*blk(4), params['w2'].T, params['b2'][None]))
    stages.append(pack_stage(zw, zb, jnp.zeros((MID, MID), jnp.float32),
                             zb, zw, eye, zb))
    ws = tuple(jnp.stack([st[j] for st in stages]) for j in range(9))

    def step(carry, w):
        p1_c, _ = carry
        pooled, tbl = _sc_pool(jnp.reshape(p1_c, (BS * NP, MID)), idx, inv)
        pooledp = jnp.reshape(pooled, (BS * NP // 4, 128))
        p1_n = _tc_res_packed(p1_c, pooledp, list(w))
        tblp = jnp.reshape(tbl, (BS, D3 * MID // 128, 128))
        return (p1_n, tblp), None

    p1p = jnp.reshape(p1, (BS * NP // 4, 128))
    (_, tblp), _ = lax.scan(
        step, (p1p, jnp.zeros((BS, D3 * MID // 128, 128), jnp.float32)), ws)
    tbl = jnp.reshape(tblp, (BS, D3, MID))
    return _tc_transpose(tbl).reshape(BS, MID, RESO, RESO, RESO)

# --- scband reference (transcript-rebuilt; emitter-appended) ---
"""Pipeline reference for scband-local-pool-pn-37443524887128 (READ-ONLY COPY).

The authoritative reference and input builder live on the scoring server;
editing this copy changes nothing except your own understanding.
"""

import jax, jax.numpy as jnp
import numpy as np

BS, NPTS, MID, C_DIM, RESO, PADDING, N_BLOCKS = 4, 100000, 32, 32, 32, 0.1, 5

def _norm_3d_cord(p):
    nc = p / (1.0 + PADDING + 0.001) + 0.5
    return jnp.clip(nc, 0.0, 1.0 - 0.001)

def _cord2index(p):
    q = (p * RESO).astype(jnp.int32)
    idx = q[:, :, 0] + RESO * (q[:, :, 1] + RESO * q[:, :, 2])
    return idx[:, None, :]

def _scatter_mean(src, idx, dim_size):
    bs, f, n = src.shape
    idxb = jnp.broadcast_to(idx, (bs, f, n))
    b_idx = jnp.arange(bs)[:, None, None]
    f_idx = jnp.arange(f)[None, :, None]
    sums = jnp.zeros((bs, f, dim_size), src.dtype).at[b_idx, f_idx, idxb].add(src)
    counts = jnp.zeros((bs, dim_size), src.dtype).at[jnp.arange(bs)[:, None], idx[:, 0, :]].add(1.0)
    return sums / jnp.maximum(counts[:, None, :], 1.0)

def _res_block(x, w1, b1, w2, b2, w3):
    x1 = jax.nn.relu(x)
    x1 = x1 @ w1.T + b1
    x1 = jax.nn.relu(x1)
    x1 = x1 @ w2.T + b2
    xs = x @ w3.T
    return xs + x1

def _forward(p, params):
    bs = p.shape[0]
    d3 = RESO ** 3
    nc = _norm_3d_cord(p)
    idx = _cord2index(nc)
    p1 = p @ params['w1'].T + params['b1']
    p1 = _res_block(p1, params['blk0_fc1_w'], params['blk0_fc1_b'], params['blk0_fc2_w'], params['blk0_fc2_b'], params['blk0_fc3_w'])
    for i in range(1, N_BLOCKS):
        c = jnp.transpose(p1, (0, 2, 1))
        feat = _scatter_mean(c, idx, d3)
        gathered = jnp.take_along_axis(feat, jnp.broadcast_to(idx, (bs, c.shape[1], idx.shape[2])), axis=2)
        pooled = jnp.transpose(gathered, (0, 2, 1))
        p1 = jnp.concatenate([p1, pooled], axis=2)
        p1 = _res_block(p1, params['blk%d_fc1_w' % i], params['blk%d_fc1_b' % i], params['blk%d_fc2_w' % i], params['blk%d_fc2_b' % i], params['blk%d_fc3_w' % i])
    inter = p1 @ params['w2'].T + params['b2']
    nc2 = _norm_3d_cord(p)
    idx2 = _cord2index(nc2)
    cperm = jnp.transpose(inter, (0, 2, 1))
    grid = _scatter_mean(cperm, idx2, d3)
    return grid.reshape(bs, C_DIM, RESO, RESO, RESO)

def setup_inputs(seed: int = 0):
    key = jax.random.key(seed)
    ki = iter(list(jax.random.split(key, 40)))
    p = jax.random.uniform(next(ki), (BS, NPTS, 3), dtype=jnp.float32)
    params = {}
    params['w1'] = 0.1 * jax.random.normal(next(ki), (2 * MID, 3), dtype=jnp.float32)
    params['b1'] = jnp.zeros((2 * MID,), jnp.float32)
    for i in range(N_BLOCKS):
        params['blk%d_fc1_w' % i] = 0.05 * jax.random.normal(next(ki), (MID, 2 * MID), dtype=jnp.float32)
        params['blk%d_fc1_b' % i] = jnp.zeros((MID,), jnp.float32)
        params['blk%d_fc2_w' % i] = 0.05 * jax.random.normal(next(ki), (MID, MID), dtype=jnp.float32)
        params['blk%d_fc2_b' % i] = jnp.zeros((MID,), jnp.float32)
        params['blk%d_fc3_w' % i] = 0.05 * jax.random.normal(next(ki), (MID, 2 * MID), dtype=jnp.float32)
    params['w2'] = 0.05 * jax.random.normal(next(ki), (C_DIM, MID), dtype=jnp.float32)
    params['b2'] = jnp.zeros((C_DIM,), jnp.float32)
    return {'p': p, 'params': params}

def reference(p, params):
    return _forward(p, params)

if __name__ == "__main__":
    import jax
    _d = setup_inputs()
    print(jax.jit(kernel)(*tuple(_d.values())))

</pallas_src>

<mosaic_0001>
#map = affine_map<(d0, d1) -> (0, 0)>
#map1 = affine_map<(d0, d1) -> (0, 0, 0, 0)>
#map2 = affine_map<(d0, d1) -> (0, 0, 0)>
module attributes {stable_mosaic.version = 14 : i64} {
  func.func @_sc_pool_body(%arg0: i32, %arg1: i32, %arg2: memref<401408x32xf32, #tpu.memory_space<hbm>>, %arg3: memref<4x16x49x128xi32, #tpu.memory_space<hbm>>, %arg4: memref<4x32768xf32, #tpu.memory_space<hbm>>, %arg5: memref<401408x32xf32, #tpu.memory_space<hbm>>, %arg6: memref<4x32768x32xf32, #tpu.memory_space<hbm>>, %arg7: memref<32784x32xf32, #tpu.memory_space<vmem_shared>>, %arg8: memref<128x32xf32, #tpu.memory_space<vmem>>, %arg9: memref<256x32xf32, #tpu.memory_space<vmem>>, %arg10: memref<49x128xi32, #tpu.memory_space<vmem>>, %arg11: memref<2048xf32, #tpu.memory_space<vmem>>) attributes {dimension_semantics = [#tpu.dimension_semantics<core_parallel>, #tpu.dimension_semantics<subcore_parallel>], iteration_bounds = array<i64: 2, 16>, scalar_prefetch = 0 : i64, scratch_operands = 5 : i64, tpu.core_type = #tpu.core_type<sc_vector_subcore>, window_params = [{transform_indices = #map}, {transform_indices = #map1}, {transform_indices = #map}, {transform_indices = #map}, {transform_indices = #map2}]} {
    %iota3A = tpu.iota {dimensions = array<i32: 0>} : vector<16xi32>
    %mul3A = arith.constant 2 : i32
    %mul3A_0 = arith.muli %arg0, %mul3A : i32
    %add3A = arith.constant 0 : i32
    %add3A_1 = arith.addi %mul3A_0, %add3A : i32
    %mul3A_2 = arith.constant 2048 : i32
    %mul3A_3 = arith.muli %arg1, %mul3A_2 : i32
    %multiple_of3A = tpu.assume_multiple %mul3A_3, 8 : i32
    %iota3A_4 = tpu.iota {dimensions = array<i32: 0>} : vector<16xi32>
    %broadcast_in_dim3A = arith.constant 0.000000e+00 : f32
    %broadcast_in_dim3A_5 = vector.broadcast %broadcast_in_dim3A : f32 to vector<16xf32>
    %scan3A = arith.constant 0 : i32
    %scan3A_6 = arith.constant 0 : i32
    %scan3A_7 = arith.constant 256 : i32
    %scan3A_8 = arith.addi %scan3A_6, %scan3A_7 : i32
    %scan3A_9 = arith.constant 1 : i32
    %scan3A_10 = scf.for %scan3A_311 = %scan3A_6 to %scan3A_8 step %scan3A_9 iter_args(%scan3A_312 = %scan3A) -> (i32)  : i32 {
      %broadcast_in_dim3A_313 = vector.broadcast %scan3A_311 : i32 to vector<16xi32>
      %add3A_314 = arith.constant 0 : i32
      %add3A_315 = vector.broadcast %add3A_314 : i32 to vector<16xi32>
      %add3A_316 = arith.addi %iota3A_4, %add3A_315 : vector<16xi32>
      tpu.vector_store_idx %arg9[%broadcast_in_dim3A_313, %add3A_316], %broadcast_in_dim3A_5 : memref<256x32xf32, #tpu.memory_space<vmem>>[vector<16xi32>, vector<16xi32>], vector<16xf32>,
      %add3A_317 = arith.constant 16 : i32
      %add3A_318 = vector.broadcast %add3A_317 : i32 to vector<16xi32>
      %add3A_319 = arith.addi %iota3A_4, %add3A_318 : vector<16xi32>
      tpu.vector_store_idx %arg9[%broadcast_in_dim3A_313, %add3A_319], %broadcast_in_dim3A_5 : memref<256x32xf32, #tpu.memory_space<vmem>>[vector<16xi32>, vector<16xi32>], vector<16xf32>,
      %scan3A_320 = arith.constant 0 : i32
      scf.yield %scan3A_320 : i32
    }
    %scan3A_11 = arith.constant 256 : i32
    %add3A_12 = arith.constant 0 : i32
    %add3A_13 = arith.addi %multiple_of3A, %add3A_12 : i32
    "tpu.region"() ({
      %run_scoped3A = tpu.sem_alloc : memref<!tpu.dma_semaphore, #tpu.memory_space<semaphore_mem>>
      %dma_start3A = arith.constant 0 : i32
      %dma_start3A_311 = tpu.memref_slice %arg7[%add3A_13, %dma_start3A] : memref<32784x32xf32, #tpu.memory_space<vmem_shared>> -> memref<256x32xf32, #tpu.memory_space<vmem_shared>>
      %dma_start3A_312 = arith.constant 0 : i32
      %dma_start3A_313 = tpu.memref_slice %arg7[%add3A_13, %dma_start3A_312] : memref<32784x32xf32, #tpu.memory_space<vmem_shared>> -> memref<256x32xf32, #tpu.memory_space<vmem_shared>>
      tpu.enqueue_dma source(%arg9 : memref<256x32xf32, #tpu.memory_space<vmem>>) target(%dma_start3A_313 : memref<256x32xf32, #tpu.memory_space<vmem_shared>>) target_semaphore(%run_scoped3A : memref<!tpu.dma_semaphore, #tpu.memory_space<semaphore_mem>>)
      %dma_wait3A = arith.constant 0 : i32
      %dma_wait3A_314 = tpu.memref_slice %arg7[%add3A_13, %dma_wait3A] : memref<32784x32xf32, #tpu.memory_space<vmem_shared>> -> memref<256x32xf32, #tpu.memory_space<vmem_shared>>
      %dma_wait3A_315 = arith.constant 0 : i32
      %dma_wait3A_316 = tpu.memref_slice %arg7[%add3A_13, %dma_wait3A_315] : memref<32784x32xf32, #tpu.memory_space<vmem_shared>> -> memref<256x32xf32, #tpu.memory_space<vmem_shared>>
      tpu.wait_dma2 semaphore(%run_scoped3A : memref<!tpu.dma_semaphore, #tpu.memory_space<semaphore_mem>>) src(%arg9 : memref<256x32xf32, #tpu.memory_space<vmem>>) dst(%dma_wait3A_316 : memref<256x32xf32, #tpu.memory_space<vmem_shared>>)
      tpu.yield
    }) : () -> ()
    %add3A_14 = arith.constant 256 : i32
    %add3A_15 = arith.addi %multiple_of3A, %add3A_14 : i32
    "tpu.region"() ({
      %run_scoped3A = tpu.sem_alloc : memref<!tpu.dma_semaphore, #tpu.memory_space<semaphore_mem>>
      %dma_start3A = arith.constant 0 : i32
      %dma_start3A_311 = tpu.memref_slice %arg7[%add3A_15, %dma_start3A] : memref<32784x32xf32, #tpu.memory_space<vmem_shared>> -> memref<256x32xf32, #tpu.memory_space<vmem_shared>>
      %dma_start3A_312 = arith.constant 0 : i32
      %dma_start3A_313 = tpu.memref_slice %arg7[%add3A_15, %dma_start3A_312] : memref<32784x32xf32, #tpu.memory_space<vmem_shared>> -> memref<256x32xf32, #tpu.memory_space<vmem_shared>>
      tpu.enqueue_dma source(%arg9 : memref<256x32xf32, #tpu.memory_space<vmem>>) target(%dma_start3A_313 : memref<256x32xf32, #tpu.memory_space<vmem_shared>>) target_semaphore(%run_scoped3A : memref<!tpu.dma_semaphore, #tpu.memory_space<semaphore_mem>>)
      %dma_wait3A = arith.constant 0 : i32
      %dma_wait3A_314 = tpu.memref_slice %arg7[%add3A_15, %dma_wait3A] : memref<32784x32xf32, #tpu.memory_space<vmem_shared>> -> memref<256x32xf32, #tpu.memory_space<vmem_shared>>
      %dma_wait3A_315 = arith.constant 0 : i32
      %dma_wait3A_316 = tpu.memref_slice %arg7[%add3A_15, %dma_wait3A_315] : memref<32784x32xf32, #tpu.memory_space<vmem_shared>> -> memref<256x32xf32, #tpu.memory_space<vmem_shared>>
      tpu.wait_dma2 semaphore(%run_scoped3A : memref<!tpu.dma_semaphore, #tpu.memory_space<semaphore_mem>>) src(%arg9 : memref<256x32xf32, #tpu.memory_space<vmem>>) dst(%dma_wait3A_316 : memref<256x32xf32, #tpu.memory_space<vmem_shared>>)
      tpu.yield
    }) : () -> ()
    %add3A_16 = arith.constant 512 : i32
    %add3A_17 = arith.addi %multiple_of3A, %add3A_16 : i32
    "tpu.region"() ({
      %run_scoped3A = tpu.sem_alloc : memref<!tpu.dma_semaphore, #tpu.memory_space<semaphore_mem>>
      %dma_start3A = arith.constant 0 : i32
      %dma_start3A_311 = tpu.memref_slice %arg7[%add3A_17, %dma_start3A] : memref<32784x32xf32, #tpu.memory_space<vmem_shared>> -> memref<256x32xf32, #tpu.memory_space<vmem_shared>>
      %dma_start3A_312 = arith.constant 0 : i32
      %dma_start3A_313 = tpu.memref_slice %arg7[%add3A_17, %dma_start3A_312] : memref<32784x32xf32, #tpu.memory_space<vmem_shared>> -> memref<256x32xf32, #tpu.memory_space<vmem_shared>>
      tpu.enqueue_dma source(%arg9 : memref<256x32xf32, #tpu.memory_space<vmem>>) target(%dma_start3A_313 : memref<256x32xf32, #tpu.memory_space<vmem_shared>>) target_semaphore(%run_scoped3A : memref<!tpu.dma_semaphore, #tpu.memory_space<semaphore_mem>>)
      %dma_wait3A = arith.constant 0 : i32
      %dma_wait3A_314 = tpu.memref_slice %arg7[%add3A_17, %dma_wait3A] : memref<32784x32xf32, #tpu.memory_space<vmem_shared>> -> memref<256x32xf32, #tpu.memory_space<vmem_shared>>
      %dma_wait3A_315 = arith.constant 0 : i32
      %dma_wait3A_316 = tpu.memref_slice %arg7[%add3A_17, %dma_wait3A_315] : memref<32784x32xf32, #tpu.memory_space<vmem_shared>> -> memref<256x32xf32, #tpu.memory_space<vmem_shared>>
      tpu.wait_dma2 semaphore(%run_scoped3A : memref<!tpu.dma_semaphore, #tpu.memory_space<semaphore_mem>>) src(%arg9 : memref<256x32xf32, #tpu.memory_space<vmem>>) dst(%dma_wait3A_316 : memref<256x32xf32, #tpu.memory_space<vmem_shared>>)
      tpu.yield
    }) : () -> ()
    %add3A_18 = arith.constant 768 : i32
    %add3A_19 = arith.addi %multiple_of3A, %add3A_18 : i32
    "tpu.region"() ({
      %run_scoped3A = tpu.sem_alloc : memref<!tpu.dma_semaphore, #tpu.memory_space<semaphore_mem>>
      %dma_start3A = arith.constant 0 : i32
      %dma_start3A_311 = tpu.memref_slice %arg7[%add3A_19, %dma_start3A] : memref<32784x32xf32, #tpu.memory_space<vmem_shared>> -> memref<256x32xf32, #tpu.memory_space<vmem_shared>>
      %dma_start3A_312 = arith.constant 0 : i32
      %dma_start3A_313 = tpu.memref_slice %arg7[%add3A_19, %dma_start3A_312] : memref<32784x32xf32, #tpu.memory_space<vmem_shared>> -> memref<256x32xf32, #tpu.memory_space<vmem_shared>>
      tpu.enqueue_dma source(%arg9 : memref<256x32xf32, #tpu.memory_space<vmem>>) target(%dma_start3A_313 : memref<256x32xf32, #tpu.memory_space<vmem_shared>>) target_semaphore(%run_scoped3A : memref<!tpu.dma_semaphore, #tpu.memory_space<semaphore_mem>>)
      %dma_wait3A = arith.constant 0 : i32
      %dma_wait3A_314 = tpu.memref_slice %arg7[%add3A_19, %dma_wait3A] : memref<32784x32xf32, #tpu.memory_space<vmem_shared>> -> memref<256x32xf32, #tpu.memory_space<vmem_shared>>
      %dma_wait3A_315 = arith.constant 0 : i32
      %dma_wait3A_316 = tpu.memref_slice %arg7[%add3A_19, %dma_wait3A_315] : memref<32784x32xf32, #tpu.memory_space<vmem_shared>> -> memref<256x32xf32, #tpu.memory_space<vmem_shared>>
      tpu.wait_dma2 semaphore(%run_scoped3A : memref<!tpu.dma_semaphore, #tpu.memory_space<semaphore_mem>>) src(%arg9 : memref<256x32xf32, #tpu.memory_space<vmem>>) dst(%dma_wait3A_316 : memref<256x32xf32, #tpu.memory_space<vmem_shared>>)
      tpu.yield
    }) : () -> ()
    %add3A_20 = arith.constant 1024 : i32
    %add3A_21 = arith.addi %multiple_of3A, %add3A_20 : i32
    "tpu.region"() ({
      %run_scoped3A = tpu.sem_alloc : memref<!tpu.dma_semaphore, #tpu.memory_space<semaphore_mem>>
      %dma_start3A = arith.constant 0 : i32
      %dma_start3A_311 = tpu.memref_slice %arg7[%add3A_21, %dma_start3A] : memref<32784x32xf32, #tpu.memory_space<vmem_shared>> -> memref<256x32xf32, #tpu.memory_space<vmem_shared>>
      %dma_start3A_312 = arith.constant 0 : i32
      %dma_start3A_313 = tpu.memref_slice %arg7[%add3A_21, %dma_start3A_312] : memref<32784x32xf32, #tpu.memory_space<vmem_shared>> -> memref<256x32xf32, #tpu.memory_space<vmem_shared>>
      tpu.enqueue_dma source(%arg9 : memref<256x32xf32, #tpu.memory_space<vmem>>) target(%dma_start3A_313 : memref<256x32xf32, #tpu.memory_space<vmem_shared>>) target_semaphore(%run_scoped3A : memref<!tpu.dma_semaphore, #tpu.memory_space<semaphore_mem>>)
      %dma_wait3A = arith.constant 0 : i32
      %dma_wait3A_314 = tpu.memref_slice %arg7[%add3A_21, %dma_wait3A] : memref<32784x32xf32, #tpu.memory_space<vmem_shared>> -> memref<256x32xf32, #tpu.memory_space<vmem_shared>>
      %dma_wait3A_315 = arith.constant 0 : i32
      %dma_wait3A_316 = tpu.memref_slice %arg7[%add3A_21, %dma_wait3A_315] : memref<32784x32xf32, #tpu.memory_space<vmem_shared>> -> memref<256x32xf32, #tpu.memory_space<vmem_shared>>
      tpu.wait_dma2 semaphore(%run_scoped3A : memref<!tpu.dma_semaphore, #tpu.memory_space<semaphore_mem>>) src(%arg9 : memref<256x32xf32, #tpu.memory_space<vmem>>) dst(%dma_wait3A_316 : memref<256x32xf32, #tpu.memory_space<vmem_shared>>)
      tpu.yield
    }) : () -> ()
    %add3A_22 = arith.constant 1280 : i32
    %add3A_23 = arith.addi %multiple_of3A, %add3A_22 : i32
    "tpu.region"() ({
      %run_scoped3A = tpu.sem_alloc : memref<!tpu.dma_semaphore, #tpu.memory_space<semaphore_mem>>
      %dma_start3A = arith.constant 0 : i32
      %dma_start3A_311 = tpu.memref_slice %arg7[%add3A_23, %dma_start3A] : memref<32784x32xf32, #tpu.memory_space<vmem_shared>> -> memref<256x32xf32, #tpu.memory_space<vmem_shared>>
      %dma_start3A_312 = arith.constant 0 : i32
      %dma_start3A_313 = tpu.memref_slice %arg7[%add3A_23, %dma_start3A_312] : memref<32784x32xf32, #tpu.memory_space<vmem_shared>> -> memref<256x32xf32, #tpu.memory_space<vmem_shared>>
      tpu.enqueue_dma source(%arg9 : memref<256x32xf32, #tpu.memory_space<vmem>>) target(%dma_start3A_313 : memref<256x32xf32, #tpu.memory_space<vmem_shared>>) target_semaphore(%run_scoped3A : memref<!tpu.dma_semaphore, #tpu.memory_space<semaphore_mem>>)
      %dma_wait3A = arith.constant 0 : i32
      %dma_wait3A_314 = tpu.memref_slice %arg7[%add3A_23, %dma_wait3A] : memref<32784x32xf32, #tpu.memory_space<vmem_shared>> -> memref<256x32xf32, #tpu.memory_space<vmem_shared>>
      %dma_wait3A_315 = arith.constant 0 : i32
      %dma_wait3A_316 = tpu.memref_slice %arg7[%add3A_23, %dma_wait3A_315] : memref<32784x32xf32, #tpu.memory_space<vmem_shared>> -> memref<256x32xf32, #tpu.memory_space<vmem_shared>>
      tpu.wait_dma2 semaphore(%run_scoped3A : memref<!tpu.dma_semaphore, #tpu.memory_space<semaphore_mem>>) src(%arg9 : memref<256x32xf32, #tpu.memory_space<vmem>>) dst(%dma_wait3A_316 : memref<256x32xf32, #tpu.memory_space<vmem_shared>>)
      tpu.yield
    }) : () -> ()
    %add3A_24 = arith.constant 1536 : i32
    %add3A_25 = arith.addi %multiple_of3A, %add3A_24 : i32
    "tpu.region"() ({
      %run_scoped3A = tpu.sem_alloc : memref<!tpu.dma_semaphore, #tpu.memory_space<semaphore_mem>>
      %dma_start3A = arith.constant 0 : i32
      %dma_start3A_311 = tpu.memref_slice %arg7[%add3A_25, %dma_start3A] : memref<32784x32xf32, #tpu.memory_space<vmem_shared>> -> memref<256x32xf32, #tpu.memory_space<vmem_shared>>
      %dma_start3A_312 = arith.constant 0 : i32
      %dma_start3A_313 = tpu.memref_slice %arg7[%add3A_25, %dma_start3A_312] : memref<32784x32xf32, #tpu.memory_space<vmem_shared>> -> memref<256x32xf32, #tpu.memory_space<vmem_shared>>
      tpu.enqueue_dma source(%arg9 : memref<256x32xf32, #tpu.memory_space<vmem>>) target(%dma_start3A_313 : memref<256x32xf32, #tpu.memory_space<vmem_shared>>) target_semaphore(%run_scoped3A : memref<!tpu.dma_semaphore, #tpu.memory_space<semaphore_mem>>)
      %dma_wait3A = arith.constant 0 : i32
      %dma_wait3A_314 = tpu.memref_slice %arg7[%add3A_25, %dma_wait3A] : memref<32784x32xf32, #tpu.memory_space<vmem_shared>> -> memref<256x32xf32, #tpu.memory_space<vmem_shared>>
      %dma_wait3A_315 = arith.constant 0 : i32
      %dma_wait3A_316 = tpu.memref_slice %arg7[%add3A_25, %dma_wait3A_315] : memref<32784x32xf32, #tpu.memory_space<vmem_shared>> -> memref<256x32xf32, #tpu.memory_space<vmem_shared>>
      tpu.wait_dma2 semaphore(%run_scoped3A : memref<!tpu.dma_semaphore, #tpu.memory_space<semaphore_mem>>) src(%arg9 : memref<256x32xf32, #tpu.memory_space<vmem>>) dst(%dma_wait3A_316 : memref<256x32xf32, #tpu.memory_space<vmem_shared>>)
      tpu.yield
    }) : () -> ()
    %add3A_26 = arith.constant 1792 : i32
    %add3A_27 = arith.addi %multiple_of3A, %add3A_26 : i32
    "tpu.region"() ({
      %run_scoped3A = tpu.sem_alloc : memref<!tpu.dma_semaphore, #tpu.memory_space<semaphore_mem>>
      %dma_start3A = arith.constant 0 : i32
      %dma_start3A_311 = tpu.memref_slice %arg7[%add3A_27, %dma_start3A] : memref<32784x32xf32, #tpu.memory_space<vmem_shared>> -> memref<256x32xf32, #tpu.memory_space<vmem_shared>>
      %dma_start3A_312 = arith.constant 0 : i32
      %dma_start3A_313 = tpu.memref_slice %arg7[%add3A_27, %dma_start3A_312] : memref<32784x32xf32, #tpu.memory_space<vmem_shared>> -> memref<256x32xf32, #tpu.memory_space<vmem_shared>>
      tpu.enqueue_dma source(%arg9 : memref<256x32xf32, #tpu.memory_space<vmem>>) target(%dma_start3A_313 : memref<256x32xf32, #tpu.memory_space<vmem_shared>>) target_semaphore(%run_scoped3A : memref<!tpu.dma_semaphore, #tpu.memory_space<semaphore_mem>>)
      %dma_wait3A = arith.constant 0 : i32
      %dma_wait3A_314 = tpu.memref_slice %arg7[%add3A_27, %dma_wait3A] : memref<32784x32xf32, #tpu.memory_space<vmem_shared>> -> memref<256x32xf32, #tpu.memory_space<vmem_shared>>
      %dma_wait3A_315 = arith.constant 0 : i32
      %dma_wait3A_316 = tpu.memref_slice %arg7[%add3A_27, %dma_wait3A_315] : memref<32784x32xf32, #tpu.memory_space<vmem_shared>> -> memref<256x32xf32, #tpu.memory_space<vmem_shared>>
      tpu.wait_dma2 semaphore(%run_scoped3A : memref<!tpu.dma_semaphore, #tpu.memory_space<semaphore_mem>>) src(%arg9 : memref<256x32xf32, #tpu.memory_space<vmem>>) dst(%dma_wait3A_316 : memref<256x32xf32, #tpu.memory_space<vmem_shared>>)
      tpu.yield
    }) : () -> ()
    %eq3A = arith.constant 15 : i32
    %eq3A_28 = arith.cmpi eq, %arg1, %eq3A : i32
    %convert_element_type3A = arith.extui %eq3A_28 : i1 to i32
    %cond3A = arith.constant 0 : i32
    %cond3A_29 = arith.cmpi ne, %convert_element_type3A, %cond3A : i32
    scf.if %cond3A_29 {
      "tpu.region"() ({
        %run_scoped3A = tpu.sem_alloc : memref<!tpu.dma_semaphore, #tpu.memory_space<semaphore_mem>>
        %dma_start3A = arith.constant 0 : i32
        %dma_start3A_311 = arith.constant 0 : i32
        %dma_start3A_312 = tpu.memref_slice %arg9[%dma_start3A, %dma_start3A_311] : memref<256x32xf32, #tpu.memory_space<vmem>> -> memref<16x32xf32, #tpu.memory_space<vmem>>
        %dma_start3A_313 = arith.constant 32768 : i32
        %dma_start3A_314 = arith.constant 0 : i32
        %dma_start3A_315 = tpu.memref_slice %arg7[%dma_start3A_313, %dma_start3A_314] : memref<32784x32xf32, #tpu.memory_space<vmem_shared>> -> memref<16x32xf32, #tpu.memory_space<vmem_shared>>
        %dma_start3A_316 = arith.constant 32768 : i32
        %dma_start3A_317 = arith.constant 0 : i32
        %dma_start3A_318 = tpu.memref_slice %arg7[%dma_start3A_316, %dma_start3A_317] : memref<32784x32xf32, #tpu.memory_space<vmem_shared>> -> memref<16x32xf32, #tpu.memory_space<vmem_shared>>
        %dma_start3A_319 = arith.constant 0 : i32
        %dma_start3A_320 = arith.constant 0 : i32
        %dma_start3A_321 = tpu.memref_slice %arg9[%dma_start3A_319, %dma_start3A_320] : memref<256x32xf32, #tpu.memory_space<vmem>> -> memref<16x32xf32, #tpu.memory_space<vmem>>
        tpu.enqueue_dma source(%dma_start3A_321 : memref<16x32xf32, #tpu.memory_space<vmem>>) target(%dma_start3A_318 : memref<16x32xf32, #tpu.memory_space<vmem_shared>>) target_semaphore(%run_scoped3A : memref<!tpu.dma_semaphore, #tpu.memory_space<semaphore_mem>>)
        %dma_wait3A = arith.constant 0 : i32
        %dma_wait3A_322 = arith.constant 0 : i32
        %dma_wait3A_323 = tpu.memref_slice %arg9[%dma_wait3A, %dma_wait3A_322] : memref<256x32xf32, #tpu.memory_space<vmem>> -> memref<16x32xf32, #tpu.memory_space<vmem>>
        %dma_wait3A_324 = arith.constant 32768 : i32
        %dma_wait3A_325 = arith.constant 0 : i32
        %dma_wait3A_326 = tpu.memref_slice %arg7[%dma_wait3A_324, %dma_wait3A_325] : memref<32784x32xf32, #tpu.memory_space<vmem_shared>> -> memref<16x32xf32, #tpu.memory_space<vmem_shared>>
        %dma_wait3A_327 = arith.constant 32768 : i32
        %dma_wait3A_328 = arith.constant 0 : i32
        %dma_wait3A_329 = tpu.memref_slice %arg7[%dma_wait3A_327, %dma_wait3A_328] : memref<32784x32xf32, #tpu.memory_space<vmem_shared>> -> memref<16x32xf32, #tpu.memory_space<vmem_shared>>
        %dma_wait3A_330 = arith.constant 0 : i32
        %dma_wait3A_331 = arith.constant 0 : i32
        %dma_wait3A_332 = tpu.memref_slice %arg9[%dma_wait3A_330, %dma_wait3A_331] : memref<256x32xf32, #tpu.memory_space<vmem>> -> memref<16x32xf32, #tpu.memory_space<vmem>>
        tpu.wait_dma2 semaphore(%run_scoped3A : memref<!tpu.dma_semaphore, #tpu.memory_space<semaphore_mem>>) src(%dma_wait3A_332 : memref<16x32xf32, #tpu.memory_space<vmem>>) dst(%dma_wait3A_329 : memref<16x32xf32, #tpu.memory_space<vmem_shared>>)
        tpu.yield
      }) : () -> ()
    } else {
    }
    "tpu.region"() ({
      %run_scoped3A = tpu.sem_alloc : memref<!tpu.dma_semaphore, #tpu.memory_space<semaphore_mem>>
      %dma_start3A = arith.constant 0 : i32
      %dma_start3A_311 = arith.constant 0 : i32
      %dma_start3A_312 = tpu.memref_slice %arg3[%add3A_1, %arg1, %dma_start3A, %dma_start3A_311] : memref<4x16x49x128xi32, #tpu.memory_space<hbm>> -> memref<1x1x49x128xi32, #tpu.memory_space<hbm>>
      %dma_start3A_313 = tpu.memref_squeeze %dma_start3A_312 : memref<1x1x49x128xi32, #tpu.memory_space<hbm>> -> memref<49x128xi32, #tpu.memory_space<hbm>>
      %dma_start3A_314 = arith.constant 0 : i32
      %dma_start3A_315 = arith.constant 0 : i32
      %dma_start3A_316 = tpu.memref_slice %arg3[%add3A_1, %arg1, %dma_start3A_314, %dma_start3A_315] : memref<4x16x49x128xi32, #tpu.memory_space<hbm>> -> memref<1x1x49x128xi32, #tpu.memory_space<hbm>>
      %dma_start3A_317 = tpu.memref_squeeze %dma_start3A_316 : memref<1x1x49x128xi32, #tpu.memory_space<hbm>> -> memref<49x128xi32, #tpu.memory_space<hbm>>
      tpu.enqueue_dma source(%dma_start3A_317 : memref<49x128xi32, #tpu.memory_space<hbm>>) target(%arg10 : memref<49x128xi32, #tpu.memory_space<vmem>>) target_semaphore(%run_scoped3A : memref<!tpu.dma_semaphore, #tpu.memory_space<semaphore_mem>>)
      %dma_wait3A = arith.constant 0 : i32
      %dma_wait3A_318 = arith.constant 0 : i32
      %dma_wait3A_319 = tpu.memref_slice %arg3[%add3A_1, %arg1, %dma_wait3A, %dma_wait3A_318] : memref<4x16x49x128xi32, #tpu.memory_space<hbm>> -> memref<1x1x49x128xi32, #tpu.memory_space<hbm>>
      %dma_wait3A_320 = tpu.memref_squeeze %dma_wait3A_319 : memref<1x1x49x128xi32, #tpu.memory_space<hbm>> -> memref<49x128xi32, #tpu.memory_space<hbm>>
      %dma_wait3A_321 = arith.constant 0 : i32
      %dma_wait3A_322 = arith.constant 0 : i32
      %dma_wait3A_323 = tpu.memref_slice %arg3[%add3A_1, %arg1, %dma_wait3A_321, %dma_wait3A_322] : memref<4x16x49x128xi32, #tpu.memory_space<hbm>> -> memref<1x1x49x128xi32, #tpu.memory_space<hbm>>
      %dma_wait3A_324 = tpu.memref_squeeze %dma_wait3A_323 : memref<1x1x49x128xi32, #tpu.memory_space<hbm>> -> memref<49x128xi32, #tpu.memory_space<hbm>>
      tpu.wait_dma2 semaphore(%run_scoped3A : memref<!tpu.dma_semaphore, #tpu.memory_space<semaphore_mem>>) src(%dma_wait3A_324 : memref<49x128xi32, #tpu.memory_space<hbm>>) dst(%arg10 : memref<49x128xi32, #tpu.memory_space<vmem>>)
      tpu.yield
    }) : () -> ()
    "tpu.region"() ({
      %run_scoped3A = tpu.sem_alloc : memref<!tpu.dma_semaphore, #tpu.memory_space<semaphore_mem>>
      %dma_start3A = tpu.memref_slice %arg4[%add3A_1, %multiple_of3A] : memref<4x32768xf32, #tpu.memory_space<hbm>> -> memref<1x2048xf32, #tpu.memory_space<hbm>>
      %dma_start3A_311 = tpu.memref_squeeze %dma_start3A : memref<1x2048xf32, #tpu.memory_space<hbm>> -> memref<2048xf32, #tpu.memory_space<hbm>>
      %dma_start3A_312 = tpu.memref_slice %arg4[%add3A_1, %multiple_of3A] : memref<4x32768xf32, #tpu.memory_space<hbm>> -> memref<1x2048xf32, #tpu.memory_space<hbm>>
      %dma_start3A_313 = tpu.memref_squeeze %dma_start3A_312 : memref<1x2048xf32, #tpu.memory_space<hbm>> -> memref<2048xf32, #tpu.memory_space<hbm>>
      tpu.enqueue_dma source(%dma_start3A_313 : memref<2048xf32, #tpu.memory_space<hbm>>) target(%arg11 : memref<2048xf32, #tpu.memory_space<vmem>>) target_semaphore(%run_scoped3A : memref<!tpu.dma_semaphore, #tpu.memory_space<semaphore_mem>>)
      %dma_wait3A = tpu.memref_slice %arg4[%add3A_1, %multiple_of3A] : memref<4x32768xf32, #tpu.memory_space<hbm>> -> memref<1x2048xf32, #tpu.memory_space<hbm>>
      %dma_wait3A_314 = tpu.memref_squeeze %dma_wait3A : memref<1x2048xf32, #tpu.memory_space<hbm>> -> memref<2048xf32, #tpu.memory_space<hbm>>
      %dma_wait3A_315 = tpu.memref_slice %arg4[%add3A_1, %multiple_of3A] : memref<4x32768xf32, #tpu.memory_space<hbm>> -> memref<1x2048xf32, #tpu.memory_space<hbm>>
      %dma_wait3A_316 = tpu.memref_squeeze %dma_wait3A_315 : memref<1x2048xf32, #tpu.memory_space<hbm>> -> memref<2048xf32, #tpu.memory_space<hbm>>
      tpu.wait_dma2 semaphore(%run_scoped3A : memref<!tpu.dma_semaphore, #tpu.memory_space<semaphore_mem>>) src(%dma_wait3A_316 : memref<2048xf32, #tpu.memory_space<hbm>>) dst(%arg11 : memref<2048xf32, #tpu.memory_space<vmem>>)
      tpu.yield
    }) : () -> ()
    %barrier3A = arith.constant 0 : index
    tpu.barrier barrier_id(%barrier3A)
    %scan3A_30 = arith.constant 0 : i32
    %scan3A_31 = arith.constant 0 : i32
    %scan3A_32 = arith.constant 49 : i32
    %scan3A_33 = arith.addi %scan3A_31, %scan3A_32 : i32
    %scan3A_34 = arith.constant 1 : i32
    %scan3A_35 = scf.for %scan3A_311 = %scan3A_31 to %scan3A_33 step %scan3A_34 iter_args(%scan3A_312 = %scan3A_30) -> (i32)  : i32 {
      %mul3A_313 = arith.constant 100352 : i32
      %mul3A_314 = arith.muli %add3A_1, %mul3A_313 : i32
      %mul3A_315 = arith.constant 6272 : i32
      %mul3A_316 = arith.muli %arg1, %mul3A_315 : i32
      %add3A_317 = arith.addi %mul3A_314, %mul3A_316 : i32
      %mul3A_318 = arith.constant 128 : i32
      %mul3A_319 = arith.muli %scan3A_311, %mul3A_318 : i32
      %add3A_320 = arith.addi %add3A_317, %mul3A_319 : i32
      %multiple_of3A_321 = tpu.assume_multiple %add3A_320, 8 : i32
      "tpu.region"() ({
        %run_scoped3A = tpu.sem_alloc : memref<!tpu.dma_semaphore, #tpu.memory_space<semaphore_mem>>
        %dma_start3A = arith.constant 0 : i32
        %dma_start3A_323 = tpu.memref_slice %arg2[%multiple_of3A_321, %dma_start3A] : memref<401408x32xf32, #tpu.memory_space<hbm>> -> memref<128x32xf32, #tpu.memory_space<hbm>>
        %dma_start3A_324 = arith.constant 0 : i32
        %dma_start3A_325 = tpu.memref_slice %arg2[%multiple_of3A_321, %dma_start3A_324] : memref<401408x32xf32, #tpu.memory_space<hbm>> -> memref<128x32xf32, #tpu.memory_space<hbm>>
        tpu.enqueue_dma source(%dma_start3A_325 : memref<128x32xf32, #tpu.memory_space<hbm>>) target(%arg8 : memref<128x32xf32, #tpu.memory_space<vmem>>) target_semaphore(%run_scoped3A : memref<!tpu.dma_semaphore, #tpu.memory_space<semaphore_mem>>)
        %dma_wait3A = arith.constant 0 : i32
        %dma_wait3A_326 = tpu.memref_slice %arg2[%multiple_of3A_321, %dma_wait3A] : memref<401408x32xf32, #tpu.memory_space<hbm>> -> memref<128x32xf32, #tpu.memory_space<hbm>>
        %dma_wait3A_327 = arith.constant 0 : i32
        %dma_wait3A_328 = tpu.memref_slice %arg2[%multiple_of3A_321, %dma_wait3A_327] : memref<401408x32xf32, #tpu.memory_space<hbm>> -> memref<128x32xf32, #tpu.memory_space<hbm>>
        tpu.wait_dma2 semaphore(%run_scoped3A : memref<!tpu.dma_semaphore, #tpu.memory_space<semaphore_mem>>) src(%dma_wait3A_328 : memref<128x32xf32, #tpu.memory_space<hbm>>) dst(%arg8 : memref<128x32xf32, #tpu.memory_space<vmem>>)
        tpu.yield
      }) : () -> ()
      "tpu.region"() ({
        %run_scoped3A = tpu.sem_alloc : memref<!tpu.dma_semaphore, #tpu.memory_space<semaphore_mem>>
        %dma_start3A = arith.constant 0 : i32
        %dma_start3A_323 = tpu.memref_slice %arg10[%scan3A_311, %dma_start3A] : memref<49x128xi32, #tpu.memory_space<vmem>> -> memref<1x128xi32, #tpu.memory_space<vmem>>
        %dma_start3A_324 = tpu.memref_squeeze %dma_start3A_323 : memref<1x128xi32, #tpu.memory_space<vmem>> -> memref<128xi32, #tpu.memory_space<vmem>>
        %dma_start3A_325 = arith.constant 0 : i32
        %dma_start3A_326 = arith.constant 0 : i32
        %dma_start3A_327 = tpu.memref_slice %arg7[%dma_start3A_325, %dma_start3A_326] : memref<32784x32xf32, #tpu.memory_space<vmem_shared>> -> memref<32784x32xf32, #tpu.memory_space<vmem_shared>>
        tpu.enqueue_indirect_dma source(%arg8 : memref<128x32xf32, #tpu.memory_space<vmem>>) target(%dma_start3A_327 : memref<32784x32xf32, #tpu.memory_space<vmem_shared>>) offsets(%dma_start3A_324 : memref<128xi32, #tpu.memory_space<vmem>>) semaphore(%run_scoped3A : memref<!tpu.dma_semaphore, #tpu.memory_space<semaphore_mem>>) {add = true}
        %dma_wait3A = arith.constant 0 : i32
        %dma_wait3A_328 = tpu.memref_slice %arg10[%scan3A_311, %dma_wait3A] : memref<49x128xi32, #tpu.memory_space<vmem>> -> memref<1x128xi32, #tpu.memory_space<vmem>>
        %dma_wait3A_329 = tpu.memref_squeeze %dma_wait3A_328 : memref<1x128xi32, #tpu.memory_space<vmem>> -> memref<128xi32, #tpu.memory_space<vmem>>
        %dma_wait3A_330 = arith.constant 0 : i32
        %dma_wait3A_331 = arith.constant 0 : i32
        %dma_wait3A_332 = tpu.memref_slice %arg7[%dma_wait3A_330, %dma_wait3A_331] : memref<32784x32xf32, #tpu.memory_space<vmem_shared>> -> memref<32784x32xf32, #tpu.memory_space<vmem_shared>>
        tpu.wait_indirect_dma semaphore(%run_scoped3A : memref<!tpu.dma_semaphore, #tpu.memory_space<semaphore_mem>>) src(%arg8 : memref<128x32xf32, #tpu.memory_space<vmem>>) dst(%dma_wait3A_332 : memref<32784x32xf32, #tpu.memory_space<vmem_shared>>)
        tpu.yield
      }) : () -> ()
      %scan3A_322 = arith.constant 0 : i32
      scf.yield %scan3A_322 : i32
    }
    %scan3A_36 = arith.constant 49 : i32
    %barrier3A_37 = arith.constant 0 : index
    tpu.barrier barrier_id(%barrier3A_37)
    %add3A_38 = arith.constant 0 : i32
    %add3A_39 = arith.addi %multiple_of3A, %add3A_38 : i32
    "tpu.region"() ({
      %run_scoped3A = tpu.sem_alloc : memref<!tpu.dma_semaphore, #tpu.memory_space<semaphore_mem>>
      %dma_start3A = arith.constant 0 : i32
      %dma_start3A_311 = tpu.memref_slice %arg7[%add3A_39, %dma_start3A] : memref<32784x32xf32, #tpu.memory_space<vmem_shared>> -> memref<256x32xf32, #tpu.memory_space<vmem_shared>>
      %dma_start3A_312 = arith.constant 0 : i32
      %dma_start3A_313 = tpu.memref_slice %arg7[%add3A_39, %dma_start3A_312] : memref<32784x32xf32, #tpu.memory_space<vmem_shared>> -> memref<256x32xf32, #tpu.memory_space<vmem_shared>>
      tpu.enqueue_dma source(%dma_start3A_313 : memref<256x32xf32, #tpu.memory_space<vmem_shared>>) target(%arg9 : memref<256x32xf32, #tpu.memory_space<vmem>>) target_semaphore(%run_scoped3A : memref<!tpu.dma_semaphore, #tpu.memory_space<semaphore_mem>>)
      %dma_wait3A = arith.constant 0 : i32
      %dma_wait3A_314 = tpu.memref_slice %arg7[%add3A_39, %dma_wait3A] : memref<32784x32xf32, #tpu.memory_space<vmem_shared>> -> memref<256x32xf32, #tpu.memory_space<vmem_shared>>
      %dma_wait3A_315 = arith.constant 0 : i32
      %dma_wait3A_316 = tpu.memref_slice %arg7[%add3A_39, %dma_wait3A_315] : memref<32784x32xf32, #tpu.memory_space<vmem_shared>> -> memref<256x32xf32, #tpu.memory_space<vmem_shared>>
      tpu.wait_dma2 semaphore(%run_scoped3A : memref<!tpu.dma_semaphore, #tpu.memory_space<semaphore_mem>>) src(%dma_wait3A_316 : memref<256x32xf32, #tpu.memory_space<vmem_shared>>) dst(%arg9 : memref<256x32xf32, #tpu.memory_space<vmem>>)
      tpu.yield
    }) : () -> ()
    %scan3A_40 = arith.constant 0 : i32
    %scan3A_41 = arith.constant 0 : i32
    %scan3A_42 = arith.constant 256 : i32
    %scan3A_43 = arith.addi %scan3A_41, %scan3A_42 : i32
    %scan3A_44 = arith.constant 1 : i32
    %scan3A_45 = scf.for %scan3A_311 = %scan3A_41 to %scan3A_43 step %scan3A_44 iter_args(%scan3A_312 = %scan3A_40) -> (i32)  : i32 {
      %broadcast_in_dim3A_313 = vector.broadcast %scan3A_311 : i32 to vector<16xi32>
      %broadcast_in_dim3A_314 = arith.constant 0 : i32
      %broadcast_in_dim3A_315 = vector.broadcast %broadcast_in_dim3A_314 : i32 to vector<16xi32>
      %add3A_316 = arith.addi %broadcast_in_dim3A_315, %broadcast_in_dim3A_313 : vector<16xi32>
      %gather3A = tpu.vector_load_idx %arg11[%add3A_316] : memref<2048xf32, #tpu.memory_space<vmem>>[vector<16xi32>], vector<16xf32>,
      %gather3A_317 = tpu.vector_load_idx %arg9[%broadcast_in_dim3A_313, %iota3A] : memref<256x32xf32, #tpu.memory_space<vmem>>[vector<16xi32>, vector<16xi32>], vector<16xf32>,
      %add3A_318 = arith.constant 16 : i32
      %add3A_319 = vector.broadcast %add3A_318 : i32 to vector<16xi32>
      %add3A_320 = arith.addi %iota3A, %add3A_319 : vector<16xi32>
      %gather3A_321 = tpu.vector_load_idx %arg9[%broadcast_in_dim3A_313, %add3A_320] : memref<256x32xf32, #tpu.memory_space<vmem>>[vector<16xi32>, vector<16xi32>], vector<16xf32>,
      %mul3A_322 = arith.mulf %gather3A_317, %gather3A : vector<16xf32>
      tpu.vector_store_idx %arg9[%broadcast_in_dim3A_313, %iota3A], %mul3A_322 : memref<256x32xf32, #tpu.memory_space<vmem>>[vector<16xi32>, vector<16xi32>], vector<16xf32>,
      %add3A_323 = arith.constant 16 : i32
      %add3A_324 = vector.broadcast %add3A_323 : i32 to vector<16xi32>
      %add3A_325 = arith.addi %iota3A, %add3A_324 : vector<16xi32>
      %mul3A_326 = arith.mulf %gather3A_321, %gather3A : vector<16xf32>
      tpu.vector_store_idx %arg9[%broadcast_in_dim3A_313, %add3A_325], %mul3A_326 : memref<256x32xf32, #tpu.memory_space<vmem>>[vector<16xi32>, vector<16xi32>], vector<16xf32>,
      %scan3A_327 = arith.constant 0 : i32
      scf.yield %scan3A_327 : i32
    }
    %scan3A_46 = arith.constant 256 : i32
    %add3A_47 = arith.constant 0 : i32
    %add3A_48 = arith.addi %multiple_of3A, %add3A_47 : i32
    "tpu.region"() ({
      %run_scoped3A = tpu.sem_alloc : memref<!tpu.dma_semaphore, #tpu.memory_space<semaphore_mem>>
      %dma_start3A = arith.constant 0 : i32
      %dma_start3A_311 = tpu.memref_slice %arg6[%add3A_1, %add3A_48, %dma_start3A] : memref<4x32768x32xf32, #tpu.memory_space<hbm>> -> memref<1x256x32xf32, #tpu.memory_space<hbm>>
      %dma_start3A_312 = tpu.memref_squeeze %dma_start3A_311 : memref<1x256x32xf32, #tpu.memory_space<hbm>> -> memref<256x32xf32, #tpu.memory_space<hbm>>
      %dma_start3A_313 = arith.constant 0 : i32
      %dma_start3A_314 = tpu.memref_slice %arg6[%add3A_1, %add3A_48, %dma_start3A_313] : memref<4x32768x32xf32, #tpu.memory_space<hbm>> -> memref<1x256x32xf32, #tpu.memory_space<hbm>>
      %dma_start3A_315 = tpu.memref_squeeze %dma_start3A_314 : memref<1x256x32xf32, #tpu.memory_space<hbm>> -> memref<256x32xf32, #tpu.memory_space<hbm>>
      tpu.enqueue_dma source(%arg9 : memref<256x32xf32, #tpu.memory_space<vmem>>) target(%dma_start3A_315 : memref<256x32xf32, #tpu.memory_space<hbm>>) target_semaphore(%run_scoped3A : memref<!tpu.dma_semaphore, #tpu.memory_space<semaphore_mem>>)
      %dma_wait3A = arith.constant 0 : i32
      %dma_wait3A_316 = tpu.memref_slice %arg6[%add3A_1, %add3A_48, %dma_wait3A] : memref<4x32768x32xf32, #tpu.memory_space<hbm>> -> memref<1x256x32xf32, #tpu.memory_space<hbm>>
      %dma_wait3A_317 = tpu.memref_squeeze %dma_wait3A_316 : memref<1x256x32xf32, #tpu.memory_space<hbm>> -> memref<256x32xf32, #tpu.memory_space<hbm>>
      %dma_wait3A_318 = arith.constant 0 : i32
      %dma_wait3A_319 = tpu.memref_slice %arg6[%add3A_1, %add3A_48, %dma_wait3A_318] : memref<4x32768x32xf32, #tpu.memory_space<hbm>> -> memref<1x256x32xf32, #tpu.memory_space<hbm>>
      %dma_wait3A_320 = tpu.memref_squeeze %dma_wait3A_319 : memref<1x256x32xf32, #tpu.memory_space<hbm>> -> memref<256x32xf32, #tpu.memory_space<hbm>>
      tpu.wait_dma2 semaphore(%run_scoped3A : memref<!tpu.dma_semaphore, #tpu.memory_space<semaphore_mem>>) src(%arg9 : memref<256x32xf32, #tpu.memory_space<vmem>>) dst(%dma_wait3A_320 : memref<256x32xf32, #tpu.memory_space<hbm>>)
      tpu.yield
    }) : () -> ()
    %add3A_49 = arith.constant 0 : i32
    %add3A_50 = arith.addi %multiple_of3A, %add3A_49 : i32
    "tpu.region"() ({
      %run_scoped3A = tpu.sem_alloc : memref<!tpu.dma_semaphore, #tpu.memory_space<semaphore_mem>>
      %dma_start3A = arith.constant 0 : i32
      %dma_start3A_311 = tpu.memref_slice %arg7[%add3A_50, %dma_start3A] : memref<32784x32xf32, #tpu.memory_space<vmem_shared>> -> memref<256x32xf32, #tpu.memory_space<vmem_shared>>
      %dma_start3A_312 = arith.constant 0 : i32
      %dma_start3A_313 = tpu.memref_slice %arg7[%add3A_50, %dma_start3A_312] : memref<32784x32xf32, #tpu.memory_space<vmem_shared>> -> memref<256x32xf32, #tpu.memory_space<vmem_shared>>
      tpu.enqueue_dma source(%arg9 : memref<256x32xf32, #tpu.memory_space<vmem>>) target(%dma_start3A_313 : memref<256x32xf32, #tpu.memory_space<vmem_shared>>) target_semaphore(%run_scoped3A : memref<!tpu.dma_semaphore, #tpu.memory_space<semaphore_mem>>)
      %dma_wait3A = arith.constant 0 : i32
      %dma_wait3A_314 = tpu.memref_slice %arg7[%add3A_50, %dma_wait3A] : memref<32784x32xf32, #tpu.memory_space<vmem_shared>> -> memref<256x32xf32, #tpu.memory_space<vmem_shared>>
      %dma_wait3A_315 = arith.constant 0 : i32
      %dma_wait3A_316 = tpu.memref_slice %arg7[%add3A_50, %dma_wait3A_315] : memref<32784x32xf32, #tpu.memory_space<vmem_shared>> -> memref<256x32xf32, #tpu.memory_space<vmem_shared>>
      tpu.wait_dma2 semaphore(%run_scoped3A : memref<!tpu.dma_semaphore, #tpu.memory_space<semaphore_mem>>) src(%arg9 : memref<256x32xf32, #tpu.memory_space<vmem>>) dst(%dma_wait3A_316 : memref<256x32xf32, #tpu.memory_space<vmem_shared>>)
      tpu.yield
    }) : () -> ()
    %add3A_51 = arith.constant 256 : i32
    %add3A_52 = arith.addi %multiple_of3A, %add3A_51 : i32
    "tpu.region"() ({
      %run_scoped3A = tpu.sem_alloc : memref<!tpu.dma_semaphore, #tpu.memory_space<semaphore_mem>>
      %dma_start3A = arith.constant 0 : i32
      %dma_start3A_311 = tpu.memref_slice %arg7[%add3A_52, %dma_start3A] : memref<32784x32xf32, #tpu.memory_space<vmem_shared>> -> memref<256x32xf32, #tpu.memory_space<vmem_shared>>
      %dma_start3A_312 = arith.constant 0 : i32
      %dma_start3A_313 = tpu.memref_slice %arg7[%add3A_52, %dma_start3A_312] : memref<32784x32xf32, #tpu.memory_space<vmem_shared>> -> memref<256x32xf32, #tpu.memory_space<vmem_shared>>
      tpu.enqueue_dma source(%dma_start3A_313 : memref<256x32xf32, #tpu.memory_space<vmem_shared>>) target(%arg9 : memref<256x32xf32, #tpu.memory_space<vmem>>) target_semaphore(%run_scoped3A : memref<!tpu.dma_semaphore, #tpu.memory_space<semaphore_mem>>)
      %dma_wait3A = arith.constant 0 : i32
      %dma_wait3A_314 = tpu.memref_slice %arg7[%add3A_52, %dma_wait3A] : memref<32784x32xf32, #tpu.memory_space<vmem_shared>> -> memref<256x32xf32, #tpu.memory_space<vmem_shared>>
      %dma_wait3A_315 = arith.constant 0 : i32
      %dma_wait3A_316 = tpu.memref_slice %arg7[%add3A_52, %dma_wait3A_315] : memref<32784x32xf32, #tpu.memory_space<vmem_shared>> -> memref<256x32xf32, #tpu.memory_space<vmem_shared>>
      tpu.wait_dma2 semaphore(%run_scoped3A : memref<!tpu.dma_semaphore, #tpu.memory_space<semaphore_mem>>) src(%dma_wait3A_316 : memref<256x32xf32, #tpu.memory_space<vmem_shared>>) dst(%arg9 : memref<256x32xf32, #tpu.memory_space<vmem>>)
      tpu.yield
    }) : () -> ()
    %scan3A_53 = arith.constant 0 : i32
    %scan3A_54 = arith.constant 0 : i32
    %scan3A_55 = arith.constant 256 : i32
    %scan3A_56 = arith.addi %scan3A_54, %scan3A_55 : i32
    %scan3A_57 = arith.constant 1 : i32
    %scan3A_58 = scf.for %scan3A_311 = %scan3A_54 to %scan3A_56 step %scan3A_57 iter_args(%scan3A_312 = %scan3A_53) -> (i32)  : i32 {
      %broadcast_in_dim3A_313 = vector.broadcast %scan3A_311 : i32 to vector<16xi32>
      %broadcast_in_dim3A_314 = arith.constant 256 : i32
      %broadcast_in_dim3A_315 = vector.broadcast %broadcast_in_dim3A_314 : i32 to vector<16xi32>
      %add3A_316 = arith.addi %broadcast_in_dim3A_315, %broadcast_in_dim3A_313 : vector<16xi32>
      %gather3A = tpu.vector_load_idx %arg11[%add3A_316] : memref<2048xf32, #tpu.memory_space<vmem>>[vector<16xi32>], vector<16xf32>,
      %gather3A_317 = tpu.vector_load_idx %arg9[%broadcast_in_dim3A_313, %iota3A] : memref<256x32xf32, #tpu.memory_space<vmem>>[vector<16xi32>, vector<16xi32>], vector<16xf32>,
      %add3A_318 = arith.constant 16 : i32
      %add3A_319 = vector.broadcast %add3A_318 : i32 to vector<16xi32>
      %add3A_320 = arith.addi %iota3A, %add3A_319 : vector<16xi32>
      %gather3A_321 = tpu.vector_load_idx %arg9[%broadcast_in_dim3A_313, %add3A_320] : memref<256x32xf32, #tpu.memory_space<vmem>>[vector<16xi32>, vector<16xi32>], vector<16xf32>,
      %mul3A_322 = arith.mulf %gather3A_317, %gather3A : vector<16xf32>
      tpu.vector_store_idx %arg9[%broadcast_in_dim3A_313, %iota3A], %mul3A_322 : memref<256x32xf32, #tpu.memory_space<vmem>>[vector<16xi32>, vector<16xi32>], vector<16xf32>,
      %add3A_323 = arith.constant 16 : i32
      %add3A_324 = vector.broadcast %add3A_323 : i32 to vector<16xi32>
      %add3A_325 = arith.addi %iota3A, %add3A_324 : vector<16xi32>
      %mul3A_326 = arith.mulf %gather3A_321, %gather3A : vector<16xf32>
      tpu.vector_store_idx %arg9[%broadcast_in_dim3A_313, %add3A_325], %mul3A_326 : memref<256x32xf32, #tpu.memory_space<vmem>>[vector<16xi32>, vector<16xi32>], vector<16xf32>,
      %scan3A_327 = arith.constant 0 : i32
      scf.yield %scan3A_327 : i32
    }
    %scan3A_59 = arith.constant 256 : i32
    %add3A_60 = arith.constant 256 : i32
    %add3A_61 = arith.addi %multiple_of3A, %add3A_60 : i32
    "tpu.region"() ({
      %run_scoped3A = tpu.sem_alloc : memref<!tpu.dma_semaphore, #tpu.memory_space<semaphore_mem>>
      %dma_start3A = arith.constant 0 : i32
      %dma_start3A_311 = tpu.memref_slice %arg6[%add3A_1, %add3A_61, %dma_start3A] : memref<4x32768x32xf32, #tpu.memory_space<hbm>> -> memref<1x256x32xf32, #tpu.memory_space<hbm>>
      %dma_start3A_312 = tpu.memref_squeeze %dma_start3A_311 : memref<1x256x32xf32, #tpu.memory_space<hbm>> -> memref<256x32xf32, #tpu.memory_space<hbm>>
      %dma_start3A_313 = arith.constant 0 : i32
      %dma_start3A_314 = tpu.memref_slice %arg6[%add3A_1, %add3A_61, %dma_start3A_313] : memref<4x32768x32xf32, #tpu.memory_space<hbm>> -> memref<1x256x32xf32, #tpu.memory_space<hbm>>
      %dma_start3A_315 = tpu.memref_squeeze %dma_start3A_314 : memref<1x256x32xf32, #tpu.memory_space<hbm>> -> memref<256x32xf32, #tpu.memory_space<hbm>>
      tpu.enqueue_dma source(%arg9 : memref<256x32xf32, #tpu.memory_space<vmem>>) target(%dma_start3A_315 : memref<256x32xf32, #tpu.memory_space<hbm>>) target_semaphore(%run_scoped3A : memref<!tpu.dma_semaphore, #tpu.memory_space<semaphore_mem>>)
      %dma_wait3A = arith.constant 0 : i32
      %dma_wait3A_316 = tpu.memref_slice %arg6[%add3A_1, %add3A_61, %dma_wait3A] : memref<4x32768x32xf32, #tpu.memory_space<hbm>> -> memref<1x256x32xf32, #tpu.memory_space<hbm>>
      %dma_wait3A_317 = tpu.memref_squeeze %dma_wait3A_316 : memref<1x256x32xf32, #tpu.memory_space<hbm>> -> memref<256x32xf32, #tpu.memory_space<hbm>>
      %dma_wait3A_318 = arith.constant 0 : i32
      %dma_wait3A_319 = tpu.memref_slice %arg6[%add3A_1, %add3A_61, %dma_wait3A_318] : memref<4x32768x32xf32, #tpu.memory_space<hbm>> -> memref<1x256x32xf32, #tpu.memory_space<hbm>>
      %dma_wait3A_320 = tpu.memref_squeeze %dma_wait3A_319 : memref<1x256x32xf32, #tpu.memory_space<hbm>> -> memref<256x32xf32, #tpu.memory_space<hbm>>
      tpu.wait_dma2 semaphore(%run_scoped3A : memref<!tpu.dma_semaphore, #tpu.memory_space<semaphore_mem>>) src(%arg9 : memref<256x32xf32, #tpu.memory_space<vmem>>) dst(%dma_wait3A_320 : memref<256x32xf32, #tpu.memory_space<hbm>>)
      tpu.yield
    }) : () -> ()
    %add3A_62 = arith.constant 256 : i32
    %add3A_63 = arith.addi %multiple_of3A, %add3A_62 : i32
    "tpu.region"() ({
      %run_scoped3A = tpu.sem_alloc : memref<!tpu.dma_semaphore, #tpu.memory_space<semaphore_mem>>
      %dma_start3A = arith.constant 0 : i32
      %dma_start3A_311 = tpu.memref_slice %arg7[%add3A_63, %dma_start3A] : memref<32784x32xf32, #tpu.memory_space<vmem_shared>> -> memref<256x32xf32, #tpu.memory_space<vmem_shared>>
      %dma_start3A_312 = arith.constant 0 : i32
      %dma_start3A_313 = tpu.memref_slice %arg7[%add3A_63, %dma_start3A_312] : memref<32784x32xf32, #tpu.memory_space<vmem_shared>> -> memref<256x32xf32, #tpu.memory_space<vmem_shared>>
      tpu.enqueue_dma source(%arg9 : memref<256x32xf32, #tpu.memory_space<vmem>>) target(%dma_start3A_313 : memref<256x32xf32, #tpu.memory_space<vmem_shared>>) target_semaphore(%run_scoped3A : memref<!tpu.dma_semaphore, #tpu.memory_space<semaphore_mem>>)
      %dma_wait3A = arith.constant 0 : i32
      %dma_wait3A_314 = tpu.memref_slice %arg7[%add3A_63, %dma_wait3A] : memref<32784x32xf32, #tpu.memory_space<vmem_shared>> -> memref<256x32xf32, #tpu.memory_space<vmem_shared>>
      %dma_wait3A_315 = arith.constant 0 : i32
      %dma_wait3A_316 = tpu.memref_slice %arg7[%add3A_63, %dma_wait3A_315] : memref<32784x32xf32, #tpu.memory_space<vmem_shared>> -> memref<256x32xf32, #tpu.memory_space<vmem_shared>>
      tpu.wait_dma2 semaphore(%run_scoped3A : memref<!tpu.dma_semaphore, #tpu.memory_space<semaphore_mem>>) src(%arg9 : memref<256x32xf32, #tpu.memory_space<vmem>>) dst(%dma_wait3A_316 : memref<256x32xf32, #tpu.memory_space<vmem_shared>>)
      tpu.yield
    }) : () -> ()
    %add3A_64 = arith.constant 512 : i32
    %add3A_65 = arith.addi %multiple_of3A, %add3A_64 : i32
    "tpu.region"() ({
      %run_scoped3A = tpu.sem_alloc : memref<!tpu.dma_semaphore, #tpu.memory_space<semaphore_mem>>
      %dma_start3A = arith.constant 0 : i32
      %dma_start3A_311 = tpu.memref_slice %arg7[%add3A_65, %dma_start3A] : memref<32784x32xf32, #tpu.memory_space<vmem_shared>> -> memref<256x32xf32, #tpu.memory_space<vmem_shared>>
      %dma_start3A_312 = arith.constant 0 : i32
      %dma_start3A_313 = tpu.memref_slice %arg7[%add3A_65, %dma_start3A_312] : memref<32784x32xf32, #tpu.memory_space<vmem_shared>> -> memref<256x32xf32, #tpu.memory_space<vmem_shared>>
      tpu.enqueue_dma source(%dma_start3A_313 : memref<256x32xf32, #tpu.memory_space<vmem_shared>>) target(%arg9 : memref<256x32xf32, #tpu.memory_space<vmem>>) target_semaphore(%run_scoped3A : memref<!tpu.dma_semaphore, #tpu.memory_space<semaphore_mem>>)
      %dma_wait3A = arith.constant 0 : i32
      %dma_wait3A_314 = tpu.memref_slice %arg7[%add3A_65, %dma_wait3A] : memref<32784x32xf32, #tpu.memory_space<vmem_shared>> -> memref<256x32xf32, #tpu.memory_space<vmem_shared>>
      %dma_wait3A_315 = arith.constant 0 : i32
      %dma_wait3A_316 = tpu.memref_slice %arg7[%add3A_65, %dma_wait3A_315] : memref<32784x32xf32, #tpu.memory_space<vmem_shared>> -> memref<256x32xf32, #tpu.memory_space<vmem_shared>>
      tpu.wait_dma2 semaphore(%run_scoped3A : memref<!tpu.dma_semaphore, #tpu.memory_space<semaphore_mem>>) src(%dma_wait3A_316 : memref<256x32xf32, #tpu.memory_space<vmem_shared>>) dst(%arg9 : memref<256x32xf32, #tpu.memory_space<vmem>>)
      tpu.yield
    }) : () -> ()
    %scan3A_66 = arith.constant 0 : i32
    %scan3A_67 = arith.constant 0 : i32
    %scan3A_68 = arith.constant 256 : i32
    %scan3A_69 = arith.addi %scan3A_67, %scan3A_68 : i32
    %scan3A_70 = arith.constant 1 : i32
    %scan3A_71 = scf.for %scan3A_311 = %scan3A_67 to %scan3A_69 step %scan3A_70 iter_args(%scan3A_312 = %scan3A_66) -> (i32)  : i32 {
      %broadcast_in_dim3A_313 = vector.broadcast %scan3A_311 : i32 to vector<16xi32>
      %broadcast_in_dim3A_314 = arith.constant 512 : i32
      %broadcast_in_dim3A_315 = vector.broadcast %broadcast_in_dim3A_314 : i32 to vector<16xi32>
      %add3A_316 = arith.addi %broadcast_in_dim3A_315, %broadcast_in_dim3A_313 : vector<16xi32>
      %gather3A = tpu.vector_load_idx %arg11[%add3A_316] : memref<2048xf32, #tpu.memory_space<vmem>>[vector<16xi32>], vector<16xf32>,
      %gather3A_317 = tpu.vector_load_idx %arg9[%broadcast_in_dim3A_313, %iota3A] : memref<256x32xf32, #tpu.memory_space<vmem>>[vector<16xi32>, vector<16xi32>], vector<16xf32>,
      %add3A_318 = arith.constant 16 : i32
      %add3A_319 = vector.broadcast %add3A_318 : i32 to vector<16xi32>
      %add3A_320 = arith.addi %iota3A, %add3A_319 : vector<16xi32>
      %gather3A_321 = tpu.vector_load_idx %arg9[%broadcast_in_dim3A_313, %add3A_320] : memref<256x32xf32, #tpu.memory_space<vmem>>[vector<16xi32>, vector<16xi32>], vector<16xf32>,
      %mul3A_322 = arith.mulf %gather3A_317, %gather3A : vector<16xf32>
      tpu.vector_store_idx %arg9[%broadcast_in_dim3A_313, %iota3A], %mul3A_322 : memref<256x32xf32, #tpu.memory_space<vmem>>[vector<16xi32>, vector<16xi32>], vector<16xf32>,
      %add3A_323 = arith.constant 16 : i32
      %add3A_324 = vector.broadcast %add3A_323 : i32 to vector<16xi32>
      %add3A_325 = arith.addi %iota3A, %add3A_324 : vector<16xi32>
      %mul3A_326 = arith.mulf %gather3A_321, %gather3A : vector<16xf32>
      tpu.vector_store_idx %arg9[%broadcast_in_dim3A_313, %add3A_325], %mul3A_326 : memref<256x32xf32, #tpu.memory_space<vmem>>[vector<16xi32>, vector<16xi32>], vector<16xf32>,
      %scan3A_327 = arith.constant 0 : i32
      scf.yield %scan3A_327 : i32
    }
    %scan3A_72 = arith.constant 256 : i32
    %add3A_73 = arith.constant 512 : i32
    %add3A_74 = arith.addi %multiple_of3A, %add3A_73 : i32
    "tpu.region"() ({
      %run_scoped3A = tpu.sem_alloc : memref<!tpu.dma_semaphore, #tpu.memory_space<semaphore_mem>>
      %dma_start3A = arith.constant 0 : i32
      %dma_start3A_311 = tpu.memref_slice %arg6[%add3A_1, %add3A_74, %dma_start3A] : memref<4x32768x32xf32, #tpu.memory_space<hbm>> -> memref<1x256x32xf32, #tpu.memory_space<hbm>>
      %dma_start3A_312 = tpu.memref_squeeze %dma_start3A_311 : memref<1x256x32xf32, #tpu.memory_space<hbm>> -> memref<256x32xf32, #tpu.memory_space<hbm>>
      %dma_start3A_313 = arith.constant 0 : i32
      %dma_start3A_314 = tpu.memref_slice %arg6[%add3A_1, %add3A_74, %dma_start3A_313] : memref<4x32768x32xf32, #tpu.memory_space<hbm>> -> memref<1x256x32xf32, #tpu.memory_space<hbm>>
      %dma_start3A_315 = tpu.memref_squeeze %dma_start3A_314 : memref<1x256x32xf32, #tpu.memory_space<hbm>> -> memref<256x32xf32, #tpu.memory_space<hbm>>
      tpu.enqueue_dma source(%arg9 : memref<256x32xf32, #tpu.memory_space<vmem>>) target(%dma_start3A_315 : memref<256x32xf32, #tpu.memory_space<hbm>>) target_semaphore(%run_scoped3A : memref<!tpu.dma_semaphore, #tpu.memory_space<semaphore_mem>>)
      %dma_wait3A = arith.constant 0 : i32
      %dma_wait3A_316 = tpu.memref_slice %arg6[%add3A_1, %add3A_74, %dma_wait3A] : memref<4x32768x32xf32, #tpu.memory_space<hbm>> -> memref<1x256x32xf32, #tpu.memory_space<hbm>>
      %dma_wait3A_317 = tpu.memref_squeeze %dma_wait3A_316 : memref<1x256x32xf32, #tpu.memory_space<hbm>> -> memref<256x32xf32, #tpu.memory_space<hbm>>
      %dma_wait3A_318 = arith.constant 0 : i32
      %dma_wait3A_319 = tpu.memref_slice %arg6[%add3A_1, %add3A_74, %dma_wait3A_318] : memref<4x32768x32xf32, #tpu.memory_space<hbm>> -> memref<1x256x32xf32, #tpu.memory_space<hbm>>
      %dma_wait3A_320 = tpu.memref_squeeze %dma_wait3A_319 : memref<1x256x32xf32, #tpu.memory_space<hbm>> -> memref<256x32xf32, #tpu.memory_space<hbm>>
      tpu.wait_dma2 semaphore(%run_scoped3A : memref<!tpu.dma_semaphore, #tpu.memory_space<semaphore_mem>>) src(%arg9 : memref<256x32xf32, #tpu.memory_space<vmem>>) dst(%dma_wait3A_320 : memref<256x32xf32, #tpu.memory_space<hbm>>)
      tpu.yield
    }) : () -> ()
    %add3A_75 = arith.constant 512 : i32
    %add3A_76 = arith.addi %multiple_of3A, %add3A_75 : i32
    "tpu.region"() ({
      %run_scoped3A = tpu.sem_alloc : memref<!tpu.dma_semaphore, #tpu.memory_space<semaphore_mem>>
      %dma_start3A = arith.constant 0 : i32
      %dma_start3A_311 = tpu.memref_slice %arg7[%add3A_76, %dma_start3A] : memref<32784x32xf32, #tpu.memory_space<vmem_shared>> -> memref<256x32xf32, #tpu.memory_space<vmem_shared>>
      %dma_start3A_312 = arith.constant 0 : i32
      %dma_start3A_313 = tpu.memref_slice %arg7[%add3A_76, %dma_start3A_312] : memref<32784x32xf32, #tpu.memory_space<vmem_shared>> -> memref<256x32xf32, #tpu.memory_space<vmem_shared>>
      tpu.enqueue_dma source(%arg9 : memref<256x32xf32, #tpu.memory_space<vmem>>) target(%dma_start3A_313 : memref<256x32xf32, #tpu.memory_space<vmem_shared>>) target_semaphore(%run_scoped3A : memref<!tpu.dma_semaphore, #tpu.memory_space<semaphore_mem>>)
      %dma_wait3A = arith.constant 0 : i32
      %dma_wait3A_314 = tpu.memref_slice %arg7[%add3A_76, %dma_wait3A] : memref<32784x32xf32, #tpu.memory_space<vmem_shared>> -> memref<256x32xf32, #tpu.memory_space<vmem_shared>>
      %dma_wait3A_315 = arith.constant 0 : i32
      %dma_wait3A_316 = tpu.memref_slice %arg7[%add3A_76, %dma_wait3A_315] : memref<32784x32xf32, #tpu.memory_space<vmem_shared>> -> memref<256x32xf32, #tpu.memory_space<vmem_shared>>
      tpu.wait_dma2 semaphore(%run_scoped3A : memref<!tpu.dma_semaphore, #tpu.memory_space<semaphore_mem>>) src(%arg9 : memref<256x32xf32, #tpu.memory_space<vmem>>) dst(%dma_wait3A_316 : memref<256x32xf32, #tpu.memory_space<vmem_shared>>)
      tpu.yield
    }) : () -> ()
    %add3A_77 = arith.constant 768 : i32
    %add3A_78 = arith.addi %multiple_of3A, %add3A_77 : i32
    "tpu.region"() ({
      %run_scoped3A = tpu.sem_alloc : memref<!tpu.dma_semaphore, #tpu.memory_space<semaphore_mem>>
      %dma_start3A = arith.constant 0 : i32
      %dma_start3A_311 = tpu.memref_slice %arg7[%add3A_78, %dma_start3A] : memref<32784x32xf32, #tpu.memory_space<vmem_shared>> -> memref<256x32xf32, #tpu.memory_space<vmem_shared>>
      %dma_start3A_312 = arith.constant 0 : i32
      %dma_start3A_313 = tpu.memref_slice %arg7[%add3A_78, %dma_start3A_312] : memref<32784x32xf32, #tpu.memory_space<vmem_shared>> -> memref<256x32xf32, #tpu.memory_space<vmem_shared>>
      tpu.enqueue_dma source(%dma_start3A_313 : memref<256x32xf32, #tpu.memory_space<vmem_shared>>) target(%arg9 : memref<256x32xf32, #tpu.memory_space<vmem>>) target_semaphore(%run_scoped3A : memref<!tpu.dma_semaphore, #tpu.memory_space<semaphore_mem>>)
      %dma_wait3A = arith.constant 0 : i32
      %dma_wait3A_314 = tpu.memref_slice %arg7[%add3A_78, %dma_wait3A] : memref<32784x32xf32, #tpu.memory_space<vmem_shared>> -> memref<256x32xf32, #tpu.memory_space<vmem_shared>>
      %dma_wait3A_315 = arith.constant 0 : i32
      %dma_wait3A_316 = tpu.memref_slice %arg7[%add3A_78, %dma_wait3A_315] : memref<32784x32xf32, #tpu.memory_space<vmem_shared>> -> memref<256x32xf32, #tpu.memory_space<vmem_shared>>
      tpu.wait_dma2 semaphore(%run_scoped3A : memref<!tpu.dma_semaphore, #tpu.memory_space<semaphore_mem>>) src(%dma_wait3A_316 : memref<256x32xf32, #tpu.memory_space<vmem_shared>>) dst(%arg9 : memref<256x32xf32, #tpu.memory_space<vmem>>)
      tpu.yield
    }) : () -> ()
    %scan3A_79 = arith.constant 0 : i32
    %scan3A_80 = arith.constant 0 : i32
    %scan3A_81 = arith.constant 256 : i32
    %scan3A_82 = arith.addi %scan3A_80, %scan3A_81 : i32
    %scan3A_83 = arith.constant 1 : i32
    %scan3A_84 = scf.for %scan3A_311 = %scan3A_80 to %scan3A_82 step %scan3A_83 iter_args(%scan3A_312 = %scan3A_79) -> (i32)  : i32 {
      %broadcast_in_dim3A_313 = vector.broadcast %scan3A_311 : i32 to vector<16xi32>
      %broadcast_in_dim3A_314 = arith.constant 768 : i32
      %broadcast_in_dim3A_315 = vector.broadcast %broadcast_in_dim3A_314 : i32 to vector<16xi32>
      %add3A_316 = arith.addi %broadcast_in_dim3A_315, %broadcast_in_dim3A_313 : vector<16xi32>
      %gather3A = tpu.vector_load_idx %arg11[%add3A_316] : memref<2048xf32, #tpu.memory_space<vmem>>[vector<16xi32>], vector<16xf32>,
      %gather3A_317 = tpu.vector_load_idx %arg9[%broadcast_in_dim3A_313, %iota3A] : memref<256x32xf32, #tpu.memory_space<vmem>>[vector<16xi32>, vector<16xi32>], vector<16xf32>,
      %add3A_318 = arith.constant 16 : i32
      %add3A_319 = vector.broadcast %add3A_318 : i32 to vector<16xi32>
      %add3A_320 = arith.addi %iota3A, %add3A_319 : vector<16xi32>
      %gather3A_321 = tpu.vector_load_idx %arg9[%broadcast_in_dim3A_313, %add3A_320] : memref<256x32xf32, #tpu.memory_space<vmem>>[vector<16xi32>, vector<16xi32>], vector<16xf32>,
      %mul3A_322 = arith.mulf %gather3A_317, %gather3A : vector<16xf32>
      tpu.vector_store_idx %arg9[%broadcast_in_dim3A_313, %iota3A], %mul3A_322 : memref<256x32xf32, #tpu.memory_space<vmem>>[vector<16xi32>, vector<16xi32>], vector<16xf32>,
      %add3A_323 = arith.constant 16 : i32
      %add3A_324 = vector.broadcast %add3A_323 : i32 to vector<16xi32>
      %add3A_325 = arith.addi %iota3A, %add3A_324 : vector<16xi32>
      %mul3A_326 = arith.mulf %gather3A_321, %gather3A : vector<16xf32>
      tpu.vector_store_idx %arg9[%broadcast_in_dim3A_313, %add3A_325], %mul3A_326 : memref<256x32xf32, #tpu.memory_space<vmem>>[vector<16xi32>, vector<16xi32>], vector<16xf32>,
      %scan3A_327 = arith.constant 0 : i32
      scf.yield %scan3A_327 : i32
    }
    %scan3A_85 = arith.constant 256 : i32
    %add3A_86 = arith.constant 768 : i32
    %add3A_87 = arith.addi %multiple_of3A, %add3A_86 : i32
    "tpu.region"() ({
      %run_scoped3A = tpu.sem_alloc : memref<!tpu.dma_semaphore, #tpu.memory_space<semaphore_mem>>
      %dma_start3A = arith.constant 0 : i32
      %dma_start3A_311 = tpu.memref_slice %arg6[%add3A_1, %add3A_87, %dma_start3A] : memref<4x32768x32xf32, #tpu.memory_space<hbm>> -> memref<1x256x32xf32, #tpu.memory_space<hbm>>
      %dma_start3A_312 = tpu.memref_squeeze %dma_start3A_311 : memref<1x256x32xf32, #tpu.memory_space<hbm>> -> memref<256x32xf32, #tpu.memory_space<hbm>>
      %dma_start3A_313 = arith.constant 0 : i32
      %dma_start3A_314 = tpu.memref_slice %arg6[%add3A_1, %add3A_87, %dma_start3A_313] : memref<4x32768x32xf32, #tpu.memory_space<hbm>> -> memref<1x256x32xf32, #tpu.memory_space<hbm>>
      %dma_start3A_315 = tpu.memref_squeeze %dma_start3A_314 : memref<1x256x32xf32, #tpu.memory_space<hbm>> -> memref<256x32xf32, #tpu.memory_space<hbm>>
      tpu.enqueue_dma source(%arg9 : memref<256x32xf32, #tpu.memory_space<vmem>>) target(%dma_start3A_315 : memref<256x32xf32, #tpu.memory_space<hbm>>) target_semaphore(%run_scoped3A : memref<!tpu.dma_semaphore, #tpu.memory_space<semaphore_mem>>)
      %dma_wait3A = arith.constant 0 : i32
      %dma_wait3A_316 = tpu.memref_slice %arg6[%add3A_1, %add3A_87, %dma_wait3A] : memref<4x32768x32xf32, #tpu.memory_space<hbm>> -> memref<1x256x32xf32, #tpu.memory_space<hbm>>
      %dma_wait3A_317 = tpu.memref_squeeze %dma_wait3A_316 : memref<1x256x32xf32, #tpu.memory_space<hbm>> -> memref<256x32xf32, #tpu.memory_space<hbm>>
      %dma_wait3A_318 = arith.constant 0 : i32
      %dma_wait3A_319 = tpu.memref_slice %arg6[%add3A_1, %add3A_87, %dma_wait3A_318] : memref<4x32768x32xf32, #tpu.memory_space<hbm>> -> memref<1x256x32xf32, #tpu.memory_space<hbm>>
      %dma_wait3A_320 = tpu.memref_squeeze %dma_wait3A_319 : memref<1x256x32xf32, #tpu.memory_space<hbm>> -> memref<256x32xf32, #tpu.memory_space<hbm>>
      tpu.wait_dma2 semaphore(%run_scoped3A : memref<!tpu.dma_semaphore, #tpu.memory_space<semaphore_mem>>) src(%arg9 : memref<256x32xf32, #tpu.memory_space<vmem>>) dst(%dma_wait3A_320 : memref<256x32xf32, #tpu.memory_space<hbm>>)
      tpu.yield
    }) : () -> ()
    %add3A_88 = arith.constant 768 : i32
    %add3A_89 = arith.addi %multiple_of3A, %add3A_88 : i32
    "tpu.region"() ({
      %run_scoped3A = tpu.sem_alloc : memref<!tpu.dma_semaphore, #tpu.memory_space<semaphore_mem>>
      %dma_start3A = arith.constant 0 : i32
      %dma_start3A_311 = tpu.memref_slice %arg7[%add3A_89, %dma_start3A] : memref<32784x32xf32, #tpu.memory_space<vmem_shared>> -> memref<256x32xf32, #tpu.memory_space<vmem_shared>>
      %dma_start3A_312 = arith.constant 0 : i32
      %dma_start3A_313 = tpu.memref_slice %arg7[%add3A_89, %dma_start3A_312] : memref<32784x32xf32, #tpu.memory_space<vmem_shared>> -> memref<256x32xf32, #tpu.memory_space<vmem_shared>>
      tpu.enqueue_dma source(%arg9 : memref<256x32xf32, #tpu.memory_space<vmem>>) target(%dma_start3A_313 : memref<256x32xf32, #tpu.memory_space<vmem_shared>>) target_semaphore(%run_scoped3A : memref<!tpu.dma_semaphore, #tpu.memory_space<semaphore_mem>>)
      %dma_wait3A = arith.constant 0 : i32
      %dma_wait3A_314 = tpu.memref_slice %arg7[%add3A_89, %dma_wait3A] : memref<32784x32xf32, #tpu.memory_space<vmem_shared>> -> memref<256x32xf32, #tpu.memory_space<vmem_shared>>
      %dma_wait3A_315 = arith.constant 0 : i32
      %dma_wait3A_316 = tpu.memref_slice %arg7[%add3A_89, %dma_wait3A_315] : memref<32784x32xf32, #tpu.memory_space<vmem_shared>> -> memref<256x32xf32, #tpu.memory_space<vmem_shared>>
      tpu.wait_dma2 semaphore(%run_scoped3A : memref<!tpu.dma_semaphore, #tpu.memory_space<semaphore_mem>>) src(%arg9 : memref<256x32xf32, #tpu.memory_space<vmem>>) dst(%dma_wait3A_316 : memref<256x32xf32, #tpu.memory_space<vmem_shared>>)
      tpu.yield
    }) : () -> ()
    %add3A_90 = arith.constant 1024 : i32
    %add3A_91 = arith.addi %multiple_of3A, %add3A_90 : i32
    "tpu.region"() ({
      %run_scoped3A = tpu.sem_alloc : memref<!tpu.dma_semaphore, #tpu.memory_space<semaphore_mem>>
      %dma_start3A = arith.constant 0 : i32
      %dma_start3A_311 = tpu.memref_slice %arg7[%add3A_91, %dma_start3A] : memref<32784x32xf32, #tpu.memory_space<vmem_shared>> -> memref<256x32xf32, #tpu.memory_space<vmem_shared>>
      %dma_start3A_312 = arith.constant 0 : i32
      %dma_start3A_313 = tpu.memref_slice %arg7[%add3A_91, %dma_start3A_312] : memref<32784x32xf32, #tpu.memory_space<vmem_shared>> -> memref<256x32xf32, #tpu.memory_space<vmem_shared>>
      tpu.enqueue_dma source(%dma_start3A_313 : memref<256x32xf32, #tpu.memory_space<vmem_shared>>) target(%arg9 : memref<256x32xf32, #tpu.memory_space<vmem>>) target_semaphore(%run_scoped3A : memref<!tpu.dma_semaphore, #tpu.memory_space<semaphore_mem>>)
      %dma_wait3A = arith.constant 0 : i32
      %dma_wait3A_314 = tpu.memref_slice %arg7[%add3A_91, %dma_wait3A] : memref<32784x32xf32, #tpu.memory_space<vmem_shared>> -> memref<256x32xf32, #tpu.memory_space<vmem_shared>>
      %dma_wait3A_315 = arith.constant 0 : i32
      %dma_wait3A_316 = tpu.memref_slice %arg7[%add3A_91, %dma_wait3A_315] : memref<32784x32xf32, #tpu.memory_space<vmem_shared>> -> memref<256x32xf32, #tpu.memory_space<vmem_shared>>
      tpu.wait_dma2 semaphore(%run_scoped3A : memref<!tpu.dma_semaphore, #tpu.memory_space<semaphore_mem>>) src(%dma_wait3A_316 : memref<256x32xf32, #tpu.memory_space<vmem_shared>>) dst(%arg9 : memref<256x32xf32, #tpu.memory_space<vmem>>)
      tpu.yield
    }) : () -> ()
    %scan3A_92 = arith.constant 0 : i32
    %scan3A_93 = arith.constant 0 : i32
    %scan3A_94 = arith.constant 256 : i32
    %scan3A_95 = arith.addi %scan3A_93, %scan3A_94 : i32
    %scan3A_96 = arith.constant 1 : i32
    %scan3A_97 = scf.for %scan3A_311 = %scan3A_93 to %scan3A_95 step %scan3A_96 iter_args(%scan3A_312 = %scan3A_92) -> (i32)  : i32 {
      %broadcast_in_dim3A_313 = vector.broadcast %scan3A_311 : i32 to vector<16xi32>
      %broadcast_in_dim3A_314 = arith.constant 1024 : i32
      %broadcast_in_dim3A_315 = vector.broadcast %broadcast_in_dim3A_314 : i32 to vector<16xi32>
      %add3A_316 = arith.addi %broadcast_in_dim3A_315, %broadcast_in_dim3A_313 : vector<16xi32>
      %gather3A = tpu.vector_load_idx %arg11[%add3A_316] : memref<2048xf32, #tpu.memory_space<vmem>>[vector<16xi32>], vector<16xf32>,
      %gather3A_317 = tpu.vector_load_idx %arg9[%broadcast_in_dim3A_313, %iota3A] : memref<256x32xf32, #tpu.memory_space<vmem>>[vector<16xi32>, vector<16xi32>], vector<16xf32>,
      %add3A_318 = arith.constant 16 : i32
      %add3A_319 = vector.broadcast %add3A_318 : i32 to vector<16xi32>
      %add3A_320 = arith.addi %iota3A, %add3A_319 : vector<16xi32>
      %gather3A_321 = tpu.vector_load_idx %arg9[%broadcast_in_dim3A_313, %add3A_320] : memref<256x32xf32, #tpu.memory_space<vmem>>[vector<16xi32>, vector<16xi32>], vector<16xf32>,
      %mul3A_322 = arith.mulf %gather3A_317, %gather3A : vector<16xf32>
      tpu.vector_store_idx %arg9[%broadcast_in_dim3A_313, %iota3A], %mul3A_322 : memref<256x32xf32, #tpu.memory_space<vmem>>[vector<16xi32>, vector<16xi32>], vector<16xf32>,
      %add3A_323 = arith.constant 16 : i32
      %add3A_324 = vector.broadcast %add3A_323 : i32 to vector<16xi32>
      %add3A_325 = arith.addi %iota3A, %add3A_324 : vector<16xi32>
      %mul3A_326 = arith.mulf %gather3A_321, %gather3A : vector<16xf32>
      tpu.vector_store_idx %arg9[%broadcast_in_dim3A_313, %add3A_325], %mul3A_326 : memref<256x32xf32, #tpu.memory_space<vmem>>[vector<16xi32>, vector<16xi32>], vector<16xf32>,
      %scan3A_327 = arith.constant 0 : i32
      scf.yield %scan3A_327 : i32
    }
    %scan3A_98 = arith.constant 256 : i32
    %add3A_99 = arith.constant 1024 : i32
    %add3A_100 = arith.addi %multiple_of3A, %add3A_99 : i32
    "tpu.region"() ({
      %run_scoped3A = tpu.sem_alloc : memref<!tpu.dma_semaphore, #tpu.memory_space<semaphore_mem>>
      %dma_start3A = arith.constant 0 : i32
      %dma_start3A_311 = tpu.memref_slice %arg6[%add3A_1, %add3A_100, %dma_start3A] : memref<4x32768x32xf32, #tpu.memory_space<hbm>> -> memref<1x256x32xf32, #tpu.memory_space<hbm>>
      %dma_start3A_312 = tpu.memref_squeeze %dma_start3A_311 : memref<1x256x32xf32, #tpu.memory_space<hbm>> -> memref<256x32xf32, #tpu.memory_space<hbm>>
      %dma_start3A_313 = arith.constant 0 : i32
      %dma_start3A_314 = tpu.memref_slice %arg6[%add3A_1, %add3A_100, %dma_start3A_313] : memref<4x32768x32xf32, #tpu.memory_space<hbm>> -> memref<1x256x32xf32, #tpu.memory_space<hbm>>
      %dma_start3A_315 = tpu.memref_squeeze %dma_start3A_314 : memref<1x256x32xf32, #tpu.memory_space<hbm>> -> memref<256x32xf32, #tpu.memory_space<hbm>>
      tpu.enqueue_dma source(%arg9 : memref<256x32xf32, #tpu.memory_space<vmem>>) target(%dma_start3A_315 : memref<256x32xf32, #tpu.memory_space<hbm>>) target_semaphore(%run_scoped3A : memref<!tpu.dma_semaphore, #tpu.memory_space<semaphore_mem>>)
      %dma_wait3A = arith.constant 0 : i32
      %dma_wait3A_316 = tpu.memref_slice %arg6[%add3A_1, %add3A_100, %dma_wait3A] : memref<4x32768x32xf32, #tpu.memory_space<hbm>> -> memref<1x256x32xf32, #tpu.memory_space<hbm>>
      %dma_wait3A_317 = tpu.memref_squeeze %dma_wait3A_316 : memref<1x256x32xf32, #tpu.memory_space<hbm>> -> memref<256x32xf32, #tpu.memory_space<hbm>>
      %dma_wait3A_318 = arith.constant 0 : i32
      %dma_wait3A_319 = tpu.memref_slice %arg6[%add3A_1, %add3A_100, %dma_wait3A_318] : memref<4x32768x32xf32, #tpu.memory_space<hbm>> -> memref<1x256x32xf32, #tpu.memory_space<hbm>>
      %dma_wait3A_320 = tpu.memref_squeeze %dma_wait3A_319 : memref<1x256x32xf32, #tpu.memory_space<hbm>> -> memref<256x32xf32, #tpu.memory_space<hbm>>
      tpu.wait_dma2 semaphore(%run_scoped3A : memref<!tpu.dma_semaphore, #tpu.memory_space<semaphore_mem>>) src(%arg9 : memref<256x32xf32, #tpu.memory_space<vmem>>) dst(%dma_wait3A_320 : memref<256x32xf32, #tpu.memory_space<hbm>>)
      tpu.yield
    }) : () -> ()
    %add3A_101 = arith.constant 1024 : i32
    %add3A_102 = arith.addi %multiple_of3A, %add3A_101 : i32
    "tpu.region"() ({
      %run_scoped3A = tpu.sem_alloc : memref<!tpu.dma_semaphore, #tpu.memory_space<semaphore_mem>>
      %dma_start3A = arith.constant 0 : i32
      %dma_start3A_311 = tpu.memref_slice %arg7[%add3A_102, %dma_start3A] : memref<32784x32xf32, #tpu.memory_space<vmem_shared>> -> memref<256x32xf32, #tpu.memory_space<vmem_shared>>
      %dma_start3A_312 = arith.constant 0 : i32
      %dma_start3A_313 = tpu.memref_slice %arg7[%add3A_102, %dma_start3A_312] : memref<32784x32xf32, #tpu.memory_space<vmem_shared>> -> memref<256x32xf32, #tpu.memory_space<vmem_shared>>
      tpu.enqueue_dma source(%arg9 : memref<256x32xf32, #tpu.memory_space<vmem>>) target(%dma_start3A_313 : memref<256x32xf32, #tpu.memory_space<vmem_shared>>) target_semaphore(%run_scoped3A : memref<!tpu.dma_semaphore, #tpu.memory_space<semaphore_mem>>)
      %dma_wait3A = arith.constant 0 : i32
      %dma_wait3A_314 = tpu.memref_slice %arg7[%add3A_102, %dma_wait3A] : memref<32784x32xf32, #tpu.memory_space<vmem_shared>> -> memref<256x32xf32, #tpu.memory_space<vmem_shared>>
      %dma_wait3A_315 = arith.constant 0 : i32
      %dma_wait3A_316 = tpu.memref_slice %arg7[%add3A_102, %dma_wait3A_315] : memref<32784x32xf32, #tpu.memory_space<vmem_shared>> -> memref<256x32xf32, #tpu.memory_space<vmem_shared>>
      tpu.wait_dma2 semaphore(%run_scoped3A : memref<!tpu.dma_semaphore, #tpu.memory_space<semaphore_mem>>) src(%arg9 : memref<256x32xf32, #tpu.memory_space<vmem>>) dst(%dma_wait3A_316 : memref<256x32xf32, #tpu.memory_space<vmem_shared>>)
      tpu.yield
    }) : () -> ()
    %add3A_103 = arith.constant 1280 : i32
    %add3A_104 = arith.addi %multiple_of3A, %add3A_103 : i32
    "tpu.region"() ({
      %run_scoped3A = tpu.sem_alloc : memref<!tpu.dma_semaphore, #tpu.memory_space<semaphore_mem>>
      %dma_start3A = arith.constant 0 : i32
      %dma_start3A_311 = tpu.memref_slice %arg7[%add3A_104, %dma_start3A] : memref<32784x32xf32, #tpu.memory_space<vmem_shared>> -> memref<256x32xf32, #tpu.memory_space<vmem_shared>>
      %dma_start3A_312 = arith.constant 0 : i32
      %dma_start3A_313 = tpu.memref_slice %arg7[%add3A_104, %dma_start3A_312] : memref<32784x32xf32, #tpu.memory_space<vmem_shared>> -> memref<256x32xf32, #tpu.memory_space<vmem_shared>>
      tpu.enqueue_dma source(%dma_start3A_313 : memref<256x32xf32, #tpu.memory_space<vmem_shared>>) target(%arg9 : memref<256x32xf32, #tpu.memory_space<vmem>>) target_semaphore(%run_scoped3A : memref<!tpu.dma_semaphore, #tpu.memory_space<semaphore_mem>>)
      %dma_wait3A = arith.constant 0 : i32
      %dma_wait3A_314 = tpu.memref_slice %arg7[%add3A_104, %dma_wait3A] : memref<32784x32xf32, #tpu.memory_space<vmem_shared>> -> memref<256x32xf32, #tpu.memory_space<vmem_shared>>
      %dma_wait3A_315 = arith.constant 0 : i32
      %dma_wait3A_316 = tpu.memref_slice %arg7[%add3A_104, %dma_wait3A_315] : memref<32784x32xf32, #tpu.memory_space<vmem_shared>> -> memref<256x32xf32, #tpu.memory_space<vmem_shared>>
      tpu.wait_dma2 semaphore(%run_scoped3A : memref<!tpu.dma_semaphore, #tpu.memory_space<semaphore_mem>>) src(%dma_wait3A_316 : memref<256x32xf32, #tpu.memory_space<vmem_shared>>) dst(%arg9 : memref<256x32xf32, #tpu.memory_space<vmem>>)
      tpu.yield
    }) : () -> ()
    %scan3A_105 = arith.constant 0 : i32
    %scan3A_106 = arith.constant 0 : i32
    %scan3A_107 = arith.constant 256 : i32
    %scan3A_108 = arith.addi %scan3A_106, %scan3A_107 : i32
    %scan3A_109 = arith.constant 1 : i32
    %scan3A_110 = scf.for %scan3A_311 = %scan3A_106 to %scan3A_108 step %scan3A_109 iter_args(%scan3A_312 = %scan3A_105) -> (i32)  : i32 {
      %broadcast_in_dim3A_313 = vector.broadcast %scan3A_311 : i32 to vector<16xi32>
      %broadcast_in_dim3A_314 = arith.constant 1280 : i32
      %broadcast_in_dim3A_315 = vector.broadcast %broadcast_in_dim3A_314 : i32 to vector<16xi32>
      %add3A_316 = arith.addi %broadcast_in_dim3A_315, %broadcast_in_dim3A_313 : vector<16xi32>
      %gather3A = tpu.vector_load_idx %arg11[%add3A_316] : memref<2048xf32, #tpu.memory_space<vmem>>[vector<16xi32>], vector<16xf32>,
      %gather3A_317 = tpu.vector_load_idx %arg9[%broadcast_in_dim3A_313, %iota3A] : memref<256x32xf32, #tpu.memory_space<vmem>>[vector<16xi32>, vector<16xi32>], vector<16xf32>,
      %add3A_318 = arith.constant 16 : i32
      %add3A_319 = vector.broadcast %add3A_318 : i32 to vector<16xi32>
      %add3A_320 = arith.addi %iota3A, %add3A_319 : vector<16xi32>
      %gather3A_321 = tpu.vector_load_idx %arg9[%broadcast_in_dim3A_313, %add3A_320] : memref<256x32xf32, #tpu.memory_space<vmem>>[vector<16xi32>, vector<16xi32>], vector<16xf32>,
      %mul3A_322 = arith.mulf %gather3A_317, %gather3A : vector<16xf32>
      tpu.vector_store_idx %arg9[%broadcast_in_dim3A_313, %iota3A], %mul3A_322 : memref<256x32xf32, #tpu.memory_space<vmem>>[vector<16xi32>, vector<16xi32>], vector<16xf32>,
      %add3A_323 = arith.constant 16 : i32
      %add3A_324 = vector.broadcast %add3A_323 : i32 to vector<16xi32>
      %add3A_325 = arith.addi %iota3A, %add3A_324 : vector<16xi32>
      %mul3A_326 = arith.mulf %gather3A_321, %gather3A : vector<16xf32>
      tpu.vector_store_idx %arg9[%broadcast_in_dim3A_313, %add3A_325], %mul3A_326 : memref<256x32xf32, #tpu.memory_space<vmem>>[vector<16xi32>, vector<16xi32>], vector<16xf32>,
      %scan3A_327 = arith.constant 0 : i32
      scf.yield %scan3A_327 : i32
    }
    %scan3A_111 = arith.constant 256 : i32
    %add3A_112 = arith.constant 1280 : i32
    %add3A_113 = arith.addi %multiple_of3A, %add3A_112 : i32
    "tpu.region"() ({
      %run_scoped3A = tpu.sem_alloc : memref<!tpu.dma_semaphore, #tpu.memory_space<semaphore_mem>>
      %dma_start3A = arith.constant 0 : i32
      %dma_start3A_311 = tpu.memref_slice %arg6[%add3A_1, %add3A_113, %dma_start3A] : memref<4x32768x32xf32, #tpu.memory_space<hbm>> -> memref<1x256x32xf32, #tpu.memory_space<hbm>>
      %dma_start3A_312 = tpu.memref_squeeze %dma_start3A_311 : memref<1x256x32xf32, #tpu.memory_space<hbm>> -> memref<256x32xf32, #tpu.memory_space<hbm>>
      %dma_start3A_313 = arith.constant 0 : i32
      %dma_start3A_314 = tpu.memref_slice %arg6[%add3A_1, %add3A_113, %dma_start3A_313] : memref<4x32768x32xf32, #tpu.memory_space<hbm>> -> memref<1x256x32xf32, #tpu.memory_space<hbm>>
      %dma_start3A_315 = tpu.memref_squeeze %dma_start3A_314 : memref<1x256x32xf32, #tpu.memory_space<hbm>> -> memref<256x32xf32, #tpu.memory_space<hbm>>
      tpu.enqueue_dma source(%arg9 : memref<256x32xf32, #tpu.memory_space<vmem>>) target(%dma_start3A_315 : memref<256x32xf32, #tpu.memory_space<hbm>>) target_semaphore(%run_scoped3A : memref<!tpu.dma_semaphore, #tpu.memory_space<semaphore_mem>>)
      %dma_wait3A = arith.constant 0 : i32
      %dma_wait3A_316 = tpu.memref_slice %arg6[%add3A_1, %add3A_113, %dma_wait3A] : memref<4x32768x32xf32, #tpu.memory_space<hbm>> -> memref<1x256x32xf32, #tpu.memory_space<hbm>>
      %dma_wait3A_317 = tpu.memref_squeeze %dma_wait3A_316 : memref<1x256x32xf32, #tpu.memory_space<hbm>> -> memref<256x32xf32, #tpu.memory_space<hbm>>
      %dma_wait3A_318 = arith.constant 0 : i32
      %dma_wait3A_319 = tpu.memref_slice %arg6[%add3A_1, %add3A_113, %dma_wait3A_318] : memref<4x32768x32xf32, #tpu.memory_space<hbm>> -> memref<1x256x32xf32, #tpu.memory_space<hbm>>
      %dma_wait3A_320 = tpu.memref_squeeze %dma_wait3A_319 : memref<1x256x32xf32, #tpu.memory_space<hbm>> -> memref<256x32xf32, #tpu.memory_space<hbm>>
      tpu.wait_dma2 semaphore(%run_scoped3A : memref<!tpu.dma_semaphore, #tpu.memory_space<semaphore_mem>>) src(%arg9 : memref<256x32xf32, #tpu.memory_space<vmem>>) dst(%dma_wait3A_320 : memref<256x32xf32, #tpu.memory_space<hbm>>)
      tpu.yield
    }) : () -> ()
    %add3A_114 = arith.constant 1280 : i32
    %add3A_115 = arith.addi %multiple_of3A, %add3A_114 : i32
    "tpu.region"() ({
      %run_scoped3A = tpu.sem_alloc : memref<!tpu.dma_semaphore, #tpu.memory_space<semaphore_mem>>
      %dma_start3A = arith.constant 0 : i32
      %dma_start3A_311 = tpu.memref_slice %arg7[%add3A_115, %dma_start3A] : memref<32784x32xf32, #tpu.memory_space<vmem_shared>> -> memref<256x32xf32, #tpu.memory_space<vmem_shared>>
      %dma_start3A_312 = arith.constant 0 : i32
      %dma_start3A_313 = tpu.memref_slice %arg7[%add3A_115, %dma_start3A_312] : memref<32784x32xf32, #tpu.memory_space<vmem_shared>> -> memref<256x32xf32, #tpu.memory_space<vmem_shared>>
      tpu.enqueue_dma source(%arg9 : memref<256x32xf32, #tpu.memory_space<vmem>>) target(%dma_start3A_313 : memref<256x32xf32, #tpu.memory_space<vmem_shared>>) target_semaphore(%run_scoped3A : memref<!tpu.dma_semaphore, #tpu.memory_space<semaphore_mem>>)
      %dma_wait3A = arith.constant 0 : i32
      %dma_wait3A_314 = tpu.memref_slice %arg7[%add3A_115, %dma_wait3A] : memref<32784x32xf32, #tpu.memory_space<vmem_shared>> -> memref<256x32xf32, #tpu.memory_space<vmem_shared>>
      %dma_wait3A_315 = arith.constant 0 : i32
      %dma_wait3A_316 = tpu.memref_slice %arg7[%add3A_115, %dma_wait3A_315] : memref<32784x32xf32, #tpu.memory_space<vmem_shared>> -> memref<256x32xf32, #tpu.memory_space<vmem_shared>>
      tpu.wait_dma2 semaphore(%run_scoped3A : memref<!tpu.dma_semaphore, #tpu.memory_space<semaphore_mem>>) src(%arg9 : memref<256x32xf32, #tpu.memory_space<vmem>>) dst(%dma_wait3A_316 : memref<256x32xf32, #tpu.memory_space<vmem_shared>>)
      tpu.yield
    }) : () -> ()
    %add3A_116 = arith.constant 1536 : i32
    %add3A_117 = arith.addi %multiple_of3A, %add3A_116 : i32
    "tpu.region"() ({
      %run_scoped3A = tpu.sem_alloc : memref<!tpu.dma_semaphore, #tpu.memory_space<semaphore_mem>>
      %dma_start3A = arith.constant 0 : i32
      %dma_start3A_311 = tpu.memref_slice %arg7[%add3A_117, %dma_start3A] : memref<32784x32xf32, #tpu.memory_space<vmem_shared>> -> memref<256x32xf32, #tpu.memory_space<vmem_shared>>
      %dma_start3A_312 = arith.constant 0 : i32
      %dma_start3A_313 = tpu.memref_slice %arg7[%add3A_117, %dma_start3A_312] : memref<32784x32xf32, #tpu.memory_space<vmem_shared>> -> memref<256x32xf32, #tpu.memory_space<vmem_shared>>
      tpu.enqueue_dma source(%dma_start3A_313 : memref<256x32xf32, #tpu.memory_space<vmem_shared>>) target(%arg9 : memref<256x32xf32, #tpu.memory_space<vmem>>) target_semaphore(%run_scoped3A : memref<!tpu.dma_semaphore, #tpu.memory_space<semaphore_mem>>)
      %dma_wait3A = arith.constant 0 : i32
      %dma_wait3A_314 = tpu.memref_slice %arg7[%add3A_117, %dma_wait3A] : memref<32784x32xf32, #tpu.memory_space<vmem_shared>> -> memref<256x32xf32, #tpu.memory_space<vmem_shared>>
      %dma_wait3A_315 = arith.constant 0 : i32
      %dma_wait3A_316 = tpu.memref_slice %arg7[%add3A_117, %dma_wait3A_315] : memref<32784x32xf32, #tpu.memory_space<vmem_shared>> -> memref<256x32xf32, #tpu.memory_space<vmem_shared>>
      tpu.wait_dma2 semaphore(%run_scoped3A : memref<!tpu.dma_semaphore, #tpu.memory_space<semaphore_mem>>) src(%dma_wait3A_316 : memref<256x32xf32, #tpu.memory_space<vmem_shared>>) dst(%arg9 : memref<256x32xf32, #tpu.memory_space<vmem>>)
      tpu.yield
    }) : () -> ()
    %scan3A_118 = arith.constant 0 : i32
    %scan3A_119 = arith.constant 0 : i32
    %scan3A_120 = arith.constant 256 : i32
    %scan3A_121 = arith.addi %scan3A_119, %scan3A_120 : i32
    %scan3A_122 = arith.constant 1 : i32
    %scan3A_123 = scf.for %scan3A_311 = %scan3A_119 to %scan3A_121 step %scan3A_122 iter_args(%scan3A_312 = %scan3A_118) -> (i32)  : i32 {
      %broadcast_in_dim3A_313 = vector.broadcast %scan3A_311 : i32 to vector<16xi32>
      %broadcast_in_dim3A_314 = arith.constant 1536 : i32
      %broadcast_in_dim3A_315 = vector.broadcast %broadcast_in_dim3A_314 : i32 to vector<16xi32>
      %add3A_316 = arith.addi %broadcast_in_dim3A_315, %broadcast_in_dim3A_313 : vector<16xi32>
      %gather3A = tpu.vector_load_idx %arg11[%add3A_316] : memref<2048xf32, #tpu.memory_space<vmem>>[vector<16xi32>], vector<16xf32>,
      %gather3A_317 = tpu.vector_load_idx %arg9[%broadcast_in_dim3A_313, %iota3A] : memref<256x32xf32, #tpu.memory_space<vmem>>[vector<16xi32>, vector<16xi32>], vector<16xf32>,
      %add3A_318 = arith.constant 16 : i32
      %add3A_319 = vector.broadcast %add3A_318 : i32 to vector<16xi32>
      %add3A_320 = arith.addi %iota3A, %add3A_319 : vector<16xi32>
      %gather3A_321 = tpu.vector_load_idx %arg9[%broadcast_in_dim3A_313, %add3A_320] : memref<256x32xf32, #tpu.memory_space<vmem>>[vector<16xi32>, vector<16xi32>], vector<16xf32>,
      %mul3A_322 = arith.mulf %gather3A_317, %gather3A : vector<16xf32>
      tpu.vector_store_idx %arg9[%broadcast_in_dim3A_313, %iota3A], %mul3A_322 : memref<256x32xf32, #tpu.memory_space<vmem>>[vector<16xi32>, vector<16xi32>], vector<16xf32>,
      %add3A_323 = arith.constant 16 : i32
      %add3A_324 = vector.broadcast %add3A_323 : i32 to vector<16xi32>
      %add3A_325 = arith.addi %iota3A, %add3A_324 : vector<16xi32>
      %mul3A_326 = arith.mulf %gather3A_321, %gather3A : vector<16xf32>
      tpu.vector_store_idx %arg9[%broadcast_in_dim3A_313, %add3A_325], %mul3A_326 : memref<256x32xf32, #tpu.memory_space<vmem>>[vector<16xi32>, vector<16xi32>], vector<16xf32>,
      %scan3A_327 = arith.constant 0 : i32
      scf.yield %scan3A_327 : i32
    }
    %scan3A_124 = arith.constant 256 : i32
    %add3A_125 = arith.constant 1536 : i32
    %add3A_126 = arith.addi %multiple_of3A, %add3A_125 : i32
    "tpu.region"() ({
      %run_scoped3A = tpu.sem_alloc : memref<!tpu.dma_semaphore, #tpu.memory_space<semaphore_mem>>
      %dma_start3A = arith.constant 0 : i32
      %dma_start3A_311 = tpu.memref_slice %arg6[%add3A_1, %add3A_126, %dma_start3A] : memref<4x32768x32xf32, #tpu.memory_space<hbm>> -> memref<1x256x32xf32, #tpu.memory_space<hbm>>
      %dma_start3A_312 = tpu.memref_squeeze %dma_start3A_311 : memref<1x256x32xf32, #tpu.memory_space<hbm>> -> memref<256x32xf32, #tpu.memory_space<hbm>>
      %dma_start3A_313 = arith.constant 0 : i32
      %dma_start3A_314 = tpu.memref_slice %arg6[%add3A_1, %add3A_126, %dma_start3A_313] : memref<4x32768x32xf32, #tpu.memory_space<hbm>> -> memref<1x256x32xf32, #tpu.memory_space<hbm>>
      %dma_start3A_315 = tpu.memref_squeeze %dma_start3A_314 : memref<1x256x32xf32, #tpu.memory_space<hbm>> -> memref<256x32xf32, #tpu.memory_space<hbm>>
      tpu.enqueue_dma source(%arg9 : memref<256x32xf32, #tpu.memory_space<vmem>>) target(%dma_start3A_315 : memref<256x32xf32, #tpu.memory_space<hbm>>) target_semaphore(%run_scoped3A : memref<!tpu.dma_semaphore, #tpu.memory_space<semaphore_mem>>)
      %dma_wait3A = arith.constant 0 : i32
      %dma_wait3A_316 = tpu.memref_slice %arg6[%add3A_1, %add3A_126, %dma_wait3A] : memref<4x32768x32xf32, #tpu.memory_space<hbm>> -> memref<1x256x32xf32, #tpu.memory_space<hbm>>
      %dma_wait3A_317 = tpu.memref_squeeze %dma_wait3A_316 : memref<1x256x32xf32, #tpu.memory_space<hbm>> -> memref<256x32xf32, #tpu.memory_space<hbm>>
      %dma_wait3A_318 = arith.constant 0 : i32
      %dma_wait3A_319 = tpu.memref_slice %arg6[%add3A_1, %add3A_126, %dma_wait3A_318] : memref<4x32768x32xf32, #tpu.memory_space<hbm>> -> memref<1x256x32xf32, #tpu.memory_space<hbm>>
      %dma_wait3A_320 = tpu.memref_squeeze %dma_wait3A_319 : memref<1x256x32xf32, #tpu.memory_space<hbm>> -> memref<256x32xf32, #tpu.memory_space<hbm>>
      tpu.wait_dma2 semaphore(%run_scoped3A : memref<!tpu.dma_semaphore, #tpu.memory_space<semaphore_mem>>) src(%arg9 : memref<256x32xf32, #tpu.memory_space<vmem>>) dst(%dma_wait3A_320 : memref<256x32xf32, #tpu.memory_space<hbm>>)
      tpu.yield
    }) : () -> ()
    %add3A_127 = arith.constant 1536 : i32
    %add3A_128 = arith.addi %multiple_of3A, %add3A_127 : i32
    "tpu.region"() ({
      %run_scoped3A = tpu.sem_alloc : memref<!tpu.dma_semaphore, #tpu.memory_space<semaphore_mem>>
      %dma_start3A = arith.constant 0 : i32
      %dma_start3A_311 = tpu.memref_slice %arg7[%add3A_128, %dma_start3A] : memref<32784x32xf32, #tpu.memory_space<vmem_shared>> -> memref<256x32xf32, #tpu.memory_space<vmem_shared>>
      %dma_start3A_312 = arith.constant 0 : i32
      %dma_start3A_313 = tpu.memref_slice %arg7[%add3A_128, %dma_start3A_312] : memref<32784x32xf32, #tpu.memory_space<vmem_shared>> -> memref<256x32xf32, #tpu.memory_space<vmem_shared>>
      tpu.enqueue_dma source(%arg9 : memref<256x32xf32, #tpu.memory_space<vmem>>) target(%dma_start3A_313 : memref<256x32xf32, #tpu.memory_space<vmem_shared>>) target_semaphore(%run_scoped3A : memref<!tpu.dma_semaphore, #tpu.memory_space<semaphore_mem>>)
      %dma_wait3A = arith.constant 0 : i32
      %dma_wait3A_314 = tpu.memref_slice %arg7[%add3A_128, %dma_wait3A] : memref<32784x32xf32, #tpu.memory_space<vmem_shared>> -> memref<256x32xf32, #tpu.memory_space<vmem_shared>>
      %dma_wait3A_315 = arith.constant 0 : i32
      %dma_wait3A_316 = tpu.memref_slice %arg7[%add3A_128, %dma_wait3A_315] : memref<32784x32xf32, #tpu.memory_space<vmem_shared>> -> memref<256x32xf32, #tpu.memory_space<vmem_shared>>
      tpu.wait_dma2 semaphore(%run_scoped3A : memref<!tpu.dma_semaphore, #tpu.memory_space<semaphore_mem>>) src(%arg9 : memref<256x32xf32, #tpu.memory_space<vmem>>) dst(%dma_wait3A_316 : memref<256x32xf32, #tpu.memory_space<vmem_shared>>)
      tpu.yield
    }) : () -> ()
    %add3A_129 = arith.constant 1792 : i32
    %add3A_130 = arith.addi %multiple_of3A, %add3A_129 : i32
    "tpu.region"() ({
      %run_scoped3A = tpu.sem_alloc : memref<!tpu.dma_semaphore, #tpu.memory_space<semaphore_mem>>
      %dma_start3A = arith.constant 0 : i32
      %dma_start3A_311 = tpu.memref_slice %arg7[%add3A_130, %dma_start3A] : memref<32784x32xf32, #tpu.memory_space<vmem_shared>> -> memref<256x32xf32, #tpu.memory_space<vmem_shared>>
      %dma_start3A_312 = arith.constant 0 : i32
      %dma_start3A_313 = tpu.memref_slice %arg7[%add3A_130, %dma_start3A_312] : memref<32784x32xf32, #tpu.memory_space<vmem_shared>> -> memref<256x32xf32, #tpu.memory_space<vmem_shared>>
      tpu.enqueue_dma source(%dma_start3A_313 : memref<256x32xf32, #tpu.memory_space<vmem_shared>>) target(%arg9 : memref<256x32xf32, #tpu.memory_space<vmem>>) target_semaphore(%run_scoped3A : memref<!tpu.dma_semaphore, #tpu.memory_space<semaphore_mem>>)
      %dma_wait3A = arith.constant 0 : i32
      %dma_wait3A_314 = tpu.memref_slice %arg7[%add3A_130, %dma_wait3A] : memref<32784x32xf32, #tpu.memory_space<vmem_shared>> -> memref<256x32xf32, #tpu.memory_space<vmem_shared>>
      %dma_wait3A_315 = arith.constant 0 : i32
      %dma_wait3A_316 = tpu.memref_slice %arg7[%add3A_130, %dma_wait3A_315] : memref<32784x32xf32, #tpu.memory_space<vmem_shared>> -> memref<256x32xf32, #tpu.memory_space<vmem_shared>>
      tpu.wait_dma2 semaphore(%run_scoped3A : memref<!tpu.dma_semaphore, #tpu.memory_space<semaphore_mem>>) src(%dma_wait3A_316 : memref<256x32xf32, #tpu.memory_space<vmem_shared>>) dst(%arg9 : memref<256x32xf32, #tpu.memory_space<vmem>>)
      tpu.yield
    }) : () -> ()
    %scan3A_131 = arith.constant 0 : i32
    %scan3A_132 = arith.constant 0 : i32
    %scan3A_133 = arith.constant 256 : i32
    %scan3A_134 = arith.addi %scan3A_132, %scan3A_133 : i32
    %scan3A_135 = arith.constant 1 : i32
    %scan3A_136 = scf.for %scan3A_311 = %scan3A_132 to %scan3A_134 step %scan3A_135 iter_args(%scan3A_312 = %scan3A_131) -> (i32)  : i32 {
      %broadcast_in_dim3A_313 = vector.broadcast %scan3A_311 : i32 to vector<16xi32>
      %broadcast_in_dim3A_314 = arith.constant 1792 : i32
      %broadcast_in_dim3A_315 = vector.broadcast %broadcast_in_dim3A_314 : i32 to vector<16xi32>
      %add3A_316 = arith.addi %broadcast_in_dim3A_315, %broadcast_in_dim3A_313 : vector<16xi32>
      %gather3A = tpu.vector_load_idx %arg11[%add3A_316] : memref<2048xf32, #tpu.memory_space<vmem>>[vector<16xi32>], vector<16xf32>,
      %gather3A_317 = tpu.vector_load_idx %arg9[%broadcast_in_dim3A_313, %iota3A] : memref<256x32xf32, #tpu.memory_space<vmem>>[vector<16xi32>, vector<16xi32>], vector<16xf32>,
      %add3A_318 = arith.constant 16 : i32
      %add3A_319 = vector.broadcast %add3A_318 : i32 to vector<16xi32>
      %add3A_320 = arith.addi %iota3A, %add3A_319 : vector<16xi32>
      %gather3A_321 = tpu.vector_load_idx %arg9[%broadcast_in_dim3A_313, %add3A_320] : memref<256x32xf32, #tpu.memory_space<vmem>>[vector<16xi32>, vector<16xi32>], vector<16xf32>,
      %mul3A_322 = arith.mulf %gather3A_317, %gather3A : vector<16xf32>
      tpu.vector_store_idx %arg9[%broadcast_in_dim3A_313, %iota3A], %mul3A_322 : memref<256x32xf32, #tpu.memory_space<vmem>>[vector<16xi32>, vector<16xi32>], vector<16xf32>,
      %add3A_323 = arith.constant 16 : i32
      %add3A_324 = vector.broadcast %add3A_323 : i32 to vector<16xi32>
      %add3A_325 = arith.addi %iota3A, %add3A_324 : vector<16xi32>
      %mul3A_326 = arith.mulf %gather3A_321, %gather3A : vector<16xf32>
      tpu.vector_store_idx %arg9[%broadcast_in_dim3A_313, %add3A_325], %mul3A_326 : memref<256x32xf32, #tpu.memory_space<vmem>>[vector<16xi32>, vector<16xi32>], vector<16xf32>,
      %scan3A_327 = arith.constant 0 : i32
      scf.yield %scan3A_327 : i32
    }
    %scan3A_137 = arith.constant 256 : i32
    %add3A_138 = arith.constant 1792 : i32
    %add3A_139 = arith.addi %multiple_of3A, %add3A_138 : i32
    "tpu.region"() ({
      %run_scoped3A = tpu.sem_alloc : memref<!tpu.dma_semaphore, #tpu.memory_space<semaphore_mem>>
      %dma_start3A = arith.constant 0 : i32
      %dma_start3A_311 = tpu.memref_slice %arg6[%add3A_1, %add3A_139, %dma_start3A] : memref<4x32768x32xf32, #tpu.memory_space<hbm>> -> memref<1x256x32xf32, #tpu.memory_space<hbm>>
      %dma_start3A_312 = tpu.memref_squeeze %dma_start3A_311 : memref<1x256x32xf32, #tpu.memory_space<hbm>> -> memref<256x32xf32, #tpu.memory_space<hbm>>
      %dma_start3A_313 = arith.constant 0 : i32
      %dma_start3A_314 = tpu.memref_slice %arg6[%add3A_1, %add3A_139, %dma_start3A_313] : memref<4x32768x32xf32, #tpu.memory_space<hbm>> -> memref<1x256x32xf32, #tpu.memory_space<hbm>>
      %dma_start3A_315 = tpu.memref_squeeze %dma_start3A_314 : memref<1x256x32xf32, #tpu.memory_space<hbm>> -> memref<256x32xf32, #tpu.memory_space<hbm>>
      tpu.enqueue_dma source(%arg9 : memref<256x32xf32, #tpu.memory_space<vmem>>) target(%dma_start3A_315 : memref<256x32xf32, #tpu.memory_space<hbm>>) target_semaphore(%run_scoped3A : memref<!tpu.dma_semaphore, #tpu.memory_space<semaphore_mem>>)
      %dma_wait3A = arith.constant 0 : i32
      %dma_wait3A_316 = tpu.memref_slice %arg6[%add3A_1, %add3A_139, %dma_wait3A] : memref<4x32768x32xf32, #tpu.memory_space<hbm>> -> memref<1x256x32xf32, #tpu.memory_space<hbm>>
      %dma_wait3A_317 = tpu.memref_squeeze %dma_wait3A_316 : memref<1x256x32xf32, #tpu.memory_space<hbm>> -> memref<256x32xf32, #tpu.memory_space<hbm>>
      %dma_wait3A_318 = arith.constant 0 : i32
      %dma_wait3A_319 = tpu.memref_slice %arg6[%add3A_1, %add3A_139, %dma_wait3A_318] : memref<4x32768x32xf32, #tpu.memory_space<hbm>> -> memref<1x256x32xf32, #tpu.memory_space<hbm>>
      %dma_wait3A_320 = tpu.memref_squeeze %dma_wait3A_319 : memref<1x256x32xf32, #tpu.memory_space<hbm>> -> memref<256x32xf32, #tpu.memory_space<hbm>>
      tpu.wait_dma2 semaphore(%run_scoped3A : memref<!tpu.dma_semaphore, #tpu.memory_space<semaphore_mem>>) src(%arg9 : memref<256x32xf32, #tpu.memory_space<vmem>>) dst(%dma_wait3A_320 : memref<256x32xf32, #tpu.memory_space<hbm>>)
      tpu.yield
    }) : () -> ()
    %add3A_140 = arith.constant 1792 : i32
    %add3A_141 = arith.addi %multiple_of3A, %add3A_140 : i32
    "tpu.region"() ({
      %run_scoped3A = tpu.sem_alloc : memref<!tpu.dma_semaphore, #tpu.memory_space<semaphore_mem>>
      %dma_start3A = arith.constant 0 : i32
      %dma_start3A_311 = tpu.memref_slice %arg7[%add3A_141, %dma_start3A] : memref<32784x32xf32, #tpu.memory_space<vmem_shared>> -> memref<256x32xf32, #tpu.memory_space<vmem_shared>>
      %dma_start3A_312 = arith.constant 0 : i32
      %dma_start3A_313 = tpu.memref_slice %arg7[%add3A_141, %dma_start3A_312] : memref<32784x32xf32, #tpu.memory_space<vmem_shared>> -> memref<256x32xf32, #tpu.memory_space<vmem_shared>>
      tpu.enqueue_dma source(%arg9 : memref<256x32xf32, #tpu.memory_space<vmem>>) target(%dma_start3A_313 : memref<256x32xf32, #tpu.memory_space<vmem_shared>>) target_semaphore(%run_scoped3A : memref<!tpu.dma_semaphore, #tpu.memory_space<semaphore_mem>>)
      %dma_wait3A = arith.constant 0 : i32
      %dma_wait3A_314 = tpu.memref_slice %arg7[%add3A_141, %dma_wait3A] : memref<32784x32xf32, #tpu.memory_space<vmem_shared>> -> memref<256x32xf32, #tpu.memory_space<vmem_shared>>
      %dma_wait3A_315 = arith.constant 0 : i32
      %dma_wait3A_316 = tpu.memref_slice %arg7[%add3A_141, %dma_wait3A_315] : memref<32784x32xf32, #tpu.memory_space<vmem_shared>> -> memref<256x32xf32, #tpu.memory_space<vmem_shared>>
      tpu.wait_dma2 semaphore(%run_scoped3A : memref<!tpu.dma_semaphore, #tpu.memory_space<semaphore_mem>>) src(%arg9 : memref<256x32xf32, #tpu.memory_space<vmem>>) dst(%dma_wait3A_316 : memref<256x32xf32, #tpu.memory_space<vmem_shared>>)
      tpu.yield
    }) : () -> ()
    %barrier3A_142 = arith.constant 0 : index
    tpu.barrier barrier_id(%barrier3A_142)
    %scan3A_143 = arith.constant 0 : i32
    %scan3A_144 = arith.constant 0 : i32
    %scan3A_145 = arith.constant 49 : i32
    %scan3A_146 = arith.addi %scan3A_144, %scan3A_145 : i32
    %scan3A_147 = arith.constant 1 : i32
    %scan3A_148 = scf.for %scan3A_311 = %scan3A_144 to %scan3A_146 step %scan3A_147 iter_args(%scan3A_312 = %scan3A_143) -> (i32)  : i32 {
      %mul3A_313 = arith.constant 100352 : i32
      %mul3A_314 = arith.muli %add3A_1, %mul3A_313 : i32
      %mul3A_315 = arith.constant 6272 : i32
      %mul3A_316 = arith.muli %arg1, %mul3A_315 : i32
      %add3A_317 = arith.addi %mul3A_314, %mul3A_316 : i32
      %mul3A_318 = arith.constant 128 : i32
      %mul3A_319 = arith.muli %scan3A_311, %mul3A_318 : i32
      %add3A_320 = arith.addi %add3A_317, %mul3A_319 : i32
      %multiple_of3A_321 = tpu.assume_multiple %add3A_320, 8 : i32
      "tpu.region"() ({
        %run_scoped3A = tpu.sem_alloc : memref<!tpu.dma_semaphore, #tpu.memory_space<semaphore_mem>>
        %dma_start3A = arith.constant 0 : i32
        %dma_start3A_323 = tpu.memref_slice %arg10[%scan3A_311, %dma_start3A] : memref<49x128xi32, #tpu.memory_space<vmem>> -> memref<1x128xi32, #tpu.memory_space<vmem>>
        %dma_start3A_324 = tpu.memref_squeeze %dma_start3A_323 : memref<1x128xi32, #tpu.memory_space<vmem>> -> memref<128xi32, #tpu.memory_space<vmem>>
        %dma_start3A_325 = arith.constant 0 : i32
        %dma_start3A_326 = arith.constant 0 : i32
        %dma_start3A_327 = tpu.memref_slice %arg7[%dma_start3A_325, %dma_start3A_326] : memref<32784x32xf32, #tpu.memory_space<vmem_shared>> -> memref<32784x32xf32, #tpu.memory_space<vmem_shared>>
        tpu.enqueue_indirect_dma source(%dma_start3A_327 : memref<32784x32xf32, #tpu.memory_space<vmem_shared>>) target(%arg8 : memref<128x32xf32, #tpu.memory_space<vmem>>) offsets(%dma_start3A_324 : memref<128xi32, #tpu.memory_space<vmem>>) semaphore(%run_scoped3A : memref<!tpu.dma_semaphore, #tpu.memory_space<semaphore_mem>>)
        %dma_wait3A = arith.constant 0 : i32
        %dma_wait3A_328 = tpu.memref_slice %arg10[%scan3A_311, %dma_wait3A] : memref<49x128xi32, #tpu.memory_space<vmem>> -> memref<1x128xi32, #tpu.memory_space<vmem>>
        %dma_wait3A_329 = tpu.memref_squeeze %dma_wait3A_328 : memref<1x128xi32, #tpu.memory_space<vmem>> -> memref<128xi32, #tpu.memory_space<vmem>>
        %dma_wait3A_330 = arith.constant 0 : i32
        %dma_wait3A_331 = arith.constant 0 : i32
        %dma_wait3A_332 = tpu.memref_slice %arg7[%dma_wait3A_330, %dma_wait3A_331] : memref<32784x32xf32, #tpu.memory_space<vmem_shared>> -> memref<32784x32xf32, #tpu.memory_space<vmem_shared>>
        tpu.wait_indirect_dma semaphore(%run_scoped3A : memref<!tpu.dma_semaphore, #tpu.memory_space<semaphore_mem>>) src(%dma_wait3A_332 : memref<32784x32xf32, #tpu.memory_space<vmem_shared>>) dst(%arg8 : memref<128x32xf32, #tpu.memory_space<vmem>>)
        tpu.yield
      }) : () -> ()
      "tpu.region"() ({
        %run_scoped3A = tpu.sem_alloc : memref<!tpu.dma_semaphore, #tpu.memory_space<semaphore_mem>>
        %dma_start3A = arith.constant 0 : i32
        %dma_start3A_323 = tpu.memref_slice %arg5[%multiple_of3A_321, %dma_start3A] : memref<401408x32xf32, #tpu.memory_space<hbm>> -> memref<128x32xf32, #tpu.memory_space<hbm>>
        %dma_start3A_324 = arith.constant 0 : i32
        %dma_start3A_325 = tpu.memref_slice %arg5[%multiple_of3A_321, %dma_start3A_324] : memref<401408x32xf32, #tpu.memory_space<hbm>> -> memref<128x32xf32, #tpu.memory_space<hbm>>
        tpu.enqueue_dma source(%arg8 : memref<128x32xf32, #tpu.memory_space<vmem>>) target(%dma_start3A_325 : memref<128x32xf32, #tpu.memory_space<hbm>>) target_semaphore(%run_scoped3A : memref<!tpu.dma_semaphore, #tpu.memory_space<semaphore_mem>>)
        %dma_wait3A = arith.constant 0 : i32
        %dma_wait3A_326 = tpu.memref_slice %arg5[%multiple_of3A_321, %dma_wait3A] : memref<401408x32xf32, #tpu.memory_space<hbm>> -> memref<128x32xf32, #tpu.memory_space<hbm>>
        %dma_wait3A_327 = arith.constant 0 : i32
        %dma_wait3A_328 = tpu.memref_slice %arg5[%multiple_of3A_321, %dma_wait3A_327] : memref<401408x32xf32, #tpu.memory_space<hbm>> -> memref<128x32xf32, #tpu.memory_space<hbm>>
        tpu.wait_dma2 semaphore(%run_scoped3A : memref<!tpu.dma_semaphore, #tpu.memory_space<semaphore_mem>>) src(%arg8 : memref<128x32xf32, #tpu.memory_space<vmem>>) dst(%dma_wait3A_328 : memref<128x32xf32, #tpu.memory_space<hbm>>)
        tpu.yield
      }) : () -> ()
      %scan3A_322 = arith.constant 0 : i32
      scf.yield %scan3A_322 : i32
    }
    %scan3A_149 = arith.constant 49 : i32
    %barrier3A_150 = arith.constant 0 : index
    tpu.barrier barrier_id(%barrier3A_150)
    %mul3A_151 = arith.constant 2 : i32
    %mul3A_152 = arith.muli %arg0, %mul3A_151 : i32
    %add3A_153 = arith.constant 1 : i32
    %add3A_154 = arith.addi %mul3A_152, %add3A_153 : i32
    %mul3A_155 = arith.constant 2048 : i32
    %mul3A_156 = arith.muli %arg1, %mul3A_155 : i32
    %multiple_of3A_157 = tpu.assume_multiple %mul3A_156, 8 : i32
    %iota3A_158 = tpu.iota {dimensions = array<i32: 0>} : vector<16xi32>
    %broadcast_in_dim3A_159 = arith.constant 0.000000e+00 : f32
    %broadcast_in_dim3A_160 = vector.broadcast %broadcast_in_dim3A_159 : f32 to vector<16xf32>
    %scan3A_161 = arith.constant 0 : i32
    %scan3A_162 = arith.constant 0 : i32
    %scan3A_163 = arith.constant 256 : i32
    %scan3A_164 = arith.addi %scan3A_162, %scan3A_163 : i32
    %scan3A_165 = arith.constant 1 : i32
    %scan3A_166 = scf.for %scan3A_311 = %scan3A_162 to %scan3A_164 step %scan3A_165 iter_args(%scan3A_312 = %scan3A_161) -> (i32)  : i32 {
      %broadcast_in_dim3A_313 = vector.broadcast %scan3A_311 : i32 to vector<16xi32>
      %add3A_314 = arith.constant 0 : i32
      %add3A_315 = vector.broadcast %add3A_314 : i32 to vector<16xi32>
      %add3A_316 = arith.addi %iota3A_158, %add3A_315 : vector<16xi32>
      tpu.vector_store_idx %arg9[%broadcast_in_dim3A_313, %add3A_316], %broadcast_in_dim3A_160 : memref<256x32xf32, #tpu.memory_space<vmem>>[vector<16xi32>, vector<16xi32>], vector<16xf32>,
      %add3A_317 = arith.constant 16 : i32
      %add3A_318 = vector.broadcast %add3A_317 : i32 to vector<16xi32>
      %add3A_319 = arith.addi %iota3A_158, %add3A_318 : vector<16xi32>
      tpu.vector_store_idx %arg9[%broadcast_in_dim3A_313, %add3A_319], %broadcast_in_dim3A_160 : memref<256x32xf32, #tpu.memory_space<vmem>>[vector<16xi32>, vector<16xi32>], vector<16xf32>,
      %scan3A_320 = arith.constant 0 : i32
      scf.yield %scan3A_320 : i32
    }
    %scan3A_167 = arith.constant 256 : i32
    %add3A_168 = arith.constant 0 : i32
    %add3A_169 = arith.addi %multiple_of3A_157, %add3A_168 : i32
    "tpu.region"() ({
      %run_scoped3A = tpu.sem_alloc : memref<!tpu.dma_semaphore, #tpu.memory_space<semaphore_mem>>
      %dma_start3A = arith.constant 0 : i32
      %dma_start3A_311 = tpu.memref_slice %arg7[%add3A_169, %dma_start3A] : memref<32784x32xf32, #tpu.memory_space<vmem_shared>> -> memref<256x32xf32, #tpu.memory_space<vmem_shared>>
      %dma_start3A_312 = arith.constant 0 : i32
      %dma_start3A_313 = tpu.memref_slice %arg7[%add3A_169, %dma_start3A_312] : memref<32784x32xf32, #tpu.memory_space<vmem_shared>> -> memref<256x32xf32, #tpu.memory_space<vmem_shared>>
      tpu.enqueue_dma source(%arg9 : memref<256x32xf32, #tpu.memory_space<vmem>>) target(%dma_start3A_313 : memref<256x32xf32, #tpu.memory_space<vmem_shared>>) target_semaphore(%run_scoped3A : memref<!tpu.dma_semaphore, #tpu.memory_space<semaphore_mem>>)
      %dma_wait3A = arith.constant 0 : i32
      %dma_wait3A_314 = tpu.memref_slice %arg7[%add3A_169, %dma_wait3A] : memref<32784x32xf32, #tpu.memory_space<vmem_shared>> -> memref<256x32xf32, #tpu.memory_space<vmem_shared>>
      %dma_wait3A_315 = arith.constant 0 : i32
      %dma_wait3A_316 = tpu.memref_slice %arg7[%add3A_169, %dma_wait3A_315] : memref<32784x32xf32, #tpu.memory_space<vmem_shared>> -> memref<256x32xf32, #tpu.memory_space<vmem_shared>>
      tpu.wait_dma2 semaphore(%run_scoped3A : memref<!tpu.dma_semaphore, #tpu.memory_space<semaphore_mem>>) src(%arg9 : memref<256x32xf32, #tpu.memory_space<vmem>>) dst(%dma_wait3A_316 : memref<256x32xf32, #tpu.memory_space<vmem_shared>>)
      tpu.yield
    }) : () -> ()
    %add3A_170 = arith.constant 256 : i32
    %add3A_171 = arith.addi %multiple_of3A_157, %add3A_170 : i32
    "tpu.region"() ({
      %run_scoped3A = tpu.sem_alloc : memref<!tpu.dma_semaphore, #tpu.memory_space<semaphore_mem>>
      %dma_start3A = arith.constant 0 : i32
      %dma_start3A_311 = tpu.memref_slice %arg7[%add3A_171, %dma_start3A] : memref<32784x32xf32, #tpu.memory_space<vmem_shared>> -> memref<256x32xf32, #tpu.memory_space<vmem_shared>>
      %dma_start3A_312 = arith.constant 0 : i32
      %dma_start3A_313 = tpu.memref_slice %arg7[%add3A_171, %dma_start3A_312] : memref<32784x32xf32, #tpu.memory_space<vmem_shared>> -> memref<256x32xf32, #tpu.memory_space<vmem_shared>>
      tpu.enqueue_dma source(%arg9 : memref<256x32xf32, #tpu.memory_space<vmem>>) target(%dma_start3A_313 : memref<256x32xf32, #tpu.memory_space<vmem_shared>>) target_semaphore(%run_scoped3A : memref<!tpu.dma_semaphore, #tpu.memory_space<semaphore_mem>>)
      %dma_wait3A = arith.constant 0 : i32
      %dma_wait3A_314 = tpu.memref_slice %arg7[%add3A_171, %dma_wait3A] : memref<32784x32xf32, #tpu.memory_space<vmem_shared>> -> memref<256x32xf32, #tpu.memory_space<vmem_shared>>
      %dma_wait3A_315 = arith.constant 0 : i32
      %dma_wait3A_316 = tpu.memref_slice %arg7[%add3A_171, %dma_wait3A_315] : memref<32784x32xf32, #tpu.memory_space<vmem_shared>> -> memref<256x32xf32, #tpu.memory_space<vmem_shared>>
      tpu.wait_dma2 semaphore(%run_scoped3A : memref<!tpu.dma_semaphore, #tpu.memory_space<semaphore_mem>>) src(%arg9 : memref<256x32xf32, #tpu.memory_space<vmem>>) dst(%dma_wait3A_316 : memref<256x32xf32, #tpu.memory_space<vmem_shared>>)
      tpu.yield
    }) : () -> ()
    %add3A_172 = arith.constant 512 : i32
    %add3A_173 = arith.addi %multiple_of3A_157, %add3A_172 : i32
    "tpu.region"() ({
      %run_scoped3A = tpu.sem_alloc : memref<!tpu.dma_semaphore, #tpu.memory_space<semaphore_mem>>
      %dma_start3A = arith.constant 0 : i32
      %dma_start3A_311 = tpu.memref_slice %arg7[%add3A_173, %dma_start3A] : memref<32784x32xf32, #tpu.memory_space<vmem_shared>> -> memref<256x32xf32, #tpu.memory_space<vmem_shared>>
      %dma_start3A_312 = arith.constant 0 : i32
      %dma_start3A_313 = tpu.memref_slice %arg7[%add3A_173, %dma_start3A_312] : memref<32784x32xf32, #tpu.memory_space<vmem_shared>> -> memref<256x32xf32, #tpu.memory_space<vmem_shared>>
      tpu.enqueue_dma source(%arg9 : memref<256x32xf32, #tpu.memory_space<vmem>>) target(%dma_start3A_313 : memref<256x32xf32, #tpu.memory_space<vmem_shared>>) target_semaphore(%run_scoped3A : memref<!tpu.dma_semaphore, #tpu.memory_space<semaphore_mem>>)
      %dma_wait3A = arith.constant 0 : i32
      %dma_wait3A_314 = tpu.memref_slice %arg7[%add3A_173, %dma_wait3A] : memref<32784x32xf32, #tpu.memory_space<vmem_shared>> -> memref<256x32xf32, #tpu.memory_space<vmem_shared>>
      %dma_wait3A_315 = arith.constant 0 : i32
      %dma_wait3A_316 = tpu.memref_slice %arg7[%add3A_173, %dma_wait3A_315] : memref<32784x32xf32, #tpu.memory_space<vmem_shared>> -> memref<256x32xf32, #tpu.memory_space<vmem_shared>>
      tpu.wait_dma2 semaphore(%run_scoped3A : memref<!tpu.dma_semaphore, #tpu.memory_space<semaphore_mem>>) src(%arg9 : memref<256x32xf32, #tpu.memory_space<vmem>>) dst(%dma_wait3A_316 : memref<256x32xf32, #tpu.memory_space<vmem_shared>>)
      tpu.yield
    }) : () -> ()
    %add3A_174 = arith.constant 768 : i32
    %add3A_175 = arith.addi %multiple_of3A_157, %add3A_174 : i32
    "tpu.region"() ({
      %run_scoped3A = tpu.sem_alloc : memref<!tpu.dma_semaphore, #tpu.memory_space<semaphore_mem>>
      %dma_start3A = arith.constant 0 : i32
      %dma_start3A_311 = tpu.memref_slice %arg7[%add3A_175, %dma_start3A] : memref<32784x32xf32, #tpu.memory_space<vmem_shared>> -> memref<256x32xf32, #tpu.memory_space<vmem_shared>>
      %dma_start3A_312 = arith.constant 0 : i32
      %dma_start3A_313 = tpu.memref_slice %arg7[%add3A_175, %dma_start3A_312] : memref<32784x32xf32, #tpu.memory_space<vmem_shared>> -> memref<256x32xf32, #tpu.memory_space<vmem_shared>>
      tpu.enqueue_dma source(%arg9 : memref<256x32xf32, #tpu.memory_space<vmem>>) target(%dma_start3A_313 : memref<256x32xf32, #tpu.memory_space<vmem_shared>>) target_semaphore(%run_scoped3A : memref<!tpu.dma_semaphore, #tpu.memory_space<semaphore_mem>>)
      %dma_wait3A = arith.constant 0 : i32
      %dma_wait3A_314 = tpu.memref_slice %arg7[%add3A_175, %dma_wait3A] : memref<32784x32xf32, #tpu.memory_space<vmem_shared>> -> memref<256x32xf32, #tpu.memory_space<vmem_shared>>
      %dma_wait3A_315 = arith.constant 0 : i32
      %dma_wait3A_316 = tpu.memref_slice %arg7[%add3A_175, %dma_wait3A_315] : memref<32784x32xf32, #tpu.memory_space<vmem_shared>> -> memref<256x32xf32, #tpu.memory_space<vmem_shared>>
      tpu.wait_dma2 semaphore(%run_scoped3A : memref<!tpu.dma_semaphore, #tpu.memory_space<semaphore_mem>>) src(%arg9 : memref<256x32xf32, #tpu.memory_space<vmem>>) dst(%dma_wait3A_316 : memref<256x32xf32, #tpu.memory_space<vmem_shared>>)
      tpu.yield
    }) : () -> ()
    %add3A_176 = arith.constant 1024 : i32
    %add3A_177 = arith.addi %multiple_of3A_157, %add3A_176 : i32
    "tpu.region"() ({
      %run_scoped3A = tpu.sem_alloc : memref<!tpu.dma_semaphore, #tpu.memory_space<semaphore_mem>>
      %dma_start3A = arith.constant 0 : i32
      %dma_start3A_311 = tpu.memref_slice %arg7[%add3A_177, %dma_start3A] : memref<32784x32xf32, #tpu.memory_space<vmem_shared>> -> memref<256x32xf32, #tpu.memory_space<vmem_shared>>
      %dma_start3A_312 = arith.constant 0 : i32
      %dma_start3A_313 = tpu.memref_slice %arg7[%add3A_177, %dma_start3A_312] : memref<32784x32xf32, #tpu.memory_space<vmem_shared>> -> memref<256x32xf32, #tpu.memory_space<vmem_shared>>
      tpu.enqueue_dma source(%arg9 : memref<256x32xf32, #tpu.memory_space<vmem>>) target(%dma_start3A_313 : memref<256x32xf32, #tpu.memory_space<vmem_shared>>) target_semaphore(%run_scoped3A : memref<!tpu.dma_semaphore, #tpu.memory_space<semaphore_mem>>)
      %dma_wait3A = arith.constant 0 : i32
      %dma_wait3A_314 = tpu.memref_slice %arg7[%add3A_177, %dma_wait3A] : memref<32784x32xf32, #tpu.memory_space<vmem_shared>> -> memref<256x32xf32, #tpu.memory_space<vmem_shared>>
      %dma_wait3A_315 = arith.constant 0 : i32
      %dma_wait3A_316 = tpu.memref_slice %arg7[%add3A_177, %dma_wait3A_315] : memref<32784x32xf32, #tpu.memory_space<vmem_shared>> -> memref<256x32xf32, #tpu.memory_space<vmem_shared>>
      tpu.wait_dma2 semaphore(%run_scoped3A : memref<!tpu.dma_semaphore, #tpu.memory_space<semaphore_mem>>) src(%arg9 : memref<256x32xf32, #tpu.memory_space<vmem>>) dst(%dma_wait3A_316 : memref<256x32xf32, #tpu.memory_space<vmem_shared>>)
      tpu.yield
    }) : () -> ()
    %add3A_178 = arith.constant 1280 : i32
    %add3A_179 = arith.addi %multiple_of3A_157, %add3A_178 : i32
    "tpu.region"() ({
      %run_scoped3A = tpu.sem_alloc : memref<!tpu.dma_semaphore, #tpu.memory_space<semaphore_mem>>
      %dma_start3A = arith.constant 0 : i32
      %dma_start3A_311 = tpu.memref_slice %arg7[%add3A_179, %dma_start3A] : memref<32784x32xf32, #tpu.memory_space<vmem_shared>> -> memref<256x32xf32, #tpu.memory_space<vmem_shared>>
      %dma_start3A_312 = arith.constant 0 : i32
      %dma_start3A_313 = tpu.memref_slice %arg7[%add3A_179, %dma_start3A_312] : memref<32784x32xf32, #tpu.memory_space<vmem_shared>> -> memref<256x32xf32, #tpu.memory_space<vmem_shared>>
      tpu.enqueue_dma source(%arg9 : memref<256x32xf32, #tpu.memory_space<vmem>>) target(%dma_start3A_313 : memref<256x32xf32, #tpu.memory_space<vmem_shared>>) target_semaphore(%run_scoped3A : memref<!tpu.dma_semaphore, #tpu.memory_space<semaphore_mem>>)
      %dma_wait3A = arith.constant 0 : i32
      %dma_wait3A_314 = tpu.memref_slice %arg7[%add3A_179, %dma_wait3A] : memref<32784x32xf32, #tpu.memory_space<vmem_shared>> -> memref<256x32xf32, #tpu.memory_space<vmem_shared>>
      %dma_wait3A_315 = arith.constant 0 : i32
      %dma_wait3A_316 = tpu.memref_slice %arg7[%add3A_179, %dma_wait3A_315] : memref<32784x32xf32, #tpu.memory_space<vmem_shared>> -> memref<256x32xf32, #tpu.memory_space<vmem_shared>>
      tpu.wait_dma2 semaphore(%run_scoped3A : memref<!tpu.dma_semaphore, #tpu.memory_space<semaphore_mem>>) src(%arg9 : memref<256x32xf32, #tpu.memory_space<vmem>>) dst(%dma_wait3A_316 : memref<256x32xf32, #tpu.memory_space<vmem_shared>>)
      tpu.yield
    }) : () -> ()
    %add3A_180 = arith.constant 1536 : i32
    %add3A_181 = arith.addi %multiple_of3A_157, %add3A_180 : i32
    "tpu.region"() ({
      %run_scoped3A = tpu.sem_alloc : memref<!tpu.dma_semaphore, #tpu.memory_space<semaphore_mem>>
      %dma_start3A = arith.constant 0 : i32
      %dma_start3A_311 = tpu.memref_slice %arg7[%add3A_181, %dma_start3A] : memref<32784x32xf32, #tpu.memory_space<vmem_shared>> -> memref<256x32xf32, #tpu.memory_space<vmem_shared>>
      %dma_start3A_312 = arith.constant 0 : i32
      %dma_start3A_313 = tpu.memref_slice %arg7[%add3A_181, %dma_start3A_312] : memref<32784x32xf32, #tpu.memory_space<vmem_shared>> -> memref<256x32xf32, #tpu.memory_space<vmem_shared>>
      tpu.enqueue_dma source(%arg9 : memref<256x32xf32, #tpu.memory_space<vmem>>) target(%dma_start3A_313 : memref<256x32xf32, #tpu.memory_space<vmem_shared>>) target_semaphore(%run_scoped3A : memref<!tpu.dma_semaphore, #tpu.memory_space<semaphore_mem>>)
      %dma_wait3A = arith.constant 0 : i32
      %dma_wait3A_314 = tpu.memref_slice %arg7[%add3A_181, %dma_wait3A] : memref<32784x32xf32, #tpu.memory_space<vmem_shared>> -> memref<256x32xf32, #tpu.memory_space<vmem_shared>>
      %dma_wait3A_315 = arith.constant 0 : i32
      %dma_wait3A_316 = tpu.memref_slice %arg7[%add3A_181, %dma_wait3A_315] : memref<32784x32xf32, #tpu.memory_space<vmem_shared>> -> memref<256x32xf32, #tpu.memory_space<vmem_shared>>
      tpu.wait_dma2 semaphore(%run_scoped3A : memref<!tpu.dma_semaphore, #tpu.memory_space<semaphore_mem>>) src(%arg9 : memref<256x32xf32, #tpu.memory_space<vmem>>) dst(%dma_wait3A_316 : memref<256x32xf32, #tpu.memory_space<vmem_shared>>)
      tpu.yield
    }) : () -> ()
    %add3A_182 = arith.constant 1792 : i32
    %add3A_183 = arith.addi %multiple_of3A_157, %add3A_182 : i32
    "tpu.region"() ({
      %run_scoped3A = tpu.sem_alloc : memref<!tpu.dma_semaphore, #tpu.memory_space<semaphore_mem>>
      %dma_start3A = arith.constant 0 : i32
      %dma_start3A_311 = tpu.memref_slice %arg7[%add3A_183, %dma_start3A] : memref<32784x32xf32, #tpu.memory_space<vmem_shared>> -> memref<256x32xf32, #tpu.memory_space<vmem_shared>>
      %dma_start3A_312 = arith.constant 0 : i32
      %dma_start3A_313 = tpu.memref_slice %arg7[%add3A_183, %dma_start3A_312] : memref<32784x32xf32, #tpu.memory_space<vmem_shared>> -> memref<256x32xf32, #tpu.memory_space<vmem_shared>>
      tpu.enqueue_dma source(%arg9 : memref<256x32xf32, #tpu.memory_space<vmem>>) target(%dma_start3A_313 : memref<256x32xf32, #tpu.memory_space<vmem_shared>>) target_semaphore(%run_scoped3A : memref<!tpu.dma_semaphore, #tpu.memory_space<semaphore_mem>>)
      %dma_wait3A = arith.constant 0 : i32
      %dma_wait3A_314 = tpu.memref_slice %arg7[%add3A_183, %dma_wait3A] : memref<32784x32xf32, #tpu.memory_space<vmem_shared>> -> memref<256x32xf32, #tpu.memory_space<vmem_shared>>
      %dma_wait3A_315 = arith.constant 0 : i32
      %dma_wait3A_316 = tpu.memref_slice %arg7[%add3A_183, %dma_wait3A_315] : memref<32784x32xf32, #tpu.memory_space<vmem_shared>> -> memref<256x32xf32, #tpu.memory_space<vmem_shared>>
      tpu.wait_dma2 semaphore(%run_scoped3A : memref<!tpu.dma_semaphore, #tpu.memory_space<semaphore_mem>>) src(%arg9 : memref<256x32xf32, #tpu.memory_space<vmem>>) dst(%dma_wait3A_316 : memref<256x32xf32, #tpu.memory_space<vmem_shared>>)
      tpu.yield
    }) : () -> ()
    %eq3A_184 = arith.constant 15 : i32
    %eq3A_185 = arith.cmpi eq, %arg1, %eq3A_184 : i32
    %convert_element_type3A_186 = arith.extui %eq3A_185 : i1 to i32
    %cond3A_187 = arith.constant 0 : i32
    %cond3A_188 = arith.cmpi ne, %convert_element_type3A_186, %cond3A_187 : i32
    scf.if %cond3A_188 {
      "tpu.region"() ({
        %run_scoped3A = tpu.sem_alloc : memref<!tpu.dma_semaphore, #tpu.memory_space<semaphore_mem>>
        %dma_start3A = arith.constant 0 : i32
        %dma_start3A_311 = arith.constant 0 : i32
        %dma_start3A_312 = tpu.memref_slice %arg9[%dma_start3A, %dma_start3A_311] : memref<256x32xf32, #tpu.memory_space<vmem>> -> memref<16x32xf32, #tpu.memory_space<vmem>>
        %dma_start3A_313 = arith.constant 32768 : i32
        %dma_start3A_314 = arith.constant 0 : i32
        %dma_start3A_315 = tpu.memref_slice %arg7[%dma_start3A_313, %dma_start3A_314] : memref<32784x32xf32, #tpu.memory_space<vmem_shared>> -> memref<16x32xf32, #tpu.memory_space<vmem_shared>>
        %dma_start3A_316 = arith.constant 32768 : i32
        %dma_start3A_317 = arith.constant 0 : i32
        %dma_start3A_318 = tpu.memref_slice %arg7[%dma_start3A_316, %dma_start3A_317] : memref<32784x32xf32, #tpu.memory_space<vmem_shared>> -> memref<16x32xf32, #tpu.memory_space<vmem_shared>>
        %dma_start3A_319 = arith.constant 0 : i32
        %dma_start3A_320 = arith.constant 0 : i32
        %dma_start3A_321 = tpu.memref_slice %arg9[%dma_start3A_319, %dma_start3A_320] : memref<256x32xf32, #tpu.memory_space<vmem>> -> memref<16x32xf32, #tpu.memory_space<vmem>>
        tpu.enqueue_dma source(%dma_start3A_321 : memref<16x32xf32, #tpu.memory_space<vmem>>) target(%dma_start3A_318 : memref<16x32xf32, #tpu.memory_space<vmem_shared>>) target_semaphore(%run_scoped3A : memref<!tpu.dma_semaphore, #tpu.memory_space<semaphore_mem>>)
        %dma_wait3A = arith.constant 0 : i32
        %dma_wait3A_322 = arith.constant 0 : i32
        %dma_wait3A_323 = tpu.memref_slice %arg9[%dma_wait3A, %dma_wait3A_322] : memref<256x32xf32, #tpu.memory_space<vmem>> -> memref<16x32xf32, #tpu.memory_space<vmem>>
        %dma_wait3A_324 = arith.constant 32768 : i32
        %dma_wait3A_325 = arith.constant 0 : i32
        %dma_wait3A_326 = tpu.memref_slice %arg7[%dma_wait3A_324, %dma_wait3A_325] : memref<32784x32xf32, #tpu.memory_space<vmem_shared>> -> memref<16x32xf32, #tpu.memory_space<vmem_shared>>
        %dma_wait3A_327 = arith.constant 32768 : i32
        %dma_wait3A_328 = arith.constant 0 : i32
        %dma_wait3A_329 = tpu.memref_slice %arg7[%dma_wait3A_327, %dma_wait3A_328] : memref<32784x32xf32, #tpu.memory_space<vmem_shared>> -> memref<16x32xf32, #tpu.memory_space<vmem_shared>>
        %dma_wait3A_330 = arith.constant 0 : i32
        %dma_wait3A_331 = arith.constant 0 : i32
        %dma_wait3A_332 = tpu.memref_slice %arg9[%dma_wait3A_330, %dma_wait3A_331] : memref<256x32xf32, #tpu.memory_space<vmem>> -> memref<16x32xf32, #tpu.memory_space<vmem>>
        tpu.wait_dma2 semaphore(%run_scoped3A : memref<!tpu.dma_semaphore, #tpu.memory_space<semaphore_mem>>) src(%dma_wait3A_332 : memref<16x32xf32, #tpu.memory_space<vmem>>) dst(%dma_wait3A_329 : memref<16x32xf32, #tpu.memory_space<vmem_shared>>)
        tpu.yield
      }) : () -> ()
    } else {
    }
    "tpu.region"() ({
      %run_scoped3A = tpu.sem_alloc : memref<!tpu.dma_semaphore, #tpu.memory_space<semaphore_mem>>
      %dma_start3A = arith.constant 0 : i32
      %dma_start3A_311 = arith.constant 0 : i32
      %dma_start3A_312 = tpu.memref_slice %arg3[%add3A_154, %arg1, %dma_start3A, %dma_start3A_311] : memref<4x16x49x128xi32, #tpu.memory_space<hbm>> -> memref<1x1x49x128xi32, #tpu.memory_space<hbm>>
      %dma_start3A_313 = tpu.memref_squeeze %dma_start3A_312 : memref<1x1x49x128xi32, #tpu.memory_space<hbm>> -> memref<49x128xi32, #tpu.memory_space<hbm>>
      %dma_start3A_314 = arith.constant 0 : i32
      %dma_start3A_315 = arith.constant 0 : i32
      %dma_start3A_316 = tpu.memref_slice %arg3[%add3A_154, %arg1, %dma_start3A_314, %dma_start3A_315] : memref<4x16x49x128xi32, #tpu.memory_space<hbm>> -> memref<1x1x49x128xi32, #tpu.memory_space<hbm>>
      %dma_start3A_317 = tpu.memref_squeeze %dma_start3A_316 : memref<1x1x49x128xi32, #tpu.memory_space<hbm>> -> memref<49x128xi32, #tpu.memory_space<hbm>>
      tpu.enqueue_dma source(%dma_start3A_317 : memref<49x128xi32, #tpu.memory_space<hbm>>) target(%arg10 : memref<49x128xi32, #tpu.memory_space<vmem>>) target_semaphore(%run_scoped3A : memref<!tpu.dma_semaphore, #tpu.memory_space<semaphore_mem>>)
      %dma_wait3A = arith.constant 0 : i32
      %dma_wait3A_318 = arith.constant 0 : i32
      %dma_wait3A_319 = tpu.memref_slice %arg3[%add3A_154, %arg1, %dma_wait3A, %dma_wait3A_318] : memref<4x16x49x128xi32, #tpu.memory_space<hbm>> -> memref<1x1x49x128xi32, #tpu.memory_space<hbm>>
      %dma_wait3A_320 = tpu.memref_squeeze %dma_wait3A_319 : memref<1x1x49x128xi32, #tpu.memory_space<hbm>> -> memref<49x128xi32, #tpu.memory_space<hbm>>
      %dma_wait3A_321 = arith.constant 0 : i32
      %dma_wait3A_322 = arith.constant 0 : i32
      %dma_wait3A_323 = tpu.memref_slice %arg3[%add3A_154, %arg1, %dma_wait3A_321, %dma_wait3A_322] : memref<4x16x49x128xi32, #tpu.memory_space<hbm>> -> memref<1x1x49x128xi32, #tpu.memory_space<hbm>>
      %dma_wait3A_324 = tpu.memref_squeeze %dma_wait3A_323 : memref<1x1x49x128xi32, #tpu.memory_space<hbm>> -> memref<49x128xi32, #tpu.memory_space<hbm>>
      tpu.wait_dma2 semaphore(%run_scoped3A : memref<!tpu.dma_semaphore, #tpu.memory_space<semaphore_mem>>) src(%dma_wait3A_324 : memref<49x128xi32, #tpu.memory_space<hbm>>) dst(%arg10 : memref<49x128xi32, #tpu.memory_space<vmem>>)
      tpu.yield
    }) : () -> ()
    "tpu.region"() ({
      %run_scoped3A = tpu.sem_alloc : memref<!tpu.dma_semaphore, #tpu.memory_space<semaphore_mem>>
      %dma_start3A = tpu.memref_slice %arg4[%add3A_154, %multiple_of3A_157] : memref<4x32768xf32, #tpu.memory_space<hbm>> -> memref<1x2048xf32, #tpu.memory_space<hbm>>
      %dma_start3A_311 = tpu.memref_squeeze %dma_start3A : memref<1x2048xf32, #tpu.memory_space<hbm>> -> memref<2048xf32, #tpu.memory_space<hbm>>
      %dma_start3A_312 = tpu.memref_slice %arg4[%add3A_154, %multiple_of3A_157] : memref<4x32768xf32, #tpu.memory_space<hbm>> -> memref<1x2048xf32, #tpu.memory_space<hbm>>
      %dma_start3A_313 = tpu.memref_squeeze %dma_start3A_312 : memref<1x2048xf32, #tpu.memory_space<hbm>> -> memref<2048xf32, #tpu.memory_space<hbm>>
      tpu.enqueue_dma source(%dma_start3A_313 : memref<2048xf32, #tpu.memory_space<hbm>>) target(%arg11 : memref<2048xf32, #tpu.memory_space<vmem>>) target_semaphore(%run_scoped3A : memref<!tpu.dma_semaphore, #tpu.memory_space<semaphore_mem>>)
      %dma_wait3A = tpu.memref_slice %arg4[%add3A_154, %multiple_of3A_157] : memref<4x32768xf32, #tpu.memory_space<hbm>> -> memref<1x2048xf32, #tpu.memory_space<hbm>>
      %dma_wait3A_314 = tpu.memref_squeeze %dma_wait3A : memref<1x2048xf32, #tpu.memory_space<hbm>> -> memref<2048xf32, #tpu.memory_space<hbm>>
      %dma_wait3A_315 = tpu.memref_slice %arg4[%add3A_154, %multiple_of3A_157] : memref<4x32768xf32, #tpu.memory_space<hbm>> -> memref<1x2048xf32, #tpu.memory_space<hbm>>
      %dma_wait3A_316 = tpu.memref_squeeze %dma_wait3A_315 : memref<1x2048xf32, #tpu.memory_space<hbm>> -> memref<2048xf32, #tpu.memory_space<hbm>>
      tpu.wait_dma2 semaphore(%run_scoped3A : memref<!tpu.dma_semaphore, #tpu.memory_space<semaphore_mem>>) src(%dma_wait3A_316 : memref<2048xf32, #tpu.memory_space<hbm>>) dst(%arg11 : memref<2048xf32, #tpu.memory_space<vmem>>)
      tpu.yield
    }) : () -> ()
    %barrier3A_189 = arith.constant 0 : index
    tpu.barrier barrier_id(%barrier3A_189)
    %scan3A_190 = arith.constant 0 : i32
    %scan3A_191 = arith.constant 0 : i32
    %scan3A_192 = arith.constant 49 : i32
    %scan3A_193 = arith.addi %scan3A_191, %scan3A_192 : i32
    %scan3A_194 = arith.constant 1 : i32
    %scan3A_195 = scf.for %scan3A_311 = %scan3A_191 to %scan3A_193 step %scan3A_194 iter_args(%scan3A_312 = %scan3A_190) -> (i32)  : i32 {
      %mul3A_313 = arith.constant 100352 : i32
      %mul3A_314 = arith.muli %add3A_154, %mul3A_313 : i32
      %mul3A_315 = arith.constant 6272 : i32
      %mul3A_316 = arith.muli %arg1, %mul3A_315 : i32
      %add3A_317 = arith.addi %mul3A_314, %mul3A_316 : i32
      %mul3A_318 = arith.constant 128 : i32
      %mul3A_319 = arith.muli %scan3A_311, %mul3A_318 : i32
      %add3A_320 = arith.addi %add3A_317, %mul3A_319 : i32
      %multiple_of3A_321 = tpu.assume_multiple %add3A_320, 8 : i32
      "tpu.region"() ({
        %run_scoped3A = tpu.sem_alloc : memref<!tpu.dma_semaphore, #tpu.memory_space<semaphore_mem>>
        %dma_start3A = arith.constant 0 : i32
        %dma_start3A_323 = tpu.memref_slice %arg2[%multiple_of3A_321, %dma_start3A] : memref<401408x32xf32, #tpu.memory_space<hbm>> -> memref<128x32xf32, #tpu.memory_space<hbm>>
        %dma_start3A_324 = arith.constant 0 : i32
        %dma_start3A_325 = tpu.memref_slice %arg2[%multiple_of3A_321, %dma_start3A_324] : memref<401408x32xf32, #tpu.memory_space<hbm>> -> memref<128x32xf32, #tpu.memory_space<hbm>>
        tpu.enqueue_dma source(%dma_start3A_325 : memref<128x32xf32, #tpu.memory_space<hbm>>) target(%arg8 : memref<128x32xf32, #tpu.memory_space<vmem>>) target_semaphore(%run_scoped3A : memref<!tpu.dma_semaphore, #tpu.memory_space<semaphore_mem>>)
        %dma_wait3A = arith.constant 0 : i32
        %dma_wait3A_326 = tpu.memref_slice %arg2[%multiple_of3A_321, %dma_wait3A] : memref<401408x32xf32, #tpu.memory_space<hbm>> -> memref<128x32xf32, #tpu.memory_space<hbm>>
        %dma_wait3A_327 = arith.constant 0 : i32
        %dma_wait3A_328 = tpu.memref_slice %arg2[%multiple_of3A_321, %dma_wait3A_327] : memref<401408x32xf32, #tpu.memory_space<hbm>> -> memref<128x32xf32, #tpu.memory_space<hbm>>
        tpu.wait_dma2 semaphore(%run_scoped3A : memref<!tpu.dma_semaphore, #tpu.memory_space<semaphore_mem>>) src(%dma_wait3A_328 : memref<128x32xf32, #tpu.memory_space<hbm>>) dst(%arg8 : memref<128x32xf32, #tpu.memory_space<vmem>>)
        tpu.yield
      }) : () -> ()
      "tpu.region"() ({
        %run_scoped3A = tpu.sem_alloc : memref<!tpu.dma_semaphore, #tpu.memory_space<semaphore_mem>>
        %dma_start3A = arith.constant 0 : i32
        %dma_start3A_323 = tpu.memref_slice %arg10[%scan3A_311, %dma_start3A] : memref<49x128xi32, #tpu.memory_space<vmem>> -> memref<1x128xi32, #tpu.memory_space<vmem>>
        %dma_start3A_324 = tpu.memref_squeeze %dma_start3A_323 : memref<1x128xi32, #tpu.memory_space<vmem>> -> memref<128xi32, #tpu.memory_space<vmem>>
        %dma_start3A_325 = arith.constant 0 : i32
        %dma_start3A_326 = arith.constant 0 : i32
        %dma_start3A_327 = tpu.memref_slice %arg7[%dma_start3A_325, %dma_start3A_326] : memref<32784x32xf32, #tpu.memory_space<vmem_shared>> -> memref<32784x32xf32, #tpu.memory_space<vmem_shared>>
        tpu.enqueue_indirect_dma source(%arg8 : memref<128x32xf32, #tpu.memory_space<vmem>>) target(%dma_start3A_327 : memref<32784x32xf32, #tpu.memory_space<vmem_shared>>) offsets(%dma_start3A_324 : memref<128xi32, #tpu.memory_space<vmem>>) semaphore(%run_scoped3A : memref<!tpu.dma_semaphore, #tpu.memory_space<semaphore_mem>>) {add = true}
        %dma_wait3A = arith.constant 0 : i32
        %dma_wait3A_328 = tpu.memref_slice %arg10[%scan3A_311, %dma_wait3A] : memref<49x128xi32, #tpu.memory_space<vmem>> -> memref<1x128xi32, #tpu.memory_space<vmem>>
        %dma_wait3A_329 = tpu.memref_squeeze %dma_wait3A_328 : memref<1x128xi32, #tpu.memory_space<vmem>> -> memref<128xi32, #tpu.memory_space<vmem>>
        %dma_wait3A_330 = arith.constant 0 : i32
        %dma_wait3A_331 = arith.constant 0 : i32
        %dma_wait3A_332 = tpu.memref_slice %arg7[%dma_wait3A_330, %dma_wait3A_331] : memref<32784x32xf32, #tpu.memory_space<vmem_shared>> -> memref<32784x32xf32, #tpu.memory_space<vmem_shared>>
        tpu.wait_indirect_dma semaphore(%run_scoped3A : memref<!tpu.dma_semaphore, #tpu.memory_space<semaphore_mem>>) src(%arg8 : memref<128x32xf32, #tpu.memory_space<vmem>>) dst(%dma_wait3A_332 : memref<32784x32xf32, #tpu.memory_space<vmem_shared>>)
        tpu.yield
      }) : () -> ()
      %scan3A_322 = arith.constant 0 : i32
      scf.yield %scan3A_322 : i32
    }
    %scan3A_196 = arith.constant 49 : i32
    %barrier3A_197 = arith.constant 0 : index
    tpu.barrier barrier_id(%barrier3A_197)
    %add3A_198 = arith.constant 0 : i32
    %add3A_199 = arith.addi %multiple_of3A_157, %add3A_198 : i32
    "tpu.region"() ({
      %run_scoped3A = tpu.sem_alloc : memref<!tpu.dma_semaphore, #tpu.memory_space<semaphore_mem>>
      %dma_start3A = arith.constant 0 : i32
      %dma_start3A_311 = tpu.memref_slice %arg7[%add3A_199, %dma_start3A] : memref<32784x32xf32, #tpu.memory_space<vmem_shared>> -> memref<256x32xf32, #tpu.memory_space<vmem_shared>>
      %dma_start3A_312 = arith.constant 0 : i32
      %dma_start3A_313 = tpu.memref_slice %arg7[%add3A_199, %dma_start3A_312] : memref<32784x32xf32, #tpu.memory_space<vmem_shared>> -> memref<256x32xf32, #tpu.memory_space<vmem_shared>>
      tpu.enqueue_dma source(%dma_start3A_313 : memref<256x32xf32, #tpu.memory_space<vmem_shared>>) target(%arg9 : memref<256x32xf32, #tpu.memory_space<vmem>>) target_semaphore(%run_scoped3A : memref<!tpu.dma_semaphore, #tpu.memory_space<semaphore_mem>>)
      %dma_wait3A = arith.constant 0 : i32
      %dma_wait3A_314 = tpu.memref_slice %arg7[%add3A_199, %dma_wait3A] : memref<32784x32xf32, #tpu.memory_space<vmem_shared>> -> memref<256x32xf32, #tpu.memory_space<vmem_shared>>
      %dma_wait3A_315 = arith.constant 0 : i32
      %dma_wait3A_316 = tpu.memref_slice %arg7[%add3A_199, %dma_wait3A_315] : memref<32784x32xf32, #tpu.memory_space<vmem_shared>> -> memref<256x32xf32, #tpu.memory_space<vmem_shared>>
      tpu.wait_dma2 semaphore(%run_scoped3A : memref<!tpu.dma_semaphore, #tpu.memory_space<semaphore_mem>>) src(%dma_wait3A_316 : memref<256x32xf32, #tpu.memory_space<vmem_shared>>) dst(%arg9 : memref<256x32xf32, #tpu.memory_space<vmem>>)
      tpu.yield
    }) : () -> ()
    %scan3A_200 = arith.constant 0 : i32
    %scan3A_201 = arith.constant 0 : i32
    %scan3A_202 = arith.constant 256 : i32
    %scan3A_203 = arith.addi %scan3A_201, %scan3A_202 : i32
    %scan3A_204 = arith.constant 1 : i32
    %scan3A_205 = scf.for %scan3A_311 = %scan3A_201 to %scan3A_203 step %scan3A_204 iter_args(%scan3A_312 = %scan3A_200) -> (i32)  : i32 {
      %broadcast_in_dim3A_313 = vector.broadcast %scan3A_311 : i32 to vector<16xi32>
      %broadcast_in_dim3A_314 = arith.constant 0 : i32
      %broadcast_in_dim3A_315 = vector.broadcast %broadcast_in_dim3A_314 : i32 to vector<16xi32>
      %add3A_316 = arith.addi %broadcast_in_dim3A_315, %broadcast_in_dim3A_313 : vector<16xi32>
      %gather3A = tpu.vector_load_idx %arg11[%add3A_316] : memref<2048xf32, #tpu.memory_space<vmem>>[vector<16xi32>], vector<16xf32>,
      %gather3A_317 = tpu.vector_load_idx %arg9[%broadcast_in_dim3A_313, %iota3A] : memref<256x32xf32, #tpu.memory_space<vmem>>[vector<16xi32>, vector<16xi32>], vector<16xf32>,
      %add3A_318 = arith.constant 16 : i32
      %add3A_319 = vector.broadcast %add3A_318 : i32 to vector<16xi32>
      %add3A_320 = arith.addi %iota3A, %add3A_319 : vector<16xi32>
      %gather3A_321 = tpu.vector_load_idx %arg9[%broadcast_in_dim3A_313, %add3A_320] : memref<256x32xf32, #tpu.memory_space<vmem>>[vector<16xi32>, vector<16xi32>], vector<16xf32>,
      %mul3A_322 = arith.mulf %gather3A_317, %gather3A : vector<16xf32>
      tpu.vector_store_idx %arg9[%broadcast_in_dim3A_313, %iota3A], %mul3A_322 : memref<256x32xf32, #tpu.memory_space<vmem>>[vector<16xi32>, vector<16xi32>], vector<16xf32>,
      %add3A_323 = arith.constant 16 : i32
      %add3A_324 = vector.broadcast %add3A_323 : i32 to vector<16xi32>
      %add3A_325 = arith.addi %iota3A, %add3A_324 : vector<16xi32>
      %mul3A_326 = arith.mulf %gather3A_321, %gather3A : vector<16xf32>
      tpu.vector_store_idx %arg9[%broadcast_in_dim3A_313, %add3A_325], %mul3A_326 : memref<256x32xf32, #tpu.memory_space<vmem>>[vector<16xi32>, vector<16xi32>], vector<16xf32>,
      %scan3A_327 = arith.constant 0 : i32
      scf.yield %scan3A_327 : i32
    }
    %scan3A_206 = arith.constant 256 : i32
    %add3A_207 = arith.constant 0 : i32
    %add3A_208 = arith.addi %multiple_of3A_157, %add3A_207 : i32
    "tpu.region"() ({
      %run_scoped3A = tpu.sem_alloc : memref<!tpu.dma_semaphore, #tpu.memory_space<semaphore_mem>>
      %dma_start3A = arith.constant 0 : i32
      %dma_start3A_311 = tpu.memref_slice %arg6[%add3A_154, %add3A_208, %dma_start3A] : memref<4x32768x32xf32, #tpu.memory_space<hbm>> -> memref<1x256x32xf32, #tpu.memory_space<hbm>>
      %dma_start3A_312 = tpu.memref_squeeze %dma_start3A_311 : memref<1x256x32xf32, #tpu.memory_space<hbm>> -> memref<256x32xf32, #tpu.memory_space<hbm>>
      %dma_start3A_313 = arith.constant 0 : i32
      %dma_start3A_314 = tpu.memref_slice %arg6[%add3A_154, %add3A_208, %dma_start3A_313] : memref<4x32768x32xf32, #tpu.memory_space<hbm>> -> memref<1x256x32xf32, #tpu.memory_space<hbm>>
      %dma_start3A_315 = tpu.memref_squeeze %dma_start3A_314 : memref<1x256x32xf32, #tpu.memory_space<hbm>> -> memref<256x32xf32, #tpu.memory_space<hbm>>
      tpu.enqueue_dma source(%arg9 : memref<256x32xf32, #tpu.memory_space<vmem>>) target(%dma_start3A_315 : memref<256x32xf32, #tpu.memory_space<hbm>>) target_semaphore(%run_scoped3A : memref<!tpu.dma_semaphore, #tpu.memory_space<semaphore_mem>>)
      %dma_wait3A = arith.constant 0 : i32
      %dma_wait3A_316 = tpu.memref_slice %arg6[%add3A_154, %add3A_208, %dma_wait3A] : memref<4x32768x32xf32, #tpu.memory_space<hbm>> -> memref<1x256x32xf32, #tpu.memory_space<hbm>>
      %dma_wait3A_317 = tpu.memref_squeeze %dma_wait3A_316 : memref<1x256x32xf32, #tpu.memory_space<hbm>> -> memref<256x32xf32, #tpu.memory_space<hbm>>
      %dma_wait3A_318 = arith.constant 0 : i32
      %dma_wait3A_319 = tpu.memref_slice %arg6[%add3A_154, %add3A_208, %dma_wait3A_318] : memref<4x32768x32xf32, #tpu.memory_space<hbm>> -> memref<1x256x32xf32, #tpu.memory_space<hbm>>
      %dma_wait3A_320 = tpu.memref_squeeze %dma_wait3A_319 : memref<1x256x32xf32, #tpu.memory_space<hbm>> -> memref<256x32xf32, #tpu.memory_space<hbm>>
      tpu.wait_dma2 semaphore(%run_scoped3A : memref<!tpu.dma_semaphore, #tpu.memory_space<semaphore_mem>>) src(%arg9 : memref<256x32xf32, #tpu.memory_space<vmem>>) dst(%dma_wait3A_320 : memref<256x32xf32, #tpu.memory_space<hbm>>)
      tpu.yield
    }) : () -> ()
    %add3A_209 = arith.constant 0 : i32
    %add3A_210 = arith.addi %multiple_of3A_157, %add3A_209 : i32
    "tpu.region"() ({
      %run_scoped3A = tpu.sem_alloc : memref<!tpu.dma_semaphore, #tpu.memory_space<semaphore_mem>>
      %dma_start3A = arith.constant 0 : i32
      %dma_start3A_311 = tpu.memref_slice %arg7[%add3A_210, %dma_start3A] : memref<32784x32xf32, #tpu.memory_space<vmem_shared>> -> memref<256x32xf32, #tpu.memory_space<vmem_shared>>
      %dma_start3A_312 = arith.constant 0 : i32
      %dma_start3A_313 = tpu.memref_slice %arg7[%add3A_210, %dma_start3A_312] : memref<32784x32xf32, #tpu.memory_space<vmem_shared>> -> memref<256x32xf32, #tpu.memory_space<vmem_shared>>
      tpu.enqueue_dma source(%arg9 : memref<256x32xf32, #tpu.memory_space<vmem>>) target(%dma_start3A_313 : memref<256x32xf32, #tpu.memory_space<vmem_shared>>) target_semaphore(%run_scoped3A : memref<!tpu.dma_semaphore, #tpu.memory_space<semaphore_mem>>)
      %dma_wait3A = arith.constant 0 : i32
      %dma_wait3A_314 = tpu.memref_slice %arg7[%add3A_210, %dma_wait3A] : memref<32784x32xf32, #tpu.memory_space<vmem_shared>> -> memref<256x32xf32, #tpu.memory_space<vmem_shared>>
      %dma_wait3A_315 = arith.constant 0 : i32
      %dma_wait3A_316 = tpu.memref_slice %arg7[%add3A_210, %dma_wait3A_315] : memref<32784x32xf32, #tpu.memory_space<vmem_shared>> -> memref<256x32xf32, #tpu.memory_space<vmem_shared>>
      tpu.wait_dma2 semaphore(%run_scoped3A : memref<!tpu.dma_semaphore, #tpu.memory_space<semaphore_mem>>) src(%arg9 : memref<256x32xf32, #tpu.memory_space<vmem>>) dst(%dma_wait3A_316 : memref<256x32xf32, #tpu.memory_space<vmem_shared>>)
      tpu.yield
    }) : () -> ()
    %add3A_211 = arith.constant 256 : i32
    %add3A_212 = arith.addi %multiple_of3A_157, %add3A_211 : i32
    "tpu.region"() ({
      %run_scoped3A = tpu.sem_alloc : memref<!tpu.dma_semaphore, #tpu.memory_space<semaphore_mem>>
      %dma_start3A = arith.constant 0 : i32
      %dma_start3A_311 = tpu.memref_slice %arg7[%add3A_212, %dma_start3A] : memref<32784x32xf32, #tpu.memory_space<vmem_shared>> -> memref<256x32xf32, #tpu.memory_space<vmem_shared>>
      %dma_start3A_312 = arith.constant 0 : i32
      %dma_start3A_313 = tpu.memref_slice %arg7[%add3A_212, %dma_start3A_312] : memref<32784x32xf32, #tpu.memory_space<vmem_shared>> -> memref<256x32xf32, #tpu.memory_space<vmem_shared>>
      tpu.enqueue_dma source(%dma_start3A_313 : memref<256x32xf32, #tpu.memory_space<vmem_shared>>) target(%arg9 : memref<256x32xf32, #tpu.memory_space<vmem>>) target_semaphore(%run_scoped3A : memref<!tpu.dma_semaphore, #tpu.memory_space<semaphore_mem>>)
      %dma_wait3A = arith.constant 0 : i32
      %dma_wait3A_314 = tpu.memref_slice %arg7[%add3A_212, %dma_wait3A] : memref<32784x32xf32, #tpu.memory_space<vmem_shared>> -> memref<256x32xf32, #tpu.memory_space<vmem_shared>>
      %dma_wait3A_315 = arith.constant 0 : i32
      %dma_wait3A_316 = tpu.memref_slice %arg7[%add3A_212, %dma_wait3A_315] : memref<32784x32xf32, #tpu.memory_space<vmem_shared>> -> memref<256x32xf32, #tpu.memory_space<vmem_shared>>
      tpu.wait_dma2 semaphore(%run_scoped3A : memref<!tpu.dma_semaphore, #tpu.memory_space<semaphore_mem>>) src(%dma_wait3A_316 : memref<256x32xf32, #tpu.memory_space<vmem_shared>>) dst(%arg9 : memref<256x32xf32, #tpu.memory_space<vmem>>)
      tpu.yield
    }) : () -> ()
    %scan3A_213 = arith.constant 0 : i32
    %scan3A_214 = arith.constant 0 : i32
    %scan3A_215 = arith.constant 256 : i32
    %scan3A_216 = arith.addi %scan3A_214, %scan3A_215 : i32
    %scan3A_217 = arith.constant 1 : i32
    %scan3A_218 = scf.for %scan3A_311 = %scan3A_214 to %scan3A_216 step %scan3A_217 iter_args(%scan3A_312 = %scan3A_213) -> (i32)  : i32 {
      %broadcast_in_dim3A_313 = vector.broadcast %scan3A_311 : i32 to vector<16xi32>
      %broadcast_in_dim3A_314 = arith.constant 256 : i32
      %broadcast_in_dim3A_315 = vector.broadcast %broadcast_in_dim3A_314 : i32 to vector<16xi32>
      %add3A_316 = arith.addi %broadcast_in_dim3A_315, %broadcast_in_dim3A_313 : vector<16xi32>
      %gather3A = tpu.vector_load_idx %arg11[%add3A_316] : memref<2048xf32, #tpu.memory_space<vmem>>[vector<16xi32>], vector<16xf32>,
      %gather3A_317 = tpu.vector_load_idx %arg9[%broadcast_in_dim3A_313, %iota3A] : memref<256x32xf32, #tpu.memory_space<vmem>>[vector<16xi32>, vector<16xi32>], vector<16xf32>,
      %add3A_318 = arith.constant 16 : i32
      %add3A_319 = vector.broadcast %add3A_318 : i32 to vector<16xi32>
      %add3A_320 = arith.addi %iota3A, %add3A_319 : vector<16xi32>
      %gather3A_321 = tpu.vector_load_idx %arg9[%broadcast_in_dim3A_313, %add3A_320] : memref<256x32xf32, #tpu.memory_space<vmem>>[vector<16xi32>, vector<16xi32>], vector<16xf32>,
      %mul3A_322 = arith.mulf %gather3A_317, %gather3A : vector<16xf32>
      tpu.vector_store_idx %arg9[%broadcast_in_dim3A_313, %iota3A], %mul3A_322 : memref<256x32xf32, #tpu.memory_space<vmem>>[vector<16xi32>, vector<16xi32>], vector<16xf32>,
      %add3A_323 = arith.constant 16 : i32
      %add3A_324 = vector.broadcast %add3A_323 : i32 to vector<16xi32>
      %add3A_325 = arith.addi %iota3A, %add3A_324 : vector<16xi32>
      %mul3A_326 = arith.mulf %gather3A_321, %gather3A : vector<16xf32>
      tpu.vector_store_idx %arg9[%broadcast_in_dim3A_313, %add3A_325], %mul3A_326 : memref<256x32xf32, #tpu.memory_space<vmem>>[vector<16xi32>, vector<16xi32>], vector<16xf32>,
      %scan3A_327 = arith.constant 0 : i32
      scf.yield %scan3A_327 : i32
    }
    %scan3A_219 = arith.constant 256 : i32
    %add3A_220 = arith.constant 256 : i32
    %add3A_221 = arith.addi %multiple_of3A_157, %add3A_220 : i32
    "tpu.region"() ({
      %run_scoped3A = tpu.sem_alloc : memref<!tpu.dma_semaphore, #tpu.memory_space<semaphore_mem>>
      %dma_start3A = arith.constant 0 : i32
      %dma_start3A_311 = tpu.memref_slice %arg6[%add3A_154, %add3A_221, %dma_start3A] : memref<4x32768x32xf32, #tpu.memory_space<hbm>> -> memref<1x256x32xf32, #tpu.memory_space<hbm>>
      %dma_start3A_312 = tpu.memref_squeeze %dma_start3A_311 : memref<1x256x32xf32, #tpu.memory_space<hbm>> -> memref<256x32xf32, #tpu.memory_space<hbm>>
      %dma_start3A_313 = arith.constant 0 : i32
      %dma_start3A_314 = tpu.memref_slice %arg6[%add3A_154, %add3A_221, %dma_start3A_313] : memref<4x32768x32xf32, #tpu.memory_space<hbm>> -> memref<1x256x32xf32, #tpu.memory_space<hbm>>
      %dma_start3A_315 = tpu.memref_squeeze %dma_start3A_314 : memref<1x256x32xf32, #tpu.memory_space<hbm>> -> memref<256x32xf32, #tpu.memory_space<hbm>>
      tpu.enqueue_dma source(%arg9 : memref<256x32xf32, #tpu.memory_space<vmem>>) target(%dma_start3A_315 : memref<256x32xf32, #tpu.memory_space<hbm>>) target_semaphore(%run_scoped3A : memref<!tpu.dma_semaphore, #tpu.memory_space<semaphore_mem>>)
      %dma_wait3A = arith.constant 0 : i32
      %dma_wait3A_316 = tpu.memref_slice %arg6[%add3A_154, %add3A_221, %dma_wait3A] : memref<4x32768x32xf32, #tpu.memory_space<hbm>> -> memref<1x256x32xf32, #tpu.memory_space<hbm>>
      %dma_wait3A_317 = tpu.memref_squeeze %dma_wait3A_316 : memref<1x256x32xf32, #tpu.memory_space<hbm>> -> memref<256x32xf32, #tpu.memory_space<hbm>>
      %dma_wait3A_318 = arith.constant 0 : i32
      %dma_wait3A_319 = tpu.memref_slice %arg6[%add3A_154, %add3A_221, %dma_wait3A_318] : memref<4x32768x32xf32, #tpu.memory_space<hbm>> -> memref<1x256x32xf32, #tpu.memory_space<hbm>>
      %dma_wait3A_320 = tpu.memref_squeeze %dma_wait3A_319 : memref<1x256x32xf32, #tpu.memory_space<hbm>> -> memref<256x32xf32, #tpu.memory_space<hbm>>
      tpu.wait_dma2 semaphore(%run_scoped3A : memref<!tpu.dma_semaphore, #tpu.memory_space<semaphore_mem>>) src(%arg9 : memref<256x32xf32, #tpu.memory_space<vmem>>) dst(%dma_wait3A_320 : memref<256x32xf32, #tpu.memory_space<hbm>>)
      tpu.yield
    }) : () -> ()
    %add3A_222 = arith.constant 256 : i32
    %add3A_223 = arith.addi %multiple_of3A_157, %add3A_222 : i32
    "tpu.region"() ({
      %run_scoped3A = tpu.sem_alloc : memref<!tpu.dma_semaphore, #tpu.memory_space<semaphore_mem>>
      %dma_start3A = arith.constant 0 : i32
      %dma_start3A_311 = tpu.memref_slice %arg7[%add3A_223, %dma_start3A] : memref<32784x32xf32, #tpu.memory_space<vmem_shared>> -> memref<256x32xf32, #tpu.memory_space<vmem_shared>>
      %dma_start3A_312 = arith.constant 0 : i32
      %dma_start3A_313 = tpu.memref_slice %arg7[%add3A_223, %dma_start3A_312] : memref<32784x32xf32, #tpu.memory_space<vmem_shared>> -> memref<256x32xf32, #tpu.memory_space<vmem_shared>>
      tpu.enqueue_dma source(%arg9 : memref<256x32xf32, #tpu.memory_space<vmem>>) target(%dma_start3A_313 : memref<256x32xf32, #tpu.memory_space<vmem_shared>>) target_semaphore(%run_scoped3A : memref<!tpu.dma_semaphore, #tpu.memory_space<semaphore_mem>>)
      %dma_wait3A = arith.constant 0 : i32
      %dma_wait3A_314 = tpu.memref_slice %arg7[%add3A_223, %dma_wait3A] : memref<32784x32xf32, #tpu.memory_space<vmem_shared>> -> memref<256x32xf32, #tpu.memory_space<vmem_shared>>
      %dma_wait3A_315 = arith.constant 0 : i32
      %dma_wait3A_316 = tpu.memref_slice %arg7[%add3A_223, %dma_wait3A_315] : memref<32784x32xf32, #tpu.memory_space<vmem_shared>> -> memref<256x32xf32, #tpu.memory_space<vmem_shared>>
      tpu.wait_dma2 semaphore(%run_scoped3A : memref<!tpu.dma_semaphore, #tpu.memory_space<semaphore_mem>>) src(%arg9 : memref<256x32xf32, #tpu.memory_space<vmem>>) dst(%dma_wait3A_316 : memref<256x32xf32, #tpu.memory_space<vmem_shared>>)
      tpu.yield
    }) : () -> ()
    %add3A_224 = arith.constant 512 : i32
    %add3A_225 = arith.addi %multiple_of3A_157, %add3A_224 : i32
    "tpu.region"() ({
      %run_scoped3A = tpu.sem_alloc : memref<!tpu.dma_semaphore, #tpu.memory_space<semaphore_mem>>
      %dma_start3A = arith.constant 0 : i32
      %dma_start3A_311 = tpu.memref_slice %arg7[%add3A_225, %dma_start3A] : memref<32784x32xf32, #tpu.memory_space<vmem_shared>> -> memref<256x32xf32, #tpu.memory_space<vmem_shared>>
      %dma_start3A_312 = arith.constant 0 : i32
      %dma_start3A_313 = tpu.memref_slice %arg7[%add3A_225, %dma_start3A_312] : memref<32784x32xf32, #tpu.memory_space<vmem_shared>> -> memref<256x32xf32, #tpu.memory_space<vmem_shared>>
      tpu.enqueue_dma source(%dma_start3A_313 : memref<256x32xf32, #tpu.memory_space<vmem_shared>>) target(%arg9 : memref<256x32xf32, #tpu.memory_space<vmem>>) target_semaphore(%run_scoped3A : memref<!tpu.dma_semaphore, #tpu.memory_space<semaphore_mem>>)
      %dma_wait3A = arith.constant 0 : i32
      %dma_wait3A_314 = tpu.memref_slice %arg7[%add3A_225, %dma_wait3A] : memref<32784x32xf32, #tpu.memory_space<vmem_shared>> -> memref<256x32xf32, #tpu.memory_space<vmem_shared>>
      %dma_wait3A_315 = arith.constant 0 : i32
      %dma_wait3A_316 = tpu.memref_slice %arg7[%add3A_225, %dma_wait3A_315] : memref<32784x32xf32, #tpu.memory_space<vmem_shared>> -> memref<256x32xf32, #tpu.memory_space<vmem_shared>>
      tpu.wait_dma2 semaphore(%run_scoped3A : memref<!tpu.dma_semaphore, #tpu.memory_space<semaphore_mem>>) src(%dma_wait3A_316 : memref<256x32xf32, #tpu.memory_space<vmem_shared>>) dst(%arg9 : memref<256x32xf32, #tpu.memory_space<vmem>>)
      tpu.yield
    }) : () -> ()
    %scan3A_226 = arith.constant 0 : i32
    %scan3A_227 = arith.constant 0 : i32
    %scan3A_228 = arith.constant 256 : i32
    %scan3A_229 = arith.addi %scan3A_227, %scan3A_228 : i32
    %scan3A_230 = arith.constant 1 : i32
    %scan3A_231 = scf.for %scan3A_311 = %scan3A_227 to %scan3A_229 step %scan3A_230 iter_args(%scan3A_312 = %scan3A_226) -> (i32)  : i32 {
      %broadcast_in_dim3A_313 = vector.broadcast %scan3A_311 : i32 to vector<16xi32>
      %broadcast_in_dim3A_314 = arith.constant 512 : i32
      %broadcast_in_dim3A_315 = vector.broadcast %broadcast_in_dim3A_314 : i32 to vector<16xi32>
      %add3A_316 = arith.addi %broadcast_in_dim3A_315, %broadcast_in_dim3A_313 : vector<16xi32>
      %gather3A = tpu.vector_load_idx %arg11[%add3A_316] : memref<2048xf32, #tpu.memory_space<vmem>>[vector<16xi32>], vector<16xf32>,
      %gather3A_317 = tpu.vector_load_idx %arg9[%broadcast_in_dim3A_313, %iota3A] : memref<256x32xf32, #tpu.memory_space<vmem>>[vector<16xi32>, vector<16xi32>], vector<16xf32>,
      %add3A_318 = arith.constant 16 : i32
      %add3A_319 = vector.broadcast %add3A_318 : i32 to vector<16xi32>
      %add3A_320 = arith.addi %iota3A, %add3A_319 : vector<16xi32>
      %gather3A_321 = tpu.vector_load_idx %arg9[%broadcast_in_dim3A_313, %add3A_320] : memref<256x32xf32, #tpu.memory_space<vmem>>[vector<16xi32>, vector<16xi32>], vector<16xf32>,
      %mul3A_322 = arith.mulf %gather3A_317, %gather3A : vector<16xf32>
      tpu.vector_store_idx %arg9[%broadcast_in_dim3A_313, %iota3A], %mul3A_322 : memref<256x32xf32, #tpu.memory_space<vmem>>[vector<16xi32>, vector<16xi32>], vector<16xf32>,
      %add3A_323 = arith.constant 16 : i32
      %add3A_324 = vector.broadcast %add3A_323 : i32 to vector<16xi32>
      %add3A_325 = arith.addi %iota3A, %add3A_324 : vector<16xi32>
      %mul3A_326 = arith.mulf %gather3A_321, %gather3A : vector<16xf32>
      tpu.vector_store_idx %arg9[%broadcast_in_dim3A_313, %add3A_325], %mul3A_326 : memref<256x32xf32, #tpu.memory_space<vmem>>[vector<16xi32>, vector<16xi32>], vector<16xf32>,
      %scan3A_327 = arith.constant 0 : i32
      scf.yield %scan3A_327 : i32
    }
    %scan3A_232 = arith.constant 256 : i32
    %add3A_233 = arith.constant 512 : i32
    %add3A_234 = arith.addi %multiple_of3A_157, %add3A_233 : i32
    "tpu.region"() ({
      %run_scoped3A = tpu.sem_alloc : memref<!tpu.dma_semaphore, #tpu.memory_space<semaphore_mem>>
      %dma_start3A = arith.constant 0 : i32
      %dma_start3A_311 = tpu.memref_slice %arg6[%add3A_154, %add3A_234, %dma_start3A] : memref<4x32768x32xf32, #tpu.memory_space<hbm>> -> memref<1x256x32xf32, #tpu.memory_space<hbm>>
      %dma_start3A_312 = tpu.memref_squeeze %dma_start3A_311 : memref<1x256x32xf32, #tpu.memory_space<hbm>> -> memref<256x32xf32, #tpu.memory_space<hbm>>
      %dma_start3A_313 = arith.constant 0 : i32
      %dma_start3A_314 = tpu.memref_slice %arg6[%add3A_154, %add3A_234, %dma_start3A_313] : memref<4x32768x32xf32, #tpu.memory_space<hbm>> -> memref<1x256x32xf32, #tpu.memory_space<hbm>>
      %dma_start3A_315 = tpu.memref_squeeze %dma_start3A_314 : memref<1x256x32xf32, #tpu.memory_space<hbm>> -> memref<256x32xf32, #tpu.memory_space<hbm>>
      tpu.enqueue_dma source(%arg9 : memref<256x32xf32, #tpu.memory_space<vmem>>) target(%dma_start3A_315 : memref<256x32xf32, #tpu.memory_space<hbm>>) target_semaphore(%run_scoped3A : memref<!tpu.dma_semaphore, #tpu.memory_space<semaphore_mem>>)
      %dma_wait3A = arith.constant 0 : i32
      %dma_wait3A_316 = tpu.memref_slice %arg6[%add3A_154, %add3A_234, %dma_wait3A] : memref<4x32768x32xf32, #tpu.memory_space<hbm>> -> memref<1x256x32xf32, #tpu.memory_space<hbm>>
      %dma_wait3A_317 = tpu.memref_squeeze %dma_wait3A_316 : memref<1x256x32xf32, #tpu.memory_space<hbm>> -> memref<256x32xf32, #tpu.memory_space<hbm>>
      %dma_wait3A_318 = arith.constant 0 : i32
      %dma_wait3A_319 = tpu.memref_slice %arg6[%add3A_154, %add3A_234, %dma_wait3A_318] : memref<4x32768x32xf32, #tpu.memory_space<hbm>> -> memref<1x256x32xf32, #tpu.memory_space<hbm>>
      %dma_wait3A_320 = tpu.memref_squeeze %dma_wait3A_319 : memref<1x256x32xf32, #tpu.memory_space<hbm>> -> memref<256x32xf32, #tpu.memory_space<hbm>>
      tpu.wait_dma2 semaphore(%run_scoped3A : memref<!tpu.dma_semaphore, #tpu.memory_space<semaphore_mem>>) src(%arg9 : memref<256x32xf32, #tpu.memory_space<vmem>>) dst(%dma_wait3A_320 : memref<256x32xf32, #tpu.memory_space<hbm>>)
      tpu.yield
    }) : () -> ()
    %add3A_235 = arith.constant 512 : i32
    %add3A_236 = arith.addi %multiple_of3A_157, %add3A_235 : i32
    "tpu.region"() ({
      %run_scoped3A = tpu.sem_alloc : memref<!tpu.dma_semaphore, #tpu.memory_space<semaphore_mem>>
      %dma_start3A = arith.constant 0 : i32
      %dma_start3A_311 = tpu.memref_slice %arg7[%add3A_236, %dma_start3A] : memref<32784x32xf32, #tpu.memory_space<vmem_shared>> -> memref<256x32xf32, #tpu.memory_space<vmem_shared>>
      %dma_start3A_312 = arith.constant 0 : i32
      %dma_start3A_313 = tpu.memref_slice %arg7[%add3A_236, %dma_start3A_312] : memref<32784x32xf32, #tpu.memory_space<vmem_shared>> -> memref<256x32xf32, #tpu.memory_space<vmem_shared>>
      tpu.enqueue_dma source(%arg9 : memref<256x32xf32, #tpu.memory_space<vmem>>) target(%dma_start3A_313 : memref<256x32xf32, #tpu.memory_space<vmem_shared>>) target_semaphore(%run_scoped3A : memref<!tpu.dma_semaphore, #tpu.memory_space<semaphore_mem>>)
      %dma_wait3A = arith.constant 0 : i32
      %dma_wait3A_314 = tpu.memref_slice %arg7[%add3A_236, %dma_wait3A] : memref<32784x32xf32, #tpu.memory_space<vmem_shared>> -> memref<256x32xf32, #tpu.memory_space<vmem_shared>>
      %dma_wait3A_315 = arith.constant 0 : i32
      %dma_wait3A_316 = tpu.memref_slice %arg7[%add3A_236, %dma_wait3A_315] : memref<32784x32xf32, #tpu.memory_space<vmem_shared>> -> memref<256x32xf32, #tpu.memory_space<vmem_shared>>
      tpu.wait_dma2 semaphore(%run_scoped3A : memref<!tpu.dma_semaphore, #tpu.memory_space<semaphore_mem>>) src(%arg9 : memref<256x32xf32, #tpu.memory_space<vmem>>) dst(%dma_wait3A_316 : memref<256x32xf32, #tpu.memory_space<vmem_shared>>)
      tpu.yield
    }) : () -> ()
    %add3A_237 = arith.constant 768 : i32
    %add3A_238 = arith.addi %multiple_of3A_157, %add3A_237 : i32
    "tpu.region"() ({
      %run_scoped3A = tpu.sem_alloc : memref<!tpu.dma_semaphore, #tpu.memory_space<semaphore_mem>>
      %dma_start3A = arith.constant 0 : i32
      %dma_start3A_311 = tpu.memref_slice %arg7[%add3A_238, %dma_start3A] : memref<32784x32xf32, #tpu.memory_space<vmem_shared>> -> memref<256x32xf32, #tpu.memory_space<vmem_shared>>
      %dma_start3A_312 = arith.constant 0 : i32
      %dma_start3A_313 = tpu.memref_slice %arg7[%add3A_238, %dma_start3A_312] : memref<32784x32xf32, #tpu.memory_space<vmem_shared>> -> memref<256x32xf32, #tpu.memory_space<vmem_shared>>
      tpu.enqueue_dma source(%dma_start3A_313 : memref<256x32xf32, #tpu.memory_space<vmem_shared>>) target(%arg9 : memref<256x32xf32, #tpu.memory_space<vmem>>) target_semaphore(%run_scoped3A : memref<!tpu.dma_semaphore, #tpu.memory_space<semaphore_mem>>)
      %dma_wait3A = arith.constant 0 : i32
      %dma_wait3A_314 = tpu.memref_slice %arg7[%add3A_238, %dma_wait3A] : memref<32784x32xf32, #tpu.memory_space<vmem_shared>> -> memref<256x32xf32, #tpu.memory_space<vmem_shared>>
      %dma_wait3A_315 = arith.constant 0 : i32
      %dma_wait3A_316 = tpu.memref_slice %arg7[%add3A_238, %dma_wait3A_315] : memref<32784x32xf32, #tpu.memory_space<vmem_shared>> -> memref<256x32xf32, #tpu.memory_space<vmem_shared>>
      tpu.wait_dma2 semaphore(%run_scoped3A : memref<!tpu.dma_semaphore, #tpu.memory_space<semaphore_mem>>) src(%dma_wait3A_316 : memref<256x32xf32, #tpu.memory_space<vmem_shared>>) dst(%arg9 : memref<256x32xf32, #tpu.memory_space<vmem>>)
      tpu.yield
    }) : () -> ()
    %scan3A_239 = arith.constant 0 : i32
    %scan3A_240 = arith.constant 0 : i32
    %scan3A_241 = arith.constant 256 : i32
    %scan3A_242 = arith.addi %scan3A_240, %scan3A_241 : i32
    %scan3A_243 = arith.constant 1 : i32
    %scan3A_244 = scf.for %scan3A_311 = %scan3A_240 to %scan3A_242 step %scan3A_243 iter_args(%scan3A_312 = %scan3A_239) -> (i32)  : i32 {
      %broadcast_in_dim3A_313 = vector.broadcast %scan3A_311 : i32 to vector<16xi32>
      %broadcast_in_dim3A_314 = arith.constant 768 : i32
      %broadcast_in_dim3A_315 = vector.broadcast %broadcast_in_dim3A_314 : i32 to vector<16xi32>
      %add3A_316 = arith.addi %broadcast_in_dim3A_315, %broadcast_in_dim3A_313 : vector<16xi32>
      %gather3A = tpu.vector_load_idx %arg11[%add3A_316] : memref<2048xf32, #tpu.memory_space<vmem>>[vector<16xi32>], vector<16xf32>,
      %gather3A_317 = tpu.vector_load_idx %arg9[%broadcast_in_dim3A_313, %iota3A] : memref<256x32xf32, #tpu.memory_space<vmem>>[vector<16xi32>, vector<16xi32>], vector<16xf32>,
      %add3A_318 = arith.constant 16 : i32
      %add3A_319 = vector.broadcast %add3A_318 : i32 to vector<16xi32>
      %add3A_320 = arith.addi %iota3A, %add3A_319 : vector<16xi32>
      %gather3A_321 = tpu.vector_load_idx %arg9[%broadcast_in_dim3A_313, %add3A_320] : memref<256x32xf32, #tpu.memory_space<vmem>>[vector<16xi32>, vector<16xi32>], vector<16xf32>,
      %mul3A_322 = arith.mulf %gather3A_317, %gather3A : vector<16xf32>
      tpu.vector_store_idx %arg9[%broadcast_in_dim3A_313, %iota3A], %mul3A_322 : memref<256x32xf32, #tpu.memory_space<vmem>>[vector<16xi32>, vector<16xi32>], vector<16xf32>,
      %add3A_323 = arith.constant 16 : i32
      %add3A_324 = vector.broadcast %add3A_323 : i32 to vector<16xi32>
      %add3A_325 = arith.addi %iota3A, %add3A_324 : vector<16xi32>
      %mul3A_326 = arith.mulf %gather3A_321, %gather3A : vector<16xf32>
      tpu.vector_store_idx %arg9[%broadcast_in_dim3A_313, %add3A_325], %mul3A_326 : memref<256x32xf32, #tpu.memory_space<vmem>>[vector<16xi32>, vector<16xi32>], vector<16xf32>,
      %scan3A_327 = arith.constant 0 : i32
      scf.yield %scan3A_327 : i32
    }
    %scan3A_245 = arith.constant 256 : i32
    %add3A_246 = arith.constant 768 : i32
    %add3A_247 = arith.addi %multiple_of3A_157, %add3A_246 : i32
    "tpu.region"() ({
      %run_scoped3A = tpu.sem_alloc : memref<!tpu.dma_semaphore, #tpu.memory_space<semaphore_mem>>
      %dma_start3A = arith.constant 0 : i32
      %dma_start3A_311 = tpu.memref_slice %arg6[%add3A_154, %add3A_247, %dma_start3A] : memref<4x32768x32xf32, #tpu.memory_space<hbm>> -> memref<1x256x32xf32, #tpu.memory_space<hbm>>
      %dma_start3A_312 = tpu.memref_squeeze %dma_start3A_311 : memref<1x256x32xf32, #tpu.memory_space<hbm>> -> memref<256x32xf32, #tpu.memory_space<hbm>>
      %dma_start3A_313 = arith.constant 0 : i32
      %dma_start3A_314 = tpu.memref_slice %arg6[%add3A_154, %add3A_247, %dma_start3A_313] : memref<4x32768x32xf32, #tpu.memory_space<hbm>> -> memref<1x256x32xf32, #tpu.memory_space<hbm>>
      %dma_start3A_315 = tpu.memref_squeeze %dma_start3A_314 : memref<1x256x32xf32, #tpu.memory_space<hbm>> -> memref<256x32xf32, #tpu.memory_space<hbm>>
      tpu.enqueue_dma source(%arg9 : memref<256x32xf32, #tpu.memory_space<vmem>>) target(%dma_start3A_315 : memref<256x32xf32, #tpu.memory_space<hbm>>) target_semaphore(%run_scoped3A : memref<!tpu.dma_semaphore, #tpu.memory_space<semaphore_mem>>)
      %dma_wait3A = arith.constant 0 : i32
      %dma_wait3A_316 = tpu.memref_slice %arg6[%add3A_154, %add3A_247, %dma_wait3A] : memref<4x32768x32xf32, #tpu.memory_space<hbm>> -> memref<1x256x32xf32, #tpu.memory_space<hbm>>
      %dma_wait3A_317 = tpu.memref_squeeze %dma_wait3A_316 : memref<1x256x32xf32, #tpu.memory_space<hbm>> -> memref<256x32xf32, #tpu.memory_space<hbm>>
      %dma_wait3A_318 = arith.constant 0 : i32
      %dma_wait3A_319 = tpu.memref_slice %arg6[%add3A_154, %add3A_247, %dma_wait3A_318] : memref<4x32768x32xf32, #tpu.memory_space<hbm>> -> memref<1x256x32xf32, #tpu.memory_space<hbm>>
      %dma_wait3A_320 = tpu.memref_squeeze %dma_wait3A_319 : memref<1x256x32xf32, #tpu.memory_space<hbm>> -> memref<256x32xf32, #tpu.memory_space<hbm>>
      tpu.wait_dma2 semaphore(%run_scoped3A : memref<!tpu.dma_semaphore, #tpu.memory_space<semaphore_mem>>) src(%arg9 : memref<256x32xf32, #tpu.memory_space<vmem>>) dst(%dma_wait3A_320 : memref<256x32xf32, #tpu.memory_space<hbm>>)
      tpu.yield
    }) : () -> ()
    %add3A_248 = arith.constant 768 : i32
    %add3A_249 = arith.addi %multiple_of3A_157, %add3A_248 : i32
    "tpu.region"() ({
      %run_scoped3A = tpu.sem_alloc : memref<!tpu.dma_semaphore, #tpu.memory_space<semaphore_mem>>
      %dma_start3A = arith.constant 0 : i32
      %dma_start3A_311 = tpu.memref_slice %arg7[%add3A_249, %dma_start3A] : memref<32784x32xf32, #tpu.memory_space<vmem_shared>> -> memref<256x32xf32, #tpu.memory_space<vmem_shared>>
      %dma_start3A_312 = arith.constant 0 : i32
      %dma_start3A_313 = tpu.memref_slice %arg7[%add3A_249, %dma_start3A_312] : memref<32784x32xf32, #tpu.memory_space<vmem_shared>> -> memref<256x32xf32, #tpu.memory_space<vmem_shared>>
      tpu.enqueue_dma source(%arg9 : memref<256x32xf32, #tpu.memory_space<vmem>>) target(%dma_start3A_313 : memref<256x32xf32, #tpu.memory_space<vmem_shared>>) target_semaphore(%run_scoped3A : memref<!tpu.dma_semaphore, #tpu.memory_space<semaphore_mem>>)
      %dma_wait3A = arith.constant 0 : i32
      %dma_wait3A_314 = tpu.memref_slice %arg7[%add3A_249, %dma_wait3A] : memref<32784x32xf32, #tpu.memory_space<vmem_shared>> -> memref<256x32xf32, #tpu.memory_space<vmem_shared>>
      %dma_wait3A_315 = arith.constant 0 : i32
      %dma_wait3A_316 = tpu.memref_slice %arg7[%add3A_249, %dma_wait3A_315] : memref<32784x32xf32, #tpu.memory_space<vmem_shared>> -> memref<256x32xf32, #tpu.memory_space<vmem_shared>>
      tpu.wait_dma2 semaphore(%run_scoped3A : memref<!tpu.dma_semaphore, #tpu.memory_space<semaphore_mem>>) src(%arg9 : memref<256x32xf32, #tpu.memory_space<vmem>>) dst(%dma_wait3A_316 : memref<256x32xf32, #tpu.memory_space<vmem_shared>>)
      tpu.yield
    }) : () -> ()
    %add3A_250 = arith.constant 1024 : i32
    %add3A_251 = arith.addi %multiple_of3A_157, %add3A_250 : i32
    "tpu.region"() ({
      %run_scoped3A = tpu.sem_alloc : memref<!tpu.dma_semaphore, #tpu.memory_space<semaphore_mem>>
      %dma_start3A = arith.constant 0 : i32
      %dma_start3A_311 = tpu.memref_slice %arg7[%add3A_251, %dma_start3A] : memref<32784x32xf32, #tpu.memory_space<vmem_shared>> -> memref<256x32xf32, #tpu.memory_space<vmem_shared>>
      %dma_start3A_312 = arith.constant 0 : i32
      %dma_start3A_313 = tpu.memref_slice %arg7[%add3A_251, %dma_start3A_312] : memref<32784x32xf32, #tpu.memory_space<vmem_shared>> -> memref<256x32xf32, #tpu.memory_space<vmem_shared>>
      tpu.enqueue_dma source(%dma_start3A_313 : memref<256x32xf32, #tpu.memory_space<vmem_shared>>) target(%arg9 : memref<256x32xf32, #tpu.memory_space<vmem>>) target_semaphore(%run_scoped3A : memref<!tpu.dma_semaphore, #tpu.memory_space<semaphore_mem>>)
      %dma_wait3A = arith.constant 0 : i32
      %dma_wait3A_314 = tpu.memref_slice %arg7[%add3A_251, %dma_wait3A] : memref<32784x32xf32, #tpu.memory_space<vmem_shared>> -> memref<256x32xf32, #tpu.memory_space<vmem_shared>>
      %dma_wait3A_315 = arith.constant 0 : i32
      %dma_wait3A_316 = tpu.memref_slice %arg7[%add3A_251, %dma_wait3A_315] : memref<32784x32xf32, #tpu.memory_space<vmem_shared>> -> memref<256x32xf32, #tpu.memory_space<vmem_shared>>
      tpu.wait_dma2 semaphore(%run_scoped3A : memref<!tpu.dma_semaphore, #tpu.memory_space<semaphore_mem>>) src(%dma_wait3A_316 : memref<256x32xf32, #tpu.memory_space<vmem_shared>>) dst(%arg9 : memref<256x32xf32, #tpu.memory_space<vmem>>)
      tpu.yield
    }) : () -> ()
    %scan3A_252 = arith.constant 0 : i32
    %scan3A_253 = arith.constant 0 : i32
    %scan3A_254 = arith.constant 256 : i32
    %scan3A_255 = arith.addi %scan3A_253, %scan3A_254 : i32
    %scan3A_256 = arith.constant 1 : i32
    %scan3A_257 = scf.for %scan3A_311 = %scan3A_253 to %scan3A_255 step %scan3A_256 iter_args(%scan3A_312 = %scan3A_252) -> (i32)  : i32 {
      %broadcast_in_dim3A_313 = vector.broadcast %scan3A_311 : i32 to vector<16xi32>
      %broadcast_in_dim3A_314 = arith.constant 1024 : i32
      %broadcast_in_dim3A_315 = vector.broadcast %broadcast_in_dim3A_314 : i32 to vector<16xi32>
      %add3A_316 = arith.addi %broadcast_in_dim3A_315, %broadcast_in_dim3A_313 : vector<16xi32>
      %gather3A = tpu.vector_load_idx %arg11[%add3A_316] : memref<2048xf32, #tpu.memory_space<vmem>>[vector<16xi32>], vector<16xf32>,
      %gather3A_317 = tpu.vector_load_idx %arg9[%broadcast_in_dim3A_313, %iota3A] : memref<256x32xf32, #tpu.memory_space<vmem>>[vector<16xi32>, vector<16xi32>], vector<16xf32>,
      %add3A_318 = arith.constant 16 : i32
      %add3A_319 = vector.broadcast %add3A_318 : i32 to vector<16xi32>
      %add3A_320 = arith.addi %iota3A, %add3A_319 : vector<16xi32>
      %gather3A_321 = tpu.vector_load_idx %arg9[%broadcast_in_dim3A_313, %add3A_320] : memref<256x32xf32, #tpu.memory_space<vmem>>[vector<16xi32>, vector<16xi32>], vector<16xf32>,
      %mul3A_322 = arith.mulf %gather3A_317, %gather3A : vector<16xf32>
      tpu.vector_store_idx %arg9[%broadcast_in_dim3A_313, %iota3A], %mul3A_322 : memref<256x32xf32, #tpu.memory_space<vmem>>[vector<16xi32>, vector<16xi32>], vector<16xf32>,
      %add3A_323 = arith.constant 16 : i32
      %add3A_324 = vector.broadcast %add3A_323 : i32 to vector<16xi32>
      %add3A_325 = arith.addi %iota3A, %add3A_324 : vector<16xi32>
      %mul3A_326 = arith.mulf %gather3A_321, %gather3A : vector<16xf32>
      tpu.vector_store_idx %arg9[%broadcast_in_dim3A_313, %add3A_325], %mul3A_326 : memref<256x32xf32, #tpu.memory_space<vmem>>[vector<16xi32>, vector<16xi32>], vector<16xf32>,
      %scan3A_327 = arith.constant 0 : i32
      scf.yield %scan3A_327 : i32
    }
    %scan3A_258 = arith.constant 256 : i32
    %add3A_259 = arith.constant 1024 : i32
    %add3A_260 = arith.addi %multiple_of3A_157, %add3A_259 : i32
    "tpu.region"() ({
      %run_scoped3A = tpu.sem_alloc : memref<!tpu.dma_semaphore, #tpu.memory_space<semaphore_mem>>
      %dma_start3A = arith.constant 0 : i32
      %dma_start3A_311 = tpu.memref_slice %arg6[%add3A_154, %add3A_260, %dma_start3A] : memref<4x32768x32xf32, #tpu.memory_space<hbm>> -> memref<1x256x32xf32, #tpu.memory_space<hbm>>
      %dma_start3A_312 = tpu.memref_squeeze %dma_start3A_311 : memref<1x256x32xf32, #tpu.memory_space<hbm>> -> memref<256x32xf32, #tpu.memory_space<hbm>>
      %dma_start3A_313 = arith.constant 0 : i32
      %dma_start3A_314 = tpu.memref_slice %arg6[%add3A_154, %add3A_260, %dma_start3A_313] : memref<4x32768x32xf32, #tpu.memory_space<hbm>> -> memref<1x256x32xf32, #tpu.memory_space<hbm>>
      %dma_start3A_315 = tpu.memref_squeeze %dma_start3A_314 : memref<1x256x32xf32, #tpu.memory_space<hbm>> -> memref<256x32xf32, #tpu.memory_space<hbm>>
      tpu.enqueue_dma source(%arg9 : memref<256x32xf32, #tpu.memory_space<vmem>>) target(%dma_start3A_315 : memref<256x32xf32, #tpu.memory_space<hbm>>) target_semaphore(%run_scoped3A : memref<!tpu.dma_semaphore, #tpu.memory_space<semaphore_mem>>)
      %dma_wait3A = arith.constant 0 : i32
      %dma_wait3A_316 = tpu.memref_slice %arg6[%add3A_154, %add3A_260, %dma_wait3A] : memref<4x32768x32xf32, #tpu.memory_space<hbm>> -> memref<1x256x32xf32, #tpu.memory_space<hbm>>
      %dma_wait3A_317 = tpu.memref_squeeze %dma_wait3A_316 : memref<1x256x32xf32, #tpu.memory_space<hbm>> -> memref<256x32xf32, #tpu.memory_space<hbm>>
      %dma_wait3A_318 = arith.constant 0 : i32
      %dma_wait3A_319 = tpu.memref_slice %arg6[%add3A_154, %add3A_260, %dma_wait3A_318] : memref<4x32768x32xf32, #tpu.memory_space<hbm>> -> memref<1x256x32xf32, #tpu.memory_space<hbm>>
      %dma_wait3A_320 = tpu.memref_squeeze %dma_wait3A_319 : memref<1x256x32xf32, #tpu.memory_space<hbm>> -> memref<256x32xf32, #tpu.memory_space<hbm>>
      tpu.wait_dma2 semaphore(%run_scoped3A : memref<!tpu.dma_semaphore, #tpu.memory_space<semaphore_mem>>) src(%arg9 : memref<256x32xf32, #tpu.memory_space<vmem>>) dst(%dma_wait3A_320 : memref<256x32xf32, #tpu.memory_space<hbm>>)
      tpu.yield
    }) : () -> ()
    %add3A_261 = arith.constant 1024 : i32
    %add3A_262 = arith.addi %multiple_of3A_157, %add3A_261 : i32
    "tpu.region"() ({
      %run_scoped3A = tpu.sem_alloc : memref<!tpu.dma_semaphore, #tpu.memory_space<semaphore_mem>>
      %dma_start3A = arith.constant 0 : i32
      %dma_start3A_311 = tpu.memref_slice %arg7[%add3A_262, %dma_start3A] : memref<32784x32xf32, #tpu.memory_space<vmem_shared>> -> memref<256x32xf32, #tpu.memory_space<vmem_shared>>
      %dma_start3A_312 = arith.constant 0 : i32
      %dma_start3A_313 = tpu.memref_slice %arg7[%add3A_262, %dma_start3A_312] : memref<32784x32xf32, #tpu.memory_space<vmem_shared>> -> memref<256x32xf32, #tpu.memory_space<vmem_shared>>
      tpu.enqueue_dma source(%arg9 : memref<256x32xf32, #tpu.memory_space<vmem>>) target(%dma_start3A_313 : memref<256x32xf32, #tpu.memory_space<vmem_shared>>) target_semaphore(%run_scoped3A : memref<!tpu.dma_semaphore, #tpu.memory_space<semaphore_mem>>)
      %dma_wait3A = arith.constant 0 : i32
      %dma_wait3A_314 = tpu.memref_slice %arg7[%add3A_262, %dma_wait3A] : memref<32784x32xf32, #tpu.memory_space<vmem_shared>> -> memref<256x32xf32, #tpu.memory_space<vmem_shared>>
      %dma_wait3A_315 = arith.constant 0 : i32
      %dma_wait3A_316 = tpu.memref_slice %arg7[%add3A_262, %dma_wait3A_315] : memref<32784x32xf32, #tpu.memory_space<vmem_shared>> -> memref<256x32xf32, #tpu.memory_space<vmem_shared>>
      tpu.wait_dma2 semaphore(%run_scoped3A : memref<!tpu.dma_semaphore, #tpu.memory_space<semaphore_mem>>) src(%arg9 : memref<256x32xf32, #tpu.memory_space<vmem>>) dst(%dma_wait3A_316 : memref<256x32xf32, #tpu.memory_space<vmem_shared>>)
      tpu.yield
    }) : () -> ()
    %add3A_263 = arith.constant 1280 : i32
    %add3A_264 = arith.addi %multiple_of3A_157, %add3A_263 : i32
    "tpu.region"() ({
      %run_scoped3A = tpu.sem_alloc : memref<!tpu.dma_semaphore, #tpu.memory_space<semaphore_mem>>
      %dma_start3A = arith.constant 0 : i32
      %dma_start3A_311 = tpu.memref_slice %arg7[%add3A_264, %dma_start3A] : memref<32784x32xf32, #tpu.memory_space<vmem_shared>> -> memref<256x32xf32, #tpu.memory_space<vmem_shared>>
      %dma_start3A_312 = arith.constant 0 : i32
      %dma_start3A_313 = tpu.memref_slice %arg7[%add3A_264, %dma_start3A_312] : memref<32784x32xf32, #tpu.memory_space<vmem_shared>> -> memref<256x32xf32, #tpu.memory_space<vmem_shared>>
      tpu.enqueue_dma source(%dma_start3A_313 : memref<256x32xf32, #tpu.memory_space<vmem_shared>>) target(%arg9 : memref<256x32xf32, #tpu.memory_space<vmem>>) target_semaphore(%run_scoped3A : memref<!tpu.dma_semaphore, #tpu.memory_space<semaphore_mem>>)
      %dma_wait3A = arith.constant 0 : i32
      %dma_wait3A_314 = tpu.memref_slice %arg7[%add3A_264, %dma_wait3A] : memref<32784x32xf32, #tpu.memory_space<vmem_shared>> -> memref<256x32xf32, #tpu.memory_space<vmem_shared>>
      %dma_wait3A_315 = arith.constant 0 : i32
      %dma_wait3A_316 = tpu.memref_slice %arg7[%add3A_264, %dma_wait3A_315] : memref<32784x32xf32, #tpu.memory_space<vmem_shared>> -> memref<256x32xf32, #tpu.memory_space<vmem_shared>>
      tpu.wait_dma2 semaphore(%run_scoped3A : memref<!tpu.dma_semaphore, #tpu.memory_space<semaphore_mem>>) src(%dma_wait3A_316 : memref<256x32xf32, #tpu.memory_space<vmem_shared>>) dst(%arg9 : memref<256x32xf32, #tpu.memory_space<vmem>>)
      tpu.yield
    }) : () -> ()
    %scan3A_265 = arith.constant 0 : i32
    %scan3A_266 = arith.constant 0 : i32
    %scan3A_267 = arith.constant 256 : i32
    %scan3A_268 = arith.addi %scan3A_266, %scan3A_267 : i32
    %scan3A_269 = arith.constant 1 : i32
    %scan3A_270 = scf.for %scan3A_311 = %scan3A_266 to %scan3A_268 step %scan3A_269 iter_args(%scan3A_312 = %scan3A_265) -> (i32)  : i32 {
      %broadcast_in_dim3A_313 = vector.broadcast %scan3A_311 : i32 to vector<16xi32>
      %broadcast_in_dim3A_314 = arith.constant 1280 : i32
      %broadcast_in_dim3A_315 = vector.broadcast %broadcast_in_dim3A_314 : i32 to vector<16xi32>
      %add3A_316 = arith.addi %broadcast_in_dim3A_315, %broadcast_in_dim3A_313 : vector<16xi32>
      %gather3A = tpu.vector_load_idx %arg11[%add3A_316] : memref<2048xf32, #tpu.memory_space<vmem>>[vector<16xi32>], vector<16xf32>,
      %gather3A_317 = tpu.vector_load_idx %arg9[%broadcast_in_dim3A_313, %iota3A] : memref<256x32xf32, #tpu.memory_space<vmem>>[vector<16xi32>, vector<16xi32>], vector<16xf32>,
      %add3A_318 = arith.constant 16 : i32
      %add3A_319 = vector.broadcast %add3A_318 : i32 to vector<16xi32>
      %add3A_320 = arith.addi %iota3A, %add3A_319 : vector<16xi32>
      %gather3A_321 = tpu.vector_load_idx %arg9[%broadcast_in_dim3A_313, %add3A_320] : memref<256x32xf32, #tpu.memory_space<vmem>>[vector<16xi32>, vector<16xi32>], vector<16xf32>,
      %mul3A_322 = arith.mulf %gather3A_317, %gather3A : vector<16xf32>
      tpu.vector_store_idx %arg9[%broadcast_in_dim3A_313, %iota3A], %mul3A_322 : memref<256x32xf32, #tpu.memory_space<vmem>>[vector<16xi32>, vector<16xi32>], vector<16xf32>,
      %add3A_323 = arith.constant 16 : i32
      %add3A_324 = vector.broadcast %add3A_323 : i32 to vector<16xi32>
      %add3A_325 = arith.addi %iota3A, %add3A_324 : vector<16xi32>
      %mul3A_326 = arith.mulf %gather3A_321, %gather3A : vector<16xf32>
      tpu.vector_store_idx %arg9[%broadcast_in_dim3A_313, %add3A_325], %mul3A_326 : memref<256x32xf32, #tpu.memory_space<vmem>>[vector<16xi32>, vector<16xi32>], vector<16xf32>,
      %scan3A_327 = arith.constant 0 : i32
      scf.yield %scan3A_327 : i32
    }
    %scan3A_271 = arith.constant 256 : i32
    %add3A_272 = arith.constant 1280 : i32
    %add3A_273 = arith.addi %multiple_of3A_157, %add3A_272 : i32
    "tpu.region"() ({
      %run_scoped3A = tpu.sem_alloc : memref<!tpu.dma_semaphore, #tpu.memory_space<semaphore_mem>>
      %dma_start3A = arith.constant 0 : i32
      %dma_start3A_311 = tpu.memref_slice %arg6[%add3A_154, %add3A_273, %dma_start3A] : memref<4x32768x32xf32, #tpu.memory_space<hbm>> -> memref<1x256x32xf32, #tpu.memory_space<hbm>>
      %dma_start3A_312 = tpu.memref_squeeze %dma_start3A_311 : memref<1x256x32xf32, #tpu.memory_space<hbm>> -> memref<256x32xf32, #tpu.memory_space<hbm>>
      %dma_start3A_313 = arith.constant 0 : i32
      %dma_start3A_314 = tpu.memref_slice %arg6[%add3A_154, %add3A_273, %dma_start3A_313] : memref<4x32768x32xf32, #tpu.memory_space<hbm>> -> memref<1x256x32xf32, #tpu.memory_space<hbm>>
      %dma_start3A_315 = tpu.memref_squeeze %dma_start3A_314 : memref<1x256x32xf32, #tpu.memory_space<hbm>> -> memref<256x32xf32, #tpu.memory_space<hbm>>
      tpu.enqueue_dma source(%arg9 : memref<256x32xf32, #tpu.memory_space<vmem>>) target(%dma_start3A_315 : memref<256x32xf32, #tpu.memory_space<hbm>>) target_semaphore(%run_scoped3A : memref<!tpu.dma_semaphore, #tpu.memory_space<semaphore_mem>>)
      %dma_wait3A = arith.constant 0 : i32
      %dma_wait3A_316 = tpu.memref_slice %arg6[%add3A_154, %add3A_273, %dma_wait3A] : memref<4x32768x32xf32, #tpu.memory_space<hbm>> -> memref<1x256x32xf32, #tpu.memory_space<hbm>>
      %dma_wait3A_317 = tpu.memref_squeeze %dma_wait3A_316 : memref<1x256x32xf32, #tpu.memory_space<hbm>> -> memref<256x32xf32, #tpu.memory_space<hbm>>
      %dma_wait3A_318 = arith.constant 0 : i32
      %dma_wait3A_319 = tpu.memref_slice %arg6[%add3A_154, %add3A_273, %dma_wait3A_318] : memref<4x32768x32xf32, #tpu.memory_space<hbm>> -> memref<1x256x32xf32, #tpu.memory_space<hbm>>
      %dma_wait3A_320 = tpu.memref_squeeze %dma_wait3A_319 : memref<1x256x32xf32, #tpu.memory_space<hbm>> -> memref<256x32xf32, #tpu.memory_space<hbm>>
      tpu.wait_dma2 semaphore(%run_scoped3A : memref<!tpu.dma_semaphore, #tpu.memory_space<semaphore_mem>>) src(%arg9 : memref<256x32xf32, #tpu.memory_space<vmem>>) dst(%dma_wait3A_320 : memref<256x32xf32, #tpu.memory_space<hbm>>)
      tpu.yield
    }) : () -> ()
    %add3A_274 = arith.constant 1280 : i32
    %add3A_275 = arith.addi %multiple_of3A_157, %add3A_274 : i32
    "tpu.region"() ({
      %run_scoped3A = tpu.sem_alloc : memref<!tpu.dma_semaphore, #tpu.memory_space<semaphore_mem>>
      %dma_start3A = arith.constant 0 : i32
      %dma_start3A_311 = tpu.memref_slice %arg7[%add3A_275, %dma_start3A] : memref<32784x32xf32, #tpu.memory_space<vmem_shared>> -> memref<256x32xf32, #tpu.memory_space<vmem_shared>>
      %dma_start3A_312 = arith.constant 0 : i32
      %dma_start3A_313 = tpu.memref_slice %arg7[%add3A_275, %dma_start3A_312] : memref<32784x32xf32, #tpu.memory_space<vmem_shared>> -> memref<256x32xf32, #tpu.memory_space<vmem_shared>>
      tpu.enqueue_dma source(%arg9 : memref<256x32xf32, #tpu.memory_space<vmem>>) target(%dma_start3A_313 : memref<256x32xf32, #tpu.memory_space<vmem_shared>>) target_semaphore(%run_scoped3A : memref<!tpu.dma_semaphore, #tpu.memory_space<semaphore_mem>>)
      %dma_wait3A = arith.constant 0 : i32
      %dma_wait3A_314 = tpu.memref_slice %arg7[%add3A_275, %dma_wait3A] : memref<32784x32xf32, #tpu.memory_space<vmem_shared>> -> memref<256x32xf32, #tpu.memory_space<vmem_shared>>
      %dma_wait3A_315 = arith.constant 0 : i32
      %dma_wait3A_316 = tpu.memref_slice %arg7[%add3A_275, %dma_wait3A_315] : memref<32784x32xf32, #tpu.memory_space<vmem_shared>> -> memref<256x32xf32, #tpu.memory_space<vmem_shared>>
      tpu.wait_dma2 semaphore(%run_scoped3A : memref<!tpu.dma_semaphore, #tpu.memory_space<semaphore_mem>>) src(%arg9 : memref<256x32xf32, #tpu.memory_space<vmem>>) dst(%dma_wait3A_316 : memref<256x32xf32, #tpu.memory_space<vmem_shared>>)
      tpu.yield
    }) : () -> ()
    %add3A_276 = arith.constant 1536 : i32
    %add3A_277 = arith.addi %multiple_of3A_157, %add3A_276 : i32
    "tpu.region"() ({
      %run_scoped3A = tpu.sem_alloc : memref<!tpu.dma_semaphore, #tpu.memory_space<semaphore_mem>>
      %dma_start3A = arith.constant 0 : i32
      %dma_start3A_311 = tpu.memref_slice %arg7[%add3A_277, %dma_start3A] : memref<32784x32xf32, #tpu.memory_space<vmem_shared>> -> memref<256x32xf32, #tpu.memory_space<vmem_shared>>
      %dma_start3A_312 = arith.constant 0 : i32
      %dma_start3A_313 = tpu.memref_slice %arg7[%add3A_277, %dma_start3A_312] : memref<32784x32xf32, #tpu.memory_space<vmem_shared>> -> memref<256x32xf32, #tpu.memory_space<vmem_shared>>
      tpu.enqueue_dma source(%dma_start3A_313 : memref<256x32xf32, #tpu.memory_space<vmem_shared>>) target(%arg9 : memref<256x32xf32, #tpu.memory_space<vmem>>) target_semaphore(%run_scoped3A : memref<!tpu.dma_semaphore, #tpu.memory_space<semaphore_mem>>)
      %dma_wait3A = arith.constant 0 : i32
      %dma_wait3A_314 = tpu.memref_slice %arg7[%add3A_277, %dma_wait3A] : memref<32784x32xf32, #tpu.memory_space<vmem_shared>> -> memref<256x32xf32, #tpu.memory_space<vmem_shared>>
      %dma_wait3A_315 = arith.constant 0 : i32
      %dma_wait3A_316 = tpu.memref_slice %arg7[%add3A_277, %dma_wait3A_315] : memref<32784x32xf32, #tpu.memory_space<vmem_shared>> -> memref<256x32xf32, #tpu.memory_space<vmem_shared>>
      tpu.wait_dma2 semaphore(%run_scoped3A : memref<!tpu.dma_semaphore, #tpu.memory_space<semaphore_mem>>) src(%dma_wait3A_316 : memref<256x32xf32, #tpu.memory_space<vmem_shared>>) dst(%arg9 : memref<256x32xf32, #tpu.memory_space<vmem>>)
      tpu.yield
    }) : () -> ()
    %scan3A_278 = arith.constant 0 : i32
    %scan3A_279 = arith.constant 0 : i32
    %scan3A_280 = arith.constant 256 : i32
    %scan3A_281 = arith.addi %scan3A_279, %scan3A_280 : i32
    %scan3A_282 = arith.constant 1 : i32
    %scan3A_283 = scf.for %scan3A_311 = %scan3A_279 to %scan3A_281 step %scan3A_282 iter_args(%scan3A_312 = %scan3A_278) -> (i32)  : i32 {
      %broadcast_in_dim3A_313 = vector.broadcast %scan3A_311 : i32 to vector<16xi32>
      %broadcast_in_dim3A_314 = arith.constant 1536 : i32
      %broadcast_in_dim3A_315 = vector.broadcast %broadcast_in_dim3A_314 : i32 to vector<16xi32>
      %add3A_316 = arith.addi %broadcast_in_dim3A_315, %broadcast_in_dim3A_313 : vector<16xi32>
      %gather3A = tpu.vector_load_idx %arg11[%add3A_316] : memref<2048xf32, #tpu.memory_space<vmem>>[vector<16xi32>], vector<16xf32>,
      %gather3A_317 = tpu.vector_load_idx %arg9[%broadcast_in_dim3A_313, %iota3A] : memref<256x32xf32, #tpu.memory_space<vmem>>[vector<16xi32>, vector<16xi32>], vector<16xf32>,
      %add3A_318 = arith.constant 16 : i32
      %add3A_319 = vector.broadcast %add3A_318 : i32 to vector<16xi32>
      %add3A_320 = arith.addi %iota3A, %add3A_319 : vector<16xi32>
      %gather3A_321 = tpu.vector_load_idx %arg9[%broadcast_in_dim3A_313, %add3A_320] : memref<256x32xf32, #tpu.memory_space<vmem>>[vector<16xi32>, vector<16xi32>], vector<16xf32>,
      %mul3A_322 = arith.mulf %gather3A_317, %gather3A : vector<16xf32>
      tpu.vector_store_idx %arg9[%broadcast_in_dim3A_313, %iota3A], %mul3A_322 : memref<256x32xf32, #tpu.memory_space<vmem>>[vector<16xi32>, vector<16xi32>], vector<16xf32>,
      %add3A_323 = arith.constant 16 : i32
      %add3A_324 = vector.broadcast %add3A_323 : i32 to vector<16xi32>
      %add3A_325 = arith.addi %iota3A, %add3A_324 : vector<16xi32>
      %mul3A_326 = arith.mulf %gather3A_321, %gather3A : vector<16xf32>
      tpu.vector_store_idx %arg9[%broadcast_in_dim3A_313, %add3A_325], %mul3A_326 : memref<256x32xf32, #tpu.memory_space<vmem>>[vector<16xi32>, vector<16xi32>], vector<16xf32>,
      %scan3A_327 = arith.constant 0 : i32
      scf.yield %scan3A_327 : i32
    }
    %scan3A_284 = arith.constant 256 : i32
    %add3A_285 = arith.constant 1536 : i32
    %add3A_286 = arith.addi %multiple_of3A_157, %add3A_285 : i32
    "tpu.region"() ({
      %run_scoped3A = tpu.sem_alloc : memref<!tpu.dma_semaphore, #tpu.memory_space<semaphore_mem>>
      %dma_start3A = arith.constant 0 : i32
      %dma_start3A_311 = tpu.memref_slice %arg6[%add3A_154, %add3A_286, %dma_start3A] : memref<4x32768x32xf32, #tpu.memory_space<hbm>> -> memref<1x256x32xf32, #tpu.memory_space<hbm>>
      %dma_start3A_312 = tpu.memref_squeeze %dma_start3A_311 : memref<1x256x32xf32, #tpu.memory_space<hbm>> -> memref<256x32xf32, #tpu.memory_space<hbm>>
      %dma_start3A_313 = arith.constant 0 : i32
      %dma_start3A_314 = tpu.memref_slice %arg6[%add3A_154, %add3A_286, %dma_start3A_313] : memref<4x32768x32xf32, #tpu.memory_space<hbm>> -> memref<1x256x32xf32, #tpu.memory_space<hbm>>
      %dma_start3A_315 = tpu.memref_squeeze %dma_start3A_314 : memref<1x256x32xf32, #tpu.memory_space<hbm>> -> memref<256x32xf32, #tpu.memory_space<hbm>>
      tpu.enqueue_dma source(%arg9 : memref<256x32xf32, #tpu.memory_space<vmem>>) target(%dma_start3A_315 : memref<256x32xf32, #tpu.memory_space<hbm>>) target_semaphore(%run_scoped3A : memref<!tpu.dma_semaphore, #tpu.memory_space<semaphore_mem>>)
      %dma_wait3A = arith.constant 0 : i32
      %dma_wait3A_316 = tpu.memref_slice %arg6[%add3A_154, %add3A_286, %dma_wait3A] : memref<4x32768x32xf32, #tpu.memory_space<hbm>> -> memref<1x256x32xf32, #tpu.memory_space<hbm>>
      %dma_wait3A_317 = tpu.memref_squeeze %dma_wait3A_316 : memref<1x256x32xf32, #tpu.memory_space<hbm>> -> memref<256x32xf32, #tpu.memory_space<hbm>>
      %dma_wait3A_318 = arith.constant 0 : i32
      %dma_wait3A_319 = tpu.memref_slice %arg6[%add3A_154, %add3A_286, %dma_wait3A_318] : memref<4x32768x32xf32, #tpu.memory_space<hbm>> -> memref<1x256x32xf32, #tpu.memory_space<hbm>>
      %dma_wait3A_320 = tpu.memref_squeeze %dma_wait3A_319 : memref<1x256x32xf32, #tpu.memory_space<hbm>> -> memref<256x32xf32, #tpu.memory_space<hbm>>
      tpu.wait_dma2 semaphore(%run_scoped3A : memref<!tpu.dma_semaphore, #tpu.memory_space<semaphore_mem>>) src(%arg9 : memref<256x32xf32, #tpu.memory_space<vmem>>) dst(%dma_wait3A_320 : memref<256x32xf32, #tpu.memory_space<hbm>>)
      tpu.yield
    }) : () -> ()
    %add3A_287 = arith.constant 1536 : i32
    %add3A_288 = arith.addi %multiple_of3A_157, %add3A_287 : i32
    "tpu.region"() ({
      %run_scoped3A = tpu.sem_alloc : memref<!tpu.dma_semaphore, #tpu.memory_space<semaphore_mem>>
      %dma_start3A = arith.constant 0 : i32
      %dma_start3A_311 = tpu.memref_slice %arg7[%add3A_288, %dma_start3A] : memref<32784x32xf32, #tpu.memory_space<vmem_shared>> -> memref<256x32xf32, #tpu.memory_space<vmem_shared>>
      %dma_start3A_312 = arith.constant 0 : i32
      %dma_start3A_313 = tpu.memref_slice %arg7[%add3A_288, %dma_start3A_312] : memref<32784x32xf32, #tpu.memory_space<vmem_shared>> -> memref<256x32xf32, #tpu.memory_space<vmem_shared>>
      tpu.enqueue_dma source(%arg9 : memref<256x32xf32, #tpu.memory_space<vmem>>) target(%dma_start3A_313 : memref<256x32xf32, #tpu.memory_space<vmem_shared>>) target_semaphore(%run_scoped3A : memref<!tpu.dma_semaphore, #tpu.memory_space<semaphore_mem>>)
      %dma_wait3A = arith.constant 0 : i32
      %dma_wait3A_314 = tpu.memref_slice %arg7[%add3A_288, %dma_wait3A] : memref<32784x32xf32, #tpu.memory_space<vmem_shared>> -> memref<256x32xf32, #tpu.memory_space<vmem_shared>>
      %dma_wait3A_315 = arith.constant 0 : i32
      %dma_wait3A_316 = tpu.memref_slice %arg7[%add3A_288, %dma_wait3A_315] : memref<32784x32xf32, #tpu.memory_space<vmem_shared>> -> memref<256x32xf32, #tpu.memory_space<vmem_shared>>
      tpu.wait_dma2 semaphore(%run_scoped3A : memref<!tpu.dma_semaphore, #tpu.memory_space<semaphore_mem>>) src(%arg9 : memref<256x32xf32, #tpu.memory_space<vmem>>) dst(%dma_wait3A_316 : memref<256x32xf32, #tpu.memory_space<vmem_shared>>)
      tpu.yield
    }) : () -> ()
    %add3A_289 = arith.constant 1792 : i32
    %add3A_290 = arith.addi %multiple_of3A_157, %add3A_289 : i32
    "tpu.region"() ({
      %run_scoped3A = tpu.sem_alloc : memref<!tpu.dma_semaphore, #tpu.memory_space<semaphore_mem>>
      %dma_start3A = arith.constant 0 : i32
      %dma_start3A_311 = tpu.memref_slice %arg7[%add3A_290, %dma_start3A] : memref<32784x32xf32, #tpu.memory_space<vmem_shared>> -> memref<256x32xf32, #tpu.memory_space<vmem_shared>>
      %dma_start3A_312 = arith.constant 0 : i32
      %dma_start3A_313 = tpu.memref_slice %arg7[%add3A_290, %dma_start3A_312] : memref<32784x32xf32, #tpu.memory_space<vmem_shared>> -> memref<256x32xf32, #tpu.memory_space<vmem_shared>>
      tpu.enqueue_dma source(%dma_start3A_313 : memref<256x32xf32, #tpu.memory_space<vmem_shared>>) target(%arg9 : memref<256x32xf32, #tpu.memory_space<vmem>>) target_semaphore(%run_scoped3A : memref<!tpu.dma_semaphore, #tpu.memory_space<semaphore_mem>>)
      %dma_wait3A = arith.constant 0 : i32
      %dma_wait3A_314 = tpu.memref_slice %arg7[%add3A_290, %dma_wait3A] : memref<32784x32xf32, #tpu.memory_space<vmem_shared>> -> memref<256x32xf32, #tpu.memory_space<vmem_shared>>
      %dma_wait3A_315 = arith.constant 0 : i32
      %dma_wait3A_316 = tpu.memref_slice %arg7[%add3A_290, %dma_wait3A_315] : memref<32784x32xf32, #tpu.memory_space<vmem_shared>> -> memref<256x32xf32, #tpu.memory_space<vmem_shared>>
      tpu.wait_dma2 semaphore(%run_scoped3A : memref<!tpu.dma_semaphore, #tpu.memory_space<semaphore_mem>>) src(%dma_wait3A_316 : memref<256x32xf32, #tpu.memory_space<vmem_shared>>) dst(%arg9 : memref<256x32xf32, #tpu.memory_space<vmem>>)
      tpu.yield
    }) : () -> ()
    %scan3A_291 = arith.constant 0 : i32
    %scan3A_292 = arith.constant 0 : i32
    %scan3A_293 = arith.constant 256 : i32
    %scan3A_294 = arith.addi %scan3A_292, %scan3A_293 : i32
    %scan3A_295 = arith.constant 1 : i32
    %scan3A_296 = scf.for %scan3A_311 = %scan3A_292 to %scan3A_294 step %scan3A_295 iter_args(%scan3A_312 = %scan3A_291) -> (i32)  : i32 {
      %broadcast_in_dim3A_313 = vector.broadcast %scan3A_311 : i32 to vector<16xi32>
      %broadcast_in_dim3A_314 = arith.constant 1792 : i32
      %broadcast_in_dim3A_315 = vector.broadcast %broadcast_in_dim3A_314 : i32 to vector<16xi32>
      %add3A_316 = arith.addi %broadcast_in_dim3A_315, %broadcast_in_dim3A_313 : vector<16xi32>
      %gather3A = tpu.vector_load_idx %arg11[%add3A_316] : memref<2048xf32, #tpu.memory_space<vmem>>[vector<16xi32>], vector<16xf32>,
      %gather3A_317 = tpu.vector_load_idx %arg9[%broadcast_in_dim3A_313, %iota3A] : memref<256x32xf32, #tpu.memory_space<vmem>>[vector<16xi32>, vector<16xi32>], vector<16xf32>,
      %add3A_318 = arith.constant 16 : i32
      %add3A_319 = vector.broadcast %add3A_318 : i32 to vector<16xi32>
      %add3A_320 = arith.addi %iota3A, %add3A_319 : vector<16xi32>
      %gather3A_321 = tpu.vector_load_idx %arg9[%broadcast_in_dim3A_313, %add3A_320] : memref<256x32xf32, #tpu.memory_space<vmem>>[vector<16xi32>, vector<16xi32>], vector<16xf32>,
      %mul3A_322 = arith.mulf %gather3A_317, %gather3A : vector<16xf32>
      tpu.vector_store_idx %arg9[%broadcast_in_dim3A_313, %iota3A], %mul3A_322 : memref<256x32xf32, #tpu.memory_space<vmem>>[vector<16xi32>, vector<16xi32>], vector<16xf32>,
      %add3A_323 = arith.constant 16 : i32
      %add3A_324 = vector.broadcast %add3A_323 : i32 to vector<16xi32>
      %add3A_325 = arith.addi %iota3A, %add3A_324 : vector<16xi32>
      %mul3A_326 = arith.mulf %gather3A_321, %gather3A : vector<16xf32>
      tpu.vector_store_idx %arg9[%broadcast_in_dim3A_313, %add3A_325], %mul3A_326 : memref<256x32xf32, #tpu.memory_space<vmem>>[vector<16xi32>, vector<16xi32>], vector<16xf32>,
      %scan3A_327 = arith.constant 0 : i32
      scf.yield %scan3A_327 : i32
    }
    %scan3A_297 = arith.constant 256 : i32
    %add3A_298 = arith.constant 1792 : i32
    %add3A_299 = arith.addi %multiple_of3A_157, %add3A_298 : i32
    "tpu.region"() ({
      %run_scoped3A = tpu.sem_alloc : memref<!tpu.dma_semaphore, #tpu.memory_space<semaphore_mem>>
      %dma_start3A = arith.constant 0 : i32
      %dma_start3A_311 = tpu.memref_slice %arg6[%add3A_154, %add3A_299, %dma_start3A] : memref<4x32768x32xf32, #tpu.memory_space<hbm>> -> memref<1x256x32xf32, #tpu.memory_space<hbm>>
      %dma_start3A_312 = tpu.memref_squeeze %dma_start3A_311 : memref<1x256x32xf32, #tpu.memory_space<hbm>> -> memref<256x32xf32, #tpu.memory_space<hbm>>
      %dma_start3A_313 = arith.constant 0 : i32
      %dma_start3A_314 = tpu.memref_slice %arg6[%add3A_154, %add3A_299, %dma_start3A_313] : memref<4x32768x32xf32, #tpu.memory_space<hbm>> -> memref<1x256x32xf32, #tpu.memory_space<hbm>>
      %dma_start3A_315 = tpu.memref_squeeze %dma_start3A_314 : memref<1x256x32xf32, #tpu.memory_space<hbm>> -> memref<256x32xf32, #tpu.memory_space<hbm>>
      tpu.enqueue_dma source(%arg9 : memref<256x32xf32, #tpu.memory_space<vmem>>) target(%dma_start3A_315 : memref<256x32xf32, #tpu.memory_space<hbm>>) target_semaphore(%run_scoped3A : memref<!tpu.dma_semaphore, #tpu.memory_space<semaphore_mem>>)
      %dma_wait3A = arith.constant 0 : i32
      %dma_wait3A_316 = tpu.memref_slice %arg6[%add3A_154, %add3A_299, %dma_wait3A] : memref<4x32768x32xf32, #tpu.memory_space<hbm>> -> memref<1x256x32xf32, #tpu.memory_space<hbm>>
      %dma_wait3A_317 = tpu.memref_squeeze %dma_wait3A_316 : memref<1x256x32xf32, #tpu.memory_space<hbm>> -> memref<256x32xf32, #tpu.memory_space<hbm>>
      %dma_wait3A_318 = arith.constant 0 : i32
      %dma_wait3A_319 = tpu.memref_slice %arg6[%add3A_154, %add3A_299, %dma_wait3A_318] : memref<4x32768x32xf32, #tpu.memory_space<hbm>> -> memref<1x256x32xf32, #tpu.memory_space<hbm>>
      %dma_wait3A_320 = tpu.memref_squeeze %dma_wait3A_319 : memref<1x256x32xf32, #tpu.memory_space<hbm>> -> memref<256x32xf32, #tpu.memory_space<hbm>>
      tpu.wait_dma2 semaphore(%run_scoped3A : memref<!tpu.dma_semaphore, #tpu.memory_space<semaphore_mem>>) src(%arg9 : memref<256x32xf32, #tpu.memory_space<vmem>>) dst(%dma_wait3A_320 : memref<256x32xf32, #tpu.memory_space<hbm>>)
      tpu.yield
    }) : () -> ()
    %add3A_300 = arith.constant 1792 : i32
    %add3A_301 = arith.addi %multiple_of3A_157, %add3A_300 : i32
    "tpu.region"() ({
      %run_scoped3A = tpu.sem_alloc : memref<!tpu.dma_semaphore, #tpu.memory_space<semaphore_mem>>
      %dma_start3A = arith.constant 0 : i32
      %dma_start3A_311 = tpu.memref_slice %arg7[%add3A_301, %dma_start3A] : memref<32784x32xf32, #tpu.memory_space<vmem_shared>> -> memref<256x32xf32, #tpu.memory_space<vmem_shared>>
      %dma_start3A_312 = arith.constant 0 : i32
      %dma_start3A_313 = tpu.memref_slice %arg7[%add3A_301, %dma_start3A_312] : memref<32784x32xf32, #tpu.memory_space<vmem_shared>> -> memref<256x32xf32, #tpu.memory_space<vmem_shared>>
      tpu.enqueue_dma source(%arg9 : memref<256x32xf32, #tpu.memory_space<vmem>>) target(%dma_start3A_313 : memref<256x32xf32, #tpu.memory_space<vmem_shared>>) target_semaphore(%run_scoped3A : memref<!tpu.dma_semaphore, #tpu.memory_space<semaphore_mem>>)
      %dma_wait3A = arith.constant 0 : i32
      %dma_wait3A_314 = tpu.memref_slice %arg7[%add3A_301, %dma_wait3A] : memref<32784x32xf32, #tpu.memory_space<vmem_shared>> -> memref<256x32xf32, #tpu.memory_space<vmem_shared>>
      %dma_wait3A_315 = arith.constant 0 : i32
      %dma_wait3A_316 = tpu.memref_slice %arg7[%add3A_301, %dma_wait3A_315] : memref<32784x32xf32, #tpu.memory_space<vmem_shared>> -> memref<256x32xf32, #tpu.memory_space<vmem_shared>>
      tpu.wait_dma2 semaphore(%run_scoped3A : memref<!tpu.dma_semaphore, #tpu.memory_space<semaphore_mem>>) src(%arg9 : memref<256x32xf32, #tpu.memory_space<vmem>>) dst(%dma_wait3A_316 : memref<256x32xf32, #tpu.memory_space<vmem_shared>>)
      tpu.yield
    }) : () -> ()
    %barrier3A_302 = arith.constant 0 : index
    tpu.barrier barrier_id(%barrier3A_302)
    %scan3A_303 = arith.constant 0 : i32
    %scan3A_304 = arith.constant 0 : i32
    %scan3A_305 = arith.constant 49 : i32
    %scan3A_306 = arith.addi %scan3A_304, %scan3A_305 : i32
    %scan3A_307 = arith.constant 1 : i32
    %scan3A_308 = scf.for %scan3A_311 = %scan3A_304 to %scan3A_306 step %scan3A_307 iter_args(%scan3A_312 = %scan3A_303) -> (i32)  : i32 {
      %mul3A_313 = arith.constant 100352 : i32
      %mul3A_314 = arith.muli %add3A_154, %mul3A_313 : i32
      %mul3A_315 = arith.constant 6272 : i32
      %mul3A_316 = arith.muli %arg1, %mul3A_315 : i32
      %add3A_317 = arith.addi %mul3A_314, %mul3A_316 : i32
      %mul3A_318 = arith.constant 128 : i32
      %mul3A_319 = arith.muli %scan3A_311, %mul3A_318 : i32
      %add3A_320 = arith.addi %add3A_317, %mul3A_319 : i32
      %multiple_of3A_321 = tpu.assume_multiple %add3A_320, 8 : i32
      "tpu.region"() ({
        %run_scoped3A = tpu.sem_alloc : memref<!tpu.dma_semaphore, #tpu.memory_space<semaphore_mem>>
        %dma_start3A = arith.constant 0 : i32
        %dma_start3A_323 = tpu.memref_slice %arg10[%scan3A_311, %dma_start3A] : memref<49x128xi32, #tpu.memory_space<vmem>> -> memref<1x128xi32, #tpu.memory_space<vmem>>
        %dma_start3A_324 = tpu.memref_squeeze %dma_start3A_323 : memref<1x128xi32, #tpu.memory_space<vmem>> -> memref<128xi32, #tpu.memory_space<vmem>>
        %dma_start3A_325 = arith.constant 0 : i32
        %dma_start3A_326 = arith.constant 0 : i32
        %dma_start3A_327 = tpu.memref_slice %arg7[%dma_start3A_325, %dma_start3A_326] : memref<32784x32xf32, #tpu.memory_space<vmem_shared>> -> memref<32784x32xf32, #tpu.memory_space<vmem_shared>>
        tpu.enqueue_indirect_dma source(%dma_start3A_327 : memref<32784x32xf32, #tpu.memory_space<vmem_shared>>) target(%arg8 : memref<128x32xf32, #tpu.memory_space<vmem>>) offsets(%dma_start3A_324 : memref<128xi32, #tpu.memory_space<vmem>>) semaphore(%run_scoped3A : memref<!tpu.dma_semaphore, #tpu.memory_space<semaphore_mem>>)
        %dma_wait3A = arith.constant 0 : i32
        %dma_wait3A_328 = tpu.memref_slice %arg10[%scan3A_311, %dma_wait3A] : memref<49x128xi32, #tpu.memory_space<vmem>> -> memref<1x128xi32, #tpu.memory_space<vmem>>
        %dma_wait3A_329 = tpu.memref_squeeze %dma_wait3A_328 : memref<1x128xi32, #tpu.memory_space<vmem>> -> memref<128xi32, #tpu.memory_space<vmem>>
        %dma_wait3A_330 = arith.constant 0 : i32
        %dma_wait3A_331 = arith.constant 0 : i32
        %dma_wait3A_332 = tpu.memref_slice %arg7[%dma_wait3A_330, %dma_wait3A_331] : memref<32784x32xf32, #tpu.memory_space<vmem_shared>> -> memref<32784x32xf32, #tpu.memory_space<vmem_shared>>
        tpu.wait_indirect_dma semaphore(%run_scoped3A : memref<!tpu.dma_semaphore, #tpu.memory_space<semaphore_mem>>) src(%dma_wait3A_332 : memref<32784x32xf32, #tpu.memory_space<vmem_shared>>) dst(%arg8 : memref<128x32xf32, #tpu.memory_space<vmem>>)
        tpu.yield
      }) : () -> ()
      "tpu.region"() ({
        %run_scoped3A = tpu.sem_alloc : memref<!tpu.dma_semaphore, #tpu.memory_space<semaphore_mem>>
        %dma_start3A = arith.constant 0 : i32
        %dma_start3A_323 = tpu.memref_slice %arg5[%multiple_of3A_321, %dma_start3A] : memref<401408x32xf32, #tpu.memory_space<hbm>> -> memref<128x32xf32, #tpu.memory_space<hbm>>
        %dma_start3A_324 = arith.constant 0 : i32
        %dma_start3A_325 = tpu.memref_slice %arg5[%multiple_of3A_321, %dma_start3A_324] : memref<401408x32xf32, #tpu.memory_space<hbm>> -> memref<128x32xf32, #tpu.memory_space<hbm>>
        tpu.enqueue_dma source(%arg8 : memref<128x32xf32, #tpu.memory_space<vmem>>) target(%dma_start3A_325 : memref<128x32xf32, #tpu.memory_space<hbm>>) target_semaphore(%run_scoped3A : memref<!tpu.dma_semaphore, #tpu.memory_space<semaphore_mem>>)
        %dma_wait3A = arith.constant 0 : i32
        %dma_wait3A_326 = tpu.memref_slice %arg5[%multiple_of3A_321, %dma_wait3A] : memref<401408x32xf32, #tpu.memory_space<hbm>> -> memref<128x32xf32, #tpu.memory_space<hbm>>
        %dma_wait3A_327 = arith.constant 0 : i32
        %dma_wait3A_328 = tpu.memref_slice %arg5[%multiple_of3A_321, %dma_wait3A_327] : memref<401408x32xf32, #tpu.memory_space<hbm>> -> memref<128x32xf32, #tpu.memory_space<hbm>>
        tpu.wait_dma2 semaphore(%run_scoped3A : memref<!tpu.dma_semaphore, #tpu.memory_space<semaphore_mem>>) src(%arg8 : memref<128x32xf32, #tpu.memory_space<vmem>>) dst(%dma_wait3A_328 : memref<128x32xf32, #tpu.memory_space<hbm>>)
        tpu.yield
      }) : () -> ()
      %scan3A_322 = arith.constant 0 : i32
      scf.yield %scan3A_322 : i32
    }
    %scan3A_309 = arith.constant 49 : i32
    %barrier3A_310 = arith.constant 0 : index
    tpu.barrier barrier_id(%barrier3A_310)
    return
  }
}

#map = affine_map<(d0, d1) -> (0, 0, 0)>
#map1 = affine_map<(d0, d1) -> (0, 0, 0, 0)>
#map2 = affine_map<(d0, d1) -> (0, 0)>
module attributes {stable_mosaic.version = 14 : i64} {
  func.func @_sc_counts_body(%arg0: i32, %arg1: i32, %arg2: memref<4x100352x4xf32, #tpu.memory_space<hbm>>, %arg3: memref<4x16x49x128xi32, #tpu.memory_space<hbm>>, %arg4: memref<4x32768xf32, #tpu.memory_space<hbm>>, %arg5: memref<32784x16xf32, #tpu.memory_space<vmem_shared>>, %arg6: memref<128x4xf32, #tpu.memory_space<vmem>>, %arg7: memref<128x16xf32, #tpu.memory_space<vmem>>, %arg8: memref<128xi32, #tpu.memory_space<vmem>>, %arg9: memref<2048x16xf32, #tpu.memory_space<vmem>>, %arg10: memref<2048xf32, #tpu.memory_space<vmem>>) attributes {dimension_semantics = [#tpu.dimension_semantics<core_parallel>, #tpu.dimension_semantics<subcore_parallel>], iteration_bounds = array<i64: 2, 16>, scalar_prefetch = 0 : i64, scratch_operands = 6 : i64, tpu.core_type = #tpu.core_type<sc_vector_subcore>, window_params = [{transform_indices = #map}, {transform_indices = #map1}, {transform_indices = #map2}]} {
    %iota3A = tpu.iota {dimensions = array<i32: 0>} : vector<16xi32>
    %broadcast_in_dim3A = arith.constant 0 : i32
    %broadcast_in_dim3A_0 = vector.broadcast %broadcast_in_dim3A : i32 to vector<16xi32>
    %iota3A_1 = tpu.iota {dimensions = array<i32: 0>} : vector<16xi32>
    %broadcast_in_dim3A_2 = arith.constant 1.000000e+00 : f32
    %broadcast_in_dim3A_3 = vector.broadcast %broadcast_in_dim3A_2 : f32 to vector<16xf32>
    %scan3A = arith.constant 0 : i32
    %scan3A_4 = arith.constant 0 : i32
    %scan3A_5 = arith.constant 128 : i32
    %scan3A_6 = arith.addi %scan3A_4, %scan3A_5 : i32
    %scan3A_7 = arith.constant 1 : i32
    %scan3A_8 = scf.for %scan3A_81 = %scan3A_4 to %scan3A_6 step %scan3A_7 iter_args(%scan3A_82 = %scan3A) -> (i32)  : i32 {
      %broadcast_in_dim3A_83 = vector.broadcast %scan3A_81 : i32 to vector<16xi32>
      %add3A_84 = arith.constant 0 : i32
      %add3A_85 = vector.broadcast %add3A_84 : i32 to vector<16xi32>
      %add3A_86 = arith.addi %iota3A_1, %add3A_85 : vector<16xi32>
      tpu.vector_store_idx %arg7[%broadcast_in_dim3A_83, %add3A_86], %broadcast_in_dim3A_3 : memref<128x16xf32, #tpu.memory_space<vmem>>[vector<16xi32>, vector<16xi32>], vector<16xf32>,
      %scan3A_87 = arith.constant 0 : i32
      scf.yield %scan3A_87 : i32
    }
    %scan3A_9 = arith.constant 128 : i32
    %mul3A = arith.constant 2 : i32
    %mul3A_10 = arith.muli %arg0, %mul3A : i32
    %add3A = arith.constant 0 : i32
    %add3A_11 = arith.addi %mul3A_10, %add3A : i32
    %mul3A_12 = arith.constant 2048 : i32
    %mul3A_13 = arith.muli %arg1, %mul3A_12 : i32
    %multiple_of3A = tpu.assume_multiple %mul3A_13, 8 : i32
    %iota3A_14 = tpu.iota {dimensions = array<i32: 0>} : vector<16xi32>
    %broadcast_in_dim3A_15 = arith.constant 0.000000e+00 : f32
    %broadcast_in_dim3A_16 = vector.broadcast %broadcast_in_dim3A_15 : f32 to vector<16xf32>
    %scan3A_17 = arith.constant 0 : i32
    %scan3A_18 = arith.constant 0 : i32
    %scan3A_19 = arith.constant 2048 : i32
    %scan3A_20 = arith.addi %scan3A_18, %scan3A_19 : i32
    %scan3A_21 = arith.constant 1 : i32
    %scan3A_22 = scf.for %scan3A_81 = %scan3A_18 to %scan3A_20 step %scan3A_21 iter_args(%scan3A_82 = %scan3A_17) -> (i32)  : i32 {
      %broadcast_in_dim3A_83 = vector.broadcast %scan3A_81 : i32 to vector<16xi32>
      %add3A_84 = arith.constant 0 : i32
      %add3A_85 = vector.broadcast %add3A_84 : i32 to vector<16xi32>
      %add3A_86 = arith.addi %iota3A_14, %add3A_85 : vector<16xi32>
      tpu.vector_store_idx %arg9[%broadcast_in_dim3A_83, %add3A_86], %broadcast_in_dim3A_16 : memref<2048x16xf32, #tpu.memory_space<vmem>>[vector<16xi32>, vector<16xi32>], vector<16xf32>,
      %scan3A_87 = arith.constant 0 : i32
      scf.yield %scan3A_87 : i32
    }
    %scan3A_23 = arith.constant 2048 : i32
    "tpu.region"() ({
      %run_scoped3A = tpu.sem_alloc : memref<!tpu.dma_semaphore, #tpu.memory_space<semaphore_mem>>
      %dma_start3A = arith.constant 0 : i32
      %dma_start3A_81 = tpu.memref_slice %arg5[%multiple_of3A, %dma_start3A] : memref<32784x16xf32, #tpu.memory_space<vmem_shared>> -> memref<2048x16xf32, #tpu.memory_space<vmem_shared>>
      %dma_start3A_82 = arith.constant 0 : i32
      %dma_start3A_83 = tpu.memref_slice %arg5[%multiple_of3A, %dma_start3A_82] : memref<32784x16xf32, #tpu.memory_space<vmem_shared>> -> memref<2048x16xf32, #tpu.memory_space<vmem_shared>>
      tpu.enqueue_dma source(%arg9 : memref<2048x16xf32, #tpu.memory_space<vmem>>) target(%dma_start3A_83 : memref<2048x16xf32, #tpu.memory_space<vmem_shared>>) target_semaphore(%run_scoped3A : memref<!tpu.dma_semaphore, #tpu.memory_space<semaphore_mem>>)
      %dma_wait3A = arith.constant 0 : i32
      %dma_wait3A_84 = tpu.memref_slice %arg5[%multiple_of3A, %dma_wait3A] : memref<32784x16xf32, #tpu.memory_space<vmem_shared>> -> memref<2048x16xf32, #tpu.memory_space<vmem_shared>>
      %dma_wait3A_85 = arith.constant 0 : i32
      %dma_wait3A_86 = tpu.memref_slice %arg5[%multiple_of3A, %dma_wait3A_85] : memref<32784x16xf32, #tpu.memory_space<vmem_shared>> -> memref<2048x16xf32, #tpu.memory_space<vmem_shared>>
      tpu.wait_dma2 semaphore(%run_scoped3A : memref<!tpu.dma_semaphore, #tpu.memory_space<semaphore_mem>>) src(%arg9 : memref<2048x16xf32, #tpu.memory_space<vmem>>) dst(%dma_wait3A_86 : memref<2048x16xf32, #tpu.memory_space<vmem_shared>>)
      tpu.yield
    }) : () -> ()
    %eq3A = arith.constant 15 : i32
    %eq3A_24 = arith.cmpi eq, %arg1, %eq3A : i32
    %convert_element_type3A = arith.extui %eq3A_24 : i1 to i32
    %cond3A = arith.constant 0 : i32
    %cond3A_25 = arith.cmpi ne, %convert_element_type3A, %cond3A : i32
    scf.if %cond3A_25 {
      "tpu.region"() ({
        %run_scoped3A = tpu.sem_alloc : memref<!tpu.dma_semaphore, #tpu.memory_space<semaphore_mem>>
        %dma_start3A = arith.constant 0 : i32
        %dma_start3A_81 = arith.constant 0 : i32
        %dma_start3A_82 = tpu.memref_slice %arg9[%dma_start3A, %dma_start3A_81] : memref<2048x16xf32, #tpu.memory_space<vmem>> -> memref<16x16xf32, #tpu.memory_space<vmem>>
        %dma_start3A_83 = arith.constant 32768 : i32
        %dma_start3A_84 = arith.constant 0 : i32
        %dma_start3A_85 = tpu.memref_slice %arg5[%dma_start3A_83, %dma_start3A_84] : memref<32784x16xf32, #tpu.memory_space<vmem_shared>> -> memref<16x16xf32, #tpu.memory_space<vmem_shared>>
        %dma_start3A_86 = arith.constant 32768 : i32
        %dma_start3A_87 = arith.constant 0 : i32
        %dma_start3A_88 = tpu.memref_slice %arg5[%dma_start3A_86, %dma_start3A_87] : memref<32784x16xf32, #tpu.memory_space<vmem_shared>> -> memref<16x16xf32, #tpu.memory_space<vmem_shared>>
        %dma_start3A_89 = arith.constant 0 : i32
        %dma_start3A_90 = arith.constant 0 : i32
        %dma_start3A_91 = tpu.memref_slice %arg9[%dma_start3A_89, %dma_start3A_90] : memref<2048x16xf32, #tpu.memory_space<vmem>> -> memref<16x16xf32, #tpu.memory_space<vmem>>
        tpu.enqueue_dma source(%dma_start3A_91 : memref<16x16xf32, #tpu.memory_space<vmem>>) target(%dma_start3A_88 : memref<16x16xf32, #tpu.memory_space<vmem_shared>>) target_semaphore(%run_scoped3A : memref<!tpu.dma_semaphore, #tpu.memory_space<semaphore_mem>>)
        %dma_wait3A = arith.constant 0 : i32
        %dma_wait3A_92 = arith.constant 0 : i32
        %dma_wait3A_93 = tpu.memref_slice %arg9[%dma_wait3A, %dma_wait3A_92] : memref<2048x16xf32, #tpu.memory_space<vmem>> -> memref<16x16xf32, #tpu.memory_space<vmem>>
        %dma_wait3A_94 = arith.constant 32768 : i32
        %dma_wait3A_95 = arith.constant 0 : i32
        %dma_wait3A_96 = tpu.memref_slice %arg5[%dma_wait3A_94, %dma_wait3A_95] : memref<32784x16xf32, #tpu.memory_space<vmem_shared>> -> memref<16x16xf32, #tpu.memory_space<vmem_shared>>
        %dma_wait3A_97 = arith.constant 32768 : i32
        %dma_wait3A_98 = arith.constant 0 : i32
        %dma_wait3A_99 = tpu.memref_slice %arg5[%dma_wait3A_97, %dma_wait3A_98] : memref<32784x16xf32, #tpu.memory_space<vmem_shared>> -> memref<16x16xf32, #tpu.memory_space<vmem_shared>>
        %dma_wait3A_100 = arith.constant 0 : i32
        %dma_wait3A_101 = arith.constant 0 : i32
        %dma_wait3A_102 = tpu.memref_slice %arg9[%dma_wait3A_100, %dma_wait3A_101] : memref<2048x16xf32, #tpu.memory_space<vmem>> -> memref<16x16xf32, #tpu.memory_space<vmem>>
        tpu.wait_dma2 semaphore(%run_scoped3A : memref<!tpu.dma_semaphore, #tpu.memory_space<semaphore_mem>>) src(%dma_wait3A_102 : memref<16x16xf32, #tpu.memory_space<vmem>>) dst(%dma_wait3A_99 : memref<16x16xf32, #tpu.memory_space<vmem_shared>>)
        tpu.yield
      }) : () -> ()
    } else {
    }
    %barrier3A = arith.constant 0 : index
    tpu.barrier barrier_id(%barrier3A)
    %scan3A_26 = arith.constant 0 : i32
    %scan3A_27 = arith.constant 0 : i32
    %scan3A_28 = arith.constant 49 : i32
    %scan3A_29 = arith.addi %scan3A_27, %scan3A_28 : i32
    %scan3A_30 = arith.constant 1 : i32
    %scan3A_31 = scf.for %scan3A_81 = %scan3A_27 to %scan3A_29 step %scan3A_30 iter_args(%scan3A_82 = %scan3A_26) -> (i32)  : i32 {
      %mul3A_83 = arith.constant 6272 : i32
      %mul3A_84 = arith.muli %arg1, %mul3A_83 : i32
      %mul3A_85 = arith.constant 128 : i32
      %mul3A_86 = arith.muli %scan3A_81, %mul3A_85 : i32
      %add3A_87 = arith.addi %mul3A_84, %mul3A_86 : i32
      %multiple_of3A_88 = tpu.assume_multiple %add3A_87, 8 : i32
      "tpu.region"() ({
        %run_scoped3A = tpu.sem_alloc : memref<!tpu.dma_semaphore, #tpu.memory_space<semaphore_mem>>
        %dma_start3A = arith.constant 0 : i32
        %dma_start3A_722 = tpu.memref_slice %arg2[%add3A_11, %multiple_of3A_88, %dma_start3A] : memref<4x100352x4xf32, #tpu.memory_space<hbm>> -> memref<1x128x4xf32, #tpu.memory_space<hbm>>
        %dma_start3A_723 = tpu.memref_squeeze %dma_start3A_722 : memref<1x128x4xf32, #tpu.memory_space<hbm>> -> memref<128x4xf32, #tpu.memory_space<hbm>>
        %dma_start3A_724 = arith.constant 0 : i32
        %dma_start3A_725 = tpu.memref_slice %arg2[%add3A_11, %multiple_of3A_88, %dma_start3A_724] : memref<4x100352x4xf32, #tpu.memory_space<hbm>> -> memref<1x128x4xf32, #tpu.memory_space<hbm>>
        %dma_start3A_726 = tpu.memref_squeeze %dma_start3A_725 : memref<1x128x4xf32, #tpu.memory_space<hbm>> -> memref<128x4xf32, #tpu.memory_space<hbm>>
        tpu.enqueue_dma source(%dma_start3A_726 : memref<128x4xf32, #tpu.memory_space<hbm>>) target(%arg6 : memref<128x4xf32, #tpu.memory_space<vmem>>) target_semaphore(%run_scoped3A : memref<!tpu.dma_semaphore, #tpu.memory_space<semaphore_mem>>)
        %dma_wait3A = arith.constant 0 : i32
        %dma_wait3A_727 = tpu.memref_slice %arg2[%add3A_11, %multiple_of3A_88, %dma_wait3A] : memref<4x100352x4xf32, #tpu.memory_space<hbm>> -> memref<1x128x4xf32, #tpu.memory_space<hbm>>
        %dma_wait3A_728 = tpu.memref_squeeze %dma_wait3A_727 : memref<1x128x4xf32, #tpu.memory_space<hbm>> -> memref<128x4xf32, #tpu.memory_space<hbm>>
        %dma_wait3A_729 = arith.constant 0 : i32
        %dma_wait3A_730 = tpu.memref_slice %arg2[%add3A_11, %multiple_of3A_88, %dma_wait3A_729] : memref<4x100352x4xf32, #tpu.memory_space<hbm>> -> memref<1x128x4xf32, #tpu.memory_space<hbm>>
        %dma_wait3A_731 = tpu.memref_squeeze %dma_wait3A_730 : memref<1x128x4xf32, #tpu.memory_space<hbm>> -> memref<128x4xf32, #tpu.memory_space<hbm>>
        tpu.wait_dma2 semaphore(%run_scoped3A : memref<!tpu.dma_semaphore, #tpu.memory_space<semaphore_mem>>) src(%dma_wait3A_731 : memref<128x4xf32, #tpu.memory_space<hbm>>) dst(%arg6 : memref<128x4xf32, #tpu.memory_space<vmem>>)
        tpu.yield
      }) : () -> ()
      %broadcast_in_dim3A_89 = arith.constant 0 : i32
      %broadcast_in_dim3A_90 = vector.broadcast %broadcast_in_dim3A_89 : i32 to vector<16xi32>
      %add3A_91 = arith.addi %broadcast_in_dim3A_90, %iota3A : vector<16xi32>
      %broadcast_in_dim3A_92 = arith.constant 0 : i32
      %broadcast_in_dim3A_93 = vector.broadcast %broadcast_in_dim3A_92 : i32 to vector<16xi32>
      %gather3A = tpu.vector_load_idx %arg6[%add3A_91, %broadcast_in_dim3A_93] : memref<128x4xf32, #tpu.memory_space<vmem>>[vector<16xi32>, vector<16xi32>], vector<16xf32>,
      %div3A = arith.constant 1.101000e+00 : f32
      %div3A_94 = vector.broadcast %div3A : f32 to vector<16xf32>
      %div3A_95 = arith.divf %gather3A, %div3A_94 : vector<16xf32>
      %add3A_96 = arith.constant 5.000000e-01 : f32
      %add3A_97 = vector.broadcast %add3A_96 : f32 to vector<16xf32>
      %add3A_98 = arith.addf %div3A_95, %add3A_97 : vector<16xf32>
      %jit3A = arith.constant 0.000000e+00 : f32
      %jit3A_99 = arith.constant 9.990000e-01 : f32
      %max3A = vector.broadcast %jit3A : f32 to vector<16xf32>
      %max3A_100 = arith.maximumf %max3A, %add3A_98 : vector<16xf32>
      %min3A = vector.broadcast %jit3A_99 : f32 to vector<16xf32>
      %min3A_101 = arith.minimumf %min3A, %max3A_100 : vector<16xf32>
      %mul3A_102 = arith.constant 3.200000e+01 : f32
      %mul3A_103 = vector.broadcast %mul3A_102 : f32 to vector<16xf32>
      %mul3A_104 = arith.mulf %min3A_101, %mul3A_103 : vector<16xf32>
      %convert_element_type3A_105 = arith.fptosi %mul3A_104 : vector<16xf32> to vector<16xi32>
      %broadcast_in_dim3A_106 = arith.constant 1 : i32
      %broadcast_in_dim3A_107 = vector.broadcast %broadcast_in_dim3A_106 : i32 to vector<16xi32>
      %gather3A_108 = tpu.vector_load_idx %arg6[%add3A_91, %broadcast_in_dim3A_107] : memref<128x4xf32, #tpu.memory_space<vmem>>[vector<16xi32>, vector<16xi32>], vector<16xf32>,
      %div3A_109 = arith.constant 1.101000e+00 : f32
      %div3A_110 = vector.broadcast %div3A_109 : f32 to vector<16xf32>
      %div3A_111 = arith.divf %gather3A_108, %div3A_110 : vector<16xf32>
      %add3A_112 = arith.constant 5.000000e-01 : f32
      %add3A_113 = vector.broadcast %add3A_112 : f32 to vector<16xf32>
      %add3A_114 = arith.addf %div3A_111, %add3A_113 : vector<16xf32>
      %jit3A_115 = arith.constant 0.000000e+00 : f32
      %jit3A_116 = arith.constant 9.990000e-01 : f32
      %max3A_117 = vector.broadcast %jit3A_115 : f32 to vector<16xf32>
      %max3A_118 = arith.maximumf %max3A_117, %add3A_114 : vector<16xf32>
      %min3A_119 = vector.broadcast %jit3A_116 : f32 to vector<16xf32>
      %min3A_120 = arith.minimumf %min3A_119, %max3A_118 : vector<16xf32>
      %mul3A_121 = arith.constant 3.200000e+01 : f32
      %mul3A_122 = vector.broadcast %mul3A_121 : f32 to vector<16xf32>
      %mul3A_123 = arith.mulf %min3A_120, %mul3A_122 : vector<16xf32>
      %convert_element_type3A_124 = arith.fptosi %mul3A_123 : vector<16xf32> to vector<16xi32>
      %broadcast_in_dim3A_125 = arith.constant 2 : i32
      %broadcast_in_dim3A_126 = vector.broadcast %broadcast_in_dim3A_125 : i32 to vector<16xi32>
      %gather3A_127 = tpu.vector_load_idx %arg6[%add3A_91, %broadcast_in_dim3A_126] : memref<128x4xf32, #tpu.memory_space<vmem>>[vector<16xi32>, vector<16xi32>], vector<16xf32>,
      %div3A_128 = arith.constant 1.101000e+00 : f32
      %div3A_129 = vector.broadcast %div3A_128 : f32 to vector<16xf32>
      %div3A_130 = arith.divf %gather3A_127, %div3A_129 : vector<16xf32>
      %add3A_131 = arith.constant 5.000000e-01 : f32
      %add3A_132 = vector.broadcast %add3A_131 : f32 to vector<16xf32>
      %add3A_133 = arith.addf %div3A_130, %add3A_132 : vector<16xf32>
      %jit3A_134 = arith.constant 0.000000e+00 : f32
      %jit3A_135 = arith.constant 9.990000e-01 : f32
      %max3A_136 = vector.broadcast %jit3A_134 : f32 to vector<16xf32>
      %max3A_137 = arith.maximumf %max3A_136, %add3A_133 : vector<16xf32>
      %min3A_138 = vector.broadcast %jit3A_135 : f32 to vector<16xf32>
      %min3A_139 = arith.minimumf %min3A_138, %max3A_137 : vector<16xf32>
      %mul3A_140 = arith.constant 3.200000e+01 : f32
      %mul3A_141 = vector.broadcast %mul3A_140 : f32 to vector<16xf32>
      %mul3A_142 = arith.mulf %min3A_139, %mul3A_141 : vector<16xf32>
      %convert_element_type3A_143 = arith.fptosi %mul3A_142 : vector<16xf32> to vector<16xi32>
      %mul3A_144 = arith.constant 32 : i32
      %mul3A_145 = vector.broadcast %mul3A_144 : i32 to vector<16xi32>
      %mul3A_146 = arith.muli %mul3A_145, %convert_element_type3A_143 : vector<16xi32>
      %add3A_147 = arith.addi %convert_element_type3A_124, %mul3A_146 : vector<16xi32>
      %mul3A_148 = arith.constant 32 : i32
      %mul3A_149 = vector.broadcast %mul3A_148 : i32 to vector<16xi32>
      %mul3A_150 = arith.muli %mul3A_149, %add3A_147 : vector<16xi32>
      %add3A_151 = arith.addi %convert_element_type3A_105, %mul3A_150 : vector<16xi32>
      %add3A_152 = arith.constant 0 : i32
      %add3A_153 = arith.addi %multiple_of3A_88, %add3A_152 : i32
      %broadcast_in_dim3A_154 = vector.broadcast %add3A_153 : i32 to vector<16xi32>
      %add3A_155 = arith.addi %broadcast_in_dim3A_154, %iota3A : vector<16xi32>
      %lt3A = arith.constant 100000 : i32
      %lt3A_156 = vector.broadcast %lt3A : i32 to vector<16xi32>
      %lt3A_157 = arith.cmpi slt, %add3A_155, %lt3A_156 : vector<16xi32>
      %jit3A_158 = arith.constant 32768 : i32
      %broadcast_in_dim3A_159 = vector.broadcast %jit3A_158 : i32 to vector<16xi32>
      %select_n3A = arith.select %lt3A_157, %add3A_151, %broadcast_in_dim3A_159 : vector<16xi1>, vector<16xi32>
      %swap3A = arith.constant 0 : index
      %swap3A_160 = tpu.vector_load %arg8[%swap3A] {strides = array<i32>} : memref<128xi32, #tpu.memory_space<vmem>>, vector<16xi32>,
      tpu.vector_store %arg8[%swap3A], %select_n3A {strides = array<i32>} : memref<128xi32, #tpu.memory_space<vmem>>, vector<16xi32>,
      %broadcast_in_dim3A_161 = arith.constant 16 : i32
      %broadcast_in_dim3A_162 = vector.broadcast %broadcast_in_dim3A_161 : i32 to vector<16xi32>
      %add3A_163 = arith.addi %broadcast_in_dim3A_162, %iota3A : vector<16xi32>
      %broadcast_in_dim3A_164 = arith.constant 0 : i32
      %broadcast_in_dim3A_165 = vector.broadcast %broadcast_in_dim3A_164 : i32 to vector<16xi32>
      %gather3A_166 = tpu.vector_load_idx %arg6[%add3A_163, %broadcast_in_dim3A_165] : memref<128x4xf32, #tpu.memory_space<vmem>>[vector<16xi32>, vector<16xi32>], vector<16xf32>,
      %div3A_167 = arith.constant 1.101000e+00 : f32
      %div3A_168 = vector.broadcast %div3A_167 : f32 to vector<16xf32>
      %div3A_169 = arith.divf %gather3A_166, %div3A_168 : vector<16xf32>
      %add3A_170 = arith.constant 5.000000e-01 : f32
      %add3A_171 = vector.broadcast %add3A_170 : f32 to vector<16xf32>
      %add3A_172 = arith.addf %div3A_169, %add3A_171 : vector<16xf32>
      %jit3A_173 = arith.constant 0.000000e+00 : f32
      %jit3A_174 = arith.constant 9.990000e-01 : f32
      %max3A_175 = vector.broadcast %jit3A_173 : f32 to vector<16xf32>
      %max3A_176 = arith.maximumf %max3A_175, %add3A_172 : vector<16xf32>
      %min3A_177 = vector.broadcast %jit3A_174 : f32 to vector<16xf32>
      %min3A_178 = arith.minimumf %min3A_177, %max3A_176 : vector<16xf32>
      %mul3A_179 = arith.constant 3.200000e+01 : f32
      %mul3A_180 = vector.broadcast %mul3A_179 : f32 to vector<16xf32>
      %mul3A_181 = arith.mulf %min3A_178, %mul3A_180 : vector<16xf32>
      %convert_element_type3A_182 = arith.fptosi %mul3A_181 : vector<16xf32> to vector<16xi32>
      %broadcast_in_dim3A_183 = arith.constant 1 : i32
      %broadcast_in_dim3A_184 = vector.broadcast %broadcast_in_dim3A_183 : i32 to vector<16xi32>
      %gather3A_185 = tpu.vector_load_idx %arg6[%add3A_163, %broadcast_in_dim3A_184] : memref<128x4xf32, #tpu.memory_space<vmem>>[vector<16xi32>, vector<16xi32>], vector<16xf32>,
      %div3A_186 = arith.constant 1.101000e+00 : f32
      %div3A_187 = vector.broadcast %div3A_186 : f32 to vector<16xf32>
      %div3A_188 = arith.divf %gather3A_185, %div3A_187 : vector<16xf32>
      %add3A_189 = arith.constant 5.000000e-01 : f32
      %add3A_190 = vector.broadcast %add3A_189 : f32 to vector<16xf32>
      %add3A_191 = arith.addf %div3A_188, %add3A_190 : vector<16xf32>
      %jit3A_192 = arith.constant 0.000000e+00 : f32
      %jit3A_193 = arith.constant 9.990000e-01 : f32
      %max3A_194 = vector.broadcast %jit3A_192 : f32 to vector<16xf32>
      %max3A_195 = arith.maximumf %max3A_194, %add3A_191 : vector<16xf32>
      %min3A_196 = vector.broadcast %jit3A_193 : f32 to vector<16xf32>
      %min3A_197 = arith.minimumf %min3A_196, %max3A_195 : vector<16xf32>
      %mul3A_198 = arith.constant 3.200000e+01 : f32
      %mul3A_199 = vector.broadcast %mul3A_198 : f32 to vector<16xf32>
      %mul3A_200 = arith.mulf %min3A_197, %mul3A_199 : vector<16xf32>
      %convert_element_type3A_201 = arith.fptosi %mul3A_200 : vector<16xf32> to vector<16xi32>
      %broadcast_in_dim3A_202 = arith.constant 2 : i32
      %broadcast_in_dim3A_203 = vector.broadcast %broadcast_in_dim3A_202 : i32 to vector<16xi32>
      %gather3A_204 = tpu.vector_load_idx %arg6[%add3A_163, %broadcast_in_dim3A_203] : memref<128x4xf32, #tpu.memory_space<vmem>>[vector<16xi32>, vector<16xi32>], vector<16xf32>,
      %div3A_205 = arith.constant 1.101000e+00 : f32
      %div3A_206 = vector.broadcast %div3A_205 : f32 to vector<16xf32>
      %div3A_207 = arith.divf %gather3A_204, %div3A_206 : vector<16xf32>
      %add3A_208 = arith.constant 5.000000e-01 : f32
      %add3A_209 = vector.broadcast %add3A_208 : f32 to vector<16xf32>
      %add3A_210 = arith.addf %div3A_207, %add3A_209 : vector<16xf32>
      %jit3A_211 = arith.constant 0.000000e+00 : f32
      %jit3A_212 = arith.constant 9.990000e-01 : f32
      %max3A_213 = vector.broadcast %jit3A_211 : f32 to vector<16xf32>
      %max3A_214 = arith.maximumf %max3A_213, %add3A_210 : vector<16xf32>
      %min3A_215 = vector.broadcast %jit3A_212 : f32 to vector<16xf32>
      %min3A_216 = arith.minimumf %min3A_215, %max3A_214 : vector<16xf32>
      %mul3A_217 = arith.constant 3.200000e+01 : f32
      %mul3A_218 = vector.broadcast %mul3A_217 : f32 to vector<16xf32>
      %mul3A_219 = arith.mulf %min3A_216, %mul3A_218 : vector<16xf32>
      %convert_element_type3A_220 = arith.fptosi %mul3A_219 : vector<16xf32> to vector<16xi32>
      %mul3A_221 = arith.constant 32 : i32
      %mul3A_222 = vector.broadcast %mul3A_221 : i32 to vector<16xi32>
      %mul3A_223 = arith.muli %mul3A_222, %convert_element_type3A_220 : vector<16xi32>
      %add3A_224 = arith.addi %convert_element_type3A_201, %mul3A_223 : vector<16xi32>
      %mul3A_225 = arith.constant 32 : i32
      %mul3A_226 = vector.broadcast %mul3A_225 : i32 to vector<16xi32>
      %mul3A_227 = arith.muli %mul3A_226, %add3A_224 : vector<16xi32>
      %add3A_228 = arith.addi %convert_element_type3A_182, %mul3A_227 : vector<16xi32>
      %add3A_229 = arith.constant 16 : i32
      %add3A_230 = arith.addi %multiple_of3A_88, %add3A_229 : i32
      %broadcast_in_dim3A_231 = vector.broadcast %add3A_230 : i32 to vector<16xi32>
      %add3A_232 = arith.addi %broadcast_in_dim3A_231, %iota3A : vector<16xi32>
      %lt3A_233 = arith.constant 100000 : i32
      %lt3A_234 = vector.broadcast %lt3A_233 : i32 to vector<16xi32>
      %lt3A_235 = arith.cmpi slt, %add3A_232, %lt3A_234 : vector<16xi32>
      %jit3A_236 = arith.constant 32768 : i32
      %broadcast_in_dim3A_237 = vector.broadcast %jit3A_236 : i32 to vector<16xi32>
      %select_n3A_238 = arith.select %lt3A_235, %add3A_228, %broadcast_in_dim3A_237 : vector<16xi1>, vector<16xi32>
      %swap3A_239 = arith.constant 16 : index
      %swap3A_240 = tpu.vector_load %arg8[%swap3A_239] {strides = array<i32>} : memref<128xi32, #tpu.memory_space<vmem>>, vector<16xi32>,
      tpu.vector_store %arg8[%swap3A_239], %select_n3A_238 {strides = array<i32>} : memref<128xi32, #tpu.memory_space<vmem>>, vector<16xi32>,
      %broadcast_in_dim3A_241 = arith.constant 32 : i32
      %broadcast_in_dim3A_242 = vector.broadcast %broadcast_in_dim3A_241 : i32 to vector<16xi32>
      %add3A_243 = arith.addi %broadcast_in_dim3A_242, %iota3A : vector<16xi32>
      %broadcast_in_dim3A_244 = arith.constant 0 : i32
      %broadcast_in_dim3A_245 = vector.broadcast %broadcast_in_dim3A_244 : i32 to vector<16xi32>
      %gather3A_246 = tpu.vector_load_idx %arg6[%add3A_243, %broadcast_in_dim3A_245] : memref<128x4xf32, #tpu.memory_space<vmem>>[vector<16xi32>, vector<16xi32>], vector<16xf32>,
      %div3A_247 = arith.constant 1.101000e+00 : f32
      %div3A_248 = vector.broadcast %div3A_247 : f32 to vector<16xf32>
      %div3A_249 = arith.divf %gather3A_246, %div3A_248 : vector<16xf32>
      %add3A_250 = arith.constant 5.000000e-01 : f32
      %add3A_251 = vector.broadcast %add3A_250 : f32 to vector<16xf32>
      %add3A_252 = arith.addf %div3A_249, %add3A_251 : vector<16xf32>
      %jit3A_253 = arith.constant 0.000000e+00 : f32
      %jit3A_254 = arith.constant 9.990000e-01 : f32
      %max3A_255 = vector.broadcast %jit3A_253 : f32 to vector<16xf32>
      %max3A_256 = arith.maximumf %max3A_255, %add3A_252 : vector<16xf32>
      %min3A_257 = vector.broadcast %jit3A_254 : f32 to vector<16xf32>
      %min3A_258 = arith.minimumf %min3A_257, %max3A_256 : vector<16xf32>
      %mul3A_259 = arith.constant 3.200000e+01 : f32
      %mul3A_260 = vector.broadcast %mul3A_259 : f32 to vector<16xf32>
      %mul3A_261 = arith.mulf %min3A_258, %mul3A_260 : vector<16xf32>
      %convert_element_type3A_262 = arith.fptosi %mul3A_261 : vector<16xf32> to vector<16xi32>
      %broadcast_in_dim3A_263 = arith.constant 1 : i32
      %broadcast_in_dim3A_264 = vector.broadcast %broadcast_in_dim3A_263 : i32 to vector<16xi32>
      %gather3A_265 = tpu.vector_load_idx %arg6[%add3A_243, %broadcast_in_dim3A_264] : memref<128x4xf32, #tpu.memory_space<vmem>>[vector<16xi32>, vector<16xi32>], vector<16xf32>,
      %div3A_266 = arith.constant 1.101000e+00 : f32
      %div3A_267 = vector.broadcast %div3A_266 : f32 to vector<16xf32>
      %div3A_268 = arith.divf %gather3A_265, %div3A_267 : vector<16xf32>
      %add3A_269 = arith.constant 5.000000e-01 : f32
      %add3A_270 = vector.broadcast %add3A_269 : f32 to vector<16xf32>
      %add3A_271 = arith.addf %div3A_268, %add3A_270 : vector<16xf32>
      %jit3A_272 = arith.constant 0.000000e+00 : f32
      %jit3A_273 = arith.constant 9.990000e-01 : f32
      %max3A_274 = vector.broadcast %jit3A_272 : f32 to vector<16xf32>
      %max3A_275 = arith.maximumf %max3A_274, %add3A_271 : vector<16xf32>
      %min3A_276 = vector.broadcast %jit3A_273 : f32 to vector<16xf32>
      %min3A_277 = arith.minimumf %min3A_276, %max3A_275 : vector<16xf32>
      %mul3A_278 = arith.constant 3.200000e+01 : f32
      %mul3A_279 = vector.broadcast %mul3A_278 : f32 to vector<16xf32>
      %mul3A_280 = arith.mulf %min3A_277, %mul3A_279 : vector<16xf32>
      %convert_element_type3A_281 = arith.fptosi %mul3A_280 : vector<16xf32> to vector<16xi32>
      %broadcast_in_dim3A_282 = arith.constant 2 : i32
      %broadcast_in_dim3A_283 = vector.broadcast %broadcast_in_dim3A_282 : i32 to vector<16xi32>
      %gather3A_284 = tpu.vector_load_idx %arg6[%add3A_243, %broadcast_in_dim3A_283] : memref<128x4xf32, #tpu.memory_space<vmem>>[vector<16xi32>, vector<16xi32>], vector<16xf32>,
      %div3A_285 = arith.constant 1.101000e+00 : f32
      %div3A_286 = vector.broadcast %div3A_285 : f32 to vector<16xf32>
      %div3A_287 = arith.divf %gather3A_284, %div3A_286 : vector<16xf32>
      %add3A_288 = arith.constant 5.000000e-01 : f32
      %add3A_289 = vector.broadcast %add3A_288 : f32 to vector<16xf32>
      %add3A_290 = arith.addf %div3A_287, %add3A_289 : vector<16xf32>
      %jit3A_291 = arith.constant 0.000000e+00 : f32
      %jit3A_292 = arith.constant 9.990000e-01 : f32
      %max3A_293 = vector.broadcast %jit3A_291 : f32 to vector<16xf32>
      %max3A_294 = arith.maximumf %max3A_293, %add3A_290 : vector<16xf32>
      %min3A_295 = vector.broadcast %jit3A_292 : f32 to vector<16xf32>
      %min3A_296 = arith.minimumf %min3A_295, %max3A_294 : vector<16xf32>
      %mul3A_297 = arith.constant 3.200000e+01 : f32
      %mul3A_298 = vector.broadcast %mul3A_297 : f32 to vector<16xf32>
      %mul3A_299 = arith.mulf %min3A_296, %mul3A_298 : vector<16xf32>
      %convert_element_type3A_300 = arith.fptosi %mul3A_299 : vector<16xf32> to vector<16xi32>
      %mul3A_301 = arith.constant 32 : i32
      %mul3A_302 = vector.broadcast %mul3A_301 : i32 to vector<16xi32>
      %mul3A_303 = arith.muli %mul3A_302, %convert_element_type3A_300 : vector<16xi32>
      %add3A_304 = arith.addi %convert_element_type3A_281, %mul3A_303 : vector<16xi32>
      %mul3A_305 = arith.constant 32 : i32
      %mul3A_306 = vector.broadcast %mul3A_305 : i32 to vector<16xi32>
      %mul3A_307 = arith.muli %mul3A_306, %add3A_304 : vector<16xi32>
      %add3A_308 = arith.addi %convert_element_type3A_262, %mul3A_307 : vector<16xi32>
      %add3A_309 = arith.constant 32 : i32
      %add3A_310 = arith.addi %multiple_of3A_88, %add3A_309 : i32
      %broadcast_in_dim3A_311 = vector.broadcast %add3A_310 : i32 to vector<16xi32>
      %add3A_312 = arith.addi %broadcast_in_dim3A_311, %iota3A : vector<16xi32>
      %lt3A_313 = arith.constant 100000 : i32
      %lt3A_314 = vector.broadcast %lt3A_313 : i32 to vector<16xi32>
      %lt3A_315 = arith.cmpi slt, %add3A_312, %lt3A_314 : vector<16xi32>
      %jit3A_316 = arith.constant 32768 : i32
      %broadcast_in_dim3A_317 = vector.broadcast %jit3A_316 : i32 to vector<16xi32>
      %select_n3A_318 = arith.select %lt3A_315, %add3A_308, %broadcast_in_dim3A_317 : vector<16xi1>, vector<16xi32>
      %swap3A_319 = arith.constant 32 : index
      %swap3A_320 = tpu.vector_load %arg8[%swap3A_319] {strides = array<i32>} : memref<128xi32, #tpu.memory_space<vmem>>, vector<16xi32>,
      tpu.vector_store %arg8[%swap3A_319], %select_n3A_318 {strides = array<i32>} : memref<128xi32, #tpu.memory_space<vmem>>, vector<16xi32>,
      %broadcast_in_dim3A_321 = arith.constant 48 : i32
      %broadcast_in_dim3A_322 = vector.broadcast %broadcast_in_dim3A_321 : i32 to vector<16xi32>
      %add3A_323 = arith.addi %broadcast_in_dim3A_322, %iota3A : vector<16xi32>
      %broadcast_in_dim3A_324 = arith.constant 0 : i32
      %broadcast_in_dim3A_325 = vector.broadcast %broadcast_in_dim3A_324 : i32 to vector<16xi32>
      %gather3A_326 = tpu.vector_load_idx %arg6[%add3A_323, %broadcast_in_dim3A_325] : memref<128x4xf32, #tpu.memory_space<vmem>>[vector<16xi32>, vector<16xi32>], vector<16xf32>,
      %div3A_327 = arith.constant 1.101000e+00 : f32
      %div3A_328 = vector.broadcast %div3A_327 : f32 to vector<16xf32>
      %div3A_329 = arith.divf %gather3A_326, %div3A_328 : vector<16xf32>
      %add3A_330 = arith.constant 5.000000e-01 : f32
      %add3A_331 = vector.broadcast %add3A_330 : f32 to vector<16xf32>
      %add3A_332 = arith.addf %div3A_329, %add3A_331 : vector<16xf32>
      %jit3A_333 = arith.constant 0.000000e+00 : f32
      %jit3A_334 = arith.constant 9.990000e-01 : f32
      %max3A_335 = vector.broadcast %jit3A_333 : f32 to vector<16xf32>
      %max3A_336 = arith.maximumf %max3A_335, %add3A_332 : vector<16xf32>
      %min3A_337 = vector.broadcast %jit3A_334 : f32 to vector<16xf32>
      %min3A_338 = arith.minimumf %min3A_337, %max3A_336 : vector<16xf32>
      %mul3A_339 = arith.constant 3.200000e+01 : f32
      %mul3A_340 = vector.broadcast %mul3A_339 : f32 to vector<16xf32>
      %mul3A_341 = arith.mulf %min3A_338, %mul3A_340 : vector<16xf32>
      %convert_element_type3A_342 = arith.fptosi %mul3A_341 : vector<16xf32> to vector<16xi32>
      %broadcast_in_dim3A_343 = arith.constant 1 : i32
      %broadcast_in_dim3A_344 = vector.broadcast %broadcast_in_dim3A_343 : i32 to vector<16xi32>
      %gather3A_345 = tpu.vector_load_idx %arg6[%add3A_323, %broadcast_in_dim3A_344] : memref<128x4xf32, #tpu.memory_space<vmem>>[vector<16xi32>, vector<16xi32>], vector<16xf32>,
      %div3A_346 = arith.constant 1.101000e+00 : f32
      %div3A_347 = vector.broadcast %div3A_346 : f32 to vector<16xf32>
      %div3A_348 = arith.divf %gather3A_345, %div3A_347 : vector<16xf32>
      %add3A_349 = arith.constant 5.000000e-01 : f32
      %add3A_350 = vector.broadcast %add3A_349 : f32 to vector<16xf32>
      %add3A_351 = arith.addf %div3A_348, %add3A_350 : vector<16xf32>
      %jit3A_352 = arith.constant 0.000000e+00 : f32
      %jit3A_353 = arith.constant 9.990000e-01 : f32
      %max3A_354 = vector.broadcast %jit3A_352 : f32 to vector<16xf32>
      %max3A_355 = arith.maximumf %max3A_354, %add3A_351 : vector<16xf32>
      %min3A_356 = vector.broadcast %jit3A_353 : f32 to vector<16xf32>
      %min3A_357 = arith.minimumf %min3A_356, %max3A_355 : vector<16xf32>
      %mul3A_358 = arith.constant 3.200000e+01 : f32
      %mul3A_359 = vector.broadcast %mul3A_358 : f32 to vector<16xf32>
      %mul3A_360 = arith.mulf %min3A_357, %mul3A_359 : vector<16xf32>
      %convert_element_type3A_361 = arith.fptosi %mul3A_360 : vector<16xf32> to vector<16xi32>
      %broadcast_in_dim3A_362 = arith.constant 2 : i32
      %broadcast_in_dim3A_363 = vector.broadcast %broadcast_in_dim3A_362 : i32 to vector<16xi32>
      %gather3A_364 = tpu.vector_load_idx %arg6[%add3A_323, %broadcast_in_dim3A_363] : memref<128x4xf32, #tpu.memory_space<vmem>>[vector<16xi32>, vector<16xi32>], vector<16xf32>,
      %div3A_365 = arith.constant 1.101000e+00 : f32
      %div3A_366 = vector.broadcast %div3A_365 : f32 to vector<16xf32>
      %div3A_367 = arith.divf %gather3A_364, %div3A_366 : vector<16xf32>
      %add3A_368 = arith.constant 5.000000e-01 : f32
      %add3A_369 = vector.broadcast %add3A_368 : f32 to vector<16xf32>
      %add3A_370 = arith.addf %div3A_367, %add3A_369 : vector<16xf32>
      %jit3A_371 = arith.constant 0.000000e+00 : f32
      %jit3A_372 = arith.constant 9.990000e-01 : f32
      %max3A_373 = vector.broadcast %jit3A_371 : f32 to vector<16xf32>
      %max3A_374 = arith.maximumf %max3A_373, %add3A_370 : vector<16xf32>
      %min3A_375 = vector.broadcast %jit3A_372 : f32 to vector<16xf32>
      %min3A_376 = arith.minimumf %min3A_375, %max3A_374 : vector<16xf32>
      %mul3A_377 = arith.constant 3.200000e+01 : f32
      %mul3A_378 = vector.broadcast %mul3A_377 : f32 to vector<16xf32>
      %mul3A_379 = arith.mulf %min3A_376, %mul3A_378 : vector<16xf32>
      %convert_element_type3A_380 = arith.fptosi %mul3A_379 : vector<16xf32> to vector<16xi32>
      %mul3A_381 = arith.constant 32 : i32
      %mul3A_382 = vector.broadcast %mul3A_381 : i32 to vector<16xi32>
      %mul3A_383 = arith.muli %mul3A_382, %convert_element_type3A_380 : vector<16xi32>
      %add3A_384 = arith.addi %convert_element_type3A_361, %mul3A_383 : vector<16xi32>
      %mul3A_385 = arith.constant 32 : i32
      %mul3A_386 = vector.broadcast %mul3A_385 : i32 to vector<16xi32>
      %mul3A_387 = arith.muli %mul3A_386, %add3A_384 : vector<16xi32>
      %add3A_388 = arith.addi %convert_element_type3A_342, %mul3A_387 : vector<16xi32>
      %add3A_389 = arith.constant 48 : i32
      %add3A_390 = arith.addi %multiple_of3A_88, %add3A_389 : i32
      %broadcast_in_dim3A_391 = vector.broadcast %add3A_390 : i32 to vector<16xi32>
      %add3A_392 = arith.addi %broadcast_in_dim3A_391, %iota3A : vector<16xi32>
      %lt3A_393 = arith.constant 100000 : i32
      %lt3A_394 = vector.broadcast %lt3A_393 : i32 to vector<16xi32>
      %lt3A_395 = arith.cmpi slt, %add3A_392, %lt3A_394 : vector<16xi32>
      %jit3A_396 = arith.constant 32768 : i32
      %broadcast_in_dim3A_397 = vector.broadcast %jit3A_396 : i32 to vector<16xi32>
      %select_n3A_398 = arith.select %lt3A_395, %add3A_388, %broadcast_in_dim3A_397 : vector<16xi1>, vector<16xi32>
      %swap3A_399 = arith.constant 48 : index
      %swap3A_400 = tpu.vector_load %arg8[%swap3A_399] {strides = array<i32>} : memref<128xi32, #tpu.memory_space<vmem>>, vector<16xi32>,
      tpu.vector_store %arg8[%swap3A_399], %select_n3A_398 {strides = array<i32>} : memref<128xi32, #tpu.memory_space<vmem>>, vector<16xi32>,
      %broadcast_in_dim3A_401 = arith.constant 64 : i32
      %broadcast_in_dim3A_402 = vector.broadcast %broadcast_in_dim3A_401 : i32 to vector<16xi32>
      %add3A_403 = arith.addi %broadcast_in_dim3A_402, %iota3A : vector<16xi32>
      %broadcast_in_dim3A_404 = arith.constant 0 : i32
      %broadcast_in_dim3A_405 = vector.broadcast %broadcast_in_dim3A_404 : i32 to vector<16xi32>
      %gather3A_406 = tpu.vector_load_idx %arg6[%add3A_403, %broadcast_in_dim3A_405] : memref<128x4xf32, #tpu.memory_space<vmem>>[vector<16xi32>, vector<16xi32>], vector<16xf32>,
      %div3A_407 = arith.constant 1.101000e+00 : f32
      %div3A_408 = vector.broadcast %div3A_407 : f32 to vector<16xf32>
      %div3A_409 = arith.divf %gather3A_406, %div3A_408 : vector<16xf32>
      %add3A_410 = arith.constant 5.000000e-01 : f32
      %add3A_411 = vector.broadcast %add3A_410 : f32 to vector<16xf32>
      %add3A_412 = arith.addf %div3A_409, %add3A_411 : vector<16xf32>
      %jit3A_413 = arith.constant 0.000000e+00 : f32
      %jit3A_414 = arith.constant 9.990000e-01 : f32
      %max3A_415 = vector.broadcast %jit3A_413 : f32 to vector<16xf32>
      %max3A_416 = arith.maximumf %max3A_415, %add3A_412 : vector<16xf32>
      %min3A_417 = vector.broadcast %jit3A_414 : f32 to vector<16xf32>
      %min3A_418 = arith.minimumf %min3A_417, %max3A_416 : vector<16xf32>
      %mul3A_419 = arith.constant 3.200000e+01 : f32
      %mul3A_420 = vector.broadcast %mul3A_419 : f32 to vector<16xf32>
      %mul3A_421 = arith.mulf %min3A_418, %mul3A_420 : vector<16xf32>
      %convert_element_type3A_422 = arith.fptosi %mul3A_421 : vector<16xf32> to vector<16xi32>
      %broadcast_in_dim3A_423 = arith.constant 1 : i32
      %broadcast_in_dim3A_424 = vector.broadcast %broadcast_in_dim3A_423 : i32 to vector<16xi32>
      %gather3A_425 = tpu.vector_load_idx %arg6[%add3A_403, %broadcast_in_dim3A_424] : memref<128x4xf32, #tpu.memory_space<vmem>>[vector<16xi32>, vector<16xi32>], vector<16xf32>,
      %div3A_426 = arith.constant 1.101000e+00 : f32
      %div3A_427 = vector.broadcast %div3A_426 : f32 to vector<16xf32>
      %div3A_428 = arith.divf %gather3A_425, %div3A_427 : vector<16xf32>
      %add3A_429 = arith.constant 5.000000e-01 : f32
      %add3A_430 = vector.broadcast %add3A_429 : f32 to vector<16xf32>
      %add3A_431 = arith.addf %div3A_428, %add3A_430 : vector<16xf32>
      %jit3A_432 = arith.constant 0.000000e+00 : f32
      %jit3A_433 = arith.constant 9.990000e-01 : f32
      %max3A_434 = vector.broadcast %jit3A_432 : f32 to vector<16xf32>
      %max3A_435 = arith.maximumf %max3A_434, %add3A_431 : vector<16xf32>
      %min3A_436 = vector.broadcast %jit3A_433 : f32 to vector<16xf32>
      %min3A_437 = arith.minimumf %min3A_436, %max3A_435 : vector<16xf32>
      %mul3A_438 = arith.constant 3.200000e+01 : f32
      %mul3A_439 = vector.broadcast %mul3A_438 : f32 to vector<16xf32>
      %mul3A_440 = arith.mulf %min3A_437, %mul3A_439 : vector<16xf32>
      %convert_element_type3A_441 = arith.fptosi %mul3A_440 : vector<16xf32> to vector<16xi32>
      %broadcast_in_dim3A_442 = arith.constant 2 : i32
      %broadcast_in_dim3A_443 = vector.broadcast %broadcast_in_dim3A_442 : i32 to vector<16xi32>
      %gather3A_444 = tpu.vector_load_idx %arg6[%add3A_403, %broadcast_in_dim3A_443] : memref<128x4xf32, #tpu.memory_space<vmem>>[vector<16xi32>, vector<16xi32>], vector<16xf32>,
      %div3A_445 = arith.constant 1.101000e+00 : f32
      %div3A_446 = vector.broadcast %div3A_445 : f32 to vector<16xf32>
      %div3A_447 = arith.divf %gather3A_444, %div3A_446 : vector<16xf32>
      %add3A_448 = arith.constant 5.000000e-01 : f32
      %add3A_449 = vector.broadcast %add3A_448 : f32 to vector<16xf32>
      %add3A_450 = arith.addf %div3A_447, %add3A_449 : vector<16xf32>
      %jit3A_451 = arith.constant 0.000000e+00 : f32
      %jit3A_452 = arith.constant 9.990000e-01 : f32
      %max3A_453 = vector.broadcast %jit3A_451 : f32 to vector<16xf32>
      %max3A_454 = arith.maximumf %max3A_453, %add3A_450 : vector<16xf32>
      %min3A_455 = vector.broadcast %jit3A_452 : f32 to vector<16xf32>
      %min3A_456 = arith.minimumf %min3A_455, %max3A_454 : vector<16xf32>
      %mul3A_457 = arith.constant 3.200000e+01 : f32
      %mul3A_458 = vector.broadcast %mul3A_457 : f32 to vector<16xf32>
      %mul3A_459 = arith.mulf %min3A_456, %mul3A_458 : vector<16xf32>
      %convert_element_type3A_460 = arith.fptosi %mul3A_459 : vector<16xf32> to vector<16xi32>
      %mul3A_461 = arith.constant 32 : i32
      %mul3A_462 = vector.broadcast %mul3A_461 : i32 to vector<16xi32>
      %mul3A_463 = arith.muli %mul3A_462, %convert_element_type3A_460 : vector<16xi32>
      %add3A_464 = arith.addi %convert_element_type3A_441, %mul3A_463 : vector<16xi32>
      %mul3A_465 = arith.constant 32 : i32
      %mul3A_466 = vector.broadcast %mul3A_465 : i32 to vector<16xi32>
      %mul3A_467 = arith.muli %mul3A_466, %add3A_464 : vector<16xi32>
      %add3A_468 = arith.addi %convert_element_type3A_422, %mul3A_467 : vector<16xi32>
      %add3A_469 = arith.constant 64 : i32
      %add3A_470 = arith.addi %multiple_of3A_88, %add3A_469 : i32
      %broadcast_in_dim3A_471 = vector.broadcast %add3A_470 : i32 to vector<16xi32>
      %add3A_472 = arith.addi %broadcast_in_dim3A_471, %iota3A : vector<16xi32>
      %lt3A_473 = arith.constant 100000 : i32
      %lt3A_474 = vector.broadcast %lt3A_473 : i32 to vector<16xi32>
      %lt3A_475 = arith.cmpi slt, %add3A_472, %lt3A_474 : vector<16xi32>
      %jit3A_476 = arith.constant 32768 : i32
      %broadcast_in_dim3A_477 = vector.broadcast %jit3A_476 : i32 to vector<16xi32>
      %select_n3A_478 = arith.select %lt3A_475, %add3A_468, %broadcast_in_dim3A_477 : vector<16xi1>, vector<16xi32>
      %swap3A_479 = arith.constant 64 : index
      %swap3A_480 = tpu.vector_load %arg8[%swap3A_479] {strides = array<i32>} : memref<128xi32, #tpu.memory_space<vmem>>, vector<16xi32>,
      tpu.vector_store %arg8[%swap3A_479], %select_n3A_478 {strides = array<i32>} : memref<128xi32, #tpu.memory_space<vmem>>, vector<16xi32>,
      %broadcast_in_dim3A_481 = arith.constant 80 : i32
      %broadcast_in_dim3A_482 = vector.broadcast %broadcast_in_dim3A_481 : i32 to vector<16xi32>
      %add3A_483 = arith.addi %broadcast_in_dim3A_482, %iota3A : vector<16xi32>
      %broadcast_in_dim3A_484 = arith.constant 0 : i32
      %broadcast_in_dim3A_485 = vector.broadcast %broadcast_in_dim3A_484 : i32 to vector<16xi32>
      %gather3A_486 = tpu.vector_load_idx %arg6[%add3A_483, %broadcast_in_dim3A_485] : memref<128x4xf32, #tpu.memory_space<vmem>>[vector<16xi32>, vector<16xi32>], vector<16xf32>,
      %div3A_487 = arith.constant 1.101000e+00 : f32
      %div3A_488 = vector.broadcast %div3A_487 : f32 to vector<16xf32>
      %div3A_489 = arith.divf %gather3A_486, %div3A_488 : vector<16xf32>
      %add3A_490 = arith.constant 5.000000e-01 : f32
      %add3A_491 = vector.broadcast %add3A_490 : f32 to vector<16xf32>
      %add3A_492 = arith.addf %div3A_489, %add3A_491 : vector<16xf32>
      %jit3A_493 = arith.constant 0.000000e+00 : f32
      %jit3A_494 = arith.constant 9.990000e-01 : f32
      %max3A_495 = vector.broadcast %jit3A_493 : f32 to vector<16xf32>
      %max3A_496 = arith.maximumf %max3A_495, %add3A_492 : vector<16xf32>
      %min3A_497 = vector.broadcast %jit3A_494 : f32 to vector<16xf32>
      %min3A_498 = arith.minimumf %min3A_497, %max3A_496 : vector<16xf32>
      %mul3A_499 = arith.constant 3.200000e+01 : f32
      %mul3A_500 = vector.broadcast %mul3A_499 : f32 to vector<16xf32>
      %mul3A_501 = arith.mulf %min3A_498, %mul3A_500 : vector<16xf32>
      %convert_element_type3A_502 = arith.fptosi %mul3A_501 : vector<16xf32> to vector<16xi32>
      %broadcast_in_dim3A_503 = arith.constant 1 : i32
      %broadcast_in_dim3A_504 = vector.broadcast %broadcast_in_dim3A_503 : i32 to vector<16xi32>
      %gather3A_505 = tpu.vector_load_idx %arg6[%add3A_483, %broadcast_in_dim3A_504] : memref<128x4xf32, #tpu.memory_space<vmem>>[vector<16xi32>, vector<16xi32>], vector<16xf32>,
      %div3A_506 = arith.constant 1.101000e+00 : f32
      %div3A_507 = vector.broadcast %div3A_506 : f32 to vector<16xf32>
      %div3A_508 = arith.divf %gather3A_505, %div3A_507 : vector<16xf32>
      %add3A_509 = arith.constant 5.000000e-01 : f32
      %add3A_510 = vector.broadcast %add3A_509 : f32 to vector<16xf32>
      %add3A_511 = arith.addf %div3A_508, %add3A_510 : vector<16xf32>
      %jit3A_512 = arith.constant 0.000000e+00 : f32
      %jit3A_513 = arith.constant 9.990000e-01 : f32
      %max3A_514 = vector.broadcast %jit3A_512 : f32 to vector<16xf32>
      %max3A_515 = arith.maximumf %max3A_514, %add3A_511 : vector<16xf32>
      %min3A_516 = vector.broadcast %jit3A_513 : f32 to vector<16xf32>
      %min3A_517 = arith.minimumf %min3A_516, %max3A_515 : vector<16xf32>
      %mul3A_518 = arith.constant 3.200000e+01 : f32
      %mul3A_519 = vector.broadcast %mul3A_518 : f32 to vector<16xf32>
      %mul3A_520 = arith.mulf %min3A_517, %mul3A_519 : vector<16xf32>
      %convert_element_type3A_521 = arith.fptosi %mul3A_520 : vector<16xf32> to vector<16xi32>
      %broadcast_in_dim3A_522 = arith.constant 2 : i32
      %broadcast_in_dim3A_523 = vector.broadcast %broadcast_in_dim3A_522 : i32 to vector<16xi32>
      %gather3A_524 = tpu.vector_load_idx %arg6[%add3A_483, %broadcast_in_dim3A_523] : memref<128x4xf32, #tpu.memory_space<vmem>>[vector<16xi32>, vector<16xi32>], vector<16xf32>,
      %div3A_525 = arith.constant 1.101000e+00 : f32
      %div3A_526 = vector.broadcast %div3A_525 : f32 to vector<16xf32>
      %div3A_527 = arith.divf %gather3A_524, %div3A_526 : vector<16xf32>
      %add3A_528 = arith.constant 5.000000e-01 : f32
      %add3A_529 = vector.broadcast %add3A_528 : f32 to vector<16xf32>
      %add3A_530 = arith.addf %div3A_527, %add3A_529 : vector<16xf32>
      %jit3A_531 = arith.constant 0.000000e+00 : f32
      %jit3A_532 = arith.constant 9.990000e-01 : f32
      %max3A_533 = vector.broadcast %jit3A_531 : f32 to vector<16xf32>
      %max3A_534 = arith.maximumf %max3A_533, %add3A_530 : vector<16xf32>
      %min3A_535 = vector.broadcast %jit3A_532 : f32 to vector<16xf32>
      %min3A_536 = arith.minimumf %min3A_535, %max3A_534 : vector<16xf32>
      %mul3A_537 = arith.constant 3.200000e+01 : f32
      %mul3A_538 = vector.broadcast %mul3A_537 : f32 to vector<16xf32>
      %mul3A_539 = arith.mulf %min3A_536, %mul3A_538 : vector<16xf32>
      %convert_element_type3A_540 = arith.fptosi %mul3A_539 : vector<16xf32> to vector<16xi32>
      %mul3A_541 = arith.constant 32 : i32
      %mul3A_542 = vector.broadcast %mul3A_541 : i32 to vector<16xi32>
      %mul3A_543 = arith.muli %mul3A_542, %convert_element_type3A_540 : vector<16xi32>
      %add3A_544 = arith.addi %convert_element_type3A_521, %mul3A_543 : vector<16xi32>
      %mul3A_545 = arith.constant 32 : i32
      %mul3A_546 = vector.broadcast %mul3A_545 : i32 to vector<16xi32>
      %mul3A_547 = arith.muli %mul3A_546, %add3A_544 : vector<16xi32>
      %add3A_548 = arith.addi %convert_element_type3A_502, %mul3A_547 : vector<16xi32>
      %add3A_549 = arith.constant 80 : i32
      %add3A_550 = arith.addi %multiple_of3A_88, %add3A_549 : i32
      %broadcast_in_dim3A_551 = vector.broadcast %add3A_550 : i32 to vector<16xi32>
      %add3A_552 = arith.addi %broadcast_in_dim3A_551, %iota3A : vector<16xi32>
      %lt3A_553 = arith.constant 100000 : i32
      %lt3A_554 = vector.broadcast %lt3A_553 : i32 to vector<16xi32>
      %lt3A_555 = arith.cmpi slt, %add3A_552, %lt3A_554 : vector<16xi32>
      %jit3A_556 = arith.constant 32768 : i32
      %broadcast_in_dim3A_557 = vector.broadcast %jit3A_556 : i32 to vector<16xi32>
      %select_n3A_558 = arith.select %lt3A_555, %add3A_548, %broadcast_in_dim3A_557 : vector<16xi1>, vector<16xi32>
      %swap3A_559 = arith.constant 80 : index
      %swap3A_560 = tpu.vector_load %arg8[%swap3A_559] {strides = array<i32>} : memref<128xi32, #tpu.memory_space<vmem>>, vector<16xi32>,
      tpu.vector_store %arg8[%swap3A_559], %select_n3A_558 {strides = array<i32>} : memref<128xi32, #tpu.memory_space<vmem>>, vector<16xi32>,
      %broadcast_in_dim3A_561 = arith.constant 96 : i32
      %broadcast_in_dim3A_562 = vector.broadcast %broadcast_in_dim3A_561 : i32 to vector<16xi32>
      %add3A_563 = arith.addi %broadcast_in_dim3A_562, %iota3A : vector<16xi32>
      %broadcast_in_dim3A_564 = arith.constant 0 : i32
      %broadcast_in_dim3A_565 = vector.broadcast %broadcast_in_dim3A_564 : i32 to vector<16xi32>
      %gather3A_566 = tpu.vector_load_idx %arg6[%add3A_563, %broadcast_in_dim3A_565] : memref<128x4xf32, #tpu.memory_space<vmem>>[vector<16xi32>, vector<16xi32>], vector<16xf32>,
      %div3A_567 = arith.constant 1.101000e+00 : f32
      %div3A_568 = vector.broadcast %div3A_567 : f32 to vector<16xf32>
      %div3A_569 = arith.divf %gather3A_566, %div3A_568 : vector<16xf32>
      %add3A_570 = arith.constant 5.000000e-01 : f32
      %add3A_571 = vector.broadcast %add3A_570 : f32 to vector<16xf32>
      %add3A_572 = arith.addf %div3A_569, %add3A_571 : vector<16xf32>
      %jit3A_573 = arith.constant 0.000000e+00 : f32
      %jit3A_574 = arith.constant 9.990000e-01 : f32
      %max3A_575 = vector.broadcast %jit3A_573 : f32 to vector<16xf32>
      %max3A_576 = arith.maximumf %max3A_575, %add3A_572 : vector<16xf32>
      %min3A_577 = vector.broadcast %jit3A_574 : f32 to vector<16xf32>
      %min3A_578 = arith.minimumf %min3A_577, %max3A_576 : vector<16xf32>
      %mul3A_579 = arith.constant 3.200000e+01 : f32
      %mul3A_580 = vector.broadcast %mul3A_579 : f32 to vector<16xf32>
      %mul3A_581 = arith.mulf %min3A_578, %mul3A_580 : vector<16xf32>
      %convert_element_type3A_582 = arith.fptosi %mul3A_581 : vector<16xf32> to vector<16xi32>
      %broadcast_in_dim3A_583 = arith.constant 1 : i32
      %broadcast_in_dim3A_584 = vector.broadcast %broadcast_in_dim3A_583 : i32 to vector<16xi32>
      %gather3A_585 = tpu.vector_load_idx %arg6[%add3A_563, %broadcast_in_dim3A_584] : memref<128x4xf32, #tpu.memory_space<vmem>>[vector<16xi32>, vector<16xi32>], vector<16xf32>,
      %div3A_586 = arith.constant 1.101000e+00 : f32
      %div3A_587 = vector.broadcast %div3A_586 : f32 to vector<16xf32>
      %div3A_588 = arith.divf %gather3A_585, %div3A_587 : vector<16xf32>
      %add3A_589 = arith.constant 5.000000e-01 : f32
      %add3A_590 = vector.broadcast %add3A_589 : f32 to vector<16xf32>
      %add3A_591 = arith.addf %div3A_588, %add3A_590 : vector<16xf32>
      %jit3A_592 = arith.constant 0.000000e+00 : f32
      %jit3A_593 = arith.constant 9.990000e-01 : f32
      %max3A_594 = vector.broadcast %jit3A_592 : f32 to vector<16xf32>
      %max3A_595 = arith.maximumf %max3A_594, %add3A_591 : vector<16xf32>
      %min3A_596 = vector.broadcast %jit3A_593 : f32 to vector<16xf32>
      %min3A_597 = arith.minimumf %min3A_596, %max3A_595 : vector<16xf32>
      %mul3A_598 = arith.constant 3.200000e+01 : f32
      %mul3A_599 = vector.broadcast %mul3A_598 : f32 to vector<16xf32>
      %mul3A_600 = arith.mulf %min3A_597, %mul3A_599 : vector<16xf32>
      %convert_element_type3A_601 = arith.fptosi %mul3A_600 : vector<16xf32> to vector<16xi32>
      %broadcast_in_dim3A_602 = arith.constant 2 : i32
      %broadcast_in_dim3A_603 = vector.broadcast %broadcast_in_dim3A_602 : i32 to vector<16xi32>
      %gather3A_604 = tpu.vector_load_idx %arg6[%add3A_563, %broadcast_in_dim3A_603] : memref<128x4xf32, #tpu.memory_space<vmem>>[vector<16xi32>, vector<16xi32>], vector<16xf32>,
      %div3A_605 = arith.constant 1.101000e+00 : f32
      %div3A_606 = vector.broadcast %div3A_605 : f32 to vector<16xf32>
      %div3A_607 = arith.divf %gather3A_604, %div3A_606 : vector<16xf32>
      %add3A_608 = arith.constant 5.000000e-01 : f32
      %add3A_609 = vector.broadcast %add3A_608 : f32 to vector<16xf32>
      %add3A_610 = arith.addf %div3A_607, %add3A_609 : vector<16xf32>
      %jit3A_611 = arith.constant 0.000000e+00 : f32
      %jit3A_612 = arith.constant 9.990000e-01 : f32
      %max3A_613 = vector.broadcast %jit3A_611 : f32 to vector<16xf32>
      %max3A_614 = arith.maximumf %max3A_613, %add3A_610 : vector<16xf32>
      %min3A_615 = vector.broadcast %jit3A_612 : f32 to vector<16xf32>
      %min3A_616 = arith.minimumf %min3A_615, %max3A_614 : vector<16xf32>
      %mul3A_617 = arith.constant 3.200000e+01 : f32
      %mul3A_618 = vector.broadcast %mul3A_617 : f32 to vector<16xf32>
      %mul3A_619 = arith.mulf %min3A_616, %mul3A_618 : vector<16xf32>
      %convert_element_type3A_620 = arith.fptosi %mul3A_619 : vector<16xf32> to vector<16xi32>
      %mul3A_621 = arith.constant 32 : i32
      %mul3A_622 = vector.broadcast %mul3A_621 : i32 to vector<16xi32>
      %mul3A_623 = arith.muli %mul3A_622, %convert_element_type3A_620 : vector<16xi32>
      %add3A_624 = arith.addi %convert_element_type3A_601, %mul3A_623 : vector<16xi32>
      %mul3A_625 = arith.constant 32 : i32
      %mul3A_626 = vector.broadcast %mul3A_625 : i32 to vector<16xi32>
      %mul3A_627 = arith.muli %mul3A_626, %add3A_624 : vector<16xi32>
      %add3A_628 = arith.addi %convert_element_type3A_582, %mul3A_627 : vector<16xi32>
      %add3A_629 = arith.constant 96 : i32
      %add3A_630 = arith.addi %multiple_of3A_88, %add3A_629 : i32
      %broadcast_in_dim3A_631 = vector.broadcast %add3A_630 : i32 to vector<16xi32>
      %add3A_632 = arith.addi %broadcast_in_dim3A_631, %iota3A : vector<16xi32>
      %lt3A_633 = arith.constant 100000 : i32
      %lt3A_634 = vector.broadcast %lt3A_633 : i32 to vector<16xi32>
      %lt3A_635 = arith.cmpi slt, %add3A_632, %lt3A_634 : vector<16xi32>
      %jit3A_636 = arith.constant 32768 : i32
      %broadcast_in_dim3A_637 = vector.broadcast %jit3A_636 : i32 to vector<16xi32>
      %select_n3A_638 = arith.select %lt3A_635, %add3A_628, %broadcast_in_dim3A_637 : vector<16xi1>, vector<16xi32>
      %swap3A_639 = arith.constant 96 : index
      %swap3A_640 = tpu.vector_load %arg8[%swap3A_639] {strides = array<i32>} : memref<128xi32, #tpu.memory_space<vmem>>, vector<16xi32>,
      tpu.vector_store %arg8[%swap3A_639], %select_n3A_638 {strides = array<i32>} : memref<128xi32, #tpu.memory_space<vmem>>, vector<16xi32>,
      %broadcast_in_dim3A_641 = arith.constant 112 : i32
      %broadcast_in_dim3A_642 = vector.broadcast %broadcast_in_dim3A_641 : i32 to vector<16xi32>
      %add3A_643 = arith.addi %broadcast_in_dim3A_642, %iota3A : vector<16xi32>
      %broadcast_in_dim3A_644 = arith.constant 0 : i32
      %broadcast_in_dim3A_645 = vector.broadcast %broadcast_in_dim3A_644 : i32 to vector<16xi32>
      %gather3A_646 = tpu.vector_load_idx %arg6[%add3A_643, %broadcast_in_dim3A_645] : memref<128x4xf32, #tpu.memory_space<vmem>>[vector<16xi32>, vector<16xi32>], vector<16xf32>,
      %div3A_647 = arith.constant 1.101000e+00 : f32
      %div3A_648 = vector.broadcast %div3A_647 : f32 to vector<16xf32>
      %div3A_649 = arith.divf %gather3A_646, %div3A_648 : vector<16xf32>
      %add3A_650 = arith.constant 5.000000e-01 : f32
      %add3A_651 = vector.broadcast %add3A_650 : f32 to vector<16xf32>
      %add3A_652 = arith.addf %div3A_649, %add3A_651 : vector<16xf32>
      %jit3A_653 = arith.constant 0.000000e+00 : f32
      %jit3A_654 = arith.constant 9.990000e-01 : f32
      %max3A_655 = vector.broadcast %jit3A_653 : f32 to vector<16xf32>
      %max3A_656 = arith.maximumf %max3A_655, %add3A_652 : vector<16xf32>
      %min3A_657 = vector.broadcast %jit3A_654 : f32 to vector<16xf32>
      %min3A_658 = arith.minimumf %min3A_657, %max3A_656 : vector<16xf32>
      %mul3A_659 = arith.constant 3.200000e+01 : f32
      %mul3A_660 = vector.broadcast %mul3A_659 : f32 to vector<16xf32>
      %mul3A_661 = arith.mulf %min3A_658, %mul3A_660 : vector<16xf32>
      %convert_element_type3A_662 = arith.fptosi %mul3A_661 : vector<16xf32> to vector<16xi32>
      %broadcast_in_dim3A_663 = arith.constant 1 : i32
      %broadcast_in_dim3A_664 = vector.broadcast %broadcast_in_dim3A_663 : i32 to vector<16xi32>
      %gather3A_665 = tpu.vector_load_idx %arg6[%add3A_643, %broadcast_in_dim3A_664] : memref<128x4xf32, #tpu.memory_space<vmem>>[vector<16xi32>, vector<16xi32>], vector<16xf32>,
      %div3A_666 = arith.constant 1.101000e+00 : f32
      %div3A_667 = vector.broadcast %div3A_666 : f32 to vector<16xf32>
      %div3A_668 = arith.divf %gather3A_665, %div3A_667 : vector<16xf32>
      %add3A_669 = arith.constant 5.000000e-01 : f32
      %add3A_670 = vector.broadcast %add3A_669 : f32 to vector<16xf32>
      %add3A_671 = arith.addf %div3A_668, %add3A_670 : vector<16xf32>
      %jit3A_672 = arith.constant 0.000000e+00 : f32
      %jit3A_673 = arith.constant 9.990000e-01 : f32
      %max3A_674 = vector.broadcast %jit3A_672 : f32 to vector<16xf32>
      %max3A_675 = arith.maximumf %max3A_674, %add3A_671 : vector<16xf32>
      %min3A_676 = vector.broadcast %jit3A_673 : f32 to vector<16xf32>
      %min3A_677 = arith.minimumf %min3A_676, %max3A_675 : vector<16xf32>
      %mul3A_678 = arith.constant 3.200000e+01 : f32
      %mul3A_679 = vector.broadcast %mul3A_678 : f32 to vector<16xf32>
      %mul3A_680 = arith.mulf %min3A_677, %mul3A_679 : vector<16xf32>
      %convert_element_type3A_681 = arith.fptosi %mul3A_680 : vector<16xf32> to vector<16xi32>
      %broadcast_in_dim3A_682 = arith.constant 2 : i32
      %broadcast_in_dim3A_683 = vector.broadcast %broadcast_in_dim3A_682 : i32 to vector<16xi32>
      %gather3A_684 = tpu.vector_load_idx %arg6[%add3A_643, %broadcast_in_dim3A_683] : memref<128x4xf32, #tpu.memory_space<vmem>>[vector<16xi32>, vector<16xi32>], vector<16xf32>,
      %div3A_685 = arith.constant 1.101000e+00 : f32
      %div3A_686 = vector.broadcast %div3A_685 : f32 to vector<16xf32>
      %div3A_687 = arith.divf %gather3A_684, %div3A_686 : vector<16xf32>
      %add3A_688 = arith.constant 5.000000e-01 : f32
      %add3A_689 = vector.broadcast %add3A_688 : f32 to vector<16xf32>
      %add3A_690 = arith.addf %div3A_687, %add3A_689 : vector<16xf32>
      %jit3A_691 = arith.constant 0.000000e+00 : f32
      %jit3A_692 = arith.constant 9.990000e-01 : f32
      %max3A_693 = vector.broadcast %jit3A_691 : f32 to vector<16xf32>
      %max3A_694 = arith.maximumf %max3A_693, %add3A_690 : vector<16xf32>
      %min3A_695 = vector.broadcast %jit3A_692 : f32 to vector<16xf32>
      %min3A_696 = arith.minimumf %min3A_695, %max3A_694 : vector<16xf32>
      %mul3A_697 = arith.constant 3.200000e+01 : f32
      %mul3A_698 = vector.broadcast %mul3A_697 : f32 to vector<16xf32>
      %mul3A_699 = arith.mulf %min3A_696, %mul3A_698 : vector<16xf32>
      %convert_element_type3A_700 = arith.fptosi %mul3A_699 : vector<16xf32> to vector<16xi32>
      %mul3A_701 = arith.constant 32 : i32
      %mul3A_702 = vector.broadcast %mul3A_701 : i32 to vector<16xi32>
      %mul3A_703 = arith.muli %mul3A_702, %convert_element_type3A_700 : vector<16xi32>
      %add3A_704 = arith.addi %convert_element_type3A_681, %mul3A_703 : vector<16xi32>
      %mul3A_705 = arith.constant 32 : i32
      %mul3A_706 = vector.broadcast %mul3A_705 : i32 to vector<16xi32>
      %mul3A_707 = arith.muli %mul3A_706, %add3A_704 : vector<16xi32>
      %add3A_708 = arith.addi %convert_element_type3A_662, %mul3A_707 : vector<16xi32>
      %add3A_709 = arith.constant 112 : i32
      %add3A_710 = arith.addi %multiple_of3A_88, %add3A_709 : i32
      %broadcast_in_dim3A_711 = vector.broadcast %add3A_710 : i32 to vector<16xi32>
      %add3A_712 = arith.addi %broadcast_in_dim3A_711, %iota3A : vector<16xi32>
      %lt3A_713 = arith.constant 100000 : i32
      %lt3A_714 = vector.broadcast %lt3A_713 : i32 to vector<16xi32>
      %lt3A_715 = arith.cmpi slt, %add3A_712, %lt3A_714 : vector<16xi32>
      %jit3A_716 = arith.constant 32768 : i32
      %broadcast_in_dim3A_717 = vector.broadcast %jit3A_716 : i32 to vector<16xi32>
      %select_n3A_718 = arith.select %lt3A_715, %add3A_708, %broadcast_in_dim3A_717 : vector<16xi1>, vector<16xi32>
      %swap3A_719 = arith.constant 112 : index
      %swap3A_720 = tpu.vector_load %arg8[%swap3A_719] {strides = array<i32>} : memref<128xi32, #tpu.memory_space<vmem>>, vector<16xi32>,
      tpu.vector_store %arg8[%swap3A_719], %select_n3A_718 {strides = array<i32>} : memref<128xi32, #tpu.memory_space<vmem>>, vector<16xi32>,
      "tpu.region"() ({
        %run_scoped3A = tpu.sem_alloc : memref<!tpu.dma_semaphore, #tpu.memory_space<semaphore_mem>>
        %dma_start3A = arith.constant 0 : i32
        %dma_start3A_722 = arith.constant 0 : i32
        %dma_start3A_723 = tpu.memref_slice %arg5[%dma_start3A, %dma_start3A_722] : memref<32784x16xf32, #tpu.memory_space<vmem_shared>> -> memref<32784x16xf32, #tpu.memory_space<vmem_shared>>
        tpu.enqueue_indirect_dma source(%arg7 : memref<128x16xf32, #tpu.memory_space<vmem>>) target(%dma_start3A_723 : memref<32784x16xf32, #tpu.memory_space<vmem_shared>>) offsets(%arg8 : memref<128xi32, #tpu.memory_space<vmem>>) semaphore(%run_scoped3A : memref<!tpu.dma_semaphore, #tpu.memory_space<semaphore_mem>>) {add = true}
        %dma_wait3A = arith.constant 0 : i32
        %dma_wait3A_724 = arith.constant 0 : i32
        %dma_wait3A_725 = tpu.memref_slice %arg5[%dma_wait3A, %dma_wait3A_724] : memref<32784x16xf32, #tpu.memory_space<vmem_shared>> -> memref<32784x16xf32, #tpu.memory_space<vmem_shared>>
        tpu.wait_indirect_dma semaphore(%run_scoped3A : memref<!tpu.dma_semaphore, #tpu.memory_space<semaphore_mem>>) src(%arg7 : memref<128x16xf32, #tpu.memory_space<vmem>>) dst(%dma_wait3A_725 : memref<32784x16xf32, #tpu.memory_space<vmem_shared>>)
        tpu.yield
      }) : () -> ()
      "tpu.region"() ({
        %run_scoped3A = tpu.sem_alloc : memref<!tpu.dma_semaphore, #tpu.memory_space<semaphore_mem>>
        %dma_start3A = arith.constant 0 : i32
        %dma_start3A_722 = tpu.memref_slice %arg3[%add3A_11, %arg1, %scan3A_81, %dma_start3A] : memref<4x16x49x128xi32, #tpu.memory_space<hbm>> -> memref<1x1x1x128xi32, #tpu.memory_space<hbm>>
        %dma_start3A_723 = tpu.memref_squeeze %dma_start3A_722 : memref<1x1x1x128xi32, #tpu.memory_space<hbm>> -> memref<128xi32, #tpu.memory_space<hbm>>
        %dma_start3A_724 = arith.constant 0 : i32
        %dma_start3A_725 = tpu.memref_slice %arg3[%add3A_11, %arg1, %scan3A_81, %dma_start3A_724] : memref<4x16x49x128xi32, #tpu.memory_space<hbm>> -> memref<1x1x1x128xi32, #tpu.memory_space<hbm>>
        %dma_start3A_726 = tpu.memref_squeeze %dma_start3A_725 : memref<1x1x1x128xi32, #tpu.memory_space<hbm>> -> memref<128xi32, #tpu.memory_space<hbm>>
        tpu.enqueue_dma source(%arg8 : memref<128xi32, #tpu.memory_space<vmem>>) target(%dma_start3A_726 : memref<128xi32, #tpu.memory_space<hbm>>) target_semaphore(%run_scoped3A : memref<!tpu.dma_semaphore, #tpu.memory_space<semaphore_mem>>)
        %dma_wait3A = arith.constant 0 : i32
        %dma_wait3A_727 = tpu.memref_slice %arg3[%add3A_11, %arg1, %scan3A_81, %dma_wait3A] : memref<4x16x49x128xi32, #tpu.memory_space<hbm>> -> memref<1x1x1x128xi32, #tpu.memory_space<hbm>>
        %dma_wait3A_728 = tpu.memref_squeeze %dma_wait3A_727 : memref<1x1x1x128xi32, #tpu.memory_space<hbm>> -> memref<128xi32, #tpu.memory_space<hbm>>
        %dma_wait3A_729 = arith.constant 0 : i32
        %dma_wait3A_730 = tpu.memref_slice %arg3[%add3A_11, %arg1, %scan3A_81, %dma_wait3A_729] : memref<4x16x49x128xi32, #tpu.memory_space<hbm>> -> memref<1x1x1x128xi32, #tpu.memory_space<hbm>>
        %dma_wait3A_731 = tpu.memref_squeeze %dma_wait3A_730 : memref<1x1x1x128xi32, #tpu.memory_space<hbm>> -> memref<128xi32, #tpu.memory_space<hbm>>
        tpu.wait_dma2 semaphore(%run_scoped3A : memref<!tpu.dma_semaphore, #tpu.memory_space<semaphore_mem>>) src(%arg8 : memref<128xi32, #tpu.memory_space<vmem>>) dst(%dma_wait3A_731 : memref<128xi32, #tpu.memory_space<hbm>>)
        tpu.yield
      }) : () -> ()
      %scan3A_721 = arith.constant 0 : i32
      scf.yield %scan3A_721 : i32
    }
    %scan3A_32 = arith.constant 49 : i32
    %barrier3A_33 = arith.constant 0 : index
    tpu.barrier barrier_id(%barrier3A_33)
    "tpu.region"() ({
      %run_scoped3A = tpu.sem_alloc : memref<!tpu.dma_semaphore, #tpu.memory_space<semaphore_mem>>
      %dma_start3A = arith.constant 0 : i32
      %dma_start3A_81 = tpu.memref_slice %arg5[%multiple_of3A, %dma_start3A] : memref<32784x16xf32, #tpu.memory_space<vmem_shared>> -> memref<2048x16xf32, #tpu.memory_space<vmem_shared>>
      %dma_start3A_82 = arith.constant 0 : i32
      %dma_start3A_83 = tpu.memref_slice %arg5[%multiple_of3A, %dma_start3A_82] : memref<32784x16xf32, #tpu.memory_space<vmem_shared>> -> memref<2048x16xf32, #tpu.memory_space<vmem_shared>>
      tpu.enqueue_dma source(%dma_start3A_83 : memref<2048x16xf32, #tpu.memory_space<vmem_shared>>) target(%arg9 : memref<2048x16xf32, #tpu.memory_space<vmem>>) target_semaphore(%run_scoped3A : memref<!tpu.dma_semaphore, #tpu.memory_space<semaphore_mem>>)
      %dma_wait3A = arith.constant 0 : i32
      %dma_wait3A_84 = tpu.memref_slice %arg5[%multiple_of3A, %dma_wait3A] : memref<32784x16xf32, #tpu.memory_space<vmem_shared>> -> memref<2048x16xf32, #tpu.memory_space<vmem_shared>>
      %dma_wait3A_85 = arith.constant 0 : i32
      %dma_wait3A_86 = tpu.memref_slice %arg5[%multiple_of3A, %dma_wait3A_85] : memref<32784x16xf32, #tpu.memory_space<vmem_shared>> -> memref<2048x16xf32, #tpu.memory_space<vmem_shared>>
      tpu.wait_dma2 semaphore(%run_scoped3A : memref<!tpu.dma_semaphore, #tpu.memory_space<semaphore_mem>>) src(%dma_wait3A_86 : memref<2048x16xf32, #tpu.memory_space<vmem_shared>>) dst(%arg9 : memref<2048x16xf32, #tpu.memory_space<vmem>>)
      tpu.yield
    }) : () -> ()
    %scan3A_34 = arith.constant 0 : i32
    %scan3A_35 = arith.constant 0 : i32
    %scan3A_36 = arith.constant 128 : i32
    %scan3A_37 = arith.addi %scan3A_35, %scan3A_36 : i32
    %scan3A_38 = arith.constant 1 : i32
    %scan3A_39 = scf.for %scan3A_81 = %scan3A_35 to %scan3A_37 step %scan3A_38 iter_args(%scan3A_82 = %scan3A_34) -> (i32)  : i32 {
      %mul3A_83 = arith.constant 16 : i32
      %mul3A_84 = arith.muli %scan3A_81, %mul3A_83 : i32
      %broadcast_in_dim3A_85 = vector.broadcast %mul3A_84 : i32 to vector<16xi32>
      %add3A_86 = arith.addi %broadcast_in_dim3A_85, %iota3A : vector<16xi32>
      %gather3A = tpu.vector_load_idx %arg9[%add3A_86, %broadcast_in_dim3A_0] : memref<2048x16xf32, #tpu.memory_space<vmem>>[vector<16xi32>, vector<16xi32>], vector<16xf32>,
      %max3A = arith.constant 1.000000e+00 : f32
      %max3A_87 = vector.broadcast %max3A : f32 to vector<16xf32>
      %max3A_88 = arith.maximumf %gather3A, %max3A_87 : vector<16xf32>
      %div3A = arith.constant 1.000000e+00 : f32
      %div3A_89 = vector.broadcast %div3A : f32 to vector<16xf32>
      %div3A_90 = arith.divf %div3A_89, %max3A_88 : vector<16xf32>
      %mul3A_91 = arith.constant 16 : i32
      %mul3A_92 = arith.muli %scan3A_81, %mul3A_91 : i32
      %swap3A = arith.index_cast %mul3A_92 : i32 to index
      %swap3A_93 = tpu.vector_load %arg10[%swap3A] {strides = array<i32>} : memref<2048xf32, #tpu.memory_space<vmem>>, vector<16xf32>,
      tpu.vector_store %arg10[%swap3A], %div3A_90 {strides = array<i32>} : memref<2048xf32, #tpu.memory_space<vmem>>, vector<16xf32>,
      %scan3A_94 = arith.constant 0 : i32
      scf.yield %scan3A_94 : i32
    }
    %scan3A_40 = arith.constant 128 : i32
    "tpu.region"() ({
      %run_scoped3A = tpu.sem_alloc : memref<!tpu.dma_semaphore, #tpu.memory_space<semaphore_mem>>
      %dma_start3A = tpu.memref_slice %arg4[%add3A_11, %multiple_of3A] : memref<4x32768xf32, #tpu.memory_space<hbm>> -> memref<1x2048xf32, #tpu.memory_space<hbm>>
      %dma_start3A_81 = tpu.memref_squeeze %dma_start3A : memref<1x2048xf32, #tpu.memory_space<hbm>> -> memref<2048xf32, #tpu.memory_space<hbm>>
      %dma_start3A_82 = tpu.memref_slice %arg4[%add3A_11, %multiple_of3A] : memref<4x32768xf32, #tpu.memory_space<hbm>> -> memref<1x2048xf32, #tpu.memory_space<hbm>>
      %dma_start3A_83 = tpu.memref_squeeze %dma_start3A_82 : memref<1x2048xf32, #tpu.memory_space<hbm>> -> memref<2048xf32, #tpu.memory_space<hbm>>
      tpu.enqueue_dma source(%arg10 : memref<2048xf32, #tpu.memory_space<vmem>>) target(%dma_start3A_83 : memref<2048xf32, #tpu.memory_space<hbm>>) target_semaphore(%run_scoped3A : memref<!tpu.dma_semaphore, #tpu.memory_space<semaphore_mem>>)
      %dma_wait3A = tpu.memref_slice %arg4[%add3A_11, %multiple_of3A] : memref<4x32768xf32, #tpu.memory_space<hbm>> -> memref<1x2048xf32, #tpu.memory_space<hbm>>
      %dma_wait3A_84 = tpu.memref_squeeze %dma_wait3A : memref<1x2048xf32, #tpu.memory_space<hbm>> -> memref<2048xf32, #tpu.memory_space<hbm>>
      %dma_wait3A_85 = tpu.memref_slice %arg4[%add3A_11, %multiple_of3A] : memref<4x32768xf32, #tpu.memory_space<hbm>> -> memref<1x2048xf32, #tpu.memory_space<hbm>>
      %dma_wait3A_86 = tpu.memref_squeeze %dma_wait3A_85 : memref<1x2048xf32, #tpu.memory_space<hbm>> -> memref<2048xf32, #tpu.memory_space<hbm>>
      tpu.wait_dma2 semaphore(%run_scoped3A : memref<!tpu.dma_semaphore, #tpu.memory_space<semaphore_mem>>) src(%arg10 : memref<2048xf32, #tpu.memory_space<vmem>>) dst(%dma_wait3A_86 : memref<2048xf32, #tpu.memory_space<hbm>>)
      tpu.yield
    }) : () -> ()
    %barrier3A_41 = arith.constant 0 : index
    tpu.barrier barrier_id(%barrier3A_41)
    %mul3A_42 = arith.constant 2 : i32
    %mul3A_43 = arith.muli %arg0, %mul3A_42 : i32
    %add3A_44 = arith.constant 1 : i32
    %add3A_45 = arith.addi %mul3A_43, %add3A_44 : i32
    %mul3A_46 = arith.constant 2048 : i32
    %mul3A_47 = arith.muli %arg1, %mul3A_46 : i32
    %multiple_of3A_48 = tpu.assume_multiple %mul3A_47, 8 : i32
    %iota3A_49 = tpu.iota {dimensions = array<i32: 0>} : vector<16xi32>
    %broadcast_in_dim3A_50 = arith.constant 0.000000e+00 : f32
    %broadcast_in_dim3A_51 = vector.broadcast %broadcast_in_dim3A_50 : f32 to vector<16xf32>
    %scan3A_52 = arith.constant 0 : i32
    %scan3A_53 = arith.constant 0 : i32
    %scan3A_54 = arith.constant 2048 : i32
    %scan3A_55 = arith.addi %scan3A_53, %scan3A_54 : i32
    %scan3A_56 = arith.constant 1 : i32
    %scan3A_57 = scf.for %scan3A_81 = %scan3A_53 to %scan3A_55 step %scan3A_56 iter_args(%scan3A_82 = %scan3A_52) -> (i32)  : i32 {
      %broadcast_in_dim3A_83 = vector.broadcast %scan3A_81 : i32 to vector<16xi32>
      %add3A_84 = arith.constant 0 : i32
      %add3A_85 = vector.broadcast %add3A_84 : i32 to vector<16xi32>
      %add3A_86 = arith.addi %iota3A_49, %add3A_85 : vector<16xi32>
      tpu.vector_store_idx %arg9[%broadcast_in_dim3A_83, %add3A_86], %broadcast_in_dim3A_51 : memref<2048x16xf32, #tpu.memory_space<vmem>>[vector<16xi32>, vector<16xi32>], vector<16xf32>,
      %scan3A_87 = arith.constant 0 : i32
      scf.yield %scan3A_87 : i32
    }
    %scan3A_58 = arith.constant 2048 : i32
    "tpu.region"() ({
      %run_scoped3A = tpu.sem_alloc : memref<!tpu.dma_semaphore, #tpu.memory_space<semaphore_mem>>
      %dma_start3A = arith.constant 0 : i32
      %dma_start3A_81 = tpu.memref_slice %arg5[%multiple_of3A_48, %dma_start3A] : memref<32784x16xf32, #tpu.memory_space<vmem_shared>> -> memref<2048x16xf32, #tpu.memory_space<vmem_shared>>
      %dma_start3A_82 = arith.constant 0 : i32
      %dma_start3A_83 = tpu.memref_slice %arg5[%multiple_of3A_48, %dma_start3A_82] : memref<32784x16xf32, #tpu.memory_space<vmem_shared>> -> memref<2048x16xf32, #tpu.memory_space<vmem_shared>>
      tpu.enqueue_dma source(%arg9 : memref<2048x16xf32, #tpu.memory_space<vmem>>) target(%dma_start3A_83 : memref<2048x16xf32, #tpu.memory_space<vmem_shared>>) target_semaphore(%run_scoped3A : memref<!tpu.dma_semaphore, #tpu.memory_space<semaphore_mem>>)
      %dma_wait3A = arith.constant 0 : i32
      %dma_wait3A_84 = tpu.memref_slice %arg5[%multiple_of3A_48, %dma_wait3A] : memref<32784x16xf32, #tpu.memory_space<vmem_shared>> -> memref<2048x16xf32, #tpu.memory_space<vmem_shared>>
      %dma_wait3A_85 = arith.constant 0 : i32
      %dma_wait3A_86 = tpu.memref_slice %arg5[%multiple_of3A_48, %dma_wait3A_85] : memref<32784x16xf32, #tpu.memory_space<vmem_shared>> -> memref<2048x16xf32, #tpu.memory_space<vmem_shared>>
      tpu.wait_dma2 semaphore(%run_scoped3A : memref<!tpu.dma_semaphore, #tpu.memory_space<semaphore_mem>>) src(%arg9 : memref<2048x16xf32, #tpu.memory_space<vmem>>) dst(%dma_wait3A_86 : memref<2048x16xf32, #tpu.memory_space<vmem_shared>>)
      tpu.yield
    }) : () -> ()
    %eq3A_59 = arith.constant 15 : i32
    %eq3A_60 = arith.cmpi eq, %arg1, %eq3A_59 : i32
    %convert_element_type3A_61 = arith.extui %eq3A_60 : i1 to i32
    %cond3A_62 = arith.constant 0 : i32
    %cond3A_63 = arith.cmpi ne, %convert_element_type3A_61, %cond3A_62 : i32
    scf.if %cond3A_63 {
      "tpu.region"() ({
        %run_scoped3A = tpu.sem_alloc : memref<!tpu.dma_semaphore, #tpu.memory_space<semaphore_mem>>
        %dma_start3A = arith.constant 0 : i32
        %dma_start3A_81 = arith.constant 0 : i32
        %dma_start3A_82 = tpu.memref_slice %arg9[%dma_start3A, %dma_start3A_81] : memref<2048x16xf32, #tpu.memory_space<vmem>> -> memref<16x16xf32, #tpu.memory_space<vmem>>
        %dma_start3A_83 = arith.constant 32768 : i32
        %dma_start3A_84 = arith.constant 0 : i32
        %dma_start3A_85 = tpu.memref_slice %arg5[%dma_start3A_83, %dma_start3A_84] : memref<32784x16xf32, #tpu.memory_space<vmem_shared>> -> memref<16x16xf32, #tpu.memory_space<vmem_shared>>
        %dma_start3A_86 = arith.constant 32768 : i32
        %dma_start3A_87 = arith.constant 0 : i32
        %dma_start3A_88 = tpu.memref_slice %arg5[%dma_start3A_86, %dma_start3A_87] : memref<32784x16xf32, #tpu.memory_space<vmem_shared>> -> memref<16x16xf32, #tpu.memory_space<vmem_shared>>
        %dma_start3A_89 = arith.constant 0 : i32
        %dma_start3A_90 = arith.constant 0 : i32
        %dma_start3A_91 = tpu.memref_slice %arg9[%dma_start3A_89, %dma_start3A_90] : memref<2048x16xf32, #tpu.memory_space<vmem>> -> memref<16x16xf32, #tpu.memory_space<vmem>>
        tpu.enqueue_dma source(%dma_start3A_91 : memref<16x16xf32, #tpu.memory_space<vmem>>) target(%dma_start3A_88 : memref<16x16xf32, #tpu.memory_space<vmem_shared>>) target_semaphore(%run_scoped3A : memref<!tpu.dma_semaphore, #tpu.memory_space<semaphore_mem>>)
        %dma_wait3A = arith.constant 0 : i32
        %dma_wait3A_92 = arith.constant 0 : i32
        %dma_wait3A_93 = tpu.memref_slice %arg9[%dma_wait3A, %dma_wait3A_92] : memref<2048x16xf32, #tpu.memory_space<vmem>> -> memref<16x16xf32, #tpu.memory_space<vmem>>
        %dma_wait3A_94 = arith.constant 32768 : i32
        %dma_wait3A_95 = arith.constant 0 : i32
        %dma_wait3A_96 = tpu.memref_slice %arg5[%dma_wait3A_94, %dma_wait3A_95] : memref<32784x16xf32, #tpu.memory_space<vmem_shared>> -> memref<16x16xf32, #tpu.memory_space<vmem_shared>>
        %dma_wait3A_97 = arith.constant 32768 : i32
        %dma_wait3A_98 = arith.constant 0 : i32
        %dma_wait3A_99 = tpu.memref_slice %arg5[%dma_wait3A_97, %dma_wait3A_98] : memref<32784x16xf32, #tpu.memory_space<vmem_shared>> -> memref<16x16xf32, #tpu.memory_space<vmem_shared>>
        %dma_wait3A_100 = arith.constant 0 : i32
        %dma_wait3A_101 = arith.constant 0 : i32
        %dma_wait3A_102 = tpu.memref_slice %arg9[%dma_wait3A_100, %dma_wait3A_101] : memref<2048x16xf32, #tpu.memory_space<vmem>> -> memref<16x16xf32, #tpu.memory_space<vmem>>
        tpu.wait_dma2 semaphore(%run_scoped3A : memref<!tpu.dma_semaphore, #tpu.memory_space<semaphore_mem>>) src(%dma_wait3A_102 : memref<16x16xf32, #tpu.memory_space<vmem>>) dst(%dma_wait3A_99 : memref<16x16xf32, #tpu.memory_space<vmem_shared>>)
        tpu.yield
      }) : () -> ()
    } else {
    }
    %barrier3A_64 = arith.constant 0 : index
    tpu.barrier barrier_id(%barrier3A_64)
    %scan3A_65 = arith.constant 0 : i32
    %scan3A_66 = arith.constant 0 : i32
    %scan3A_67 = arith.constant 49 : i32
    %scan3A_68 = arith.addi %scan3A_66, %scan3A_67 : i32
    %scan3A_69 = arith.constant 1 : i32
    %scan3A_70 = scf.for %scan3A_81 = %scan3A_66 to %scan3A_68 step %scan3A_69 iter_args(%scan3A_82 = %scan3A_65) -> (i32)  : i32 {
      %mul3A_83 = arith.constant 6272 : i32
      %mul3A_84 = arith.muli %arg1, %mul3A_83 : i32
      %mul3A_85 = arith.constant 128 : i32
      %mul3A_86 = arith.muli %scan3A_81, %mul3A_85 : i32
      %add3A_87 = arith.addi %mul3A_84, %mul3A_86 : i32
      %multiple_of3A_88 = tpu.assume_multiple %add3A_87, 8 : i32
      "tpu.region"() ({
        %run_scoped3A = tpu.sem_alloc : memref<!tpu.dma_semaphore, #tpu.memory_space<semaphore_mem>>
        %dma_start3A = arith.constant 0 : i32
        %dma_start3A_722 = tpu.memref_slice %arg2[%add3A_45, %multiple_of3A_88, %dma_start3A] : memref<4x100352x4xf32, #tpu.memory_space<hbm>> -> memref<1x128x4xf32, #tpu.memory_space<hbm>>
        %dma_start3A_723 = tpu.memref_squeeze %dma_start3A_722 : memref<1x128x4xf32, #tpu.memory_space<hbm>> -> memref<128x4xf32, #tpu.memory_space<hbm>>
        %dma_start3A_724 = arith.constant 0 : i32
        %dma_start3A_725 = tpu.memref_slice %arg2[%add3A_45, %multiple_of3A_88, %dma_start3A_724] : memref<4x100352x4xf32, #tpu.memory_space<hbm>> -> memref<1x128x4xf32, #tpu.memory_space<hbm>>
        %dma_start3A_726 = tpu.memref_squeeze %dma_start3A_725 : memref<1x128x4xf32, #tpu.memory_space<hbm>> -> memref<128x4xf32, #tpu.memory_space<hbm>>
        tpu.enqueue_dma source(%dma_start3A_726 : memref<128x4xf32, #tpu.memory_space<hbm>>) target(%arg6 : memref<128x4xf32, #tpu.memory_space<vmem>>) target_semaphore(%run_scoped3A : memref<!tpu.dma_semaphore, #tpu.memory_space<semaphore_mem>>)
        %dma_wait3A = arith.constant 0 : i32
        %dma_wait3A_727 = tpu.memref_slice %arg2[%add3A_45, %multiple_of3A_88, %dma_wait3A] : memref<4x100352x4xf32, #tpu.memory_space<hbm>> -> memref<1x128x4xf32, #tpu.memory_space<hbm>>
        %dma_wait3A_728 = tpu.memref_squeeze %dma_wait3A_727 : memref<1x128x4xf32, #tpu.memory_space<hbm>> -> memref<128x4xf32, #tpu.memory_space<hbm>>
        %dma_wait3A_729 = arith.constant 0 : i32
        %dma_wait3A_730 = tpu.memref_slice %arg2[%add3A_45, %multiple_of3A_88, %dma_wait3A_729] : memref<4x100352x4xf32, #tpu.memory_space<hbm>> -> memref<1x128x4xf32, #tpu.memory_space<hbm>>
        %dma_wait3A_731 = tpu.memref_squeeze %dma_wait3A_730 : memref<1x128x4xf32, #tpu.memory_space<hbm>> -> memref<128x4xf32, #tpu.memory_space<hbm>>
        tpu.wait_dma2 semaphore(%run_scoped3A : memref<!tpu.dma_semaphore, #tpu.memory_space<semaphore_mem>>) src(%dma_wait3A_731 : memref<128x4xf32, #tpu.memory_space<hbm>>) dst(%arg6 : memref<128x4xf32, #tpu.memory_space<vmem>>)
        tpu.yield
      }) : () -> ()
      %broadcast_in_dim3A_89 = arith.constant 0 : i32
      %broadcast_in_dim3A_90 = vector.broadcast %broadcast_in_dim3A_89 : i32 to vector<16xi32>
      %add3A_91 = arith.addi %broadcast_in_dim3A_90, %iota3A : vector<16xi32>
      %broadcast_in_dim3A_92 = arith.constant 0 : i32
      %broadcast_in_dim3A_93 = vector.broadcast %broadcast_in_dim3A_92 : i32 to vector<16xi32>
      %gather3A = tpu.vector_load_idx %arg6[%add3A_91, %broadcast_in_dim3A_93] : memref<128x4xf32, #tpu.memory_space<vmem>>[vector<16xi32>, vector<16xi32>], vector<16xf32>,
      %div3A = arith.constant 1.101000e+00 : f32
      %div3A_94 = vector.broadcast %div3A : f32 to vector<16xf32>
      %div3A_95 = arith.divf %gather3A, %div3A_94 : vector<16xf32>
      %add3A_96 = arith.constant 5.000000e-01 : f32
      %add3A_97 = vector.broadcast %add3A_96 : f32 to vector<16xf32>
      %add3A_98 = arith.addf %div3A_95, %add3A_97 : vector<16xf32>
      %jit3A = arith.constant 0.000000e+00 : f32
      %jit3A_99 = arith.constant 9.990000e-01 : f32
      %max3A = vector.broadcast %jit3A : f32 to vector<16xf32>
      %max3A_100 = arith.maximumf %max3A, %add3A_98 : vector<16xf32>
      %min3A = vector.broadcast %jit3A_99 : f32 to vector<16xf32>
      %min3A_101 = arith.minimumf %min3A, %max3A_100 : vector<16xf32>
      %mul3A_102 = arith.constant 3.200000e+01 : f32
      %mul3A_103 = vector.broadcast %mul3A_102 : f32 to vector<16xf32>
      %mul3A_104 = arith.mulf %min3A_101, %mul3A_103 : vector<16xf32>
      %convert_element_type3A_105 = arith.fptosi %mul3A_104 : vector<16xf32> to vector<16xi32>
      %broadcast_in_dim3A_106 = arith.constant 1 : i32
      %broadcast_in_dim3A_107 = vector.broadcast %broadcast_in_dim3A_106 : i32 to vector<16xi32>
      %gather3A_108 = tpu.vector_load_idx %arg6[%add3A_91, %broadcast_in_dim3A_107] : memref<128x4xf32, #tpu.memory_space<vmem>>[vector<16xi32>, vector<16xi32>], vector<16xf32>,
      %div3A_109 = arith.constant 1.101000e+00 : f32
      %div3A_110 = vector.broadcast %div3A_109 : f32 to vector<16xf32>
      %div3A_111 = arith.divf %gather3A_108, %div3A_110 : vector<16xf32>
      %add3A_112 = arith.constant 5.000000e-01 : f32
      %add3A_113 = vector.broadcast %add3A_112 : f32 to vector<16xf32>
      %add3A_114 = arith.addf %div3A_111, %add3A_113 : vector<16xf32>
      %jit3A_115 = arith.constant 0.000000e+00 : f32
      %jit3A_116 = arith.constant 9.990000e-01 : f32
      %max3A_117 = vector.broadcast %jit3A_115 : f32 to vector<16xf32>
      %max3A_118 = arith.maximumf %max3A_117, %add3A_114 : vector<16xf32>
      %min3A_119 = vector.broadcast %jit3A_116 : f32 to vector<16xf32>
      %min3A_120 = arith.minimumf %min3A_119, %max3A_118 : vector<16xf32>
      %mul3A_121 = arith.constant 3.200000e+01 : f32
      %mul3A_122 = vector.broadcast %mul3A_121 : f32 to vector<16xf32>
      %mul3A_123 = arith.mulf %min3A_120, %mul3A_122 : vector<16xf32>
      %convert_element_type3A_124 = arith.fptosi %mul3A_123 : vector<16xf32> to vector<16xi32>
      %broadcast_in_dim3A_125 = arith.constant 2 : i32
      %broadcast_in_dim3A_126 = vector.broadcast %broadcast_in_dim3A_125 : i32 to vector<16xi32>
      %gather3A_127 = tpu.vector_load_idx %arg6[%add3A_91, %broadcast_in_dim3A_126] : memref<128x4xf32, #tpu.memory_space<vmem>>[vector<16xi32>, vector<16xi32>], vector<16xf32>,
      %div3A_128 = arith.constant 1.101000e+00 : f32
      %div3A_129 = vector.broadcast %div3A_128 : f32 to vector<16xf32>
      %div3A_130 = arith.divf %gather3A_127, %div3A_129 : vector<16xf32>
      %add3A_131 = arith.constant 5.000000e-01 : f32
      %add3A_132 = vector.broadcast %add3A_131 : f32 to vector<16xf32>
      %add3A_133 = arith.addf %div3A_130, %add3A_132 : vector<16xf32>
      %jit3A_134 = arith.constant 0.000000e+00 : f32
      %jit3A_135 = arith.constant 9.990000e-01 : f32
      %max3A_136 = vector.broadcast %jit3A_134 : f32 to vector<16xf32>
      %max3A_137 = arith.maximumf %max3A_136, %add3A_133 : vector<16xf32>
      %min3A_138 = vector.broadcast %jit3A_135 : f32 to vector<16xf32>
      %min3A_139 = arith.minimumf %min3A_138, %max3A_137 : vector<16xf32>
      %mul3A_140 = arith.constant 3.200000e+01 : f32
      %mul3A_141 = vector.broadcast %mul3A_140 : f32 to vector<16xf32>
      %mul3A_142 = arith.mulf %min3A_139, %mul3A_141 : vector<16xf32>
      %convert_element_type3A_143 = arith.fptosi %mul3A_142 : vector<16xf32> to vector<16xi32>
      %mul3A_144 = arith.constant 32 : i32
      %mul3A_145 = vector.broadcast %mul3A_144 : i32 to vector<16xi32>
      %mul3A_146 = arith.muli %mul3A_145, %convert_element_type3A_143 : vector<16xi32>
      %add3A_147 = arith.addi %convert_element_type3A_124, %mul3A_146 : vector<16xi32>
      %mul3A_148 = arith.constant 32 : i32
      %mul3A_149 = vector.broadcast %mul3A_148 : i32 to vector<16xi32>
      %mul3A_150 = arith.muli %mul3A_149, %add3A_147 : vector<16xi32>
      %add3A_151 = arith.addi %convert_element_type3A_105, %mul3A_150 : vector<16xi32>
      %add3A_152 = arith.constant 0 : i32
      %add3A_153 = arith.addi %multiple_of3A_88, %add3A_152 : i32
      %broadcast_in_dim3A_154 = vector.broadcast %add3A_153 : i32 to vector<16xi32>
      %add3A_155 = arith.addi %broadcast_in_dim3A_154, %iota3A : vector<16xi32>
      %lt3A = arith.constant 100000 : i32
      %lt3A_156 = vector.broadcast %lt3A : i32 to vector<16xi32>
      %lt3A_157 = arith.cmpi slt, %add3A_155, %lt3A_156 : vector<16xi32>
      %jit3A_158 = arith.constant 32768 : i32
      %broadcast_in_dim3A_159 = vector.broadcast %jit3A_158 : i32 to vector<16xi32>
      %select_n3A = arith.select %lt3A_157, %add3A_151, %broadcast_in_dim3A_159 : vector<16xi1>, vector<16xi32>
      %swap3A = arith.constant 0 : index
      %swap3A_160 = tpu.vector_load %arg8[%swap3A] {strides = array<i32>} : memref<128xi32, #tpu.memory_space<vmem>>, vector<16xi32>,
      tpu.vector_store %arg8[%swap3A], %select_n3A {strides = array<i32>} : memref<128xi32, #tpu.memory_space<vmem>>, vector<16xi32>,
      %broadcast_in_dim3A_161 = arith.constant 16 : i32
      %broadcast_in_dim3A_162 = vector.broadcast %broadcast_in_dim3A_161 : i32 to vector<16xi32>
      %add3A_163 = arith.addi %broadcast_in_dim3A_162, %iota3A : vector<16xi32>
      %broadcast_in_dim3A_164 = arith.constant 0 : i32
      %broadcast_in_dim3A_165 = vector.broadcast %broadcast_in_dim3A_164 : i32 to vector<16xi32>
      %gather3A_166 = tpu.vector_load_idx %arg6[%add3A_163, %broadcast_in_dim3A_165] : memref<128x4xf32, #tpu.memory_space<vmem>>[vector<16xi32>, vector<16xi32>], vector<16xf32>,
      %div3A_167 = arith.constant 1.101000e+00 : f32
      %div3A_168 = vector.broadcast %div3A_167 : f32 to vector<16xf32>
      %div3A_169 = arith.divf %gather3A_166, %div3A_168 : vector<16xf32>
      %add3A_170 = arith.constant 5.000000e-01 : f32
      %add3A_171 = vector.broadcast %add3A_170 : f32 to vector<16xf32>
      %add3A_172 = arith.addf %div3A_169, %add3A_171 : vector<16xf32>
      %jit3A_173 = arith.constant 0.000000e+00 : f32
      %jit3A_174 = arith.constant 9.990000e-01 : f32
      %max3A_175 = vector.broadcast %jit3A_173 : f32 to vector<16xf32>
      %max3A_176 = arith.maximumf %max3A_175, %add3A_172 : vector<16xf32>
      %min3A_177 = vector.broadcast %jit3A_174 : f32 to vector<16xf32>
      %min3A_178 = arith.minimumf %min3A_177, %max3A_176 : vector<16xf32>
      %mul3A_179 = arith.constant 3.200000e+01 : f32
      %mul3A_180 = vector.broadcast %mul3A_179 : f32 to vector<16xf32>
      %mul3A_181 = arith.mulf %min3A_178, %mul3A_180 : vector<16xf32>
      %convert_element_type3A_182 = arith.fptosi %mul3A_181 : vector<16xf32> to vector<16xi32>
      %broadcast_in_dim3A_183 = arith.constant 1 : i32
      %broadcast_in_dim3A_184 = vector.broadcast %broadcast_in_dim3A_183 : i32 to vector<16xi32>
      %gather3A_185 = tpu.vector_load_idx %arg6[%add3A_163, %broadcast_in_dim3A_184] : memref<128x4xf32, #tpu.memory_space<vmem>>[vector<16xi32>, vector<16xi32>], vector<16xf32>,
      %div3A_186 = arith.constant 1.101000e+00 : f32
      %div3A_187 = vector.broadcast %div3A_186 : f32 to vector<16xf32>
      %div3A_188 = arith.divf %gather3A_185, %div3A_187 : vector<16xf32>
      %add3A_189 = arith.constant 5.000000e-01 : f32
      %add3A_190 = vector.broadcast %add3A_189 : f32 to vector<16xf32>
      %add3A_191 = arith.addf %div3A_188, %add3A_190 : vector<16xf32>
      %jit3A_192 = arith.constant 0.000000e+00 : f32
      %jit3A_193 = arith.constant 9.990000e-01 : f32
      %max3A_194 = vector.broadcast %jit3A_192 : f32 to vector<16xf32>
      %max3A_195 = arith.maximumf %max3A_194, %add3A_191 : vector<16xf32>
      %min3A_196 = vector.broadcast %jit3A_193 : f32 to vector<16xf32>
      %min3A_197 = arith.minimumf %min3A_196, %max3A_195 : vector<16xf32>
      %mul3A_198 = arith.constant 3.200000e+01 : f32
      %mul3A_199 = vector.broadcast %mul3A_198 : f32 to vector<16xf32>
      %mul3A_200 = arith.mulf %min3A_197, %mul3A_199 : vector<16xf32>
      %convert_element_type3A_201 = arith.fptosi %mul3A_200 : vector<16xf32> to vector<16xi32>
      %broadcast_in_dim3A_202 = arith.constant 2 : i32
      %broadcast_in_dim3A_203 = vector.broadcast %broadcast_in_dim3A_202 : i32 to vector<16xi32>
      %gather3A_204 = tpu.vector_load_idx %arg6[%add3A_163, %broadcast_in_dim3A_203] : memref<128x4xf32, #tpu.memory_space<vmem>>[vector<16xi32>, vector<16xi32>], vector<16xf32>,
      %div3A_205 = arith.constant 1.101000e+00 : f32
      %div3A_206 = vector.broadcast %div3A_205 : f32 to vector<16xf32>
      %div3A_207 = arith.divf %gather3A_204, %div3A_206 : vector<16xf32>
      %add3A_208 = arith.constant 5.000000e-01 : f32
      %add3A_209 = vector.broadcast %add3A_208 : f32 to vector<16xf32>
      %add3A_210 = arith.addf %div3A_207, %add3A_209 : vector<16xf32>
      %jit3A_211 = arith.constant 0.000000e+00 : f32
      %jit3A_212 = arith.constant 9.990000e-01 : f32
      %max3A_213 = vector.broadcast %jit3A_211 : f32 to vector<16xf32>
      %max3A_214 = arith.maximumf %max3A_213, %add3A_210 : vector<16xf32>
      %min3A_215 = vector.broadcast %jit3A_212 : f32 to vector<16xf32>
      %min3A_216 = arith.minimumf %min3A_215, %max3A_214 : vector<16xf32>
      %mul3A_217 = arith.constant 3.200000e+01 : f32
      %mul3A_218 = vector.broadcast %mul3A_217 : f32 to vector<16xf32>
      %mul3A_219 = arith.mulf %min3A_216, %mul3A_218 : vector<16xf32>
      %convert_element_type3A_220 = arith.fptosi %mul3A_219 : vector<16xf32> to vector<16xi32>
      %mul3A_221 = arith.constant 32 : i32
      %mul3A_222 = vector.broadcast %mul3A_221 : i32 to vector<16xi32>
      %mul3A_223 = arith.muli %mul3A_222, %convert_element_type3A_220 : vector<16xi32>
      %add3A_224 = arith.addi %convert_element_type3A_201, %mul3A_223 : vector<16xi32>
      %mul3A_225 = arith.constant 32 : i32
      %mul3A_226 = vector.broadcast %mul3A_225 : i32 to vector<16xi32>
      %mul3A_227 = arith.muli %mul3A_226, %add3A_224 : vector<16xi32>
      %add3A_228 = arith.addi %convert_element_type3A_182, %mul3A_227 : vector<16xi32>
      %add3A_229 = arith.constant 16 : i32
      %add3A_230 = arith.addi %multiple_of3A_88, %add3A_229 : i32
      %broadcast_in_dim3A_231 = vector.broadcast %add3A_230 : i32 to vector<16xi32>
      %add3A_232 = arith.addi %broadcast_in_dim3A_231, %iota3A : vector<16xi32>
      %lt3A_233 = arith.constant 100000 : i32
      %lt3A_234 = vector.broadcast %lt3A_233 : i32 to vector<16xi32>
      %lt3A_235 = arith.cmpi slt, %add3A_232, %lt3A_234 : vector<16xi32>
      %jit3A_236 = arith.constant 32768 : i32
      %broadcast_in_dim3A_237 = vector.broadcast %jit3A_236 : i32 to vector<16xi32>
      %select_n3A_238 = arith.select %lt3A_235, %add3A_228, %broadcast_in_dim3A_237 : vector<16xi1>, vector<16xi32>
      %swap3A_239 = arith.constant 16 : index
      %swap3A_240 = tpu.vector_load %arg8[%swap3A_239] {strides = array<i32>} : memref<128xi32, #tpu.memory_space<vmem>>, vector<16xi32>,
      tpu.vector_store %arg8[%swap3A_239], %select_n3A_238 {strides = array<i32>} : memref<128xi32, #tpu.memory_space<vmem>>, vector<16xi32>,
      %broadcast_in_dim3A_241 = arith.constant 32 : i32
      %broadcast_in_dim3A_242 = vector.broadcast %broadcast_in_dim3A_241 : i32 to vector<16xi32>
      %add3A_243 = arith.addi %broadcast_in_dim3A_242, %iota3A : vector<16xi32>
      %broadcast_in_dim3A_244 = arith.constant 0 : i32
      %broadcast_in_dim3A_245 = vector.broadcast %broadcast_in_dim3A_244 : i32 to vector<16xi32>
      %gather3A_246 = tpu.vector_load_idx %arg6[%add3A_243, %broadcast_in_dim3A_245] : memref<128x4xf32, #tpu.memory_space<vmem>>[vector<16xi32>, vector<16xi32>], vector<16xf32>,
      %div3A_247 = arith.constant 1.101000e+00 : f32
      %div3A_248 = vector.broadcast %div3A_247 : f32 to vector<16xf32>
      %div3A_249 = arith.divf %gather3A_246, %div3A_248 : vector<16xf32>
      %add3A_250 = arith.constant 5.000000e-01 : f32
      %add3A_251 = vector.broadcast %add3A_250 : f32 to vector<16xf32>
      %add3A_252 = arith.addf %div3A_249, %add3A_251 : vector<16xf32>
      %jit3A_253 = arith.constant 0.000000e+00 : f32
      %jit3A_254 = arith.constant 9.990000e-01 : f32
      %max3A_255 = vector.broadcast %jit3A_253 : f32 to vector<16xf32>
      %max3A_256 = arith.maximumf %max3A_255, %add3A_252 : vector<16xf32>
      %min3A_257 = vector.broadcast %jit3A_254 : f32 to vector<16xf32>
      %min3A_258 = arith.minimumf %min3A_257, %max3A_256 : vector<16xf32>
      %mul3A_259 = arith.constant 3.200000e+01 : f32
      %mul3A_260 = vector.broadcast %mul3A_259 : f32 to vector<16xf32>
      %mul3A_261 = arith.mulf %min3A_258, %mul3A_260 : vector<16xf32>
      %convert_element_type3A_262 = arith.fptosi %mul3A_261 : vector<16xf32> to vector<16xi32>
      %broadcast_in_dim3A_263 = arith.constant 1 : i32
      %broadcast_in_dim3A_264 = vector.broadcast %broadcast_in_dim3A_263 : i32 to vector<16xi32>
      %gather3A_265 = tpu.vector_load_idx %arg6[%add3A_243, %broadcast_in_dim3A_264] : memref<128x4xf32, #tpu.memory_space<vmem>>[vector<16xi32>, vector<16xi32>], vector<16xf32>,
      %div3A_266 = arith.constant 1.101000e+00 : f32
      %div3A_267 = vector.broadcast %div3A_266 : f32 to vector<16xf32>
      %div3A_268 = arith.divf %gather3A_265, %div3A_267 : vector<16xf32>
      %add3A_269 = arith.constant 5.000000e-01 : f32
      %add3A_270 = vector.broadcast %add3A_269 : f32 to vector<16xf32>
      %add3A_271 = arith.addf %div3A_268, %add3A_270 : vector<16xf32>
      %jit3A_272 = arith.constant 0.000000e+00 : f32
      %jit3A_273 = arith.constant 9.990000e-01 : f32
      %max3A_274 = vector.broadcast %jit3A_272 : f32 to vector<16xf32>
      %max3A_275 = arith.maximumf %max3A_274, %add3A_271 : vector<16xf32>
      %min3A_276 = vector.broadcast %jit3A_273 : f32 to vector<16xf32>
      %min3A_277 = arith.minimumf %min3A_276, %max3A_275 : vector<16xf32>
      %mul3A_278 = arith.constant 3.200000e+01 : f32
      %mul3A_279 = vector.broadcast %mul3A_278 : f32 to vector<16xf32>
      %mul3A_280 = arith.mulf %min3A_277, %mul3A_279 : vector<16xf32>
      %convert_element_type3A_281 = arith.fptosi %mul3A_280 : vector<16xf32> to vector<16xi32>
      %broadcast_in_dim3A_282 = arith.constant 2 : i32
      %broadcast_in_dim3A_283 = vector.broadcast %broadcast_in_dim3A_282 : i32 to vector<16xi32>
      %gather3A_284 = tpu.vector_load_idx %arg6[%add3A_243, %broadcast_in_dim3A_283] : memref<128x4xf32, #tpu.memory_space<vmem>>[vector<16xi32>, vector<16xi32>], vector<16xf32>,
      %div3A_285 = arith.constant 1.101000e+00 : f32
      %div3A_286 = vector.broadcast %div3A_285 : f32 to vector<16xf32>
      %div3A_287 = arith.divf %gather3A_284, %div3A_286 : vector<16xf32>
      %add3A_288 = arith.constant 5.000000e-01 : f32
      %add3A_289 = vector.broadcast %add3A_288 : f32 to vector<16xf32>
      %add3A_290 = arith.addf %div3A_287, %add3A_289 : vector<16xf32>
      %jit3A_291 = arith.constant 0.000000e+00 : f32
      %jit3A_292 = arith.constant 9.990000e-01 : f32
      %max3A_293 = vector.broadcast %jit3A_291 : f32 to vector<16xf32>
      %max3A_294 = arith.maximumf %max3A_293, %add3A_290 : vector<16xf32>
      %min3A_295 = vector.broadcast %jit3A_292 : f32 to vector<16xf32>
      %min3A_296 = arith.minimumf %min3A_295, %max3A_294 : vector<16xf32>
      %mul3A_297 = arith.constant 3.200000e+01 : f32
      %mul3A_298 = vector.broadcast %mul3A_297 : f32 to vector<16xf32>
      %mul3A_299 = arith.mulf %min3A_296, %mul3A_298 : vector<16xf32>
      %convert_element_type3A_300 = arith.fptosi %mul3A_299 : vector<16xf32> to vector<16xi32>
      %mul3A_301 = arith.constant 32 : i32
      %mul3A_302 = vector.broadcast %mul3A_301 : i32 to vector<16xi32>
      %mul3A_303 = arith.muli %mul3A_302, %convert_element_type3A_300 : vector<16xi32>
      %add3A_304 = arith.addi %convert_element_type3A_281, %mul3A_303 : vector<16xi32>
      %mul3A_305 = arith.constant 32 : i32
      %mul3A_306 = vector.broadcast %mul3A_305 : i32 to vector<16xi32>
      %mul3A_307 = arith.muli %mul3A_306, %add3A_304 : vector<16xi32>
      %add3A_308 = arith.addi %convert_element_type3A_262, %mul3A_307 : vector<16xi32>
      %add3A_309 = arith.constant 32 : i32
      %add3A_310 = arith.addi %multiple_of3A_88, %add3A_309 : i32
      %broadcast_in_dim3A_311 = vector.broadcast %add3A_310 : i32 to vector<16xi32>
      %add3A_312 = arith.addi %broadcast_in_dim3A_311, %iota3A : vector<16xi32>
      %lt3A_313 = arith.constant 100000 : i32
      %lt3A_314 = vector.broadcast %lt3A_313 : i32 to vector<16xi32>
      %lt3A_315 = arith.cmpi slt, %add3A_312, %lt3A_314 : vector<16xi32>
      %jit3A_316 = arith.constant 32768 : i32
      %broadcast_in_dim3A_317 = vector.broadcast %jit3A_316 : i32 to vector<16xi32>
      %select_n3A_318 = arith.select %lt3A_315, %add3A_308, %broadcast_in_dim3A_317 : vector<16xi1>, vector<16xi32>
      %swap3A_319 = arith.constant 32 : index
      %swap3A_320 = tpu.vector_load %arg8[%swap3A_319] {strides = array<i32>} : memref<128xi32, #tpu.memory_space<vmem>>, vector<16xi32>,
      tpu.vector_store %arg8[%swap3A_319], %select_n3A_318 {strides = array<i32>} : memref<128xi32, #tpu.memory_space<vmem>>, vector<16xi32>,
      %broadcast_in_dim3A_321 = arith.constant 48 : i32
      %broadcast_in_dim3A_322 = vector.broadcast %broadcast_in_dim3A_321 : i32 to vector<16xi32>
      %add3A_323 = arith.addi %broadcast_in_dim3A_322, %iota3A : vector<16xi32>
      %broadcast_in_dim3A_324 = arith.constant 0 : i32
      %broadcast_in_dim3A_325 = vector.broadcast %broadcast_in_dim3A_324 : i32 to vector<16xi32>
      %gather3A_326 = tpu.vector_load_idx %arg6[%add3A_323, %broadcast_in_dim3A_325] : memref<128x4xf32, #tpu.memory_space<vmem>>[vector<16xi32>, vector<16xi32>], vector<16xf32>,
      %div3A_327 = arith.constant 1.101000e+00 : f32
      %div3A_328 = vector.broadcast %div3A_327 : f32 to vector<16xf32>
      %div3A_329 = arith.divf %gather3A_326, %div3A_328 : vector<16xf32>
      %add3A_330 = arith.constant 5.000000e-01 : f32
      %add3A_331 = vector.broadcast %add3A_330 : f32 to vector<16xf32>
      %add3A_332 = arith.addf %div3A_329, %add3A_331 : vector<16xf32>
      %jit3A_333 = arith.constant 0.000000e+00 : f32
      %jit3A_334 = arith.constant 9.990000e-01 : f32
      %max3A_335 = vector.broadcast %jit3A_333 : f32 to vector<16xf32>
      %max3A_336 = arith.maximumf %max3A_335, %add3A_332 : vector<16xf32>
      %min3A_337 = vector.broadcast %jit3A_334 : f32 to vector<16xf32>
      %min3A_338 = arith.minimumf %min3A_337, %max3A_336 : vector<16xf32>
      %mul3A_339 = arith.constant 3.200000e+01 : f32
      %mul3A_340 = vector.broadcast %mul3A_339 : f32 to vector<16xf32>
      %mul3A_341 = arith.mulf %min3A_338, %mul3A_340 : vector<16xf32>
      %convert_element_type3A_342 = arith.fptosi %mul3A_341 : vector<16xf32> to vector<16xi32>
      %broadcast_in_dim3A_343 = arith.constant 1 : i32
      %broadcast_in_dim3A_344 = vector.broadcast %broadcast_in_dim3A_343 : i32 to vector<16xi32>
      %gather3A_345 = tpu.vector_load_idx %arg6[%add3A_323, %broadcast_in_dim3A_344] : memref<128x4xf32, #tpu.memory_space<vmem>>[vector<16xi32>, vector<16xi32>], vector<16xf32>,
      %div3A_346 = arith.constant 1.101000e+00 : f32
      %div3A_347 = vector.broadcast %div3A_346 : f32 to vector<16xf32>
      %div3A_348 = arith.divf %gather3A_345, %div3A_347 : vector<16xf32>
      %add3A_349 = arith.constant 5.000000e-01 : f32
      %add3A_350 = vector.broadcast %add3A_349 : f32 to vector<16xf32>
      %add3A_351 = arith.addf %div3A_348, %add3A_350 : vector<16xf32>
      %jit3A_352 = arith.constant 0.000000e+00 : f32
      %jit3A_353 = arith.constant 9.990000e-01 : f32
      %max3A_354 = vector.broadcast %jit3A_352 : f32 to vector<16xf32>
      %max3A_355 = arith.maximumf %max3A_354, %add3A_351 : vector<16xf32>
      %min3A_356 = vector.broadcast %jit3A_353 : f32 to vector<16xf32>
      %min3A_357 = arith.minimumf %min3A_356, %max3A_355 : vector<16xf32>
      %mul3A_358 = arith.constant 3.200000e+01 : f32
      %mul3A_359 = vector.broadcast %mul3A_358 : f32 to vector<16xf32>
      %mul3A_360 = arith.mulf %min3A_357, %mul3A_359 : vector<16xf32>
      %convert_element_type3A_361 = arith.fptosi %mul3A_360 : vector<16xf32> to vector<16xi32>
      %broadcast_in_dim3A_362 = arith.constant 2 : i32
      %broadcast_in_dim3A_363 = vector.broadcast %broadcast_in_dim3A_362 : i32 to vector<16xi32>
      %gather3A_364 = tpu.vector_load_idx %arg6[%add3A_323, %broadcast_in_dim3A_363] : memref<128x4xf32, #tpu.memory_space<vmem>>[vector<16xi32>, vector<16xi32>], vector<16xf32>,
      %div3A_365 = arith.constant 1.101000e+00 : f32
      %div3A_366 = vector.broadcast %div3A_365 : f32 to vector<16xf32>
      %div3A_367 = arith.divf %gather3A_364, %div3A_366 : vector<16xf32>
      %add3A_368 = arith.constant 5.000000e-01 : f32
      %add3A_369 = vector.broadcast %add3A_368 : f32 to vector<16xf32>
      %add3A_370 = arith.addf %div3A_367, %add3A_369 : vector<16xf32>
      %jit3A_371 = arith.constant 0.000000e+00 : f32
      %jit3A_372 = arith.constant 9.990000e-01 : f32
      %max3A_373 = vector.broadcast %jit3A_371 : f32 to vector<16xf32>
      %max3A_374 = arith.maximumf %max3A_373, %add3A_370 : vector<16xf32>
      %min3A_375 = vector.broadcast %jit3A_372 : f32 to vector<16xf32>
      %min3A_376 = arith.minimumf %min3A_375, %max3A_374 : vector<16xf32>
      %mul3A_377 = arith.constant 3.200000e+01 : f32
      %mul3A_378 = vector.broadcast %mul3A_377 : f32 to vector<16xf32>
      %mul3A_379 = arith.mulf %min3A_376, %mul3A_378 : vector<16xf32>
      %convert_element_type3A_380 = arith.fptosi %mul3A_379 : vector<16xf32> to vector<16xi32>
      %mul3A_381 = arith.constant 32 : i32
      %mul3A_382 = vector.broadcast %mul3A_381 : i32 to vector<16xi32>
      %mul3A_383 = arith.muli %mul3A_382, %convert_element_type3A_380 : vector<16xi32>
      %add3A_384 = arith.addi %convert_element_type3A_361, %mul3A_383 : vector<16xi32>
      %mul3A_385 = arith.constant 32 : i32
      %mul3A_386 = vector.broadcast %mul3A_385 : i32 to vector<16xi32>
      %mul3A_387 = arith.muli %mul3A_386, %add3A_384 : vector<16xi32>
      %add3A_388 = arith.addi %convert_element_type3A_342, %mul3A_387 : vector<16xi32>
      %add3A_389 = arith.constant 48 : i32
      %add3A_390 = arith.addi %multiple_of3A_88, %add3A_389 : i32
      %broadcast_in_dim3A_391 = vector.broadcast %add3A_390 : i32 to vector<16xi32>
      %add3A_392 = arith.addi %broadcast_in_dim3A_391, %iota3A : vector<16xi32>
      %lt3A_393 = arith.constant 100000 : i32
      %lt3A_394 = vector.broadcast %lt3A_393 : i32 to vector<16xi32>
      %lt3A_395 = arith.cmpi slt, %add3A_392, %lt3A_394 : vector<16xi32>
      %jit3A_396 = arith.constant 32768 : i32
      %broadcast_in_dim3A_397 = vector.broadcast %jit3A_396 : i32 to vector<16xi32>
      %select_n3A_398 = arith.select %lt3A_395, %add3A_388, %broadcast_in_dim3A_397 : vector<16xi1>, vector<16xi32>
      %swap3A_399 = arith.constant 48 : index
      %swap3A_400 = tpu.vector_load %arg8[%swap3A_399] {strides = array<i32>} : memref<128xi32, #tpu.memory_space<vmem>>, vector<16xi32>,
      tpu.vector_store %arg8[%swap3A_399], %select_n3A_398 {strides = array<i32>} : memref<128xi32, #tpu.memory_space<vmem>>, vector<16xi32>,
      %broadcast_in_dim3A_401 = arith.constant 64 : i32
      %broadcast_in_dim3A_402 = vector.broadcast %broadcast_in_dim3A_401 : i32 to vector<16xi32>
      %add3A_403 = arith.addi %broadcast_in_dim3A_402, %iota3A : vector<16xi32>
      %broadcast_in_dim3A_404 = arith.constant 0 : i32
      %broadcast_in_dim3A_405 = vector.broadcast %broadcast_in_dim3A_404 : i32 to vector<16xi32>
      %gather3A_406 = tpu.vector_load_idx %arg6[%add3A_403, %broadcast_in_dim3A_405] : memref<128x4xf32, #tpu.memory_space<vmem>>[vector<16xi32>, vector<16xi32>], vector<16xf32>,
      %div3A_407 = arith.constant 1.101000e+00 : f32
      %div3A_408 = vector.broadcast %div3A_407 : f32 to vector<16xf32>
      %div3A_409 = arith.divf %gather3A_406, %div3A_408 : vector<16xf32>
      %add3A_410 = arith.constant 5.000000e-01 : f32
      %add3A_411 = vector.broadcast %add3A_410 : f32 to vector<16xf32>
      %add3A_412 = arith.addf %div3A_409, %add3A_411 : vector<16xf32>
      %jit3A_413 = arith.constant 0.000000e+00 : f32
      %jit3A_414 = arith.constant 9.990000e-01 : f32
      %max3A_415 = vector.broadcast %jit3A_413 : f32 to vector<16xf32>
      %max3A_416 = arith.maximumf %max3A_415, %add3A_412 : vector<16xf32>
      %min3A_417 = vector.broadcast %jit3A_414 : f32 to vector<16xf32>
      %min3A_418 = arith.minimumf %min3A_417, %max3A_416 : vector<16xf32>
      %mul3A_419 = arith.constant 3.200000e+01 : f32
      %mul3A_420 = vector.broadcast %mul3A_419 : f32 to vector<16xf32>
      %mul3A_421 = arith.mulf %min3A_418, %mul3A_420 : vector<16xf32>
      %convert_element_type3A_422 = arith.fptosi %mul3A_421 : vector<16xf32> to vector<16xi32>
      %broadcast_in_dim3A_423 = arith.constant 1 : i32
      %broadcast_in_dim3A_424 = vector.broadcast %broadcast_in_dim3A_423 : i32 to vector<16xi32>
      %gather3A_425 = tpu.vector_load_idx %arg6[%add3A_403, %broadcast_in_dim3A_424] : memref<128x4xf32, #tpu.memory_space<vmem>>[vector<16xi32>, vector<16xi32>], vector<16xf32>,
      %div3A_426 = arith.constant 1.101000e+00 : f32
      %div3A_427 = vector.broadcast %div3A_426 : f32 to vector<16xf32>
      %div3A_428 = arith.divf %gather3A_425, %div3A_427 : vector<16xf32>
      %add3A_429 = arith.constant 5.000000e-01 : f32
      %add3A_430 = vector.broadcast %add3A_429 : f32 to vector<16xf32>
      %add3A_431 = arith.addf %div3A_428, %add3A_430 : vector<16xf32>
      %jit3A_432 = arith.constant 0.000000e+00 : f32
      %jit3A_433 = arith.constant 9.990000e-01 : f32
      %max3A_434 = vector.broadcast %jit3A_432 : f32 to vector<16xf32>
      %max3A_435 = arith.maximumf %max3A_434, %add3A_431 : vector<16xf32>
      %min3A_436 = vector.broadcast %jit3A_433 : f32 to vector<16xf32>
      %min3A_437 = arith.minimumf %min3A_436, %max3A_435 : vector<16xf32>
      %mul3A_438 = arith.constant 3.200000e+01 : f32
      %mul3A_439 = vector.broadcast %mul3A_438 : f32 to vector<16xf32>
      %mul3A_440 = arith.mulf %min3A_437, %mul3A_439 : vector<16xf32>
      %convert_element_type3A_441 = arith.fptosi %mul3A_440 : vector<16xf32> to vector<16xi32>
      %broadcast_in_dim3A_442 = arith.constant 2 : i32
      %broadcast_in_dim3A_443 = vector.broadcast %broadcast_in_dim3A_442 : i32 to vector<16xi32>
      %gather3A_444 = tpu.vector_load_idx %arg6[%add3A_403, %broadcast_in_dim3A_443] : memref<128x4xf32, #tpu.memory_space<vmem>>[vector<16xi32>, vector<16xi32>], vector<16xf32>,
      %div3A_445 = arith.constant 1.101000e+00 : f32
      %div3A_446 = vector.broadcast %div3A_445 : f32 to vector<16xf32>
      %div3A_447 = arith.divf %gather3A_444, %div3A_446 : vector<16xf32>
      %add3A_448 = arith.constant 5.000000e-01 : f32
      %add3A_449 = vector.broadcast %add3A_448 : f32 to vector<16xf32>
      %add3A_450 = arith.addf %div3A_447, %add3A_449 : vector<16xf32>
      %jit3A_451 = arith.constant 0.000000e+00 : f32
      %jit3A_452 = arith.constant 9.990000e-01 : f32
      %max3A_453 = vector.broadcast %jit3A_451 : f32 to vector<16xf32>
      %max3A_454 = arith.maximumf %max3A_453, %add3A_450 : vector<16xf32>
      %min3A_455 = vector.broadcast %jit3A_452 : f32 to vector<16xf32>
      %min3A_456 = arith.minimumf %min3A_455, %max3A_454 : vector<16xf32>
      %mul3A_457 = arith.constant 3.200000e+01 : f32
      %mul3A_458 = vector.broadcast %mul3A_457 : f32 to vector<16xf32>
      %mul3A_459 = arith.mulf %min3A_456, %mul3A_458 : vector<16xf32>
      %convert_element_type3A_460 = arith.fptosi %mul3A_459 : vector<16xf32> to vector<16xi32>
      %mul3A_461 = arith.constant 32 : i32
      %mul3A_462 = vector.broadcast %mul3A_461 : i32 to vector<16xi32>
      %mul3A_463 = arith.muli %mul3A_462, %convert_element_type3A_460 : vector<16xi32>
      %add3A_464 = arith.addi %convert_element_type3A_441, %mul3A_463 : vector<16xi32>
      %mul3A_465 = arith.constant 32 : i32
      %mul3A_466 = vector.broadcast %mul3A_465 : i32 to vector<16xi32>
      %mul3A_467 = arith.muli %mul3A_466, %add3A_464 : vector<16xi32>
      %add3A_468 = arith.addi %convert_element_type3A_422, %mul3A_467 : vector<16xi32>
      %add3A_469 = arith.constant 64 : i32
      %add3A_470 = arith.addi %multiple_of3A_88, %add3A_469 : i32
      %broadcast_in_dim3A_471 = vector.broadcast %add3A_470 : i32 to vector<16xi32>
      %add3A_472 = arith.addi %broadcast_in_dim3A_471, %iota3A : vector<16xi32>
      %lt3A_473 = arith.constant 100000 : i32
      %lt3A_474 = vector.broadcast %lt3A_473 : i32 to vector<16xi32>
      %lt3A_475 = arith.cmpi slt, %add3A_472, %lt3A_474 : vector<16xi32>
      %jit3A_476 = arith.constant 32768 : i32
      %broadcast_in_dim3A_477 = vector.broadcast %jit3A_476 : i32 to vector<16xi32>
      %select_n3A_478 = arith.select %lt3A_475, %add3A_468, %broadcast_in_dim3A_477 : vector<16xi1>, vector<16xi32>
      %swap3A_479 = arith.constant 64 : index
      %swap3A_480 = tpu.vector_load %arg8[%swap3A_479] {strides = array<i32>} : memref<128xi32, #tpu.memory_space<vmem>>, vector<16xi32>,
      tpu.vector_store %arg8[%swap3A_479], %select_n3A_478 {strides = array<i32>} : memref<128xi32, #tpu.memory_space<vmem>>, vector<16xi32>,
      %broadcast_in_dim3A_481 = arith.constant 80 : i32
      %broadcast_in_dim3A_482 = vector.broadcast %broadcast_in_dim3A_481 : i32 to vector<16xi32>
      %add3A_483 = arith.addi %broadcast_in_dim3A_482, %iota3A : vector<16xi32>
      %broadcast_in_dim3A_484 = arith.constant 0 : i32
      %broadcast_in_dim3A_485 = vector.broadcast %broadcast_in_dim3A_484 : i32 to vector<16xi32>
      %gather3A_486 = tpu.vector_load_idx %arg6[%add3A_483, %broadcast_in_dim3A_485] : memref<128x4xf32, #tpu.memory_space<vmem>>[vector<16xi32>, vector<16xi32>], vector<16xf32>,
      %div3A_487 = arith.constant 1.101000e+00 : f32
      %div3A_488 = vector.broadcast %div3A_487 : f32 to vector<16xf32>
      %div3A_489 = arith.divf %gather3A_486, %div3A_488 : vector<16xf32>
      %add3A_490 = arith.constant 5.000000e-01 : f32
      %add3A_491 = vector.broadcast %add3A_490 : f32 to vector<16xf32>
      %add3A_492 = arith.addf %div3A_489, %add3A_491 : vector<16xf32>
      %jit3A_493 = arith.constant 0.000000e+00 : f32
      %jit3A_494 = arith.constant 9.990000e-01 : f32
      %max3A_495 = vector.broadcast %jit3A_493 : f32 to vector<16xf32>
      %max3A_496 = arith.maximumf %max3A_495, %add3A_492 : vector<16xf32>
      %min3A_497 = vector.broadcast %jit3A_494 : f32 to vector<16xf32>
      %min3A_498 = arith.minimumf %min3A_497, %max3A_496 : vector<16xf32>
      %mul3A_499 = arith.constant 3.200000e+01 : f32
      %mul3A_500 = vector.broadcast %mul3A_499 : f32 to vector<16xf32>
      %mul3A_501 = arith.mulf %min3A_498, %mul3A_500 : vector<16xf32>
      %convert_element_type3A_502 = arith.fptosi %mul3A_501 : vector<16xf32> to vector<16xi32>
      %broadcast_in_dim3A_503 = arith.constant 1 : i32
      %broadcast_in_dim3A_504 = vector.broadcast %broadcast_in_dim3A_503 : i32 to vector<16xi32>
      %gather3A_505 = tpu.vector_load_idx %arg6[%add3A_483, %broadcast_in_dim3A_504] : memref<128x4xf32, #tpu.memory_space<vmem>>[vector<16xi32>, vector<16xi32>], vector<16xf32>,
      %div3A_506 = arith.constant 1.101000e+00 : f32
      %div3A_507 = vector.broadcast %div3A_506 : f32 to vector<16xf32>
      %div3A_508 = arith.divf %gather3A_505, %div3A_507 : vector<16xf32>
      %add3A_509 = arith.constant 5.000000e-01 : f32
      %add3A_510 = vector.broadcast %add3A_509 : f32 to vector<16xf32>
      %add3A_511 = arith.addf %div3A_508, %add3A_510 : vector<16xf32>
      %jit3A_512 = arith.constant 0.000000e+00 : f32
      %jit3A_513 = arith.constant 9.990000e-01 : f32
      %max3A_514 = vector.broadcast %jit3A_512 : f32 to vector<16xf32>
      %max3A_515 = arith.maximumf %max3A_514, %add3A_511 : vector<16xf32>
      %min3A_516 = vector.broadcast %jit3A_513 : f32 to vector<16xf32>
      %min3A_517 = arith.minimumf %min3A_516, %max3A_515 : vector<16xf32>
      %mul3A_518 = arith.constant 3.200000e+01 : f32
      %mul3A_519 = vector.broadcast %mul3A_518 : f32 to vector<16xf32>
      %mul3A_520 = arith.mulf %min3A_517, %mul3A_519 : vector<16xf32>
      %convert_element_type3A_521 = arith.fptosi %mul3A_520 : vector<16xf32> to vector<16xi32>
      %broadcast_in_dim3A_522 = arith.constant 2 : i32
      %broadcast_in_dim3A_523 = vector.broadcast %broadcast_in_dim3A_522 : i32 to vector<16xi32>
      %gather3A_524 = tpu.vector_load_idx %arg6[%add3A_483, %broadcast_in_dim3A_523] : memref<128x4xf32, #tpu.memory_space<vmem>>[vector<16xi32>, vector<16xi32>], vector<16xf32>,
      %div3A_525 = arith.constant 1.101000e+00 : f32
      %div3A_526 = vector.broadcast %div3A_525 : f32 to vector<16xf32>
      %div3A_527 = arith.divf %gather3A_524, %div3A_526 : vector<16xf32>
      %add3A_528 = arith.constant 5.000000e-01 : f32
      %add3A_529 = vector.broadcast %add3A_528 : f32 to vector<16xf32>
      %add3A_530 = arith.addf %div3A_527, %add3A_529 : vector<16xf32>
      %jit3A_531 = arith.constant 0.000000e+00 : f32
      %jit3A_532 = arith.constant 9.990000e-01 : f32
      %max3A_533 = vector.broadcast %jit3A_531 : f32 to vector<16xf32>
      %max3A_534 = arith.maximumf %max3A_533, %add3A_530 : vector<16xf32>
      %min3A_535 = vector.broadcast %jit3A_532 : f32 to vector<16xf32>
      %min3A_536 = arith.minimumf %min3A_535, %max3A_534 : vector<16xf32>
      %mul3A_537 = arith.constant 3.200000e+01 : f32
      %mul3A_538 = vector.broadcast %mul3A_537 : f32 to vector<16xf32>
      %mul3A_539 = arith.mulf %min3A_536, %mul3A_538 : vector<16xf32>
      %convert_element_type3A_540 = arith.fptosi %mul3A_539 : vector<16xf32> to vector<16xi32>
      %mul3A_541 = arith.constant 32 : i32
      %mul3A_542 = vector.broadcast %mul3A_541 : i32 to vector<16xi32>
      %mul3A_543 = arith.muli %mul3A_542, %convert_element_type3A_540 : vector<16xi32>
      %add3A_544 = arith.addi %convert_element_type3A_521, %mul3A_543 : vector<16xi32>
      %mul3A_545 = arith.constant 32 : i32
      %mul3A_546 = vector.broadcast %mul3A_545 : i32 to vector<16xi32>
      %mul3A_547 = arith.muli %mul3A_546, %add3A_544 : vector<16xi32>
      %add3A_548 = arith.addi %convert_element_type3A_502, %mul3A_547 : vector<16xi32>
      %add3A_549 = arith.constant 80 : i32
      %add3A_550 = arith.addi %multiple_of3A_88, %add3A_549 : i32
      %broadcast_in_dim3A_551 = vector.broadcast %add3A_550 : i32 to vector<16xi32>
      %add3A_552 = arith.addi %broadcast_in_dim3A_551, %iota3A : vector<16xi32>
      %lt3A_553 = arith.constant 100000 : i32
      %lt3A_554 = vector.broadcast %lt3A_553 : i32 to vector<16xi32>
      %lt3A_555 = arith.cmpi slt, %add3A_552, %lt3A_554 : vector<16xi32>
      %jit3A_556 = arith.constant 32768 : i32
      %broadcast_in_dim3A_557 = vector.broadcast %jit3A_556 : i32 to vector<16xi32>
      %select_n3A_558 = arith.select %lt3A_555, %add3A_548, %broadcast_in_dim3A_557 : vector<16xi1>, vector<16xi32>
      %swap3A_559 = arith.constant 80 : index
      %swap3A_560 = tpu.vector_load %arg8[%swap3A_559] {strides = array<i32>} : memref<128xi32, #tpu.memory_space<vmem>>, vector<16xi32>,
      tpu.vector_store %arg8[%swap3A_559], %select_n3A_558 {strides = array<i32>} : memref<128xi32, #tpu.memory_space<vmem>>, vector<16xi32>,
      %broadcast_in_dim3A_561 = arith.constant 96 : i32
      %broadcast_in_dim3A_562 = vector.broadcast %broadcast_in_dim3A_561 : i32 to vector<16xi32>
      %add3A_563 = arith.addi %broadcast_in_dim3A_562, %iota3A : vector<16xi32>
      %broadcast_in_dim3A_564 = arith.constant 0 : i32
      %broadcast_in_dim3A_565 = vector.broadcast %broadcast_in_dim3A_564 : i32 to vector<16xi32>
      %gather3A_566 = tpu.vector_load_idx %arg6[%add3A_563, %broadcast_in_dim3A_565] : memref<128x4xf32, #tpu.memory_space<vmem>>[vector<16xi32>, vector<16xi32>], vector<16xf32>,
      %div3A_567 = arith.constant 1.101000e+00 : f32
      %div3A_568 = vector.broadcast %div3A_567 : f32 to vector<16xf32>
      %div3A_569 = arith.divf %gather3A_566, %div3A_568 : vector<16xf32>
      %add3A_570 = arith.constant 5.000000e-01 : f32
      %add3A_571 = vector.broadcast %add3A_570 : f32 to vector<16xf32>
      %add3A_572 = arith.addf %div3A_569, %add3A_571 : vector<16xf32>
      %jit3A_573 = arith.constant 0.000000e+00 : f32
      %jit3A_574 = arith.constant 9.990000e-01 : f32
      %max3A_575 = vector.broadcast %jit3A_573 : f32 to vector<16xf32>
      %max3A_576 = arith.maximumf %max3A_575, %add3A_572 : vector<16xf32>
      %min3A_577 = vector.broadcast %jit3A_574 : f32 to vector<16xf32>
      %min3A_578 = arith.minimumf %min3A_577, %max3A_576 : vector<16xf32>
      %mul3A_579 = arith.constant 3.200000e+01 : f32
      %mul3A_580 = vector.broadcast %mul3A_579 : f32 to vector<16xf32>
      %mul3A_581 = arith.mulf %min3A_578, %mul3A_580 : vector<16xf32>
      %convert_element_type3A_582 = arith.fptosi %mul3A_581 : vector<16xf32> to vector<16xi32>
      %broadcast_in_dim3A_583 = arith.constant 1 : i32
      %broadcast_in_dim3A_584 = vector.broadcast %broadcast_in_dim3A_583 : i32 to vector<16xi32>
      %gather3A_585 = tpu.vector_load_idx %arg6[%add3A_563, %broadcast_in_dim3A_584] : memref<128x4xf32, #tpu.memory_space<vmem>>[vector<16xi32>, vector<16xi32>], vector<16xf32>,
      %div3A_586 = arith.constant 1.101000e+00 : f32
      %div3A_587 = vector.broadcast %div3A_586 : f32 to vector<16xf32>
      %div3A_588 = arith.divf %gather3A_585, %div3A_587 : vector<16xf32>
      %add3A_589 = arith.constant 5.000000e-01 : f32
      %add3A_590 = vector.broadcast %add3A_589 : f32 to vector<16xf32>
      %add3A_591 = arith.addf %div3A_588, %add3A_590 : vector<16xf32>
      %jit3A_592 = arith.constant 0.000000e+00 : f32
      %jit3A_593 = arith.constant 9.990000e-01 : f32
      %max3A_594 = vector.broadcast %jit3A_592 : f32 to vector<16xf32>
      %max3A_595 = arith.maximumf %max3A_594, %add3A_591 : vector<16xf32>
      %min3A_596 = vector.broadcast %jit3A_593 : f32 to vector<16xf32>
      %min3A_597 = arith.minimumf %min3A_596, %max3A_595 : vector<16xf32>
      %mul3A_598 = arith.constant 3.200000e+01 : f32
      %mul3A_599 = vector.broadcast %mul3A_598 : f32 to vector<16xf32>
      %mul3A_600 = arith.mulf %min3A_597, %mul3A_599 : vector<16xf32>
      %convert_element_type3A_601 = arith.fptosi %mul3A_600 : vector<16xf32> to vector<16xi32>
      %broadcast_in_dim3A_602 = arith.constant 2 : i32
      %broadcast_in_dim3A_603 = vector.broadcast %broadcast_in_dim3A_602 : i32 to vector<16xi32>
      %gather3A_604 = tpu.vector_load_idx %arg6[%add3A_563, %broadcast_in_dim3A_603] : memref<128x4xf32, #tpu.memory_space<vmem>>[vector<16xi32>, vector<16xi32>], vector<16xf32>,
      %div3A_605 = arith.constant 1.101000e+00 : f32
      %div3A_606 = vector.broadcast %div3A_605 : f32 to vector<16xf32>
      %div3A_607 = arith.divf %gather3A_604, %div3A_606 : vector<16xf32>
      %add3A_608 = arith.constant 5.000000e-01 : f32
      %add3A_609 = vector.broadcast %add3A_608 : f32 to vector<16xf32>
      %add3A_610 = arith.addf %div3A_607, %add3A_609 : vector<16xf32>
      %jit3A_611 = arith.constant 0.000000e+00 : f32
      %jit3A_612 = arith.constant 9.990000e-01 : f32
      %max3A_613 = vector.broadcast %jit3A_611 : f32 to vector<16xf32>
      %max3A_614 = arith.maximumf %max3A_613, %add3A_610 : vector<16xf32>
      %min3A_615 = vector.broadcast %jit3A_612 : f32 to vector<16xf32>
      %min3A_616 = arith.minimumf %min3A_615, %max3A_614 : vector<16xf32>
      %mul3A_617 = arith.constant 3.200000e+01 : f32
      %mul3A_618 = vector.broadcast %mul3A_617 : f32 to vector<16xf32>
      %mul3A_619 = arith.mulf %min3A_616, %mul3A_618 : vector<16xf32>
      %convert_element_type3A_620 = arith.fptosi %mul3A_619 : vector<16xf32> to vector<16xi32>
      %mul3A_621 = arith.constant 32 : i32
      %mul3A_622 = vector.broadcast %mul3A_621 : i32 to vector<16xi32>
      %mul3A_623 = arith.muli %mul3A_622, %convert_element_type3A_620 : vector<16xi32>
      %add3A_624 = arith.addi %convert_element_type3A_601, %mul3A_623 : vector<16xi32>
      %mul3A_625 = arith.constant 32 : i32
      %mul3A_626 = vector.broadcast %mul3A_625 : i32 to vector<16xi32>
      %mul3A_627 = arith.muli %mul3A_626, %add3A_624 : vector<16xi32>
      %add3A_628 = arith.addi %convert_element_type3A_582, %mul3A_627 : vector<16xi32>
      %add3A_629 = arith.constant 96 : i32
      %add3A_630 = arith.addi %multiple_of3A_88, %add3A_629 : i32
      %broadcast_in_dim3A_631 = vector.broadcast %add3A_630 : i32 to vector<16xi32>
      %add3A_632 = arith.addi %broadcast_in_dim3A_631, %iota3A : vector<16xi32>
      %lt3A_633 = arith.constant 100000 : i32
      %lt3A_634 = vector.broadcast %lt3A_633 : i32 to vector<16xi32>
      %lt3A_635 = arith.cmpi slt, %add3A_632, %lt3A_634 : vector<16xi32>
      %jit3A_636 = arith.constant 32768 : i32
      %broadcast_in_dim3A_637 = vector.broadcast %jit3A_636 : i32 to vector<16xi32>
      %select_n3A_638 = arith.select %lt3A_635, %add3A_628, %broadcast_in_dim3A_637 : vector<16xi1>, vector<16xi32>
      %swap3A_639 = arith.constant 96 : index
      %swap3A_640 = tpu.vector_load %arg8[%swap3A_639] {strides = array<i32>} : memref<128xi32, #tpu.memory_space<vmem>>, vector<16xi32>,
      tpu.vector_store %arg8[%swap3A_639], %select_n3A_638 {strides = array<i32>} : memref<128xi32, #tpu.memory_space<vmem>>, vector<16xi32>,
      %broadcast_in_dim3A_641 = arith.constant 112 : i32
      %broadcast_in_dim3A_642 = vector.broadcast %broadcast_in_dim3A_641 : i32 to vector<16xi32>
      %add3A_643 = arith.addi %broadcast_in_dim3A_642, %iota3A : vector<16xi32>
      %broadcast_in_dim3A_644 = arith.constant 0 : i32
      %broadcast_in_dim3A_645 = vector.broadcast %broadcast_in_dim3A_644 : i32 to vector<16xi32>
      %gather3A_646 = tpu.vector_load_idx %arg6[%add3A_643, %broadcast_in_dim3A_645] : memref<128x4xf32, #tpu.memory_space<vmem>>[vector<16xi32>, vector<16xi32>], vector<16xf32>,
      %div3A_647 = arith.constant 1.101000e+00 : f32
      %div3A_648 = vector.broadcast %div3A_647 : f32 to vector<16xf32>
      %div3A_649 = arith.divf %gather3A_646, %div3A_648 : vector<16xf32>
      %add3A_650 = arith.constant 5.000000e-01 : f32
      %add3A_651 = vector.broadcast %add3A_650 : f32 to vector<16xf32>
      %add3A_652 = arith.addf %div3A_649, %add3A_651 : vector<16xf32>
      %jit3A_653 = arith.constant 0.000000e+00 : f32
      %jit3A_654 = arith.constant 9.990000e-01 : f32
      %max3A_655 = vector.broadcast %jit3A_653 : f32 to vector<16xf32>
      %max3A_656 = arith.maximumf %max3A_655, %add3A_652 : vector<16xf32>
      %min3A_657 = vector.broadcast %jit3A_654 : f32 to vector<16xf32>
      %min3A_658 = arith.minimumf %min3A_657, %max3A_656 : vector<16xf32>
      %mul3A_659 = arith.constant 3.200000e+01 : f32
      %mul3A_660 = vector.broadcast %mul3A_659 : f32 to vector<16xf32>
      %mul3A_661 = arith.mulf %min3A_658, %mul3A_660 : vector<16xf32>
      %convert_element_type3A_662 = arith.fptosi %mul3A_661 : vector<16xf32> to vector<16xi32>
      %broadcast_in_dim3A_663 = arith.constant 1 : i32
      %broadcast_in_dim3A_664 = vector.broadcast %broadcast_in_dim3A_663 : i32 to vector<16xi32>
      %gather3A_665 = tpu.vector_load_idx %arg6[%add3A_643, %broadcast_in_dim3A_664] : memref<128x4xf32, #tpu.memory_space<vmem>>[vector<16xi32>, vector<16xi32>], vector<16xf32>,
      %div3A_666 = arith.constant 1.101000e+00 : f32
      %div3A_667 = vector.broadcast %div3A_666 : f32 to vector<16xf32>
      %div3A_668 = arith.divf %gather3A_665, %div3A_667 : vector<16xf32>
      %add3A_669 = arith.constant 5.000000e-01 : f32
      %add3A_670 = vector.broadcast %add3A_669 : f32 to vector<16xf32>
      %add3A_671 = arith.addf %div3A_668, %add3A_670 : vector<16xf32>
      %jit3A_672 = arith.constant 0.000000e+00 : f32
      %jit3A_673 = arith.constant 9.990000e-01 : f32
      %max3A_674 = vector.broadcast %jit3A_672 : f32 to vector<16xf32>
      %max3A_675 = arith.maximumf %max3A_674, %add3A_671 : vector<16xf32>
      %min3A_676 = vector.broadcast %jit3A_673 : f32 to vector<16xf32>
      %min3A_677 = arith.minimumf %min3A_676, %max3A_675 : vector<16xf32>
      %mul3A_678 = arith.constant 3.200000e+01 : f32
      %mul3A_679 = vector.broadcast %mul3A_678 : f32 to vector<16xf32>
      %mul3A_680 = arith.mulf %min3A_677, %mul3A_679 : vector<16xf32>
      %convert_element_type3A_681 = arith.fptosi %mul3A_680 : vector<16xf32> to vector<16xi32>
      %broadcast_in_dim3A_682 = arith.constant 2 : i32
      %broadcast_in_dim3A_683 = vector.broadcast %broadcast_in_dim3A_682 : i32 to vector<16xi32>
      %gather3A_684 = tpu.vector_load_idx %arg6[%add3A_643, %broadcast_in_dim3A_683] : memref<128x4xf32, #tpu.memory_space<vmem>>[vector<16xi32>, vector<16xi32>], vector<16xf32>,
      %div3A_685 = arith.constant 1.101000e+00 : f32
      %div3A_686 = vector.broadcast %div3A_685 : f32 to vector<16xf32>
      %div3A_687 = arith.divf %gather3A_684, %div3A_686 : vector<16xf32>
      %add3A_688 = arith.constant 5.000000e-01 : f32
      %add3A_689 = vector.broadcast %add3A_688 : f32 to vector<16xf32>
      %add3A_690 = arith.addf %div3A_687, %add3A_689 : vector<16xf32>
      %jit3A_691 = arith.constant 0.000000e+00 : f32
      %jit3A_692 = arith.constant 9.990000e-01 : f32
      %max3A_693 = vector.broadcast %jit3A_691 : f32 to vector<16xf32>
      %max3A_694 = arith.maximumf %max3A_693, %add3A_690 : vector<16xf32>
      %min3A_695 = vector.broadcast %jit3A_692 : f32 to vector<16xf32>
      %min3A_696 = arith.minimumf %min3A_695, %max3A_694 : vector<16xf32>
      %mul3A_697 = arith.constant 3.200000e+01 : f32
      %mul3A_698 = vector.broadcast %mul3A_697 : f32 to vector<16xf32>
      %mul3A_699 = arith.mulf %min3A_696, %mul3A_698 : vector<16xf32>
      %convert_element_type3A_700 = arith.fptosi %mul3A_699 : vector<16xf32> to vector<16xi32>
      %mul3A_701 = arith.constant 32 : i32
      %mul3A_702 = vector.broadcast %mul3A_701 : i32 to vector<16xi32>
      %mul3A_703 = arith.muli %mul3A_702, %convert_element_type3A_700 : vector<16xi32>
      %add3A_704 = arith.addi %convert_element_type3A_681, %mul3A_703 : vector<16xi32>
      %mul3A_705 = arith.constant 32 : i32
      %mul3A_706 = vector.broadcast %mul3A_705 : i32 to vector<16xi32>
      %mul3A_707 = arith.muli %mul3A_706, %add3A_704 : vector<16xi32>
      %add3A_708 = arith.addi %convert_element_type3A_662, %mul3A_707 : vector<16xi32>
      %add3A_709 = arith.constant 112 : i32
      %add3A_710 = arith.addi %multiple_of3A_88, %add3A_709 : i32
      %broadcast_in_dim3A_711 = vector.broadcast %add3A_710 : i32 to vector<16xi32>
      %add3A_712 = arith.addi %broadcast_in_dim3A_711, %iota3A : vector<16xi32>
      %lt3A_713 = arith.constant 100000 : i32
      %lt3A_714 = vector.broadcast %lt3A_713 : i32 to vector<16xi32>
      %lt3A_715 = arith.cmpi slt, %add3A_712, %lt3A_714 : vector<16xi32>
      %jit3A_716 = arith.constant 32768 : i32
      %broadcast_in_dim3A_717 = vector.broadcast %jit3A_716 : i32 to vector<16xi32>
      %select_n3A_718 = arith.select %lt3A_715, %add3A_708, %broadcast_in_dim3A_717 : vector<16xi1>, vector<16xi32>
      %swap3A_719 = arith.constant 112 : index
      %swap3A_720 = tpu.vector_load %arg8[%swap3A_719] {strides = array<i32>} : memref<128xi32, #tpu.memory_space<vmem>>, vector<16xi32>,
      tpu.vector_store %arg8[%swap3A_719], %select_n3A_718 {strides = array<i32>} : memref<128xi32, #tpu.memory_space<vmem>>, vector<16xi32>,
      "tpu.region"() ({
        %run_scoped3A = tpu.sem_alloc : memref<!tpu.dma_semaphore, #tpu.memory_space<semaphore_mem>>
        %dma_start3A = arith.constant 0 : i32
        %dma_start3A_722 = arith.constant 0 : i32
        %dma_start3A_723 = tpu.memref_slice %arg5[%dma_start3A, %dma_start3A_722] : memref<32784x16xf32, #tpu.memory_space<vmem_shared>> -> memref<32784x16xf32, #tpu.memory_space<vmem_shared>>
        tpu.enqueue_indirect_dma source(%arg7 : memref<128x16xf32, #tpu.memory_space<vmem>>) target(%dma_start3A_723 : memref<32784x16xf32, #tpu.memory_space<vmem_shared>>) offsets(%arg8 : memref<128xi32, #tpu.memory_space<vmem>>) semaphore(%run_scoped3A : memref<!tpu.dma_semaphore, #tpu.memory_space<semaphore_mem>>) {add = true}
        %dma_wait3A = arith.constant 0 : i32
        %dma_wait3A_724 = arith.constant 0 : i32
        %dma_wait3A_725 = tpu.memref_slice %arg5[%dma_wait3A, %dma_wait3A_724] : memref<32784x16xf32, #tpu.memory_space<vmem_shared>> -> memref<32784x16xf32, #tpu.memory_space<vmem_shared>>
        tpu.wait_indirect_dma semaphore(%run_scoped3A : memref<!tpu.dma_semaphore, #tpu.memory_space<semaphore_mem>>) src(%arg7 : memref<128x16xf32, #tpu.memory_space<vmem>>) dst(%dma_wait3A_725 : memref<32784x16xf32, #tpu.memory_space<vmem_shared>>)
        tpu.yield
      }) : () -> ()
      "tpu.region"() ({
        %run_scoped3A = tpu.sem_alloc : memref<!tpu.dma_semaphore, #tpu.memory_space<semaphore_mem>>
        %dma_start3A = arith.constant 0 : i32
        %dma_start3A_722 = tpu.memref_slice %arg3[%add3A_45, %arg1, %scan3A_81, %dma_start3A] : memref<4x16x49x128xi32, #tpu.memory_space<hbm>> -> memref<1x1x1x128xi32, #tpu.memory_space<hbm>>
        %dma_start3A_723 = tpu.memref_squeeze %dma_start3A_722 : memref<1x1x1x128xi32, #tpu.memory_space<hbm>> -> memref<128xi32, #tpu.memory_space<hbm>>
        %dma_start3A_724 = arith.constant 0 : i32
        %dma_start3A_725 = tpu.memref_slice %arg3[%add3A_45, %arg1, %scan3A_81, %dma_start3A_724] : memref<4x16x49x128xi32, #tpu.memory_space<hbm>> -> memref<1x1x1x128xi32, #tpu.memory_space<hbm>>
        %dma_start3A_726 = tpu.memref_squeeze %dma_start3A_725 : memref<1x1x1x128xi32, #tpu.memory_space<hbm>> -> memref<128xi32, #tpu.memory_space<hbm>>
        tpu.enqueue_dma source(%arg8 : memref<128xi32, #tpu.memory_space<vmem>>) target(%dma_start3A_726 : memref<128xi32, #tpu.memory_space<hbm>>) target_semaphore(%run_scoped3A : memref<!tpu.dma_semaphore, #tpu.memory_space<semaphore_mem>>)
        %dma_wait3A = arith.constant 0 : i32
        %dma_wait3A_727 = tpu.memref_slice %arg3[%add3A_45, %arg1, %scan3A_81, %dma_wait3A] : memref<4x16x49x128xi32, #tpu.memory_space<hbm>> -> memref<1x1x1x128xi32, #tpu.memory_space<hbm>>
        %dma_wait3A_728 = tpu.memref_squeeze %dma_wait3A_727 : memref<1x1x1x128xi32, #tpu.memory_space<hbm>> -> memref<128xi32, #tpu.memory_space<hbm>>
        %dma_wait3A_729 = arith.constant 0 : i32
        %dma_wait3A_730 = tpu.memref_slice %arg3[%add3A_45, %arg1, %scan3A_81, %dma_wait3A_729] : memref<4x16x49x128xi32, #tpu.memory_space<hbm>> -> memref<1x1x1x128xi32, #tpu.memory_space<hbm>>
        %dma_wait3A_731 = tpu.memref_squeeze %dma_wait3A_730 : memref<1x1x1x128xi32, #tpu.memory_space<hbm>> -> memref<128xi32, #tpu.memory_space<hbm>>
        tpu.wait_dma2 semaphore(%run_scoped3A : memref<!tpu.dma_semaphore, #tpu.memory_space<semaphore_mem>>) src(%arg8 : memref<128xi32, #tpu.memory_space<vmem>>) dst(%dma_wait3A_731 : memref<128xi32, #tpu.memory_space<hbm>>)
        tpu.yield
      }) : () -> ()
      %scan3A_721 = arith.constant 0 : i32
      scf.yield %scan3A_721 : i32
    }
    %scan3A_71 = arith.constant 49 : i32
    %barrier3A_72 = arith.constant 0 : index
    tpu.barrier barrier_id(%barrier3A_72)
    "tpu.region"() ({
      %run_scoped3A = tpu.sem_alloc : memref<!tpu.dma_semaphore, #tpu.memory_space<semaphore_mem>>
      %dma_start3A = arith.constant 0 : i32
      %dma_start3A_81 = tpu.memref_slice %arg5[%multiple_of3A_48, %dma_start3A] : memref<32784x16xf32, #tpu.memory_space<vmem_shared>> -> memref<2048x16xf32, #tpu.memory_space<vmem_shared>>
      %dma_start3A_82 = arith.constant 0 : i32
      %dma_start3A_83 = tpu.memref_slice %arg5[%multiple_of3A_48, %dma_start3A_82] : memref<32784x16xf32, #tpu.memory_space<vmem_shared>> -> memref<2048x16xf32, #tpu.memory_space<vmem_shared>>
      tpu.enqueue_dma source(%dma_start3A_83 : memref<2048x16xf32, #tpu.memory_space<vmem_shared>>) target(%arg9 : memref<2048x16xf32, #tpu.memory_space<vmem>>) target_semaphore(%run_scoped3A : memref<!tpu.dma_semaphore, #tpu.memory_space<semaphore_mem>>)
      %dma_wait3A = arith.constant 0 : i32
      %dma_wait3A_84 = tpu.memref_slice %arg5[%multiple_of3A_48, %dma_wait3A] : memref<32784x16xf32, #tpu.memory_space<vmem_shared>> -> memref<2048x16xf32, #tpu.memory_space<vmem_shared>>
      %dma_wait3A_85 = arith.constant 0 : i32
      %dma_wait3A_86 = tpu.memref_slice %arg5[%multiple_of3A_48, %dma_wait3A_85] : memref<32784x16xf32, #tpu.memory_space<vmem_shared>> -> memref<2048x16xf32, #tpu.memory_space<vmem_shared>>
      tpu.wait_dma2 semaphore(%run_scoped3A : memref<!tpu.dma_semaphore, #tpu.memory_space<semaphore_mem>>) src(%dma_wait3A_86 : memref<2048x16xf32, #tpu.memory_space<vmem_shared>>) dst(%arg9 : memref<2048x16xf32, #tpu.memory_space<vmem>>)
      tpu.yield
    }) : () -> ()
    %scan3A_73 = arith.constant 0 : i32
    %scan3A_74 = arith.constant 0 : i32
    %scan3A_75 = arith.constant 128 : i32
    %scan3A_76 = arith.addi %scan3A_74, %scan3A_75 : i32
    %scan3A_77 = arith.constant 1 : i32
    %scan3A_78 = scf.for %scan3A_81 = %scan3A_74 to %scan3A_76 step %scan3A_77 iter_args(%scan3A_82 = %scan3A_73) -> (i32)  : i32 {
      %mul3A_83 = arith.constant 16 : i32
      %mul3A_84 = arith.muli %scan3A_81, %mul3A_83 : i32
      %broadcast_in_dim3A_85 = vector.broadcast %mul3A_84 : i32 to vector<16xi32>
      %add3A_86 = arith.addi %broadcast_in_dim3A_85, %iota3A : vector<16xi32>
      %gather3A = tpu.vector_load_idx %arg9[%add3A_86, %broadcast_in_dim3A_0] : memref<2048x16xf32, #tpu.memory_space<vmem>>[vector<16xi32>, vector<16xi32>], vector<16xf32>,
      %max3A = arith.constant 1.000000e+00 : f32
      %max3A_87 = vector.broadcast %max3A : f32 to vector<16xf32>
      %max3A_88 = arith.maximumf %gather3A, %max3A_87 : vector<16xf32>
      %div3A = arith.constant 1.000000e+00 : f32
      %div3A_89 = vector.broadcast %div3A : f32 to vector<16xf32>
      %div3A_90 = arith.divf %div3A_89, %max3A_88 : vector<16xf32>
      %mul3A_91 = arith.constant 16 : i32
      %mul3A_92 = arith.muli %scan3A_81, %mul3A_91 : i32
      %swap3A = arith.index_cast %mul3A_92 : i32 to index
      %swap3A_93 = tpu.vector_load %arg10[%swap3A] {strides = array<i32>} : memref<2048xf32, #tpu.memory_space<vmem>>, vector<16xf32>,
      tpu.vector_store %arg10[%swap3A], %div3A_90 {strides = array<i32>} : memref<2048xf32, #tpu.memory_space<vmem>>, vector<16xf32>,
      %scan3A_94 = arith.constant 0 : i32
      scf.yield %scan3A_94 : i32
    }
    %scan3A_79 = arith.constant 128 : i32
    "tpu.region"() ({
      %run_scoped3A = tpu.sem_alloc : memref<!tpu.dma_semaphore, #tpu.memory_space<semaphore_mem>>
      %dma_start3A = tpu.memref_slice %arg4[%add3A_45, %multiple_of3A_48] : memref<4x32768xf32, #tpu.memory_space<hbm>> -> memref<1x2048xf32, #tpu.memory_space<hbm>>
      %dma_start3A_81 = tpu.memref_squeeze %dma_start3A : memref<1x2048xf32, #tpu.memory_space<hbm>> -> memref<2048xf32, #tpu.memory_space<hbm>>
      %dma_start3A_82 = tpu.memref_slice %arg4[%add3A_45, %multiple_of3A_48] : memref<4x32768xf32, #tpu.memory_space<hbm>> -> memref<1x2048xf32, #tpu.memory_space<hbm>>
      %dma_start3A_83 = tpu.memref_squeeze %dma_start3A_82 : memref<1x2048xf32, #tpu.memory_space<hbm>> -> memref<2048xf32, #tpu.memory_space<hbm>>
      tpu.enqueue_dma source(%arg10 : memref<2048xf32, #tpu.memory_space<vmem>>) target(%dma_start3A_83 : memref<2048xf32, #tpu.memory_space<hbm>>) target_semaphore(%run_scoped3A : memref<!tpu.dma_semaphore, #tpu.memory_space<semaphore_mem>>)
      %dma_wait3A = tpu.memref_slice %arg4[%add3A_45, %multiple_of3A_48] : memref<4x32768xf32, #tpu.memory_space<hbm>> -> memref<1x2048xf32, #tpu.memory_space<hbm>>
      %dma_wait3A_84 = tpu.memref_squeeze %dma_wait3A : memref<1x2048xf32, #tpu.memory_space<hbm>> -> memref<2048xf32, #tpu.memory_space<hbm>>
      %dma_wait3A_85 = tpu.memref_slice %arg4[%add3A_45, %multiple_of3A_48] : memref<4x32768xf32, #tpu.memory_space<hbm>> -> memref<1x2048xf32, #tpu.memory_space<hbm>>
      %dma_wait3A_86 = tpu.memref_squeeze %dma_wait3A_85 : memref<1x2048xf32, #tpu.memory_space<hbm>> -> memref<2048xf32, #tpu.memory_space<hbm>>
      tpu.wait_dma2 semaphore(%run_scoped3A : memref<!tpu.dma_semaphore, #tpu.memory_space<semaphore_mem>>) src(%arg10 : memref<2048xf32, #tpu.memory_space<vmem>>) dst(%dma_wait3A_86 : memref<2048xf32, #tpu.memory_space<hbm>>)
      tpu.yield
    }) : () -> ()
    %barrier3A_80 = arith.constant 0 : index
    tpu.barrier barrier_id(%barrier3A_80)
    return
  }
}

module attributes {stable_mosaic.version = 14 : i64} {
  func.func @_tc_init_body(%arg0: i32, %arg1: memref<1x1024x4xf32, #tpu.memory_space<vmem>>, %arg2: memref<4x64xf32, #tpu.memory_space<vmem>>, %arg3: memref<1x64xf32, #tpu.memory_space<vmem>>, %arg4: memref<64x32xf32, #tpu.memory_space<vmem>>, %arg5: memref<1x32xf32, #tpu.memory_space<vmem>>, %arg6: memref<32x32xf32, #tpu.memory_space<vmem>>, %arg7: memref<1x32xf32, #tpu.memory_space<vmem>>, %arg8: memref<64x32xf32, #tpu.memory_space<vmem>>, %arg9: memref<1024x32xf32, #tpu.memory_space<vmem>>) attributes {dimension_semantics = [#tpu.dimension_semantics<parallel>], iteration_bounds = array<i64: 392>, scalar_prefetch = 0 : i64, scratch_operands = 0 : i64, tpu.core_type = #tpu.core_type<tc>, window_params = [{transform_indices = @transform_0, window_bounds = array<i64: 1, 1024, 4>}, {pipeline_mode = #tpu.pipeline_mode<synchronous>, transform_indices = @transform_1, window_bounds = array<i64: 4, 64>}, {pipeline_mode = #tpu.pipeline_mode<synchronous>, transform_indices = @transform_2, window_bounds = array<i64: 1, 64>}, {pipeline_mode = #tpu.pipeline_mode<synchronous>, transform_indices = @transform_3, window_bounds = array<i64: 64, 32>}, {pipeline_mode = #tpu.pipeline_mode<synchronous>, transform_indices = @transform_4, window_bounds = array<i64: 1, 32>}, {pipeline_mode = #tpu.pipeline_mode<synchronous>, transform_indices = @transform_5, window_bounds = array<i64: 32, 32>}, {pipeline_mode = #tpu.pipeline_mode<synchronous>, transform_indices = @transform_6, window_bounds = array<i64: 1, 32>}, {pipeline_mode = #tpu.pipeline_mode<synchronous>, transform_indices = @transform_7, window_bounds = array<i64: 64, 32>}, {transform_indices = @transform_8, window_bounds = array<i64: 1024, 32>}]} {
    %get3A = arith.constant 0 : index
    %get3A_0 = arith.constant 0 : index
    %get3A_1 = arith.constant 0 : index
    %get3A_2 = vector.load %arg1[%get3A, %get3A_0, %get3A_1] : memref<1x1024x4xf32, #tpu.memory_space<vmem>>, vector<1x1024x4xf32>
    %get3A_3 = vector.shape_cast %get3A_2 : vector<1x1024x4xf32> to vector<1024x4xf32>
    %get3A_4 = arith.constant 0 : index
    %get3A_5 = arith.constant 0 : index
    %get3A_6 = vector.load %arg2[%get3A_4, %get3A_5] : memref<4x64xf32, #tpu.memory_space<vmem>>, vector<4x64xf32>
    %dot_general3A = arith.constant dense<0.000000e+00> : vector<1024x64xf32>
    %dot_general3A_7 = tpu.matmul %get3A_3, %get3A_6, %dot_general3A {dimension_numbers = #tpu.dot_dimension_numbers<[1], [0], [0], [1], [0, 0, 1, 1], [], []>, transpose_lhs_hint = false} : vector<1024x4xf32>, vector<4x64xf32>, vector<1024x64xf32> -> vector<1024x64xf32>
    %get3A_8 = arith.constant 0 : index
    %get3A_9 = arith.constant 0 : index
    %get3A_10 = vector.load %arg3[%get3A_8, %get3A_9] : memref<1x64xf32, #tpu.memory_space<vmem>>, vector<1x64xf32>
    %add3A = vector.broadcast %get3A_10 : vector<1x64xf32> to vector<1024x64xf32>
    %add3A_11 = arith.addf %dot_general3A_7, %add3A : vector<1024x64xf32>
    %get3A_12 = arith.constant 0 : index
    %get3A_13 = arith.constant 0 : index
    %get3A_14 = vector.load %arg4[%get3A_12, %get3A_13] : memref<64x32xf32, #tpu.memory_space<vmem>>, vector<64x32xf32>
    %get3A_15 = arith.constant 0 : index
    %get3A_16 = arith.constant 0 : index
    %get3A_17 = vector.load %arg5[%get3A_15, %get3A_16] : memref<1x32xf32, #tpu.memory_space<vmem>>, vector<1x32xf32>
    %get3A_18 = arith.constant 0 : index
    %get3A_19 = arith.constant 0 : index
    %get3A_20 = vector.load %arg6[%get3A_18, %get3A_19] : memref<32x32xf32, #tpu.memory_space<vmem>>, vector<32x32xf32>
    %get3A_21 = arith.constant 0 : index
    %get3A_22 = arith.constant 0 : index
    %get3A_23 = vector.load %arg7[%get3A_21, %get3A_22] : memref<1x32xf32, #tpu.memory_space<vmem>>, vector<1x32xf32>
    %get3A_24 = arith.constant 0 : index
    %get3A_25 = arith.constant 0 : index
    %get3A_26 = vector.load %arg8[%get3A_24, %get3A_25] : memref<64x32xf32, #tpu.memory_space<vmem>>, vector<64x32xf32>
    %max3A = arith.constant 0.000000e+00 : f32
    %max3A_27 = vector.broadcast %max3A : f32 to vector<1024x64xf32>
    %max3A_28 = arith.maximumf %add3A_11, %max3A_27 : vector<1024x64xf32>
    %dot_general3A_29 = arith.constant dense<0.000000e+00> : vector<1024x32xf32>
    %dot_general3A_30 = tpu.matmul %max3A_28, %get3A_14, %dot_general3A_29 {dimension_numbers = #tpu.dot_dimension_numbers<[1], [0], [0], [1], [0, 0, 1, 1], [], []>, transpose_lhs_hint = false} : vector<1024x64xf32>, vector<64x32xf32>, vector<1024x32xf32> -> vector<1024x32xf32>
    %add3A_31 = vector.broadcast %get3A_17 : vector<1x32xf32> to vector<1024x32xf32>
    %add3A_32 = arith.addf %dot_general3A_30, %add3A_31 : vector<1024x32xf32>
    %max3A_33 = arith.constant 0.000000e+00 : f32
    %max3A_34 = vector.broadcast %max3A_33 : f32 to vector<1024x32xf32>
    %max3A_35 = arith.maximumf %add3A_32, %max3A_34 : vector<1024x32xf32>
    %dot_general3A_36 = arith.constant dense<0.000000e+00> : vector<1024x32xf32>
    %dot_general3A_37 = tpu.matmul %max3A_35, %get3A_20, %dot_general3A_36 {dimension_numbers = #tpu.dot_dimension_numbers<[1], [0], [0], [1], [0, 0, 1, 1], [], []>, transpose_lhs_hint = false} : vector<1024x32xf32>, vector<32x32xf32>, vector<1024x32xf32> -> vector<1024x32xf32>
    %add3A_38 = vector.broadcast %get3A_23 : vector<1x32xf32> to vector<1024x32xf32>
    %add3A_39 = arith.addf %dot_general3A_37, %add3A_38 : vector<1024x32xf32>
    %dot_general3A_40 = arith.constant dense<0.000000e+00> : vector<1024x32xf32>
    %dot_general3A_41 = tpu.matmul %add3A_11, %get3A_26, %dot_general3A_40 {dimension_numbers = #tpu.dot_dimension_numbers<[1], [0], [0], [1], [0, 0, 1, 1], [], []>, transpose_lhs_hint = false} : vector<1024x64xf32>, vector<64x32xf32>, vector<1024x32xf32> -> vector<1024x32xf32>
    %add3A_42 = arith.addf %dot_general3A_41, %add3A_39 : vector<1024x32xf32>
    %swap3A = arith.constant 0 : index
    %swap3A_43 = arith.constant 0 : index
    %swap3A_44 = vector.load %arg9[%swap3A, %swap3A_43] : memref<1024x32xf32, #tpu.memory_space<vmem>>, vector<1024x32xf32>
    tpu.vector_store %arg9[%swap3A, %swap3A_43], %add3A_42 {strides = array<i32>} : memref<1024x32xf32, #tpu.memory_space<vmem>>, vector<1024x32xf32>,
    return
  }
  func.func @transform_0(%arg0: i32) -> (i32, i32, i32) {
    %jit3A = arith.constant 98 : i32
    %div3A = arith.divsi %arg0, %jit3A : i32
    %sign3A = arith.constant 0 : i32
    %sign3A_0 = arith.cmpi sgt, %arg0, %sign3A : i32
    %sign3A_1 = arith.extui %sign3A_0 : i1 to i32
    %sign3A_2 = arith.constant 0 : i32
    %sign3A_3 = arith.cmpi slt, %arg0, %sign3A_2 : i32
    %sign3A_4 = arith.extui %sign3A_3 : i1 to i32
    %sign3A_5 = arith.subi %sign3A_1, %sign3A_4 : i32
    %sign3A_6 = arith.constant 0 : i32
    %sign3A_7 = arith.cmpi sgt, %jit3A, %sign3A_6 : i32
    %sign3A_8 = arith.extui %sign3A_7 : i1 to i32
    %sign3A_9 = arith.constant 0 : i32
    %sign3A_10 = arith.cmpi slt, %jit3A, %sign3A_9 : i32
    %sign3A_11 = arith.extui %sign3A_10 : i1 to i32
    %sign3A_12 = arith.subi %sign3A_8, %sign3A_11 : i32
    %ne3A = arith.cmpi ne, %sign3A_5, %sign3A_12 : i32
    %rem3A = arith.remsi %arg0, %jit3A : i32
    %ne3A_13 = arith.constant 0 : i32
    %ne3A_14 = arith.cmpi ne, %rem3A, %ne3A_13 : i32
    %and3A = arith.andi %ne3A, %ne3A_14 : i1
    %sub3A = arith.constant 1 : i32
    %sub3A_15 = arith.subi %div3A, %sub3A : i32
    %select_n3A = arith.select %and3A, %sub3A_15, %div3A : i32
    %jit3A_16 = arith.constant 98 : i32
    %eq3A = arith.constant 0 : i32
    %eq3A_17 = arith.cmpi eq, %jit3A_16, %eq3A : i32
    %jit3A_18 = arith.constant 1 : i32
    %select_n3A_19 = arith.select %eq3A_17, %jit3A_18, %jit3A_16 : i32
    %rem3A_20 = arith.remsi %arg0, %select_n3A_19 : i32
    %ne3A_21 = arith.constant 0 : i32
    %ne3A_22 = arith.cmpi ne, %rem3A_20, %ne3A_21 : i32
    %lt3A = arith.constant 0 : i32
    %lt3A_23 = arith.cmpi slt, %rem3A_20, %lt3A : i32
    %lt3A_24 = arith.constant 0 : i32
    %lt3A_25 = arith.cmpi slt, %select_n3A_19, %lt3A_24 : i32
    %ne3A_26 = arith.xori %lt3A_23, %lt3A_25 : i1
    %and3A_27 = arith.andi %ne3A_26, %ne3A_22 : i1
    %add3A = arith.addi %rem3A_20, %select_n3A_19 : i32
    %select_n3A_28 = arith.select %and3A_27, %add3A, %rem3A_20 : i32
    %c0_i32 = arith.constant 0 : i32
    %c0_i32_29 = arith.constant 0 : i32
    return %select_n3A, %select_n3A_28, %c0_i32 : i32, i32, i32
  }
  func.func @transform_1(%arg0: i32) -> (i32, i32) {
    %c0_i32 = arith.constant 0 : i32
    %c0_i32_0 = arith.constant 0 : i32
    %c0_i32_1 = arith.constant 0 : i32
    return %c0_i32, %c0_i32_0 : i32, i32
  }
  func.func @transform_2(%arg0: i32) -> (i32, i32) {
    %c0_i32 = arith.constant 0 : i32
    %c0_i32_0 = arith.constant 0 : i32
    %c0_i32_1 = arith.constant 0 : i32
    return %c0_i32, %c0_i32_0 : i32, i32
  }
  func.func @transform_3(%arg0: i32) -> (i32, i32) {
    %c0_i32 = arith.constant 0 : i32
    %c0_i32_0 = arith.constant 0 : i32
    %c0_i32_1 = arith.constant 0 : i32
    return %c0_i32, %c0_i32_0 : i32, i32
  }
  func.func @transform_4(%arg0: i32) -> (i32, i32) {
    %c0_i32 = arith.constant 0 : i32
    %c0_i32_0 = arith.constant 0 : i32
    %c0_i32_1 = arith.constant 0 : i32
    return %c0_i32, %c0_i32_0 : i32, i32
  }
  func.func @transform_5(%arg0: i32) -> (i32, i32) {
    %c0_i32 = arith.constant 0 : i32
    %c0_i32_0 = arith.constant 0 : i32
    %c0_i32_1 = arith.constant 0 : i32
    return %c0_i32, %c0_i32_0 : i32, i32
  }
  func.func @transform_6(%arg0: i32) -> (i32, i32) {
    %c0_i32 = arith.constant 0 : i32
    %c0_i32_0 = arith.constant 0 : i32
    %c0_i32_1 = arith.constant 0 : i32
    return %c0_i32, %c0_i32_0 : i32, i32
  }
  func.func @transform_7(%arg0: i32) -> (i32, i32) {
    %c0_i32 = arith.constant 0 : i32
    %c0_i32_0 = arith.constant 0 : i32
    %c0_i32_1 = arith.constant 0 : i32
    return %c0_i32, %c0_i32_0 : i32, i32
  }
  func.func @transform_8(%arg0: i32) -> (i32, i32) {
    %c0_i32 = arith.constant 0 : i32
    %c0_i32_0 = arith.constant 0 : i32
    return %arg0, %c0_i32 : i32, i32
  }
}

module attributes {stable_mosaic.version = 14 : i64} {
  func.func @_tc_res_packed_body(%arg0: i32, %arg1: memref<512x128xf32, #tpu.memory_space<vmem>>, %arg2: memref<512x128xf32, #tpu.memory_space<vmem>>, %arg3: memref<128x128xf32, #tpu.memory_space<vmem>>, %arg4: memref<128x128xf32, #tpu.memory_space<vmem>>, %arg5: memref<1x128xf32, #tpu.memory_space<vmem>>, %arg6: memref<128x128xf32, #tpu.memory_space<vmem>>, %arg7: memref<1x128xf32, #tpu.memory_space<vmem>>, %arg8: memref<128x128xf32, #tpu.memory_space<vmem>>, %arg9: memref<128x128xf32, #tpu.memory_space<vmem>>, %arg10: memref<128x128xf32, #tpu.memory_space<vmem>>, %arg11: memref<1x128xf32, #tpu.memory_space<vmem>>, %arg12: memref<512x128xf32, #tpu.memory_space<vmem>>) attributes {dimension_semantics = [#tpu.dimension_semantics<parallel>], iteration_bounds = array<i64: 196>, scalar_prefetch = 0 : i64, scratch_operands = 0 : i64, tpu.core_type = #tpu.core_type<tc>, window_params = [{transform_indices = @transform_0, window_bounds = array<i64: 512, 128>}, {transform_indices = @transform_1, window_bounds = array<i64: 512, 128>}, {pipeline_mode = #tpu.pipeline_mode<synchronous>, transform_indices = @transform_2, window_bounds = array<i64: 128, 128>}, {pipeline_mode = #tpu.pipeline_mode<synchronous>, transform_indices = @transform_3, window_bounds = array<i64: 128, 128>}, {pipeline_mode = #tpu.pipeline_mode<synchronous>, transform_indices = @transform_4, window_bounds = array<i64: 1, 128>}, {pipeline_mode = #tpu.pipeline_mode<synchronous>, transform_indices = @transform_5, window_bounds = array<i64: 128, 128>}, {pipeline_mode = #tpu.pipeline_mode<synchronous>, transform_indices = @transform_6, window_bounds = array<i64: 1, 128>}, {pipeline_mode = #tpu.pipeline_mode<synchronous>, transform_indices = @transform_7, window_bounds = array<i64: 128, 128>}, {pipeline_mode = #tpu.pipeline_mode<synchronous>, transform_indices = @transform_8, window_bounds = array<i64: 128, 128>}, {pipeline_mode = #tpu.pipeline_mode<synchronous>, transform_indices = @transform_9, window_bounds = array<i64: 128, 128>}, {pipeline_mode = #tpu.pipeline_mode<synchronous>, transform_indices = @transform_10, window_bounds = array<i64: 1, 128>}, {transform_indices = @transform_11, window_bounds = array<i64: 512, 128>}]} {
    %get3A = arith.constant 0 : index
    %get3A_0 = arith.constant 0 : index
    %get3A_1 = vector.load %arg1[%get3A, %get3A_0] : memref<512x128xf32, #tpu.memory_space<vmem>>, vector<512x128xf32>
    %get3A_2 = arith.constant 0 : index
    %get3A_3 = arith.constant 0 : index
    %get3A_4 = vector.load %arg2[%get3A_2, %get3A_3] : memref<512x128xf32, #tpu.memory_space<vmem>>, vector<512x128xf32>
    %max3A = arith.constant 0.000000e+00 : f32
    %max3A_5 = vector.broadcast %max3A : f32 to vector<512x128xf32>
    %max3A_6 = arith.maximumf %get3A_1, %max3A_5 : vector<512x128xf32>
    %max3A_7 = arith.constant 0.000000e+00 : f32
    %max3A_8 = vector.broadcast %max3A_7 : f32 to vector<512x128xf32>
    %max3A_9 = arith.maximumf %get3A_4, %max3A_8 : vector<512x128xf32>
    %get3A_10 = arith.constant 0 : index
    %get3A_11 = arith.constant 0 : index
    %get3A_12 = vector.load %arg3[%get3A_10, %get3A_11] : memref<128x128xf32, #tpu.memory_space<vmem>>, vector<128x128xf32>
    %dot_general3A = arith.constant dense<0.000000e+00> : vector<512x128xf32>
    %dot_general3A_13 = tpu.matmul %max3A_6, %get3A_12, %dot_general3A {dimension_numbers = #tpu.dot_dimension_numbers<[1], [0], [0], [1], [0, 0, 1, 1], [], []>, transpose_lhs_hint = false} : vector<512x128xf32>, vector<128x128xf32>, vector<512x128xf32> -> vector<512x128xf32>
    %get3A_14 = arith.constant 0 : index
    %get3A_15 = arith.constant 0 : index
    %get3A_16 = vector.load %arg4[%get3A_14, %get3A_15] : memref<128x128xf32, #tpu.memory_space<vmem>>, vector<128x128xf32>
    %dot_general3A_17 = arith.constant dense<0.000000e+00> : vector<512x128xf32>
    %dot_general3A_18 = tpu.matmul %max3A_9, %get3A_16, %dot_general3A_17 {dimension_numbers = #tpu.dot_dimension_numbers<[1], [0], [0], [1], [0, 0, 1, 1], [], []>, transpose_lhs_hint = false} : vector<512x128xf32>, vector<128x128xf32>, vector<512x128xf32> -> vector<512x128xf32>
    %add3A = arith.addf %dot_general3A_13, %dot_general3A_18 : vector<512x128xf32>
    %get3A_19 = arith.constant 0 : index
    %get3A_20 = arith.constant 0 : index
    %get3A_21 = vector.load %arg5[%get3A_19, %get3A_20] : memref<1x128xf32, #tpu.memory_space<vmem>>, vector<1x128xf32>
    %add3A_22 = vector.broadcast %get3A_21 : vector<1x128xf32> to vector<512x128xf32>
    %add3A_23 = arith.addf %add3A, %add3A_22 : vector<512x128xf32>
    %max3A_24 = arith.constant 0.000000e+00 : f32
    %max3A_25 = vector.broadcast %max3A_24 : f32 to vector<512x128xf32>
    %max3A_26 = arith.maximumf %add3A_23, %max3A_25 : vector<512x128xf32>
    %get3A_27 = arith.constant 0 : index
    %get3A_28 = arith.constant 0 : index
    %get3A_29 = vector.load %arg6[%get3A_27, %get3A_28] : memref<128x128xf32, #tpu.memory_space<vmem>>, vector<128x128xf32>
    %dot_general3A_30 = arith.constant dense<0.000000e+00> : vector<512x128xf32>
    %dot_general3A_31 = tpu.matmul %max3A_26, %get3A_29, %dot_general3A_30 {dimension_numbers = #tpu.dot_dimension_numbers<[1], [0], [0], [1], [0, 0, 1, 1], [], []>, transpose_lhs_hint = false} : vector<512x128xf32>, vector<128x128xf32>, vector<512x128xf32> -> vector<512x128xf32>
    %get3A_32 = arith.constant 0 : index
    %get3A_33 = arith.constant 0 : index
    %get3A_34 = vector.load %arg7[%get3A_32, %get3A_33] : memref<1x128xf32, #tpu.memory_space<vmem>>, vector<1x128xf32>
    %add3A_35 = vector.broadcast %get3A_34 : vector<1x128xf32> to vector<512x128xf32>
    %add3A_36 = arith.addf %dot_general3A_31, %add3A_35 : vector<512x128xf32>
    %get3A_37 = arith.constant 0 : index
    %get3A_38 = arith.constant 0 : index
    %get3A_39 = vector.load %arg8[%get3A_37, %get3A_38] : memref<128x128xf32, #tpu.memory_space<vmem>>, vector<128x128xf32>
    %dot_general3A_40 = arith.constant dense<0.000000e+00> : vector<512x128xf32>
    %dot_general3A_41 = tpu.matmul %get3A_1, %get3A_39, %dot_general3A_40 {dimension_numbers = #tpu.dot_dimension_numbers<[1], [0], [0], [1], [0, 0, 1, 1], [], []>, transpose_lhs_hint = false} : vector<512x128xf32>, vector<128x128xf32>, vector<512x128xf32> -> vector<512x128xf32>
    %get3A_42 = arith.constant 0 : index
    %get3A_43 = arith.constant 0 : index
    %get3A_44 = vector.load %arg9[%get3A_42, %get3A_43] : memref<128x128xf32, #tpu.memory_space<vmem>>, vector<128x128xf32>
    %dot_general3A_45 = arith.constant dense<0.000000e+00> : vector<512x128xf32>
    %dot_general3A_46 = tpu.matmul %get3A_4, %get3A_44, %dot_general3A_45 {dimension_numbers = #tpu.dot_dimension_numbers<[1], [0], [0], [1], [0, 0, 1, 1], [], []>, transpose_lhs_hint = false} : vector<512x128xf32>, vector<128x128xf32>, vector<512x128xf32> -> vector<512x128xf32>
    %add3A_47 = arith.addf %dot_general3A_41, %dot_general3A_46 : vector<512x128xf32>
    %add3A_48 = arith.addf %add3A_47, %add3A_36 : vector<512x128xf32>
    %get3A_49 = arith.constant 0 : index
    %get3A_50 = arith.constant 0 : index
    %get3A_51 = vector.load %arg10[%get3A_49, %get3A_50] : memref<128x128xf32, #tpu.memory_space<vmem>>, vector<128x128xf32>
    %dot_general3A_52 = arith.constant dense<0.000000e+00> : vector<512x128xf32>
    %dot_general3A_53 = tpu.matmul %add3A_48, %get3A_51, %dot_general3A_52 {dimension_numbers = #tpu.dot_dimension_numbers<[1], [0], [0], [1], [0, 0, 1, 1], [], []>, transpose_lhs_hint = false} : vector<512x128xf32>, vector<128x128xf32>, vector<512x128xf32> -> vector<512x128xf32>
    %get3A_54 = arith.constant 0 : index
    %get3A_55 = arith.constant 0 : index
    %get3A_56 = vector.load %arg11[%get3A_54, %get3A_55] : memref<1x128xf32, #tpu.memory_space<vmem>>, vector<1x128xf32>
    %add3A_57 = vector.broadcast %get3A_56 : vector<1x128xf32> to vector<512x128xf32>
    %add3A_58 = arith.addf %dot_general3A_53, %add3A_57 : vector<512x128xf32>
    %swap3A = arith.constant 0 : index
    %swap3A_59 = arith.constant 0 : index
    %swap3A_60 = vector.load %arg12[%swap3A, %swap3A_59] : memref<512x128xf32, #tpu.memory_space<vmem>>, vector<512x128xf32>
    tpu.vector_store %arg12[%swap3A, %swap3A_59], %add3A_58 {strides = array<i32>} : memref<512x128xf32, #tpu.memory_space<vmem>>, vector<512x128xf32>,
    return
  }
  func.func @transform_0(%arg0: i32) -> (i32, i32) {
    %c0_i32 = arith.constant 0 : i32
    %c0_i32_0 = arith.constant 0 : i32
    return %arg0, %c0_i32 : i32, i32
  }
  func.func @transform_1(%arg0: i32) -> (i32, i32) {
    %c0_i32 = arith.constant 0 : i32
    %c0_i32_0 = arith.constant 0 : i32
    return %arg0, %c0_i32 : i32, i32
  }
  func.func @transform_2(%arg0: i32) -> (i32, i32) {
    %c0_i32 = arith.constant 0 : i32
    %c0_i32_0 = arith.constant 0 : i32
    %c0_i32_1 = arith.constant 0 : i32
    return %c0_i32, %c0_i32_0 : i32, i32
  }
  func.func @transform_3(%arg0: i32) -> (i32, i32) {
    %c0_i32 = arith.constant 0 : i32
    %c0_i32_0 = arith.constant 0 : i32
    %c0_i32_1 = arith.constant 0 : i32
    return %c0_i32, %c0_i32_0 : i32, i32
  }
  func.func @transform_4(%arg0: i32) -> (i32, i32) {
    %c0_i32 = arith.constant 0 : i32
    %c0_i32_0 = arith.constant 0 : i32
    %c0_i32_1 = arith.constant 0 : i32
    return %c0_i32, %c0_i32_0 : i32, i32
  }
  func.func @transform_5(%arg0: i32) -> (i32, i32) {
    %c0_i32 = arith.constant 0 : i32
    %c0_i32_0 = arith.constant 0 : i32
    %c0_i32_1 = arith.constant 0 : i32
    return %c0_i32, %c0_i32_0 : i32, i32
  }
  func.func @transform_6(%arg0: i32) -> (i32, i32) {
    %c0_i32 = arith.constant 0 : i32
    %c0_i32_0 = arith.constant 0 : i32
    %c0_i32_1 = arith.constant 0 : i32
    return %c0_i32, %c0_i32_0 : i32, i32
  }
  func.func @transform_7(%arg0: i32) -> (i32, i32) {
    %c0_i32 = arith.constant 0 : i32
    %c0_i32_0 = arith.constant 0 : i32
    %c0_i32_1 = arith.constant 0 : i32
    return %c0_i32, %c0_i32_0 : i32, i32
  }
  func.func @transform_8(%arg0: i32) -> (i32, i32) {
    %c0_i32 = arith.constant 0 : i32
    %c0_i32_0 = arith.constant 0 : i32
    %c0_i32_1 = arith.constant 0 : i32
    return %c0_i32, %c0_i32_0 : i32, i32
  }
  func.func @transform_9(%arg0: i32) -> (i32, i32) {
    %c0_i32 = arith.constant 0 : i32
    %c0_i32_0 = arith.constant 0 : i32
    %c0_i32_1 = arith.constant 0 : i32
    return %c0_i32, %c0_i32_0 : i32, i32
  }
  func.func @transform_10(%arg0: i32) -> (i32, i32) {
    %c0_i32 = arith.constant 0 : i32
    %c0_i32_0 = arith.constant 0 : i32
    %c0_i32_1 = arith.constant 0 : i32
    return %c0_i32, %c0_i32_0 : i32, i32
  }
  func.func @transform_11(%arg0: i32) -> (i32, i32) {
    %c0_i32 = arith.constant 0 : i32
    %c0_i32_0 = arith.constant 0 : i32
    return %arg0, %c0_i32 : i32, i32
  }
}

module attributes {stable_mosaic.version = 14 : i64} {
  func.func @_tc_transpose_body(%arg0: i32, %arg1: i32, %arg2: memref<1x512x32xf32, #tpu.memory_space<vmem>>, %arg3: memref<1x32x512xf32, #tpu.memory_space<vmem>>) attributes {dimension_semantics = [#tpu.dimension_semantics<parallel>, #tpu.dimension_semantics<parallel>], iteration_bounds = array<i64: 4, 64>, scalar_prefetch = 0 : i64, scratch_operands = 0 : i64, tpu.core_type = #tpu.core_type<tc>, window_params = [{transform_indices = @transform_0, window_bounds = array<i64: 1, 512, 32>}, {transform_indices = @transform_1, window_bounds = array<i64: 1, 32, 512>}]} {
    %get3A = arith.constant 0 : index
    %get3A_0 = arith.constant 0 : index
    %get3A_1 = arith.constant 0 : index
    %get3A_2 = vector.load %arg2[%get3A, %get3A_0, %get3A_1] : memref<1x512x32xf32, #tpu.memory_space<vmem>>, vector<1x512x32xf32>
    %transpose3A = tpu.transpose %get3A_2, [0, 2, 1] : vector<1x512x32xf32> -> vector<1x32x512xf32>
    %swap3A = arith.constant 0 : index
    %swap3A_3 = arith.constant 0 : index
    %swap3A_4 = arith.constant 0 : index
    %swap3A_5 = vector.load %arg3[%swap3A, %swap3A_3, %swap3A_4] : memref<1x32x512xf32, #tpu.memory_space<vmem>>, vector<1x32x512xf32>
    tpu.vector_store %arg3[%swap3A, %swap3A_3, %swap3A_4], %transpose3A {strides = array<i32>} : memref<1x32x512xf32, #tpu.memory_space<vmem>>, vector<1x32x512xf32>,
    return
  }
  func.func @transform_0(%arg0: i32, %arg1: i32) -> (i32, i32, i32) {
    %c0_i32 = arith.constant 0 : i32
    %c0_i32_0 = arith.constant 0 : i32
    return %arg0, %arg1, %c0_i32 : i32, i32, i32
  }
  func.func @transform_1(%arg0: i32, %arg1: i32) -> (i32, i32, i32) {
    %c0_i32 = arith.constant 0 : i32
    %c0_i32_0 = arith.constant 0 : i32
    return %arg0, %c0_i32, %arg1 : i32, i32, i32
  }
}

</mosaic_0001>

<sc_bundles>
// kernel: closed_call.13.cloned.1.call-start
scs
__scs_entry_jumppad:
0x0: {  	(pc) =	sbr.rel $0x88, $3  }
0x1: {  	(tag) =	ssettag $0x0;
	lr =	simm.s32 $0x1  }
0x2: {  	[smem:$0x3F83] =	sst lr;
	_ =	strace $0xD0000000  }
0x3: {  	_ = 	snop  }
0x4: {  	_ = 	snop  }
0x5: {  	_ = 	snop  }
0x6: {  	_ = 	snop  }
0x7: {  	_ = 	snop  }
__scs_overlays_trampoline_lowered:
0x8: {  	[smem:$0x3F92] =	sst s0  }
0x9: {  	[smem:$0x3F93] =	sst s1  }
0xa: {  	[smem:$0x3F94] =	sst s2  }
0xb: {  	[smem:$0x3F95] =	sst s3  }
0xc: {  	[smem:$0x3F96] =	sst s4  }
0xd: {  	[smem:$0x3F97] =	sst s5  }
0xe: {  	[smem:$0x3F98] =	sst s6  }
0xf: {  	[smem:$0x3F99] =	sst s7  }
0x10: {  	[smem:$0x3F9A] =	sst s8  }
0x11: {  	[smem:$0x3F9B] =	sst s9;
	s0 =	simm.s32 @!p0 $0x0  }
0x12: {  	s1 =	sld [smem:$0x3F81];
	s0 =	simm.s32 @p0 $0x1  }
0x13: {  	[smem:$0x3F9C] =	sst s0;
	s0 =	simm.s32 @!p1 $0x0  }
0x14: {  	s2 =	sld [smem:$0x3F80];
	s0 =	simm.s32 @p1 $0x1  }
0x15: {  	[smem:$0x3F9D] =	sst s0;
	s0 =	simm.s32 @!p2 $0x0  }
0x16: {  	s3 =	sld [smem:$0x3FDB];
	s0 =	simm.s32 @p2 $0x1  }
0x17: {  	s4 =	simm.s32 $0x1BF5;
	[smem:$0x3F9F] =	sst s0  }
0x18: {  	s0 =	sld [smem:$0x3F82];
	_ =	swait.ge [sflag:s4], $0x0  }
0x19: {  	s7 =	sld [smem:$0x3F83]  }
0x1a: {  	s8 =	sadd.s32 $0xFFFFE003, lr  }
0x1b: {  	s9 =	sadd.s32 $0xFFFFFEF7, lr;
	s5 =	simm.s32 $0xFFFFFFFF;
	p2 =	slt.u32 s8, $0xFFFFF086  }
0x1c: {  	p1 =	slt.u32 s9, $0xF7A;
	s5 =	simm.s32 @!p2 $0x0  }
0x1d: {  	s5 =	simm.s32 @p1 $0x1;
	p0 =	seq.s32 s7, s2  }
0x1e: {  	s7 =	smul.u32 @!p0 $0xF7A, s2;
	p2 =	seq.s32 @!p0 s5, $0x0  }
0x1f: {  	s9 =	smul.u32 $0xF7A, s1;
	s8 =	simm.s32 @!p0 $0x1BF5;
	p2 =	por !p2, p0  }
0x20: {  	[sflag:s8] =	ssyncset.s32 @!p0 $0xFFFFF086;
	s6 =	sadd.s32 @!p0 s3, s7;
	s7 =	simm.s32 @!p0 $0x108  }
0x21: {  	s3 =	sadd.s32 s3, s9;
	s6 =	sadd.s32 @!p0 $0x88, s6;
	s7 =	simm.s32 @p2 $0x1082  }
0x22: {  	[simem:s7], [sflag:s8] =	dma.local @!p0 [hbm:s6], $0xF7A  }
0x23: {  	s9 =	sor.u32 $0xD0000000, s2;
	s6 =	simm.s32 $0x108;
	_ =	swait.ge @!p0 [sflag:s8], $0x0  }
0x24: {  	s3 =	sadd.s32 $0x88, s3;
	s6 =	simm.s32 @!p1 $0x1082;
	[sflag:s4] =	ssyncset.s32 $0xFFFFF086  }
0x25: {  	[simem:s6], [sflag:s4] =	dma.local [hbm:s3], $0xF7A  }
0x26: {  	[smem:$0x3F83] =	sst s1;
	(tag) =	ssettag s2;
	_ =	strace s9  }
0x27: {  	s1 =	sld [smem:$0x3F93]  }
0x28: {  	s2 =	sld [smem:$0x3F94]  }
0x29: {  	s4 =	sld [smem:$0x3F96]  }
0x2a: {  	p0 =	seq.s32 s5, $0x0;
	s5 =	sld [smem:$0x3F97]  }
0x2b: {  	s6 =	sld [smem:$0x3F98]  }
0x2c: {  	s7 =	sld [smem:$0x3F99]  }
0x2d: {  	s3 =	simm.s32 $0x108;
	s8 =	sld [smem:$0x3F9A]  }
0x2e: {  	s3 =	simm.s32 @!p0 $0x1082;
	s9 =	sld [smem:$0x3F9B]  }
0x2f: {  	lr =	sadd.s32 s0, s3;
	s0 =	sld [smem:$0x3F92]  }
0x30: {  	s3 =	sld [smem:$0x3F95]  }
0x31: {  	[smem:$0x3F9E] =	sst s10  }
0x32: {  	s10 =	sld [smem:$0x3F9C];
	_ =	sdelay $0x3  }
0x33: {  	p0 =	seq.s32 s10, $0x1;
	s10 =	sld [smem:$0x3F9E];
	_ =	sdelay $0x3  }
0x34: {  	[smem:$0x3F9E] =	sst s10  }
0x35: {  	s10 =	sld [smem:$0x3F9D];
	_ =	sdelay $0x3  }
0x36: {  	p1 =	seq.s32 s10, $0x1;
	s10 =	sld [smem:$0x3F9E];
	_ =	sdelay $0x3  }
0x37: {  	[smem:$0x3F9E] =	sst s10  }
0x38: {  	s10 =	sld [smem:$0x3F9F]  }
0x39: {  	_ = 	snop;
	(pc) =	sbr.ind lr, $3  }
0x3a: {  	_ = 	snop  }
0x3b: {  	_ = 	snop  }
0x3c: {  	p2 =	seq.s32 s10, $0x1;
	s10 =	sld [smem:$0x3F9E]  }
0x3d: {  	_ =	shalt  }
0x3e: {  	_ =	shalt  }
0x3f: {  	_ =	shalt  }
0x40: {  	_ =	shalt  }
0x41: {  	_ =	shalt  }
0x42: {  	_ =	shalt  }
0x43: {  	_ =	shalt  }
0x44: {  	_ =	shalt  }
0x45: {  	_ =	shalt  }
0x46: {  	_ =	shalt  }
0x47: {  	_ =	shalt  }
0x48: {  	_ =	shalt  }
0x49: {  	_ =	shalt  }
0x4a: {  	_ =	shalt  }
0x4b: {  	_ =	shalt  }
0x4c: {  	_ =	shalt  }
0x4d: {  	_ =	shalt  }
0x4e: {  	_ =	shalt  }
0x4f: {  	_ =	shalt  }
0x50: {  	_ =	shalt  }
0x51: {  	_ =	shalt  }
0x52: {  	_ =	shalt  }
0x53: {  	_ =	shalt  }
0x54: {  	_ =	shalt  }
0x55: {  	_ =	shalt  }
0x56: {  	_ =	shalt  }
0x57: {  	_ =	shalt  }
0x58: {  	_ =	shalt  }
0x59: {  	_ =	shalt  }
0x5a: {  	_ =	shalt  }
0x5b: {  	_ =	shalt  }
0x5c: {  	_ =	shalt  }
0x5d: {  	_ =	shalt  }
0x5e: {  	_ =	shalt  }
0x5f: {  	_ =	shalt  }
0x60: {  	_ =	shalt  }
0x61: {  	_ =	shalt  }
0x62: {  	_ =	shalt  }
0x63: {  	_ =	shalt  }
0x64: {  	_ =	shalt  }
0x65: {  	_ =	shalt  }
0x66: {  	_ =	shalt  }
0x67: {  	_ =	shalt  }
0x68: {  	_ =	shalt  }
0x69: {  	_ =	shalt  }
0x6a: {  	_ =	shalt  }
0x6b: {  	_ =	shalt  }
0x6c: {  	_ =	shalt  }
0x6d: {  	_ =	shalt  }
0x6e: {  	_ =	shalt  }
0x6f: {  	_ =	shalt  }
0x70: {  	_ =	shalt  }
0x71: {  	_ =	shalt  }
0x72: {  	_ =	shalt  }
0x73: {  	_ =	shalt  }
0x74: {  	_ =	shalt  }
0x75: {  	_ =	shalt  }
0x76: {  	_ =	shalt  }
0x77: {  	_ =	shalt  }
0x78: {  	_ =	shalt  }
0x79: {  	_ =	shalt  }
0x7a: {  	_ =	shalt  }
0x7b: {  	_ =	shalt  }
0x7c: {  	_ =	shalt  }
0x7d: {  	_ =	shalt  }
0x7e: {  	_ =	shalt  }
0x7f: {  	_ =	shalt  }
0x80: {  	_ =	shalt  }
0x81: {  	_ =	shalt  }
0x82: {  	_ =	shalt  }
0x83: {  	_ =	shalt  }
0x84: {  	_ =	shalt  }
0x85: {  	_ =	shalt  }
0x86: {  	_ =	shalt  }
0x87: {  	_ =	shalt  }
.Lfunc_end0:
.L_simem_size_0:
called_computation_lowered:
.L_overlay_start_0:
0x88: {  	s2 =	sld [smem:$0x3FD9]  }
0x89: {  	s3 =	sld [smem:$0x3FFE];
	_ =	sdelay $0x1  }
0x8a: {  	s1 =	srdreg.scid  }
0x8b: {  	s0 =	sand.u32 $0x1, s1  }
0x8c: {  	s17 =	sshll.u32 s0, $0xA;
	s2 =	sadd.s32 s3, s2  }
0x8d: {  	s2 =	sadd.s32 s2, s17  }
0x8e: {  	[smem:$0x3FAA] =	sst s2  }
0x8f: {  	_ = 	snop  }
0x90: {  	s2 =	sld [smem:$0x3FD0];
	(tm) =	ssettm $0x1  }
0x91: {  	s18 =	sld [smem:$0x3FFB];
	_ =	sdelay $0x3  }
0x92: {  	_ =	strace s18  }
0x93: {  	s3 =	sld [smem:$0x3FFC];
	_ =	sdelay $0x3  }
0x94: {  	_ =	strace s3  }
0x95: {  	s3 =	sld [smem:$0x3FFD];
	_ =	sdelay $0x3  }
0x96: {  	_ =	strace s3  }
0x97: {  	_ =	strace $0x8FFFFFFF  }
0x98: {  	s19 =	sld [smem:$0x3FDB];
	_ =	sdelay $0x1  }
0x99: {  	s4 =	simm.s32 $_scs_section_size  }
0x9a: {  	s5 =	simm.s32 $_size__tile_overlayer_lowered;
	s6 =	simm.s32 $_tile_overlayer_lowered  }
0x9b: {  	s22 =	simm.s32 $0x1BFF;
	s21 =	sshll.u32 s6, $0x1;
	s3 =	sadd.s32 s4, s19  }
0x9c: {  	s7 =	simm.s32 $0x0;
	s20 =	sshll.u32 s5, $0x1;
	s5 =	sadd.s32 s21, s3  }
0x9d: {  	[timem:s7], [sflag:s22] =	dma.local [hbm:s5], s20  }
0x9e: {  	_ =	swait.ge [sflag:s22], s20  }
0x9f: {  	s4 =	ssub.s32 $0x0, s20;
	[sflag:s22] =	ssyncset.done $0x0  }
0xa0: {  	[sflag:s22] =	ssyncadd.s32 s4;
	_ =	sdelay $0x1  }
0xa1: {  	s23 =	simm.s32 $0x1B8B  }
0xa2: {  	_ =	swait.ge [sflag:s23], $0x1  }
0xa3: {  	[sflag:s23] =	ssyncset.done $0x0  }
0xa4: {  	s25 =	simm.s32 $0x1B8E;
	s24 =	sld [smem:$0x3FFE];
	[sflag:s23] =	ssyncadd.s32 $0xFFFFFFFF  }
0xa5: {  	s26 =	simm.s32 $execute0_lowered;
	[smem:$0x3FD2] =	sst s25  }
0xa6: {  	s5 =	sshll.u32 s26, $0x1;
	_ =	strace $0x80000049;
	[dreg:$0x1] =	wrdreg $0xFFFFFFFF  }
0xa7: {  	s28 =	simm.s32 $_size_execute0_lowered;
	s3 =	sadd.s32 s3, s5;
	[dreg:$0x0] =	wrdreg $0x0  }
0xa8: {  	s5 =	sshll.u32 s28, $0x1;
	[dreg:$0x2] =	wrdreg s3  }
0xa9: {  	[dreg:$0x3] =	wrdreg s5  }
0xaa: {  	[dreg:$0x4] =	wrdreg $0xC0  }
0xab: {  	_ =	task [dreg:s7], $0x5FFFF  }
0xac: {  	[dreg:$0x1] =	wrdreg $0xFFFFFFFF  }
0xad: {  	[dreg:$0x0] =	wrdreg $0x60  }
0xae: {  	[dreg:$0x2] =	wrdreg s2  }
0xaf: {  	[dreg:$0x3] =	wrdreg s24  }
0xb0: {  	[dreg:$0x4] =	wrdreg $0x0  }
0xb1: {  	[dreg:$0x5] =	wrdreg $0x9  }
0xb2: {  	_ =	task.clear_ibuf [dreg:s7], $0x6FFFF;
	_ =	strace $0x90000049  }
0xb3: {  	s29 =	simm.s32 $0x9;
	_ =	strace $0x8000004B  }
0xb4: {  	_ =	swait.ge [sflag:s29], $0x1  }
0xb5: {  	[sflag:s29] =	ssyncadd.s32 $0xFFFFFFFF  }
0xb6: {  	_ =	strace $0x9000004B  }
0xb7: {  	_ =	sfence  }
0xb8: {  	s30 =	sld [smem:$0x0];
	_ =	sdelay $0x2  }
0xb9: {  	s31 =	sshll.u32 s1, $0xD;
	s1 =	sshrl.u32 s1, $0x2  }
0xba: {  	s3 =	sand.u32 $0x4000, s31;
	s1 =	sadd.s32 s1, s30  }
0xbb: {  	s0 =	sor.u32 s3, s0;
	s1 =	sshll.u32 s1, $0x11  }
0xbc: {  	s0 =	sor.u32 s1, s0  }
0xbd: {  	s0 =	sadd.s32 $0x8F2B, s0  }
0xbe: {  	[sflag:s0] =	ssyncadd.remote.s32 $0x1  }
0xbf: {  	_ =	sfence.sel $0xFFFF  }
0xc0: {  	[dreg:$0x0] =	wrdreg $0xFFFFFFFF;
	(pc) =	sbr.abs _section_cstart, $3  }
0xc1: {  	[dreg:$0x1] =	wrdreg $0xFFFFFFFF  }
0xc2: {  	_ =	task.clear_ibuf [dreg:s7], $0x2FFFF;
	_ =	strace $0x9FFFFFFF  }
0xc3: {  	(tm) =	ssettm $0x7FFFFFFF  }
tec
execute0_lowered:
.L_overlay_start_1:
0x0: {  	(tag) =	ssettag $0x1  }
0x1: {  	s0 =	srdreg.scid  }
0x2: {  	s6 =	rddreg [dreg:$0x1];
	s4 =	stileid.u32;
	s10 =	sand.u32 $0x1, s0  }
0x3: {  	s13 =	sadd.s32 $0x19200, s6;
	s14 =	sadd.s32 $0x25600, s6;
	s11 =	sadd.s32 $0x7D600, s6  }
0x4: {  	s15 =	smul.u32 $0x1880, s4;
	s16 =	sshll.u32 s4, $0xB;
	s6 =	sadd.s32 $0x10D800, s6  }
0x5: {  	p0 =	sne.s32 s4, $0xF;
	s0 =	ssub.s32 $0x2, s10;
	s9 =	smul.u32 $0x31000, s10  }
0x6: {  	s17 =	sshll.u32 s10, $0x10;
	s20 =	sshllo.u32 s10, $0x1;
	s1 =	sshrl.u32 s0, $0x1  }
0x7: {  	s17 =	sor.u32 s16, s17;
	s21 =	smul.u32 $0x18800, s20;
	s0 =	ssub.s32 s0, s1  }
0x8: {  	s12 =	sadd.s32 s15, s9;
	s17 =	sshrl.u32 s17, $0x3;
	[dreg:$0x15] =	wrdreg s0  }
0x9: {  	s0 =	sshll.u32 s4, $0x10;
	s18 =	sshrl.u32 s12, $0x3;
	s17 =	sadd.s32 s14, s17  }
0xa: {  	s15 =	sadd.s32 s15, s21;
	s21 =	sshll.u32 s20, $0xF;
	s1 =	sor.u32 $0x2000, s0  }
0xb: {  	s2 =	sor.u32 $0x4000, s0;
	s3 =	sor.u32 $0x6000, s0;
	s5 =	sor.u32 $0x8000, s0  }
0xc: {  	s7 =	sor.u32 $0xA000, s0;
	s8 =	sor.u32 $0xC000, s0;
	s9 =	sor.u32 $0xE000, s0  }
0xd: {  	s18 =	sadd.s32 s13, s18;
	[dreg:$0x4] =	wrdreg s17;
	s17 =	sshll.u32 s10, $0x15  }
0xe: {  	s15 =	sshrl.u32 s15, $0x3;
	s16 =	sor.u32 s16, s21;
	s10 =	smul.u32 $0xC4000, s10  }
0xf: {  	[dreg:$0x16] =	wrdreg s18;
	s25 =	sor.u32 s0, s17;
	s19 =	sor.u32 s17, s1  }
0x10: {  	s22 =	sor.u32 s17, s3;
	s13 =	sadd.s32 s13, s15;
	s23 =	sshrl.u32 s16, $0x3  }
0x11: {  	s24 =	sor.u32 s17, s5;
	s16 =	sor.u32 s17, s8;
	s18 =	sshrl.u32 s25, $0x3  }
0x12: {  	s19 =	sshrl.u32 s19, $0x3;
	[dreg:$0x8] =	wrdreg s13;
	s13 =	sadd.s32 s14, s23  }
0x13: {  	s25 =	sor.u32 s17, s7;
	s15 =	sshrl.u32 s24, $0x3;
	s18 =	sadd.s32 s11, s18  }
0x14: {  	s26 =	sadd.s32 s11, s19;
	s19 =	sor.u32 s17, s2;
	[dreg:$0x9] =	wrdreg s13  }
0x15: {  	s13 =	sshrl.u32 s25, $0x3;
	s15 =	sadd.s32 s11, s15;
	[dreg:$0x5] =	wrdreg s18  }
0x16: {  	[dreg:$0x6] =	wrdreg s26;
	s18 =	sshrl.u32 s19, $0x3;
	s26 =	sshrl.u32 s22, $0x3  }
0x17: {  	[dreg:$0xb] =	wrdreg s15;
	s13 =	sadd.s32 s11, s13;
	s15 =	sshll.u32 s20, $0x14  }
0x18: {  	s18 =	sadd.s32 s11, s18;
	s14 =	sadd.s32 s11, s26;
	[dreg:$0xc] =	wrdreg s13  }
0x19: {  	s13 =	sshrl.u32 s16, $0x3;
	s19 =	sor.u32 s0, s15;
	s22 =	sor.u32 s1, s15  }
0x1a: {  	s23 =	sor.u32 s2, s15;
	s24 =	sor.u32 s3, s15;
	[dreg:$0x7] =	wrdreg s18  }
0x1b: {  	s16 =	sor.u32 s7, s15;
	[dreg:$0xa] =	wrdreg s14;
	s18 =	sor.u32 s17, s9  }
0x1c: {  	s13 =	sadd.s32 s11, s13;
	s21 =	sshrl.u32 s19, $0x3;
	s26 =	sshrl.u32 s24, $0x3  }
0x1d: {  	s17 =	sor.u32 s8, s15;
	s24 =	rddreg [dreg:$0x2];
	s14 =	sshrl.u32 s18, $0x3  }
0x1e: {  	[dreg:$0xd] =	wrdreg s13;
	s13 =	sadd.s32 s11, s21;
	s21 =	sor.u32 s9, s15  }
0x1f: {  	s29 =	sadd.s32 s0, s24;
	s30 =	sadd.s32 s1, s24;
	s31 =	sadd.s32 s2, s24  }
0x20: {  	s0 =	sadd.s32 s5, s24;
	s1 =	sadd.s32 s7, s24;
	s2 =	sadd.s32 s8, s24  }
0x21: {  	s7 =	simm.s32 $0x1;
	s8 =	simm.s32 $0x13020;
	[dreg:$0xf] =	wrdreg s13  }
0x22: {  	s20 =	sadd.s32 s11, s14;
	s13 =	sshrl.u32 s22, $0x3;
	s22 =	rddreg [dreg:$0x0]  }
0x23: {  	s14 =	sshrl.u32 s23, $0x3;
	[dreg:$0xe] =	wrdreg s20;
	s13 =	sadd.s32 s11, s13  }
0x24: {  	s25 =	sadd.s32 s11, s14;
	s14 =	sor.u32 s5, s15;
	[dreg:$0x10] =	wrdreg s13  }
0x25: {  	s20 =	sshrl.u32 s17, $0x3;
	s5 =	sadd.s32 $0x100000, s24;
	[dreg:$0x11] =	wrdreg s25  }
0x26: {  	s13 =	sadd.s32 s11, s26;
	s19 =	sadd.s32 s11, s20;
	s26 =	smul.u32 $0x6200, s4  }
0x27: {  	[dreg:$0x12] =	wrdreg s13;
	s13 =	sshrl.u32 s14, $0x3;
	s14 =	sshrl.u32 s16, $0x3  }
0x28: {  	s16 =	sshll.u32 s12, $0x2;
	s12 =	simm.s32 $0x0;
	s13 =	sadd.s32 s11, s13  }
0x29: {  	s18 =	sadd.s32 s11, s14;
	s17 =	sadd.s32 $0x62000, s16;
	[dreg:$0x13] =	wrdreg s13  }
0x2a: {  	[dreg:$0x14] =	wrdreg s18;
	s13 =	sshrl.u32 s21, $0x3;
	s21 =	simm.s32 $0x0  }
0x2b: {  	s28 =	sadd.s32 s17, s6;
	s20 =	sadd.s32 s11, s13;
	s13 =	sadd.s32 s10, s22  }
0x2c: {  	[smem:$0x7FF] =	sst s21;
	s10 =	sadd.s32 s10, s6;
	s6 =	simm.s32 $0x11020  }
0x2d: {  	s11 =	simm.s32 $0x80;
	s23 =	sadd.s32 s26, s13;
	s25 =	sadd.s32 s26, s10  }
0x2e: {  	s26 =	sadd.s32 s17, s22;
	_ =	strace $0x8000004A;
	s22 =	sadd.s32 s3, s24  }
0x2f: {  	v0 =	vlaneseq.u32;
	s3 =	sadd.s32 s9, s24;
	s9 =	simm.s32 $0x148A0;
	s18 =	rddreg [dreg:$0x15]  }
0x30: {  	v1 =	vimm.f32 $0.0e+00;
	v2 =	vor.u32 $0x10, v0;
	s10 =	simm.s32 $0x10020;
	s4 =	rddreg [dreg:$0x16];
	s18 =	smax.u32 s18, $0x1  }
.LBB2_1:
0x31: {  	s14 =	simm.s32 $0x0  }
0x32: {  	v3 =	vor.u32 s14, v0  }
0x33: {  	s13 =	simm.s32 $0x1;
	v4 =	vor.u32 s14, v2  }
.LBB2_2:
0x34: {  	p1 =	sne.s32 s13, $0xFF  }
.Ltmp0:
0x35: {  	_ = 	snop;
	(pc) =	sbr.rel @p1 .LBB2_2-.Ltmp0, $4  }
0x36: {  	_ = 	snop  }
0x37: {  	s14 =	sshll.u32 s13, $0x5;
	[tilespmem:v3+s6+$0x0] =	vst.idx.msk $0xffff, v1  }
0x38: {  	s13 =	sadd.s32 $0x1, s13;
	v3 =	vor.u32 s14, v0;
	[tilespmem:v4+s6+$0x0] =	vst.idx.msk $0xffff, v1  }
0x39: {  	v4 =	vor.u32 s14, v2  }
0x3a: {  	_ =	sdelay $0x3  }
0x3b: {  	[tilespmem:v3+s6+$0x0] =	vst.idx.msk $0xffff, v1  }
0x3c: {  	[tilespmem:v4+s6+$0x0] =	vst.idx.msk $0xffff, v1  }
0x3d: {  	[spmem:s29] =	stream.linear.scatter [tilespmem:s6], [sflag:$0x1], $0x2000, $0x38;
	[tilespmem:$0x150A0] =	vst v63  }
0x3e: {  	_ =	swait.ge [sflag:s7], $0x2000  }
0x3f: {  	[sflag:s7] =	ssyncset.done $0x0  }
0x40: {  	[sflag:s7] =	ssyncadd.s32 $0xFFFFE000  }
0x41: {  	[spmem:s30] =	stream.linear.scatter [tilespmem:s6], [sflag:$0x1], $0x2000, $0x38;
	[tilespmem:$0x150A0] =	vst v63  }
0x42: {  	_ =	swait.ge [sflag:s7], $0x2000  }
0x43: {  	[sflag:s7] =	ssyncset.done $0x0  }
0x44: {  	[sflag:s7] =	ssyncadd.s32 $0xFFFFE000  }
0x45: {  	[spmem:s31] =	stream.linear.scatter [tilespmem:s6], [sflag:$0x1], $0x2000, $0x38;
	[tilespmem:$0x150A0] =	vst v63  }
0x46: {  	_ =	swait.ge [sflag:s7], $0x2000  }
0x47: {  	[sflag:s7] =	ssyncset.done $0x0  }
0x48: {  	[sflag:s7] =	ssyncadd.s32 $0xFFFFE000  }
0x49: {  	[spmem:s22] =	stream.linear.scatter [tilespmem:s6], [sflag:$0x1], $0x2000, $0x38;
	[tilespmem:$0x150A0] =	vst v63  }
0x4a: {  	_ =	swait.ge [sflag:s7], $0x2000  }
0x4b: {  	[sflag:s7] =	ssyncset.done $0x0  }
0x4c: {  	[sflag:s7] =	ssyncadd.s32 $0xFFFFE000  }
0x4d: {  	[spmem:s0] =	stream.linear.scatter [tilespmem:s6], [sflag:$0x1], $0x2000, $0x38;
	[tilespmem:$0x150A0] =	vst v63  }
0x4e: {  	_ =	swait.ge [sflag:s7], $0x2000  }
0x4f: {  	[sflag:s7] =	ssyncset.done $0x0  }
0x50: {  	[sflag:s7] =	ssyncadd.s32 $0xFFFFE000  }
0x51: {  	[spmem:s1] =	stream.linear.scatter [tilespmem:s6], [sflag:$0x1], $0x2000, $0x38;
	[tilespmem:$0x150A0] =	vst v63  }
0x52: {  	_ =	swait.ge [sflag:s7], $0x2000  }
0x53: {  	[sflag:s7] =	ssyncset.done $0x0  }
0x54: {  	[sflag:s7] =	ssyncadd.s32 $0xFFFFE000  }
0x55: {  	[spmem:s2] =	stream.linear.scatter [tilespmem:s6], [sflag:$0x1], $0x2000, $0x38;
	[tilespmem:$0x150A0] =	vst v63  }
0x56: {  	_ =	swait.ge [sflag:s7], $0x2000  }
0x57: {  	[sflag:s7] =	ssyncset.done $0x0  }
0x58: {  	[sflag:s7] =	ssyncadd.s32 $0xFFFFE000  }
0x59: {  	[spmem:s3] =	stream.linear.scatter [tilespmem:s6], [sflag:$0x1], $0x2000, $0x38;
	[tilespmem:$0x150A0] =	vst v63  }
0x5a: {  	_ =	swait.ge [sflag:s7], $0x2000  }
0x5b: {  	[sflag:s7] =	ssyncset.done $0x0  }
0x5c: {  	s13 =	simm.s32 @!p0 $0x11020;
	[sflag:s7] =	ssyncadd.s32 $0xFFFFE000  }
0x5d: {  	[spmem:s5] =	stream.linear.scatter @!p0 [tilespmem:s13], [sflag:$0x1], $0x200, $0x38;
	[tilespmem:$0x150A0] =	vst v63  }
0x5e: {  	s13 =	simm.s32 @!p0 $0x1  }
0x5f: {  	_ =	swait.ge @!p0 [sflag:s13], $0x200  }
0x60: {  	[sflag:s13] =	ssyncset.done @!p0 $0x0  }
0x61: {  	s15 =	simm.s32 $0x0;
	[sflag:s13] =	ssyncadd.s32 @!p0 $0xFFFFFE00  }
0x62: {  	[tilespmem:s8], [sflag:$0x1] =	stream.linear.gather [hbm4b:s4+s15], $0x1880, $0x38;
	[tilespmem:$0x150A0] =	vst v63  }
0x63: {  	_ =	swait.ge [sflag:s7], $0x1880  }
0x64: {  	[sflag:s7] =	ssyncset.done $0x0  }
0x65: {  	s14 =	rddreg [dreg:$0x4];
	[sflag:s7] =	ssyncadd.s32 $0xFFFFE780  }
0x66: {  	[tilespmem:s9], [sflag:$0x1] =	stream.linear.gather [hbm4b:s14+s15], $0x800, $0x38;
	[tilespmem:$0x150A0] =	vst v63  }
0x67: {  	_ =	swait.ge [sflag:s7], $0x800  }
0x68: {  	[sflag:s7] =	ssyncset.done $0x0  }
0x69: {  	[sflag:s7] =	ssyncadd.s32 $0xFFFFF800  }
0x6a: {  	s16 =	sadd.s32 $0x0, s23;
	[bflag:$0x0] =	sbarrier.arrive $0xFFFF  }
0x6b: {  	[tilespmem:s10], [sflag:$0x1] =	stream.linear.gather [hbm4b:s16+s21], $0x1000, $0x38;
	[tilespmem:$0x150A0] =	vst v63  }
0x6c: {  	_ =	swait.ge [sflag:s7], $0x1000  }
0x6d: {  	[sflag:s7] =	ssyncset.done $0x0  }
0x6e: {  	s17 =	simm.s32 $0x13020;
	[sflag:s7] =	ssyncadd.s32 $0xFFFFF000  }
0x6f: {  	[spmem:s24] =	stream.indirect.scatter.add.f32 [tilespmem:s10], [sflag:$0x1], $0x20, s17, s11, $0xb8;
	[tilespmem:$0x150A0] =	vst v63  }
0x70: {  	_ =	swait.ge [sflag:s7], $0x1000  }
0x71: {  	s13 =	simm.s32 $0x200;
	s14 =	simm.s32 $0x400;
	[sflag:s7] =	ssyncset.done $0x0  }
.LBB2_4:
0x72: {  	s15 =	sadd.s32 s13, s23  }
0x73: {  	[sflag:s7] =	ssyncadd.s32 $0xFFFFF000;
	s16 =	smov.u32 s14;
	s17 =	sadd.s32 $0x200, s14  }
0x74: {  	[tilespmem:s10], [sflag:$0x1] =	stream.linear.gather [hbm4b:s15+s21], $0x1000, $0x38;
	[tilespmem:$0x150A0] =	vst v63  }
0x75: {  	p1 =	sne.s32 s14, $0x6000;
	_ =	swait.ge [sflag:s7], $0x1000  }
.Ltmp1:
0x76: {  	s13 =	sshra.s32 s13, $0x2;
	[sflag:s7] =	ssyncset.done $0x0;
	(pc) =	sbr.rel @p1 .LBB2_4-.Ltmp1, $4  }
0x77: {  	s14 =	sadd.s32 $0x13020, s13;
	s13 =	smov.u32 s16;
	[sflag:s7] =	ssyncadd.s32 $0xFFFFF000  }
0x78: {  	[spmem:s24] =	stream.indirect.scatter.add.f32 [tilespmem:s10], [sflag:$0x1], $0x20, s14, s11, $0xb8;
	[tilespmem:$0x150A0] =	vst v63  }
0x79: {  	_ =	swait.ge [sflag:s7], $0x1000  }
0x7a: {  	s14 =	smov.u32 s17;
	[sflag:s7] =	ssyncset.done $0x0  }
0x7b: {  	s14 =	sadd.s32 s13, s23;
	[sflag:s7] =	ssyncadd.s32 $0xFFFFF000  }
0x7c: {  	[tilespmem:s10], [sflag:$0x1] =	stream.linear.gather [hbm4b:s14+s21], $0x1000, $0x38;
	[tilespmem:$0x150A0] =	vst v63  }
0x7d: {  	_ =	swait.ge [sflag:s7], $0x1000  }
0x7e: {  	s15 =	sshra.s32 s13, $0x2;
	[sflag:s7] =	ssyncset.done $0x0  }
0x7f: {  	s13 =	sadd.s32 $0x13020, s15;
	[sflag:s7] =	ssyncadd.s32 $0xFFFFF000  }
0x80: {  	[spmem:s24] =	stream.indirect.scatter.add.f32 [tilespmem:s10], [sflag:$0x1], $0x20, s13, s11, $0xb8;
	[tilespmem:$0x150A0] =	vst v63  }
0x81: {  	s16 =	simm.s32 $0x0;
	_ =	swait.ge [sflag:s7], $0x1000  }
0x82: {  	v6 =	vmov s16;
	[sflag:s7] =	ssyncset.done $0x0  }
0x83: {  	v4 =	vshll.u32 v6, $0x5;
	[sflag:s7] =	ssyncadd.s32 $0xFFFFF000  }
0x84: {  	v3 =	vor.u32 v0, v4;
	[bflag:$0x0] =	sbarrier.arrive $0xFFFF  }
0x85: {  	[tilespmem:s6], [sflag:$0x1] =	stream.linear.gather [spmem:s29], $0x2000, $0x38;
	[tilespmem:$0x150A0] =	vst v63  }
0x86: {  	v4 =	vor.u32 v2, v4;
	_ =	swait.ge [sflag:s7], $0x2000  }
0x87: {  	[sflag:s7] =	ssyncset.done $0x0  }
0x88: {  	[sflag:s7] =	ssyncadd.s32 $0xFFFFE000  }
0x89: {  	v8 =	vld.idx.msk [tilespmem:v3+s6+$0x0], $0xffff  }
0x8a: {  	v7 =	vld.idx.msk [tilespmem:v6+s9+$0x0], $0xffff  }
0x8b: {  	s17 =	simm.s32 $0x1;
	v9 =	vld.idx.msk [tilespmem:v4+s6+$0x0], $0xffff  }
0x8c: {  	v5 =	vmov s17  }
0x8d: {  	v10 =	vshll.u32 v5, $0x5  }
0x8e: {  	s13 =	simm.s32 $0x2;
	v6 =	vor.u32 v0, v10  }
.LBB2_6:
0x8f: {  	p1 =	sne.s32 s13, $0xFF;
	v8 =	vmul.f32 v8, v7  }
0x90: {  	v10 =	vor.u32 v2, v10;
	v7 =	vmul.f32 v9, v7  }
0x91: {  	[tilespmem:v3+s6+$0x0] =	vst.idx.msk $0xffff, v8;
	v3 =	vmov v6  }
0x92: {  	[tilespmem:v4+s6+$0x0] =	vst.idx.msk $0xffff, v7;
	v4 =	vmov v10  }
0x93: {  	v8 =	vld.idx.msk [tilespmem:v6+s6+$0x0], $0xffff  }
0x94: {  	v7 =	vld.idx.msk [tilespmem:v5+s9+$0x0], $0xffff  }
.Ltmp2:
0x95: {  	v9 =	vld.idx.msk [tilespmem:v10+s6+$0x0], $0xffff;
	(pc) =	sbr.rel @p1 .LBB2_6-.Ltmp2, $4  }
0x96: {  	_ = 	snop  }
0x97: {  	v5 =	vmov s13  }
0x98: {  	v10 =	vshll.u32 v5, $0x5  }
0x99: {  	s13 =	sadd.s32 $0x1, s13;
	v6 =	vor.u32 v0, v10  }
0x9a: {  	_ =	sdelay $0x1  }
0x9b: {  	v8 =	vmul.f32 v8, v7  }
0x9c: {  	v10 =	vor.u32 v2, v10;
	v7 =	vmul.f32 v9, v7  }
0x9d: {  	[tilespmem:v3+s6+$0x0] =	vst.idx.msk $0xffff, v8  }
0x9e: {  	[tilespmem:v4+s6+$0x0] =	vst.idx.msk $0xffff, v7  }
0x9f: {  	v3 =	vld.idx.msk [tilespmem:v6+s6+$0x0], $0xffff  }
0xa0: {  	v4 =	vld.idx.msk [tilespmem:v5+s9+$0x0], $0xffff  }
0xa1: {  	v5 =	vld.idx.msk [tilespmem:v10+s6+$0x0], $0xffff;
	_ =	sdelay $0x3  }
0xa2: {  	v3 =	vmul.f32 v3, v4  }
0xa3: {  	v4 =	vmul.f32 v5, v4  }
0xa4: {  	[tilespmem:v6+s6+$0x0] =	vst.idx.msk $0xffff, v3  }
0xa5: {  	s13 =	simm.s32 $0x0;
	s14 =	rddreg [dreg:$0x5];
	[tilespmem:v10+s6+$0x0] =	vst.idx.msk $0xffff, v4  }
0xa6: {  	[hbm4b:s14+s13] =	stream.linear.scatter [tilespmem:s6], [sflag:$0x1], $0x2000, $0x38;
	[tilespmem:$0x150A0] =	vst v63  }
0xa7: {  	_ =	swait.ge [sflag:s7], $0x2000  }
0xa8: {  	[sflag:s7] =	ssyncset.done $0x0  }
0xa9: {  	[sflag:s7] =	ssyncadd.s32 $0xFFFFE000  }
0xaa: {  	[spmem:s29] =	stream.linear.scatter [tilespmem:s6], [sflag:$0x1], $0x2000, $0x38;
	[tilespmem:$0x150A0] =	vst v63  }
0xab: {  	v4 =	vmov s13;
	_ =	swait.ge [sflag:s7], $0x2000  }
0xac: {  	v5 =	vshll.u32 v4, $0x5;
	[sflag:s7] =	ssyncset.done $0x0  }
0xad: {  	v3 =	vor.u32 v0, v5;
	[sflag:s7] =	ssyncadd.s32 $0xFFFFE000  }
0xae: {  	v6 =	vor.u32 $0x100, v4;
	[tilespmem:s6], [sflag:$0x1] =	stream.linear.gather [spmem:s30], $0x2000, $0x38;
	[tilespmem:$0x150A0] =	vst v63  }
0xaf: {  	v4 =	vor.u32 v2, v5;
	_ =	swait.ge [sflag:s7], $0x2000  }
0xb0: {  	[sflag:s7] =	ssyncset.done $0x0  }
0xb1: {  	[sflag:s7] =	ssyncadd.s32 $0xFFFFE000  }
0xb2: {  	v7 =	vld.idx.msk [tilespmem:v3+s6+$0x0], $0xffff  }
0xb3: {  	v6 =	vld.idx.msk [tilespmem:v6+s9+$0x0], $0xffff  }
0xb4: {  	s17 =	simm.s32 $0x1;
	v8 =	vld.idx.msk [tilespmem:v4+s6+$0x0], $0xffff  }
0xb5: {  	v10 =	vmov s17  }
0xb6: {  	v9 =	vshll.u32 v10, $0x5  }
0xb7: {  	s13 =	simm.s32 $0x2;
	v5 =	vor.u32 v0, v9  }
.LBB2_8:
0xb8: {  	p1 =	sne.s32 s13, $0xFF;
	v10 =	vor.u32 $0x100, v10;
	v7 =	vmul.f32 v7, v6  }
0xb9: {  	v9 =	vor.u32 v2, v9;
	v6 =	vmul.f32 v8, v6  }
0xba: {  	[tilespmem:v3+s6+$0x0] =	vst.idx.msk $0xffff, v7;
	v3 =	vmov v5  }
0xbb: {  	[tilespmem:v4+s6+$0x0] =	vst.idx.msk $0xffff, v6;
	v4 =	vmov v9  }
0xbc: {  	v7 =	vld.idx.msk [tilespmem:v5+s6+$0x0], $0xffff  }
0xbd: {  	v6 =	vld.idx.msk [tilespmem:v10+s9+$0x0], $0xffff  }
.Ltmp3:
0xbe: {  	v8 =	vld.idx.msk [tilespmem:v9+s6+$0x0], $0xffff;
	(pc) =	sbr.rel @p1 .LBB2_8-.Ltmp3, $4  }
0xbf: {  	_ = 	snop  }
0xc0: {  	v10 =	vmov s13  }
0xc1: {  	v9 =	vshll.u32 v10, $0x5  }
0xc2: {  	s13 =	sadd.s32 $0x1, s13;
	v5 =	vor.u32 v0, v9  }
0xc3: {  	_ =	sdelay $0x1  }
0xc4: {  	v10 =	vor.u32 $0x100, v10;
	v7 =	vmul.f32 v7, v6  }
0xc5: {  	v9 =	vor.u32 v2, v9;
	v6 =	vmul.f32 v8, v6  }
0xc6: {  	[tilespmem:v3+s6+$0x0] =	vst.idx.msk $0xffff, v7  }
0xc7: {  	[tilespmem:v4+s6+$0x0] =	vst.idx.msk $0xffff, v6  }
0xc8: {  	v3 =	vld.idx.msk [tilespmem:v5+s6+$0x0], $0xffff  }
0xc9: {  	v4 =	vld.idx.msk [tilespmem:v10+s9+$0x0], $0xffff  }
0xca: {  	v6 =	vld.idx.msk [tilespmem:v9+s6+$0x0], $0xffff;
	_ =	sdelay $0x3  }
0xcb: {  	v3 =	vmul.f32 v3, v4  }
0xcc: {  	v4 =	vmul.f32 v6, v4  }
0xcd: {  	[tilespmem:v5+s6+$0x0] =	vst.idx.msk $0xffff, v3  }
0xce: {  	s13 =	simm.s32 $0x0;
	s14 =	rddreg [dreg:$0x6];
	[tilespmem:v9+s6+$0x0] =	vst.idx.msk $0xffff, v4  }
0xcf: {  	[hbm4b:s14+s13] =	stream.linear.scatter [tilespmem:s6], [sflag:$0x1], $0x2000, $0x38;
	[tilespmem:$0x150A0] =	vst v63  }
0xd0: {  	_ =	swait.ge [sflag:s7], $0x2000  }
0xd1: {  	[sflag:s7] =	ssyncset.done $0x0  }
0xd2: {  	[sflag:s7] =	ssyncadd.s32 $0xFFFFE000  }
0xd3: {  	[spmem:s30] =	stream.linear.scatter [tilespmem:s6], [sflag:$0x1], $0x2000, $0x38;
	[tilespmem:$0x150A0] =	vst v63  }
0xd4: {  	v4 =	vmov s13;
	_ =	swait.ge [sflag:s7], $0x2000  }
0xd5: {  	v5 =	vshll.u32 v4, $0x5;
	[sflag:s7] =	ssyncset.done $0x0  }
0xd6: {  	v3 =	vor.u32 v0, v5;
	[sflag:s7] =	ssyncadd.s32 $0xFFFFE000  }
0xd7: {  	v6 =	vor.u32 $0x200, v4;
	[tilespmem:s6], [sflag:$0x1] =	stream.linear.gather [spmem:s31], $0x2000, $0x38;
	[tilespmem:$0x150A0] =	vst v63  }
0xd8: {  	v4 =	vor.u32 v2, v5;
	_ =	swait.ge [sflag:s7], $0x2000  }
0xd9: {  	[sflag:s7] =	ssyncset.done $0x0  }
0xda: {  	[sflag:s7] =	ssyncadd.s32 $0xFFFFE000  }
0xdb: {  	v7 =	vld.idx.msk [tilespmem:v3+s6+$0x0], $0xffff  }
0xdc: {  	v6 =	vld.idx.msk [tilespmem:v6+s9+$0x0], $0xffff  }
0xdd: {  	s17 =	simm.s32 $0x1;
	v8 =	vld.idx.msk [tilespmem:v4+s6+$0x0], $0xffff  }
0xde: {  	v10 =	vmov s17  }
0xdf: {  	v9 =	vshll.u32 v10, $0x5  }
0xe0: {  	s13 =	simm.s32 $0x2;
	v5 =	vor.u32 v0, v9  }
.LBB2_10:
0xe1: {  	p1 =	sne.s32 s13, $0xFF;
	v10 =	vor.u32 $0x200, v10;
	v7 =	vmul.f32 v7, v6  }
0xe2: {  	v9 =	vor.u32 v2, v9;
	v6 =	vmul.f32 v8, v6  }
0xe3: {  	[tilespmem:v3+s6+$0x0] =	vst.idx.msk $0xffff, v7;
	v3 =	vmov v5  }
0xe4: {  	[tilespmem:v4+s6+$0x0] =	vst.idx.msk $0xffff, v6;
	v4 =	vmov v9  }
0xe5: {  	v7 =	vld.idx.msk [tilespmem:v5+s6+$0x0], $0xffff  }
0xe6: {  	v6 =	vld.idx.msk [tilespmem:v10+s9+$0x0], $0xffff  }
.Ltmp4:
0xe7: {  	v8 =	vld.idx.msk [tilespmem:v9+s6+$0x0], $0xffff;
	(pc) =	sbr.rel @p1 .LBB2_10-.Ltmp4, $4  }
0xe8: {  	_ = 	snop  }
0xe9: {  	v10 =	vmov s13  }
0xea: {  	v9 =	vshll.u32 v10, $0x5  }
0xeb: {  	s13 =	sadd.s32 $0x1, s13;
	v5 =	vor.u32 v0, v9  }
0xec: {  	_ =	sdelay $0x1  }
0xed: {  	v10 =	vor.u32 $0x200, v10;
	v7 =	vmul.f32 v7, v6  }
0xee: {  	v9 =	vor.u32 v2, v9;
	v6 =	vmul.f32 v8, v6  }
0xef: {  	[tilespmem:v3+s6+$0x0] =	vst.idx.msk $0xffff, v7  }
0xf0: {  	[tilespmem:v4+s6+$0x0] =	vst.idx.msk $0xffff, v6  }
0xf1: {  	v3 =	vld.idx.msk [tilespmem:v5+s6+$0x0], $0xffff  }
0xf2: {  	v4 =	vld.idx.msk [tilespmem:v10+s9+$0x0], $0xffff  }
0xf3: {  	v6 =	vld.idx.msk [tilespmem:v9+s6+$0x0], $0xffff;
	_ =	sdelay $0x3  }
0xf4: {  	v3 =	vmul.f32 v3, v4  }
0xf5: {  	v4 =	vmul.f32 v6, v4  }
0xf6: {  	[tilespmem:v5+s6+$0x0] =	vst.idx.msk $0xffff, v3  }
0xf7: {  	s13 =	simm.s32 $0x0;
	s14 =	rddreg [dreg:$0x7];
	[tilespmem:v9+s6+$0x0] =	vst.idx.msk $0xffff, v4  }
0xf8: {  	[hbm4b:s14+s13] =	stream.linear.scatter [tilespmem:s6], [sflag:$0x1], $0x2000, $0x38;
	[tilespmem:$0x150A0] =	vst v63  }
0xf9: {  	_ =	swait.ge [sflag:s7], $0x2000  }
0xfa: {  	[sflag:s7] =	ssyncset.done $0x0  }
0xfb: {  	[sflag:s7] =	ssyncadd.s32 $0xFFFFE000  }
0xfc: {  	[spmem:s31] =	stream.linear.scatter [tilespmem:s6], [sflag:$0x1], $0x2000, $0x38;
	[tilespmem:$0x150A0] =	vst v63  }
0xfd: {  	v4 =	vmov s13;
	_ =	swait.ge [sflag:s7], $0x2000  }
0xfe: {  	v5 =	vshll.u32 v4, $0x5;
	[sflag:s7] =	ssyncset.done $0x0  }
0xff: {  	v3 =	vor.u32 v0, v5;
	[sflag:s7] =	ssyncadd.s32 $0xFFFFE000  }
0x100: {  	v6 =	vor.u32 $0x300, v4;
	[tilespmem:s6], [sflag:$0x1] =	stream.linear.gather [spmem:s22], $0x2000, $0x38;
	[tilespmem:$0x150A0] =	vst v63  }
0x101: {  	v4 =	vor.u32 v2, v5;
	_ =	swait.ge [sflag:s7], $0x2000  }
0x102: {  	[sflag:s7] =	ssyncset.done $0x0  }
0x103: {  	[sflag:s7] =	ssyncadd.s32 $0xFFFFE000  }
0x104: {  	v7 =	vld.idx.msk [tilespmem:v3+s6+$0x0], $0xffff  }
0x105: {  	v6 =	vld.idx.msk [tilespmem:v6+s9+$0x0], $0xffff  }
0x106: {  	s17 =	simm.s32 $0x1;
	v8 =	vld.idx.msk [tilespmem:v4+s6+$0x0], $0xffff  }
0x107: {  	v10 =	vmov s17  }
0x108: {  	v9 =	vshll.u32 v10, $0x5  }
0x109: {  	s13 =	simm.s32 $0x2;
	v5 =	vor.u32 v0, v9  }
.LBB2_12:
0x10a: {  	p1 =	sne.s32 s13, $0xFF;
	v10 =	vor.u32 $0x300, v10;
	v7 =	vmul.f32 v7, v6  }
0x10b: {  	v9 =	vor.u32 v2, v9;
	v6 =	vmul.f32 v8, v6  }
0x10c: {  	[tilespmem:v3+s6+$0x0] =	vst.idx.msk $0xffff, v7;
	v3 =	vmov v5  }
0x10d: {  	[tilespmem:v4+s6+$0x0] =	vst.idx.msk $0xffff, v6;
	v4 =	vmov v9  }
0x10e: {  	v7 =	vld.idx.msk [tilespmem:v5+s6+$0x0], $0xffff  }
0x10f: {  	v6 =	vld.idx.msk [tilespmem:v10+s9+$0x0], $0xffff  }
.Ltmp5:
0x110: {  	v8 =	vld.idx.msk [tilespmem:v9+s6+$0x0], $0xffff;
	(pc) =	sbr.rel @p1 .LBB2_12-.Ltmp5, $4  }
0x111: {  	_ = 	snop  }
0x112: {  	v10 =	vmov s13  }
0x113: {  	v9 =	vshll.u32 v10, $0x5  }
0x114: {  	s13 =	sadd.s32 $0x1, s13;
	v5 =	vor.u32 v0, v9  }
0x115: {  	_ =	sdelay $0x1  }
0x116: {  	v10 =	vor.u32 $0x300, v10;
	v7 =	vmul.f32 v7, v6  }
0x117: {  	v9 =	vor.u32 v2, v9;
	v6 =	vmul.f32 v8, v6  }
0x118: {  	[tilespmem:v3+s6+$0x0] =	vst.idx.msk $0xffff, v7  }
0x119: {  	[tilespmem:v4+s6+$0x0] =	vst.idx.msk $0xffff, v6  }
0x11a: {  	v3 =	vld.idx.msk [tilespmem:v5+s6+$0x0], $0xffff  }
0x11b: {  	v4 =	vld.idx.msk [tilespmem:v10+s9+$0x0], $0xffff  }
0x11c: {  	v6 =	vld.idx.msk [tilespmem:v9+s6+$0x0], $0xffff;
	_ =	sdelay $0x3  }
0x11d: {  	v3 =	vmul.f32 v3, v4  }
0x11e: {  	v4 =	vmul.f32 v6, v4  }
0x11f: {  	[tilespmem:v5+s6+$0x0] =	vst.idx.msk $0xffff, v3  }
0x120: {  	s13 =	simm.s32 $0x0;
	s14 =	rddreg [dreg:$0xa];
	[tilespmem:v9+s6+$0x0] =	vst.idx.msk $0xffff, v4  }
0x121: {  	[hbm4b:s14+s13] =	stream.linear.scatter [tilespmem:s6], [sflag:$0x1], $0x2000, $0x38;
	[tilespmem:$0x150A0] =	vst v63  }
0x122: {  	_ =	swait.ge [sflag:s7], $0x2000  }
0x123: {  	[sflag:s7] =	ssyncset.done $0x0  }
0x124: {  	[sflag:s7] =	ssyncadd.s32 $0xFFFFE000  }
0x125: {  	[spmem:s22] =	stream.linear.scatter [tilespmem:s6], [sflag:$0x1], $0x2000, $0x38;
	[tilespmem:$0x150A0] =	vst v63  }
0x126: {  	v4 =	vmov s13;
	_ =	swait.ge [sflag:s7], $0x2000  }
0x127: {  	v5 =	vshll.u32 v4, $0x5;
	[sflag:s7] =	ssyncset.done $0x0  }
0x128: {  	v3 =	vor.u32 v0, v5;
	[sflag:s7] =	ssyncadd.s32 $0xFFFFE000  }
0x129: {  	v6 =	vor.u32 $0x400, v4;
	[tilespmem:s6], [sflag:$0x1] =	stream.linear.gather [spmem:s0], $0x2000, $0x38;
	[tilespmem:$0x150A0] =	vst v63  }
0x12a: {  	v4 =	vor.u32 v2, v5;
	_ =	swait.ge [sflag:s7], $0x2000  }
0x12b: {  	[sflag:s7] =	ssyncset.done $0x0  }
0x12c: {  	[sflag:s7] =	ssyncadd.s32 $0xFFFFE000  }
0x12d: {  	v7 =	vld.idx.msk [tilespmem:v3+s6+$0x0], $0xffff  }
0x12e: {  	v6 =	vld.idx.msk [tilespmem:v6+s9+$0x0], $0xffff  }
0x12f: {  	s17 =	simm.s32 $0x1;
	v8 =	vld.idx.msk [tilespmem:v4+s6+$0x0], $0xffff  }
0x130: {  	v10 =	vmov s17  }
0x131: {  	v9 =	vshll.u32 v10, $0x5  }
0x132: {  	s13 =	simm.s32 $0x2;
	v5 =	vor.u32 v0, v9  }
.LBB2_14:
0x133: {  	p1 =	sne.s32 s13, $0xFF;
	v10 =	vor.u32 $0x400, v10;
	v7 =	vmul.f32 v7, v6  }
0x134: {  	v9 =	vor.u32 v2, v9;
	v6 =	vmul.f32 v8, v6  }
0x135: {  	[tilespmem:v3+s6+$0x0] =	vst.idx.msk $0xffff, v7;
	v3 =	vmov v5  }
0x136: {  	[tilespmem:v4+s6+$0x0] =	vst.idx.msk $0xffff, v6;
	v4 =	vmov v9  }
0x137: {  	v7 =	vld.idx.msk [tilespmem:v5+s6+$0x0], $0xffff  }
0x138: {  	v6 =	vld.idx.msk [tilespmem:v10+s9+$0x0], $0xffff  }
.Ltmp6:
0x139: {  	v8 =	vld.idx.msk [tilespmem:v9+s6+$0x0], $0xffff;
	(pc) =	sbr.rel @p1 .LBB2_14-.Ltmp6, $4  }
0x13a: {  	_ = 	snop  }
0x13b: {  	v10 =	vmov s13  }
0x13c: {  	v9 =	vshll.u32 v10, $0x5  }
0x13d: {  	s13 =	sadd.s32 $0x1, s13;
	v5 =	vor.u32 v0, v9  }
0x13e: {  	_ =	sdelay $0x1  }
0x13f: {  	v10 =	vor.u32 $0x400, v10;
	v7 =	vmul.f32 v7, v6  }
0x140: {  	v9 =	vor.u32 v2, v9;
	v6 =	vmul.f32 v8, v6  }
0x141: {  	[tilespmem:v3+s6+$0x0] =	vst.idx.msk $0xffff, v7  }
0x142: {  	[tilespmem:v4+s6+$0x0] =	vst.idx.msk $0xffff, v6  }
0x143: {  	v3 =	vld.idx.msk [tilespmem:v5+s6+$0x0], $0xffff  }
0x144: {  	v4 =	vld.idx.msk [tilespmem:v10+s9+$0x0], $0xffff  }
0x145: {  	v6 =	vld.idx.msk [tilespmem:v9+s6+$0x0], $0xffff;
	_ =	sdelay $0x3  }
0x146: {  	v3 =	vmul.f32 v3, v4  }
0x147: {  	v4 =	vmul.f32 v6, v4  }
0x148: {  	[tilespmem:v5+s6+$0x0] =	vst.idx.msk $0xffff, v3  }
0x149: {  	s13 =	simm.s32 $0x0;
	s14 =	rddreg [dreg:$0xb];
	[tilespmem:v9+s6+$0x0] =	vst.idx.msk $0xffff, v4  }
0x14a: {  	[hbm4b:s14+s13] =	stream.linear.scatter [tilespmem:s6], [sflag:$0x1], $0x2000, $0x38;
	[tilespmem:$0x150A0] =	vst v63  }
0x14b: {  	_ =	swait.ge [sflag:s7], $0x2000  }
0x14c: {  	[sflag:s7] =	ssyncset.done $0x0  }
0x14d: {  	[sflag:s7] =	ssyncadd.s32 $0xFFFFE000  }
0x14e: {  	[spmem:s0] =	stream.linear.scatter [tilespmem:s6], [sflag:$0x1], $0x2000, $0x38;
	[tilespmem:$0x150A0] =	vst v63  }
0x14f: {  	v4 =	vmov s13;
	_ =	swait.ge [sflag:s7], $0x2000  }
0x150: {  	v5 =	vshll.u32 v4, $0x5;
	[sflag:s7] =	ssyncset.done $0x0  }
0x151: {  	v3 =	vor.u32 v0, v5;
	[sflag:s7] =	ssyncadd.s32 $0xFFFFE000  }
0x152: {  	v6 =	vor.u32 $0x500, v4;
	[tilespmem:s6], [sflag:$0x1] =	stream.linear.gather [spmem:s1], $0x2000, $0x38;
	[tilespmem:$0x150A0] =	vst v63  }
0x153: {  	v4 =	vor.u32 v2, v5;
	_ =	swait.ge [sflag:s7], $0x2000  }
0x154: {  	[sflag:s7] =	ssyncset.done $0x0  }
0x155: {  	[sflag:s7] =	ssyncadd.s32 $0xFFFFE000  }
0x156: {  	v7 =	vld.idx.msk [tilespmem:v3+s6+$0x0], $0xffff  }
0x157: {  	v6 =	vld.idx.msk [tilespmem:v6+s9+$0x0], $0xffff  }
0x158: {  	s17 =	simm.s32 $0x1;
	v8 =	vld.idx.msk [tilespmem:v4+s6+$0x0], $0xffff  }
0x159: {  	v10 =	vmov s17  }
0x15a: {  	v9 =	vshll.u32 v10, $0x5  }
0x15b: {  	s13 =	simm.s32 $0x2;
	v5 =	vor.u32 v0, v9  }
.LBB2_16:
0x15c: {  	p1 =	sne.s32 s13, $0xFF;
	v10 =	vor.u32 $0x500, v10;
	v7 =	vmul.f32 v7, v6  }
0x15d: {  	v9 =	vor.u32 v2, v9;
	v6 =	vmul.f32 v8, v6  }
0x15e: {  	[tilespmem:v3+s6+$0x0] =	vst.idx.msk $0xffff, v7;
	v3 =	vmov v5  }
0x15f: {  	[tilespmem:v4+s6+$0x0] =	vst.idx.msk $0xffff, v6;
	v4 =	vmov v9  }
0x160: {  	v7 =	vld.idx.msk [tilespmem:v5+s6+$0x0], $0xffff  }
0x161: {  	v6 =	vld.idx.msk [tilespmem:v10+s9+$0x0], $0xffff  }
.Ltmp7:
0x162: {  	v8 =	vld.idx.msk [tilespmem:v9+s6+$0x0], $0xffff;
	(pc) =	sbr.rel @p1 .LBB2_16-.Ltmp7, $4  }
0x163: {  	_ = 	snop  }
0x164: {  	v10 =	vmov s13  }
0x165: {  	v9 =	vshll.u32 v10, $0x5  }
0x166: {  	s13 =	sadd.s32 $0x1, s13;
	v5 =	vor.u32 v0, v9  }
0x167: {  	_ =	sdelay $0x1  }
0x168: {  	v10 =	vor.u32 $0x500, v10;
	v7 =	vmul.f32 v7, v6  }
0x169: {  	v9 =	vor.u32 v2, v9;
	v6 =	vmul.f32 v8, v6  }
0x16a: {  	[tilespmem:v3+s6+$0x0] =	vst.idx.msk $0xffff, v7  }
0x16b: {  	[tilespmem:v4+s6+$0x0] =	vst.idx.msk $0xffff, v6  }
0x16c: {  	v3 =	vld.idx.msk [tilespmem:v5+s6+$0x0], $0xffff  }
0x16d: {  	v4 =	vld.idx.msk [tilespmem:v10+s9+$0x0], $0xffff  }
0x16e: {  	v6 =	vld.idx.msk [tilespmem:v9+s6+$0x0], $0xffff;
	_ =	sdelay $0x3  }
0x16f: {  	v3 =	vmul.f32 v3, v4  }
0x170: {  	v4 =	vmul.f32 v6, v4  }
0x171: {  	[tilespmem:v5+s6+$0x0] =	vst.idx.msk $0xffff, v3  }
0x172: {  	s13 =	simm.s32 $0x0;
	s14 =	rddreg [dreg:$0xc];
	[tilespmem:v9+s6+$0x0] =	vst.idx.msk $0xffff, v4  }
0x173: {  	[hbm4b:s14+s13] =	stream.linear.scatter [tilespmem:s6], [sflag:$0x1], $0x2000, $0x38;
	[tilespmem:$0x150A0] =	vst v63  }
0x174: {  	_ =	swait.ge [sflag:s7], $0x2000  }
0x175: {  	[sflag:s7] =	ssyncset.done $0x0  }
0x176: {  	[sflag:s7] =	ssyncadd.s32 $0xFFFFE000  }
0x177: {  	[spmem:s1] =	stream.linear.scatter [tilespmem:s6], [sflag:$0x1], $0x2000, $0x38;
	[tilespmem:$0x150A0] =	vst v63  }
0x178: {  	v4 =	vmov s13;
	_ =	swait.ge [sflag:s7], $0x2000  }
0x179: {  	v5 =	vshll.u32 v4, $0x5;
	[sflag:s7] =	ssyncset.done $0x0  }
0x17a: {  	v3 =	vor.u32 v0, v5;
	[sflag:s7] =	ssyncadd.s32 $0xFFFFE000  }
0x17b: {  	v6 =	vor.u32 $0x600, v4;
	[tilespmem:s6], [sflag:$0x1] =	stream.linear.gather [spmem:s2], $0x2000, $0x38;
	[tilespmem:$0x150A0] =	vst v63  }
0x17c: {  	v4 =	vor.u32 v2, v5;
	_ =	swait.ge [sflag:s7], $0x2000  }
0x17d: {  	[sflag:s7] =	ssyncset.done $0x0  }
0x17e: {  	[sflag:s7] =	ssyncadd.s32 $0xFFFFE000  }
0x17f: {  	v7 =	vld.idx.msk [tilespmem:v3+s6+$0x0], $0xffff  }
0x180: {  	v6 =	vld.idx.msk [tilespmem:v6+s9+$0x0], $0xffff  }
0x181: {  	s17 =	simm.s32 $0x1;
	v8 =	vld.idx.msk [tilespmem:v4+s6+$0x0], $0xffff  }
0x182: {  	v10 =	vmov s17  }
0x183: {  	v9 =	vshll.u32 v10, $0x5  }
0x184: {  	s13 =	simm.s32 $0x2;
	v5 =	vor.u32 v0, v9  }
.LBB2_18:
0x185: {  	p1 =	sne.s32 s13, $0xFF;
	v10 =	vor.u32 $0x600, v10;
	v7 =	vmul.f32 v7, v6  }
0x186: {  	v9 =	vor.u32 v2, v9;
	v6 =	vmul.f32 v8, v6  }
0x187: {  	[tilespmem:v3+s6+$0x0] =	vst.idx.msk $0xffff, v7;
	v3 =	vmov v5  }
0x188: {  	[tilespmem:v4+s6+$0x0] =	vst.idx.msk $0xffff, v6;
	v4 =	vmov v9  }
0x189: {  	v7 =	vld.idx.msk [tilespmem:v5+s6+$0x0], $0xffff  }
0x18a: {  	v6 =	vld.idx.msk [tilespmem:v10+s9+$0x0], $0xffff  }
.Ltmp8:
0x18b: {  	v8 =	vld.idx.msk [tilespmem:v9+s6+$0x0], $0xffff;
	(pc) =	sbr.rel @p1 .LBB2_18-.Ltmp8, $4  }
0x18c: {  	_ = 	snop  }
0x18d: {  	v10 =	vmov s13  }
0x18e: {  	v9 =	vshll.u32 v10, $0x5  }
0x18f: {  	s13 =	sadd.s32 $0x1, s13;
	v5 =	vor.u32 v0, v9  }
0x190: {  	_ =	sdelay $0x1  }
0x191: {  	v10 =	vor.u32 $0x600, v10;
	v7 =	vmul.f32 v7, v6  }
0x192: {  	v9 =	vor.u32 v2, v9;
	v6 =	vmul.f32 v8, v6  }
0x193: {  	[tilespmem:v3+s6+$0x0] =	vst.idx.msk $0xffff, v7  }
0x194: {  	[tilespmem:v4+s6+$0x0] =	vst.idx.msk $0xffff, v6  }
0x195: {  	v3 =	vld.idx.msk [tilespmem:v5+s6+$0x0], $0xffff  }
0x196: {  	v4 =	vld.idx.msk [tilespmem:v10+s9+$0x0], $0xffff  }
0x197: {  	v6 =	vld.idx.msk [tilespmem:v9+s6+$0x0], $0xffff;
	_ =	sdelay $0x3  }
0x198: {  	v3 =	vmul.f32 v3, v4  }
0x199: {  	v4 =	vmul.f32 v6, v4  }
0x19a: {  	[tilespmem:v5+s6+$0x0] =	vst.idx.msk $0xffff, v3  }
0x19b: {  	s13 =	simm.s32 $0x0;
	s14 =	rddreg [dreg:$0xd];
	[tilespmem:v9+s6+$0x0] =	vst.idx.msk $0xffff, v4  }
0x19c: {  	[hbm4b:s14+s13] =	stream.linear.scatter [tilespmem:s6], [sflag:$0x1], $0x2000, $0x38;
	[tilespmem:$0x150A0] =	vst v63  }
0x19d: {  	_ =	swait.ge [sflag:s7], $0x2000  }
0x19e: {  	[sflag:s7] =	ssyncset.done $0x0  }
0x19f: {  	[sflag:s7] =	ssyncadd.s32 $0xFFFFE000  }
0x1a0: {  	[spmem:s2] =	stream.linear.scatter [tilespmem:s6], [sflag:$0x1], $0x2000, $0x38;
	[tilespmem:$0x150A0] =	vst v63  }
0x1a1: {  	v4 =	vmov s13;
	_ =	swait.ge [sflag:s7], $0x2000  }
0x1a2: {  	v5 =	vshll.u32 v4, $0x5;
	[sflag:s7] =	ssyncset.done $0x0  }
0x1a3: {  	v3 =	vor.u32 v0, v5;
	[sflag:s7] =	ssyncadd.s32 $0xFFFFE000  }
0x1a4: {  	v6 =	vor.u32 $0x700, v4;
	[tilespmem:s6], [sflag:$0x1] =	stream.linear.gather [spmem:s3], $0x2000, $0x38;
	[tilespmem:$0x150A0] =	vst v63  }
0x1a5: {  	v4 =	vor.u32 v2, v5;
	_ =	swait.ge [sflag:s7], $0x2000  }
0x1a6: {  	[sflag:s7] =	ssyncset.done $0x0  }
0x1a7: {  	[sflag:s7] =	ssyncadd.s32 $0xFFFFE000  }
0x1a8: {  	v7 =	vld.idx.msk [tilespmem:v3+s6+$0x0], $0xffff  }
0x1a9: {  	v6 =	vld.idx.msk [tilespmem:v6+s9+$0x0], $0xffff  }
0x1aa: {  	s17 =	simm.s32 $0x1;
	v8 =	vld.idx.msk [tilespmem:v4+s6+$0x0], $0xffff  }
0x1ab: {  	v10 =	vmov s17  }
0x1ac: {  	v9 =	vshll.u32 v10, $0x5  }
0x1ad: {  	s13 =	simm.s32 $0x2;
	v5 =	vor.u32 v0, v9  }
.LBB2_20:
0x1ae: {  	p1 =	sne.s32 s13, $0xFF;
	v10 =	vor.u32 $0x700, v10;
	v7 =	vmul.f32 v7, v6  }
0x1af: {  	v9 =	vor.u32 v2, v9;
	v6 =	vmul.f32 v8, v6  }
0x1b0: {  	[tilespmem:v3+s6+$0x0] =	vst.idx.msk $0xffff, v7;
	v3 =	vmov v5  }
0x1b1: {  	[tilespmem:v4+s6+$0x0] =	vst.idx.msk $0xffff, v6;
	v4 =	vmov v9  }
0x1b2: {  	v7 =	vld.idx.msk [tilespmem:v5+s6+$0x0], $0xffff  }
0x1b3: {  	v6 =	vld.idx.msk [tilespmem:v10+s9+$0x0], $0xffff  }
.Ltmp9:
0x1b4: {  	v8 =	vld.idx.msk [tilespmem:v9+s6+$0x0], $0xffff;
	(pc) =	sbr.rel @p1 .LBB2_20-.Ltmp9, $4  }
0x1b5: {  	_ = 	snop  }
0x1b6: {  	v10 =	vmov s13  }
0x1b7: {  	v9 =	vshll.u32 v10, $0x5  }
0x1b8: {  	s13 =	sadd.s32 $0x1, s13;
	v5 =	vor.u32 v0, v9  }
0x1b9: {  	_ =	sdelay $0x1  }
0x1ba: {  	v10 =	vor.u32 $0x700, v10;
	v7 =	vmul.f32 v7, v6  }
0x1bb: {  	v9 =	vor.u32 v2, v9;
	v63 =	vmul.f32 v8, v6  }
0x1bc: {  	[tilespmem:v3+s6+$0x0] =	vst.idx.msk $0xffff, v7  }
0x1bd: {  	[tilespmem:v4+s6+$0x0] =	vst.idx.msk $0xffff, v63  }
0x1be: {  	v3 =	vld.idx.msk [tilespmem:v5+s6+$0x0], $0xffff  }
0x1bf: {  	v4 =	vld.idx.msk [tilespmem:v10+s9+$0x0], $0xffff  }
0x1c0: {  	v6 =	vld.idx.msk [tilespmem:v9+s6+$0x0], $0xffff;
	_ =	sdelay $0x3  }
0x1c1: {  	v3 =	vmul.f32 v3, v4  }
0x1c2: {  	v4 =	vmul.f32 v6, v4  }
0x1c3: {  	[tilespmem:v5+s6+$0x0] =	vst.idx.msk $0xffff, v3  }
0x1c4: {  	s13 =	simm.s32 $0x0;
	s14 =	rddreg [dreg:$0xe];
	[tilespmem:v9+s6+$0x0] =	vst.idx.msk $0xffff, v4  }
0x1c5: {  	[hbm4b:s14+s13] =	stream.linear.scatter [tilespmem:s6], [sflag:$0x1], $0x2000, $0x38;
	[tilespmem:$0x150A0] =	vst v63  }
0x1c6: {  	_ =	swait.ge [sflag:s7], $0x2000  }
0x1c7: {  	[sflag:s7] =	ssyncset.done $0x0  }
0x1c8: {  	[sflag:s7] =	ssyncadd.s32 $0xFFFFE000  }
0x1c9: {  	[spmem:s3] =	stream.linear.scatter [tilespmem:s6], [sflag:$0x1], $0x2000, $0x38;
	[tilespmem:$0x150A0] =	vst v63  }
0x1ca: {  	_ =	swait.ge [sflag:s7], $0x2000  }
0x1cb: {  	[sflag:s7] =	ssyncset.done $0x0  }
0x1cc: {  	[sflag:s7] =	ssyncadd.s32 $0xFFFFE000  }
0x1cd: {  	s16 =	simm.s32 $0x13020;
	[bflag:$0x0] =	sbarrier.arrive $0xFFFF  }
0x1ce: {  	[tilespmem:s10], [sflag:$0x1] =	stream.indirect.gather [spmem:s24], $0x20, s16, s11, $0xb8;
	[tilespmem:$0x150A0] =	vst v63  }
0x1cf: {  	_ =	swait.ge [sflag:s7], $0x1000  }
0x1d0: {  	[sflag:s7] =	ssyncset.done $0x0  }
0x1d1: {  	s17 =	sadd.s32 $0x0, s25;
	[sflag:s7] =	ssyncadd.s32 $0xFFFFF000  }
0x1d2: {  	[hbm4b:s17+s21] =	stream.linear.scatter [tilespmem:s10], [sflag:$0x1], $0x1000, $0x38;
	[tilespmem:$0x150A0] =	vst v63  }
0x1d3: {  	s15 =	simm.s32 $0x80;
	_ =	swait.ge [sflag:s7], $0x1000  }
0x1d4: {  	s13 =	simm.s32 $0x200;
	s14 =	simm.s32 $0x400;
	[sflag:s7] =	ssyncset.done $0x0  }
.LBB2_22:
0x1d5: {  	s15 =	sadd.s32 $0x13020, s15  }
0x1d6: {  	[sflag:s7] =	ssyncadd.s32 $0xFFFFF000;
	s16 =	smov.u32 s14;
	s17 =	sadd.s32 $0x200, s14  }
0x1d7: {  	[tilespmem:s10], [sflag:$0x1] =	stream.indirect.gather [spmem:s24], $0x20, s15, s11, $0xb8;
	[tilespmem:$0x150A0] =	vst v63  }
0x1d8: {  	p1 =	sne.s32 s14, $0x6000;
	_ =	swait.ge [sflag:s7], $0x1000  }
.Ltmp10:
0x1d9: {  	[sflag:s7] =	ssyncset.done $0x0;
	(pc) =	sbr.rel @p1 .LBB2_22-.Ltmp10, $4  }
0x1da: {  	s14 =	sadd.s32 s13, s25;
	s13 =	smov.u32 s16;
	[sflag:s7] =	ssyncadd.s32 $0xFFFFF000  }
0x1db: {  	[hbm4b:s14+s21] =	stream.linear.scatter [tilespmem:s10], [sflag:$0x1], $0x1000, $0x38;
	[tilespmem:$0x150A0] =	vst v63  }
0x1dc: {  	_ =	swait.ge [sflag:s7], $0x1000  }
0x1dd: {  	s15 =	sshra.s32 s13, $0x2;
	s14 =	smov.u32 s17;
	[sflag:s7] =	ssyncset.done $0x0  }
0x1de: {  	s14 =	sadd.s32 $0x13020, s15;
	[sflag:s7] =	ssyncadd.s32 $0xFFFFF000  }
0x1df: {  	[tilespmem:s10], [sflag:$0x1] =	stream.indirect.gather [spmem:s24], $0x20, s14, s11, $0xb8;
	[tilespmem:$0x150A0] =	vst v63  }
0x1e0: {  	_ =	swait.ge [sflag:s7], $0x1000  }
0x1e1: {  	[sflag:s7] =	ssyncset.done $0x0  }
0x1e2: {  	s13 =	sadd.s32 s13, s25;
	[sflag:s7] =	ssyncadd.s32 $0xFFFFF000  }
0x1e3: {  	[hbm4b:s13+s21] =	stream.linear.scatter [tilespmem:s10], [sflag:$0x1], $0x1000, $0x38;
	[tilespmem:$0x150A0] =	vst v63  }
0x1e4: {  	_ =	swait.ge [sflag:s7], $0x1000  }
0x1e5: {  	s17 =	simm.s32 $0x0;
	[sflag:s7] =	ssyncset.done $0x0  }
0x1e6: {  	v3 =	vor.u32 s17, v0;
	[sflag:s7] =	ssyncadd.s32 $0xFFFFF000  }
0x1e7: {  	v4 =	vor.u32 s17, v2;
	s13 =	simm.s32 $0x1;
	[bflag:$0x0] =	sbarrier.arrive $0xFFFF  }
.LBB2_24:
0x1e8: {  	p1 =	sne.s32 s13, $0xFF  }
.Ltmp11:
0x1e9: {  	_ = 	snop;
	(pc) =	sbr.rel @p1 .LBB2_24-.Ltmp11, $4  }
0x1ea: {  	_ = 	snop  }
0x1eb: {  	s14 =	sshll.u32 s13, $0x5;
	[tilespmem:v3+s6+$0x0] =	vst.idx.msk $0xffff, v1  }
0x1ec: {  	s13 =	sadd.s32 $0x1, s13;
	v3 =	vor.u32 s14, v0;
	[tilespmem:v4+s6+$0x0] =	vst.idx.msk $0xffff, v1  }
0x1ed: {  	v4 =	vor.u32 s14, v2  }
0x1ee: {  	_ =	sdelay $0x3  }
0x1ef: {  	[tilespmem:v3+s6+$0x0] =	vst.idx.msk $0xffff, v1  }
0x1f0: {  	[tilespmem:v4+s6+$0x0] =	vst.idx.msk $0xffff, v1  }
0x1f1: {  	[spmem:s29] =	stream.linear.scatter [tilespmem:s6], [sflag:$0x1], $0x2000, $0x38;
	[tilespmem:$0x150A0] =	vst v63  }
0x1f2: {  	_ =	swait.ge [sflag:s7], $0x2000  }
0x1f3: {  	[sflag:s7] =	ssyncset.done $0x0  }
0x1f4: {  	[sflag:s7] =	ssyncadd.s32 $0xFFFFE000  }
0x1f5: {  	[spmem:s30] =	stream.linear.scatter [tilespmem:s6], [sflag:$0x1], $0x2000, $0x38;
	[tilespmem:$0x150A0] =	vst v63  }
0x1f6: {  	_ =	swait.ge [sflag:s7], $0x2000  }
0x1f7: {  	[sflag:s7] =	ssyncset.done $0x0  }
0x1f8: {  	[sflag:s7] =	ssyncadd.s32 $0xFFFFE000  }
0x1f9: {  	[spmem:s31] =	stream.linear.scatter [tilespmem:s6], [sflag:$0x1], $0x2000, $0x38;
	[tilespmem:$0x150A0] =	vst v63  }
0x1fa: {  	_ =	swait.ge [sflag:s7], $0x2000  }
0x1fb: {  	[sflag:s7] =	ssyncset.done $0x0  }
0x1fc: {  	[sflag:s7] =	ssyncadd.s32 $0xFFFFE000  }
0x1fd: {  	[spmem:s22] =	stream.linear.scatter [tilespmem:s6], [sflag:$0x1], $0x2000, $0x38;
	[tilespmem:$0x150A0] =	vst v63  }
0x1fe: {  	_ =	swait.ge [sflag:s7], $0x2000  }
0x1ff: {  	[sflag:s7] =	ssyncset.done $0x0  }
0x200: {  	[sflag:s7] =	ssyncadd.s32 $0xFFFFE000  }
0x201: {  	[spmem:s0] =	stream.linear.scatter [tilespmem:s6], [sflag:$0x1], $0x2000, $0x38;
	[tilespmem:$0x150A0] =	vst v63  }
0x202: {  	_ =	swait.ge [sflag:s7], $0x2000  }
0x203: {  	[sflag:s7] =	ssyncset.done $0x0  }
0x204: {  	[sflag:s7] =	ssyncadd.s32 $0xFFFFE000  }
0x205: {  	[spmem:s1] =	stream.linear.scatter [tilespmem:s6], [sflag:$0x1], $0x2000, $0x38;
	[tilespmem:$0x150A0] =	vst v63  }
0x206: {  	_ =	swait.ge [sflag:s7], $0x2000  }
0x207: {  	[sflag:s7] =	ssyncset.done $0x0  }
0x208: {  	[sflag:s7] =	ssyncadd.s32 $0xFFFFE000  }
0x209: {  	[spmem:s2] =	stream.linear.scatter [tilespmem:s6], [sflag:$0x1], $0x2000, $0x38;
	[tilespmem:$0x150A0] =	vst v63  }
0x20a: {  	_ =	swait.ge [sflag:s7], $0x2000  }
0x20b: {  	[sflag:s7] =	ssyncset.done $0x0  }
0x20c: {  	[sflag:s7] =	ssyncadd.s32 $0xFFFFE000  }
0x20d: {  	[spmem:s3] =	stream.linear.scatter [tilespmem:s6], [sflag:$0x1], $0x2000, $0x38;
	[tilespmem:$0x150A0] =	vst v63  }
0x20e: {  	_ =	swait.ge [sflag:s7], $0x2000  }
0x20f: {  	[sflag:s7] =	ssyncset.done $0x0  }
0x210: {  	s13 =	simm.s32 @!p0 $0x11020;
	[sflag:s7] =	ssyncadd.s32 $0xFFFFE000  }
0x211: {  	[spmem:s5] =	stream.linear.scatter @!p0 [tilespmem:s13], [sflag:$0x1], $0x200, $0x38;
	[tilespmem:$0x150A0] =	vst v63  }
0x212: {  	s13 =	simm.s32 @!p0 $0x1  }
0x213: {  	_ =	swait.ge @!p0 [sflag:s13], $0x200  }
0x214: {  	[sflag:s13] =	ssyncset.done @!p0 $0x0  }
0x215: {  	s17 =	simm.s32 $0x0;
	s14 =	rddreg [dreg:$0x8];
	[sflag:s13] =	ssyncadd.s32 @!p0 $0xFFFFFE00  }
0x216: {  	[tilespmem:s8], [sflag:$0x1] =	stream.linear.gather [hbm4b:s14+s17], $0x1880, $0x38;
	[tilespmem:$0x150A0] =	vst v63  }
0x217: {  	_ =	swait.ge [sflag:s7], $0x1880  }
0x218: {  	[sflag:s7] =	ssyncset.done $0x0  }
0x219: {  	s15 =	rddreg [dreg:$0x9];
	[sflag:s7] =	ssyncadd.s32 $0xFFFFE780  }
0x21a: {  	[tilespmem:s9], [sflag:$0x1] =	stream.linear.gather [hbm4b:s15+s17], $0x800, $0x38;
	[tilespmem:$0x150A0] =	vst v63  }
0x21b: {  	_ =	swait.ge [sflag:s7], $0x800  }
0x21c: {  	[sflag:s7] =	ssyncset.done $0x0  }
0x21d: {  	[sflag:s7] =	ssyncadd.s32 $0xFFFFF800  }
0x21e: {  	s16 =	sadd.s32 $0x0, s26;
	[bflag:$0x0] =	sbarrier.arrive $0xFFFF  }
0x21f: {  	[tilespmem:s10], [sflag:$0x1] =	stream.linear.gather [hbm4b:s16+s21], $0x1000, $0x38;
	[tilespmem:$0x150A0] =	vst v63  }
0x220: {  	_ =	swait.ge [sflag:s7], $0x1000  }
0x221: {  	[sflag:s7] =	ssyncset.done $0x0  }
0x222: {  	s17 =	simm.s32 $0x13020;
	[sflag:s7] =	ssyncadd.s32 $0xFFFFF000  }
0x223: {  	[spmem:s24] =	stream.indirect.scatter.add.f32 [tilespmem:s10], [sflag:$0x1], $0x20, s17, s11, $0xb8;
	[tilespmem:$0x150A0] =	vst v63  }
0x224: {  	_ =	swait.ge [sflag:s7], $0x1000  }
0x225: {  	s13 =	simm.s32 $0x200;
	s14 =	simm.s32 $0x400;
	[sflag:s7] =	ssyncset.done $0x0  }
.LBB2_26:
0x226: {  	s15 =	sadd.s32 s13, s26  }
0x227: {  	[sflag:s7] =	ssyncadd.s32 $0xFFFFF000;
	s16 =	smov.u32 s14;
	s17 =	sadd.s32 $0x200, s14  }
0x228: {  	[tilespmem:s10], [sflag:$0x1] =	stream.linear.gather [hbm4b:s15+s21], $0x1000, $0x38;
	[tilespmem:$0x150A0] =	vst v63  }
0x229: {  	p1 =	sne.s32 s14, $0x6000;
	_ =	swait.ge [sflag:s7], $0x1000  }
.Ltmp12:
0x22a: {  	s13 =	sshra.s32 s13, $0x2;
	[sflag:s7] =	ssyncset.done $0x0;
	(pc) =	sbr.rel @p1 .LBB2_26-.Ltmp12, $4  }
0x22b: {  	s14 =	sadd.s32 $0x13020, s13;
	s13 =	smov.u32 s16;
	[sflag:s7] =	ssyncadd.s32 $0xFFFFF000  }
0x22c: {  	[spmem:s24] =	stream.indirect.scatter.add.f32 [tilespmem:s10], [sflag:$0x1], $0x20, s14, s11, $0xb8;
	[tilespmem:$0x150A0] =	vst v63  }
0x22d: {  	_ =	swait.ge [sflag:s7], $0x1000  }
0x22e: {  	s14 =	smov.u32 s17;
	[sflag:s7] =	ssyncset.done $0x0  }
0x22f: {  	s14 =	sadd.s32 s13, s26;
	[sflag:s7] =	ssyncadd.s32 $0xFFFFF000  }
0x230: {  	[tilespmem:s10], [sflag:$0x1] =	stream.linear.gather [hbm4b:s14+s21], $0x1000, $0x38;
	[tilespmem:$0x150A0] =	vst v63  }
0x231: {  	_ =	swait.ge [sflag:s7], $0x1000  }
0x232: {  	s15 =	sshra.s32 s13, $0x2;
	[sflag:s7] =	ssyncset.done $0x0  }
0x233: {  	s13 =	sadd.s32 $0x13020, s15;
	[sflag:s7] =	ssyncadd.s32 $0xFFFFF000  }
0x234: {  	[spmem:s24] =	stream.indirect.scatter.add.f32 [tilespmem:s10], [sflag:$0x1], $0x20, s13, s11, $0xb8;
	[tilespmem:$0x150A0] =	vst v63  }
0x235: {  	s16 =	simm.s32 $0x0;
	_ =	swait.ge [sflag:s7], $0x1000  }
0x236: {  	v6 =	vmov s16;
	[sflag:s7] =	ssyncset.done $0x0  }
0x237: {  	v4 =	vshll.u32 v6, $0x5;
	[sflag:s7] =	ssyncadd.s32 $0xFFFFF000  }
0x238: {  	v3 =	vor.u32 v0, v4;
	[bflag:$0x0] =	sbarrier.arrive $0xFFFF  }
0x239: {  	[tilespmem:s6], [sflag:$0x1] =	stream.linear.gather [spmem:s29], $0x2000, $0x38;
	[tilespmem:$0x150A0] =	vst v63  }
0x23a: {  	v4 =	vor.u32 v2, v4;
	_ =	swait.ge [sflag:s7], $0x2000  }
0x23b: {  	[sflag:s7] =	ssyncset.done $0x0  }
0x23c: {  	[sflag:s7] =	ssyncadd.s32 $0xFFFFE000  }
0x23d: {  	v8 =	vld.idx.msk [tilespmem:v3+s6+$0x0], $0xffff  }
0x23e: {  	v7 =	vld.idx.msk [tilespmem:v6+s9+$0x0], $0xffff  }
0x23f: {  	s17 =	simm.s32 $0x1;
	v9 =	vld.idx.msk [tilespmem:v4+s6+$0x0], $0xffff  }
0x240: {  	v5 =	vmov s17  }
0x241: {  	v10 =	vshll.u32 v5, $0x5  }
0x242: {  	s13 =	simm.s32 $0x2;
	v6 =	vor.u32 v0, v10  }
.LBB2_28:
0x243: {  	p1 =	sne.s32 s13, $0xFF;
	v8 =	vmul.f32 v8, v7  }
0x244: {  	v10 =	vor.u32 v2, v10;
	v7 =	vmul.f32 v9, v7  }
0x245: {  	[tilespmem:v3+s6+$0x0] =	vst.idx.msk $0xffff, v8;
	v3 =	vmov v6  }
0x246: {  	[tilespmem:v4+s6+$0x0] =	vst.idx.msk $0xffff, v7;
	v4 =	vmov v10  }
0x247: {  	v8 =	vld.idx.msk [tilespmem:v6+s6+$0x0], $0xffff  }
0x248: {  	v7 =	vld.idx.msk [tilespmem:v5+s9+$0x0], $0xffff  }
.Ltmp13:
0x249: {  	v9 =	vld.idx.msk [tilespmem:v10+s6+$0x0], $0xffff;
	(pc) =	sbr.rel @p1 .LBB2_28-.Ltmp13, $4  }
0x24a: {  	_ = 	snop  }
0x24b: {  	v5 =	vmov s13  }
0x24c: {  	v10 =	vshll.u32 v5, $0x5  }
0x24d: {  	s13 =	sadd.s32 $0x1, s13;
	v6 =	vor.u32 v0, v10  }
0x24e: {  	_ =	sdelay $0x1  }
0x24f: {  	v8 =	vmul.f32 v8, v7  }
0x250: {  	v10 =	vor.u32 v2, v10;
	v7 =	vmul.f32 v9, v7  }
0x251: {  	[tilespmem:v3+s6+$0x0] =	vst.idx.msk $0xffff, v8  }
0x252: {  	[tilespmem:v4+s6+$0x0] =	vst.idx.msk $0xffff, v7  }
0x253: {  	v3 =	vld.idx.msk [tilespmem:v6+s6+$0x0], $0xffff  }
0x254: {  	v4 =	vld.idx.msk [tilespmem:v5+s9+$0x0], $0xffff  }
0x255: {  	v5 =	vld.idx.msk [tilespmem:v10+s6+$0x0], $0xffff;
	_ =	sdelay $0x3  }
0x256: {  	v3 =	vmul.f32 v3, v4  }
0x257: {  	v4 =	vmul.f32 v5, v4  }
0x258: {  	[tilespmem:v6+s6+$0x0] =	vst.idx.msk $0xffff, v3  }
0x259: {  	s13 =	simm.s32 $0x0;
	s14 =	rddreg [dreg:$0xf];
	[tilespmem:v10+s6+$0x0] =	vst.idx.msk $0xffff, v4  }
0x25a: {  	[hbm4b:s14+s13] =	stream.linear.scatter [tilespmem:s6], [sflag:$0x1], $0x2000, $0x38;
	[tilespmem:$0x150A0] =	vst v63  }
0x25b: {  	_ =	swait.ge [sflag:s7], $0x2000  }
0x25c: {  	[sflag:s7] =	ssyncset.done $0x0  }
0x25d: {  	[sflag:s7] =	ssyncadd.s32 $0xFFFFE000  }
0x25e: {  	[spmem:s29] =	stream.linear.scatter [tilespmem:s6], [sflag:$0x1], $0x2000, $0x38;
	[tilespmem:$0x150A0] =	vst v63  }
0x25f: {  	v4 =	vmov s13;
	_ =	swait.ge [sflag:s7], $0x2000  }
0x260: {  	v5 =	vshll.u32 v4, $0x5;
	[sflag:s7] =	ssyncset.done $0x0  }
0x261: {  	v3 =	vor.u32 v0, v5;
	[sflag:s7] =	ssyncadd.s32 $0xFFFFE000  }
0x262: {  	v6 =	vor.u32 $0x100, v4;
	[tilespmem:s6], [sflag:$0x1] =	stream.linear.gather [spmem:s30], $0x2000, $0x38;
	[tilespmem:$0x150A0] =	vst v63  }
0x263: {  	v4 =	vor.u32 v2, v5;
	_ =	swait.ge [sflag:s7], $0x2000  }
0x264: {  	[sflag:s7] =	ssyncset.done $0x0  }
0x265: {  	[sflag:s7] =	ssyncadd.s32 $0xFFFFE000  }
0x266: {  	v7 =	vld.idx.msk [tilespmem:v3+s6+$0x0], $0xffff  }
0x267: {  	v6 =	vld.idx.msk [tilespmem:v6+s9+$0x0], $0xffff  }
0x268: {  	s17 =	simm.s32 $0x1;
	v8 =	vld.idx.msk [tilespmem:v4+s6+$0x0], $0xffff  }
0x269: {  	v10 =	vmov s17  }
0x26a: {  	v9 =	vshll.u32 v10, $0x5  }
0x26b: {  	s13 =	simm.s32 $0x2;
	v5 =	vor.u32 v0, v9  }
.LBB2_30:
0x26c: {  	p1 =	sne.s32 s13, $0xFF;
	v10 =	vor.u32 $0x100, v10;
	v7 =	vmul.f32 v7, v6  }
0x26d: {  	v9 =	vor.u32 v2, v9;
	v6 =	vmul.f32 v8, v6  }
0x26e: {  	[tilespmem:v3+s6+$0x0] =	vst.idx.msk $0xffff, v7;
	v3 =	vmov v5  }
0x26f: {  	[tilespmem:v4+s6+$0x0] =	vst.idx.msk $0xffff, v6;
	v4 =	vmov v9  }
0x270: {  	v7 =	vld.idx.msk [tilespmem:v5+s6+$0x0], $0xffff  }
0x271: {  	v6 =	vld.idx.msk [tilespmem:v10+s9+$0x0], $0xffff  }
.Ltmp14:
0x272: {  	v8 =	vld.idx.msk [tilespmem:v9+s6+$0x0], $0xffff;
	(pc) =	sbr.rel @p1 .LBB2_30-.Ltmp14, $4  }
0x273: {  	_ = 	snop  }
0x274: {  	v10 =	vmov s13  }
0x275: {  	v9 =	vshll.u32 v10, $0x5  }
0x276: {  	s13 =	sadd.s32 $0x1, s13;
	v5 =	vor.u32 v0, v9  }
0x277: {  	_ =	sdelay $0x1  }
0x278: {  	v10 =	vor.u32 $0x100, v10;
	v7 =	vmul.f32 v7, v6  }
0x279: {  	v9 =	vor.u32 v2, v9;
	v6 =	vmul.f32 v8, v6  }
0x27a: {  	[tilespmem:v3+s6+$0x0] =	vst.idx.msk $0xffff, v7  }
0x27b: {  	[tilespmem:v4+s6+$0x0] =	vst.idx.msk $0xffff, v6  }
0x27c: {  	v3 =	vld.idx.msk [tilespmem:v5+s6+$0x0], $0xffff  }
0x27d: {  	v4 =	vld.idx.msk [tilespmem:v10+s9+$0x0], $0xffff  }
0x27e: {  	v6 =	vld.idx.msk [tilespmem:v9+s6+$0x0], $0xffff;
	_ =	sdelay $0x3  }
0x27f: {  	v3 =	vmul.f32 v3, v4  }
0x280: {  	v4 =	vmul.f32 v6, v4  }
0x281: {  	[tilespmem:v5+s6+$0x0] =	vst.idx.msk $0xffff, v3  }
0x282: {  	s13 =	simm.s32 $0x0;
	s14 =	rddreg [dreg:$0x10];
	[tilespmem:v9+s6+$0x0] =	vst.idx.msk $0xffff, v4  }
0x283: {  	[hbm4b:s14+s13] =	stream.linear.scatter [tilespmem:s6], [sflag:$0x1], $0x2000, $0x38;
	[tilespmem:$0x150A0] =	vst v63  }
0x284: {  	_ =	swait.ge [sflag:s7], $0x2000  }
0x285: {  	[sflag:s7] =	ssyncset.done $0x0  }
0x286: {  	[sflag:s7] =	ssyncadd.s32 $0xFFFFE000  }
0x287: {  	[spmem:s30] =	stream.linear.scatter [tilespmem:s6], [sflag:$0x1], $0x2000, $0x38;
	[tilespmem:$0x150A0] =	vst v63  }
0x288: {  	v4 =	vmov s13;
	_ =	swait.ge [sflag:s7], $0x2000  }
0x289: {  	v5 =	vshll.u32 v4, $0x5;
	[sflag:s7] =	ssyncset.done $0x0  }
0x28a: {  	v3 =	vor.u32 v0, v5;
	[sflag:s7] =	ssyncadd.s32 $0xFFFFE000  }
0x28b: {  	v6 =	vor.u32 $0x200, v4;
	[tilespmem:s6], [sflag:$0x1] =	stream.linear.gather [spmem:s31], $0x2000, $0x38;
	[tilespmem:$0x150A0] =	vst v63  }
0x28c: {  	v4 =	vor.u32 v2, v5;
	_ =	swait.ge [sflag:s7], $0x2000  }
0x28d: {  	[sflag:s7] =	ssyncset.done $0x0  }
0x28e: {  	[sflag:s7] =	ssyncadd.s32 $0xFFFFE000  }
0x28f: {  	v7 =	vld.idx.msk [tilespmem:v3+s6+$0x0], $0xffff  }
0x290: {  	v6 =	vld.idx.msk [tilespmem:v6+s9+$0x0], $0xffff  }
0x291: {  	s17 =	simm.s32 $0x1;
	v8 =	vld.idx.msk [tilespmem:v4+s6+$0x0], $0xffff  }
0x292: {  	v10 =	vmov s17  }
0x293: {  	v9 =	vshll.u32 v10, $0x5  }
0x294: {  	s13 =	simm.s32 $0x2;
	v5 =	vor.u32 v0, v9  }
.LBB2_32:
0x295: {  	p1 =	sne.s32 s13, $0xFF;
	v10 =	vor.u32 $0x200, v10;
	v7 =	vmul.f32 v7, v6  }
0x296: {  	v9 =	vor.u32 v2, v9;
	v6 =	vmul.f32 v8, v6  }
0x297: {  	[tilespmem:v3+s6+$0x0] =	vst.idx.msk $0xffff, v7;
	v3 =	vmov v5  }
0x298: {  	[tilespmem:v4+s6+$0x0] =	vst.idx.msk $0xffff, v6;
	v4 =	vmov v9  }
0x299: {  	v7 =	vld.idx.msk [tilespmem:v5+s6+$0x0], $0xffff  }
0x29a: {  	v6 =	vld.idx.msk [tilespmem:v10+s9+$0x0], $0xffff  }
.Ltmp15:
0x29b: {  	v8 =	vld.idx.msk [tilespmem:v9+s6+$0x0], $0xffff;
	(pc) =	sbr.rel @p1 .LBB2_32-.Ltmp15, $4  }
0x29c: {  	_ = 	snop  }
0x29d: {  	v10 =	vmov s13  }
0x29e: {  	v9 =	vshll.u32 v10, $0x5  }
0x29f: {  	s13 =	sadd.s32 $0x1, s13;
	v5 =	vor.u32 v0, v9  }
0x2a0: {  	_ =	sdelay $0x1  }
0x2a1: {  	v10 =	vor.u32 $0x200, v10;
	v7 =	vmul.f32 v7, v6  }
0x2a2: {  	v9 =	vor.u32 v2, v9;
	v6 =	vmul.f32 v8, v6  }
0x2a3: {  	[tilespmem:v3+s6+$0x0] =	vst.idx.msk $0xffff, v7  }
0x2a4: {  	[tilespmem:v4+s6+$0x0] =	vst.idx.msk $0xffff, v6  }
0x2a5: {  	v3 =	vld.idx.msk [tilespmem:v5+s6+$0x0], $0xffff  }
0x2a6: {  	v4 =	vld.idx.msk [tilespmem:v10+s9+$0x0], $0xffff  }
0x2a7: {  	v6 =	vld.idx.msk [tilespmem:v9+s6+$0x0], $0xffff;
	_ =	sdelay $0x3  }
0x2a8: {  	v3 =	vmul.f32 v3, v4  }
0x2a9: {  	v4 =	vmul.f32 v6, v4  }
0x2aa: {  	[tilespmem:v5+s6+$0x0] =	vst.idx.msk $0xffff, v3  }
0x2ab: {  	s13 =	simm.s32 $0x0;
	s14 =	rddreg [dreg:$0x11];
	[tilespmem:v9+s6+$0x0] =	vst.idx.msk $0xffff, v4  }
0x2ac: {  	[hbm4b:s14+s13] =	stream.linear.scatter [tilespmem:s6], [sflag:$0x1], $0x2000, $0x38;
	[tilespmem:$0x150A0] =	vst v63  }
0x2ad: {  	_ =	swait.ge [sflag:s7], $0x2000  }
0x2ae: {  	[sflag:s7] =	ssyncset.done $0x0  }
0x2af: {  	[sflag:s7] =	ssyncadd.s32 $0xFFFFE000  }
0x2b0: {  	[spmem:s31] =	stream.linear.scatter [tilespmem:s6], [sflag:$0x1], $0x2000, $0x38;
	[tilespmem:$0x150A0] =	vst v63  }
0x2b1: {  	v4 =	vmov s13;
	_ =	swait.ge [sflag:s7], $0x2000  }
0x2b2: {  	v5 =	vshll.u32 v4, $0x5;
	[sflag:s7] =	ssyncset.done $0x0  }
0x2b3: {  	v3 =	vor.u32 v0, v5;
	[sflag:s7] =	ssyncadd.s32 $0xFFFFE000  }
0x2b4: {  	v6 =	vor.u32 $0x300, v4;
	[tilespmem:s6], [sflag:$0x1] =	stream.linear.gather [spmem:s22], $0x2000, $0x38;
	[tilespmem:$0x150A0] =	vst v63  }
0x2b5: {  	v4 =	vor.u32 v2, v5;
	_ =	swait.ge [sflag:s7], $0x2000  }
0x2b6: {  	[sflag:s7] =	ssyncset.done $0x0  }
0x2b7: {  	[sflag:s7] =	ssyncadd.s32 $0xFFFFE000  }
0x2b8: {  	v7 =	vld.idx.msk [tilespmem:v3+s6+$0x0], $0xffff  }
0x2b9: {  	v6 =	vld.idx.msk [tilespmem:v6+s9+$0x0], $0xffff  }
0x2ba: {  	s17 =	simm.s32 $0x1;
	v8 =	vld.idx.msk [tilespmem:v4+s6+$0x0], $0xffff  }
0x2bb: {  	v10 =	vmov s17  }
0x2bc: {  	v9 =	vshll.u32 v10, $0x5  }
0x2bd: {  	s13 =	simm.s32 $0x2;
	v5 =	vor.u32 v0, v9  }
.LBB2_34:
0x2be: {  	p1 =	sne.s32 s13, $0xFF;
	v10 =	vor.u32 $0x300, v10;
	v7 =	vmul.f32 v7, v6  }
0x2bf: {  	v9 =	vor.u32 v2, v9;
	v6 =	vmul.f32 v8, v6  }
0x2c0: {  	[tilespmem:v3+s6+$0x0] =	vst.idx.msk $0xffff, v7;
	v3 =	vmov v5  }
0x2c1: {  	[tilespmem:v4+s6+$0x0] =	vst.idx.msk $0xffff, v6;
	v4 =	vmov v9  }
0x2c2: {  	v7 =	vld.idx.msk [tilespmem:v5+s6+$0x0], $0xffff  }
0x2c3: {  	v6 =	vld.idx.msk [tilespmem:v10+s9+$0x0], $0xffff  }
.Ltmp16:
0x2c4: {  	v8 =	vld.idx.msk [tilespmem:v9+s6+$0x0], $0xffff;
	(pc) =	sbr.rel @p1 .LBB2_34-.Ltmp16, $4  }
0x2c5: {  	_ = 	snop  }
0x2c6: {  	v10 =	vmov s13  }
0x2c7: {  	v9 =	vshll.u32 v10, $0x5  }
0x2c8: {  	s13 =	sadd.s32 $0x1, s13;
	v5 =	vor.u32 v0, v9  }
0x2c9: {  	_ =	sdelay $0x1  }
0x2ca: {  	v10 =	vor.u32 $0x300, v10;
	v7 =	vmul.f32 v7, v6  }
0x2cb: {  	v9 =	vor.u32 v2, v9;
	v6 =	vmul.f32 v8, v6  }
0x2cc: {  	[tilespmem:v3+s6+$0x0] =	vst.idx.msk $0xffff, v7  }
0x2cd: {  	[tilespmem:v4+s6+$0x0] =	vst.idx.msk $0xffff, v6  }
0x2ce: {  	v3 =	vld.idx.msk [tilespmem:v5+s6+$0x0], $0xffff  }
0x2cf: {  	v4 =	vld.idx.msk [tilespmem:v10+s9+$0x0], $0xffff  }
0x2d0: {  	v6 =	vld.idx.msk [tilespmem:v9+s6+$0x0], $0xffff;
	_ =	sdelay $0x3  }
0x2d1: {  	v3 =	vmul.f32 v3, v4  }
0x2d2: {  	v4 =	vmul.f32 v6, v4  }
0x2d3: {  	[tilespmem:v5+s6+$0x0] =	vst.idx.msk $0xffff, v3  }
0x2d4: {  	s13 =	simm.s32 $0x0;
	s14 =	rddreg [dreg:$0x12];
	[tilespmem:v9+s6+$0x0] =	vst.idx.msk $0xffff, v4  }
0x2d5: {  	[hbm4b:s14+s13] =	stream.linear.scatter [tilespmem:s6], [sflag:$0x1], $0x2000, $0x38;
	[tilespmem:$0x150A0] =	vst v63  }
0x2d6: {  	_ =	swait.ge [sflag:s7], $0x2000  }
0x2d7: {  	[sflag:s7] =	ssyncset.done $0x0  }
0x2d8: {  	[sflag:s7] =	ssyncadd.s32 $0xFFFFE000  }
0x2d9: {  	[spmem:s22] =	stream.linear.scatter [tilespmem:s6], [sflag:$0x1], $0x2000, $0x38;
	[tilespmem:$0x150A0] =	vst v63  }
0x2da: {  	v4 =	vmov s13;
	_ =	swait.ge [sflag:s7], $0x2000  }
0x2db: {  	v5 =	vshll.u32 v4, $0x5;
	[sflag:s7] =	ssyncset.done $0x0  }
0x2dc: {  	v3 =	vor.u32 v0, v5;
	[sflag:s7] =	ssyncadd.s32 $0xFFFFE000  }
0x2dd: {  	v6 =	vor.u32 $0x400, v4;
	[tilespmem:s6], [sflag:$0x1] =	stream.linear.gather [spmem:s0], $0x2000, $0x38;
	[tilespmem:$0x150A0] =	vst v63  }
0x2de: {  	v4 =	vor.u32 v2, v5;
	_ =	swait.ge [sflag:s7], $0x2000  }
0x2df: {  	[sflag:s7] =	ssyncset.done $0x0  }
0x2e0: {  	[sflag:s7] =	ssyncadd.s32 $0xFFFFE000  }
0x2e1: {  	v7 =	vld.idx.msk [tilespmem:v3+s6+$0x0], $0xffff  }
0x2e2: {  	v6 =	vld.idx.msk [tilespmem:v6+s9+$0x0], $0xffff  }
0x2e3: {  	s17 =	simm.s32 $0x1;
	v8 =	vld.idx.msk [tilespmem:v4+s6+$0x0], $0xffff  }
0x2e4: {  	v10 =	vmov s17  }
0x2e5: {  	v9 =	vshll.u32 v10, $0x5  }
0x2e6: {  	s13 =	simm.s32 $0x2;
	v5 =	vor.u32 v0, v9  }
.LBB2_36:
0x2e7: {  	p1 =	sne.s32 s13, $0xFF;
	v10 =	vor.u32 $0x400, v10;
	v7 =	vmul.f32 v7, v6  }
0x2e8: {  	v9 =	vor.u32 v2, v9;
	v6 =	vmul.f32 v8, v6  }
0x2e9: {  	[tilespmem:v3+s6+$0x0] =	vst.idx.msk $0xffff, v7;
	v3 =	vmov v5  }
0x2ea: {  	[tilespmem:v4+s6+$0x0] =	vst.idx.msk $0xffff, v6;
	v4 =	vmov v9  }
0x2eb: {  	v7 =	vld.idx.msk [tilespmem:v5+s6+$0x0], $0xffff  }
0x2ec: {  	v6 =	vld.idx.msk [tilespmem:v10+s9+$0x0], $0xffff  }
.Ltmp17:
0x2ed: {  	v8 =	vld.idx.msk [tilespmem:v9+s6+$0x0], $0xffff;
	(pc) =	sbr.rel @p1 .LBB2_36-.Ltmp17, $4  }
0x2ee: {  	_ = 	snop  }
0x2ef: {  	v10 =	vmov s13  }
0x2f0: {  	v9 =	vshll.u32 v10, $0x5  }
0x2f1: {  	s13 =	sadd.s32 $0x1, s13;
	v5 =	vor.u32 v0, v9  }
0x2f2: {  	_ =	sdelay $0x1  }
0x2f3: {  	v10 =	vor.u32 $0x400, v10;
	v7 =	vmul.f32 v7, v6  }
0x2f4: {  	v9 =	vor.u32 v2, v9;
	v6 =	vmul.f32 v8, v6  }
0x2f5: {  	[tilespmem:v3+s6+$0x0] =	vst.idx.msk $0xffff, v7  }
0x2f6: {  	[tilespmem:v4+s6+$0x0] =	vst.idx.msk $0xffff, v6  }
0x2f7: {  	v3 =	vld.idx.msk [tilespmem:v5+s6+$0x0], $0xffff  }
0x2f8: {  	v4 =	vld.idx.msk [tilespmem:v10+s9+$0x0], $0xffff  }
0x2f9: {  	v6 =	vld.idx.msk [tilespmem:v9+s6+$0x0], $0xffff;
	_ =	sdelay $0x3  }
0x2fa: {  	v3 =	vmul.f32 v3, v4  }
0x2fb: {  	v4 =	vmul.f32 v6, v4  }
0x2fc: {  	[tilespmem:v5+s6+$0x0] =	vst.idx.msk $0xffff, v3  }
0x2fd: {  	s13 =	simm.s32 $0x0;
	s14 =	rddreg [dreg:$0x13];
	[tilespmem:v9+s6+$0x0] =	vst.idx.msk $0xffff, v4  }
0x2fe: {  	[hbm4b:s14+s13] =	stream.linear.scatter [tilespmem:s6], [sflag:$0x1], $0x2000, $0x38;
	[tilespmem:$0x150A0] =	vst v63  }
0x2ff: {  	_ =	swait.ge [sflag:s7], $0x2000  }
0x300: {  	[sflag:s7] =	ssyncset.done $0x0  }
0x301: {  	[sflag:s7] =	ssyncadd.s32 $0xFFFFE000  }
0x302: {  	[spmem:s0] =	stream.linear.scatter [tilespmem:s6], [sflag:$0x1], $0x2000, $0x38;
	[tilespmem:$0x150A0] =	vst v63  }
0x303: {  	v4 =	vmov s13;
	_ =	swait.ge [sflag:s7], $0x2000  }
0x304: {  	v5 =	vshll.u32 v4, $0x5;
	[sflag:s7] =	ssyncset.done $0x0  }
0x305: {  	v3 =	vor.u32 v0, v5;
	[sflag:s7] =	ssyncadd.s32 $0xFFFFE000  }
0x306: {  	v6 =	vor.u32 $0x500, v4;
	[tilespmem:s6], [sflag:$0x1] =	stream.linear.gather [spmem:s1], $0x2000, $0x38;
	[tilespmem:$0x150A0] =	vst v63  }
0x307: {  	v4 =	vor.u32 v2, v5;
	_ =	swait.ge [sflag:s7], $0x2000  }
0x308: {  	[sflag:s7] =	ssyncset.done $0x0  }
0x309: {  	[sflag:s7] =	ssyncadd.s32 $0xFFFFE000  }
0x30a: {  	v7 =	vld.idx.msk [tilespmem:v3+s6+$0x0], $0xffff  }
0x30b: {  	v6 =	vld.idx.msk [tilespmem:v6+s9+$0x0], $0xffff  }
0x30c: {  	s17 =	simm.s32 $0x1;
	v8 =	vld.idx.msk [tilespmem:v4+s6+$0x0], $0xffff  }
0x30d: {  	v10 =	vmov s17  }
0x30e: {  	v9 =	vshll.u32 v10, $0x5  }
0x30f: {  	s13 =	simm.s32 $0x2;
	v5 =	vor.u32 v0, v9  }
.LBB2_38:
0x310: {  	p1 =	sne.s32 s13, $0xFF;
	v10 =	vor.u32 $0x500, v10;
	v7 =	vmul.f32 v7, v6  }
0x311: {  	v9 =	vor.u32 v2, v9;
	v6 =	vmul.f32 v8, v6  }
0x312: {  	[tilespmem:v3+s6+$0x0] =	vst.idx.msk $0xffff, v7;
	v3 =	vmov v5  }
0x313: {  	[tilespmem:v4+s6+$0x0] =	vst.idx.msk $0xffff, v6;
	v4 =	vmov v9  }
0x314: {  	v7 =	vld.idx.msk [tilespmem:v5+s6+$0x0], $0xffff  }
0x315: {  	v6 =	vld.idx.msk [tilespmem:v10+s9+$0x0], $0xffff  }
.Ltmp18:
0x316: {  	v8 =	vld.idx.msk [tilespmem:v9+s6+$0x0], $0xffff;
	(pc) =	sbr.rel @p1 .LBB2_38-.Ltmp18, $4  }
0x317: {  	_ = 	snop  }
0x318: {  	v10 =	vmov s13  }
0x319: {  	v9 =	vshll.u32 v10, $0x5  }
0x31a: {  	s13 =	sadd.s32 $0x1, s13;
	v5 =	vor.u32 v0, v9  }
0x31b: {  	_ =	sdelay $0x1  }
0x31c: {  	v10 =	vor.u32 $0x500, v10;
	v7 =	vmul.f32 v7, v6  }
0x31d: {  	v9 =	vor.u32 v2, v9;
	v6 =	vmul.f32 v8, v6  }
0x31e: {  	[tilespmem:v3+s6+$0x0] =	vst.idx.msk $0xffff, v7  }
0x31f: {  	[tilespmem:v4+s6+$0x0] =	vst.idx.msk $0xffff, v6  }
0x320: {  	v3 =	vld.idx.msk [tilespmem:v5+s6+$0x0], $0xffff  }
0x321: {  	v4 =	vld.idx.msk [tilespmem:v10+s9+$0x0], $0xffff  }
0x322: {  	v6 =	vld.idx.msk [tilespmem:v9+s6+$0x0], $0xffff;
	_ =	sdelay $0x3  }
0x323: {  	v3 =	vmul.f32 v3, v4  }
0x324: {  	v4 =	vmul.f32 v6, v4  }
0x325: {  	[tilespmem:v5+s6+$0x0] =	vst.idx.msk $0xffff, v3  }
0x326: {  	s13 =	simm.s32 $0x0;
	s14 =	rddreg [dreg:$0x14];
	[tilespmem:v9+s6+$0x0] =	vst.idx.msk $0xffff, v4  }
0x327: {  	[hbm4b:s14+s13] =	stream.linear.scatter [tilespmem:s6], [sflag:$0x1], $0x2000, $0x38;
	[tilespmem:$0x150A0] =	vst v63  }
0x328: {  	_ =	swait.ge [sflag:s7], $0x2000  }
0x329: {  	[sflag:s7] =	ssyncset.done $0x0  }
0x32a: {  	[sflag:s7] =	ssyncadd.s32 $0xFFFFE000  }
0x32b: {  	[spmem:s1] =	stream.linear.scatter [tilespmem:s6], [sflag:$0x1], $0x2000, $0x38;
	[tilespmem:$0x150A0] =	vst v63  }
0x32c: {  	v4 =	vmov s13;
	_ =	swait.ge [sflag:s7], $0x2000  }
0x32d: {  	v5 =	vshll.u32 v4, $0x5;
	[sflag:s7] =	ssyncset.done $0x0  }
0x32e: {  	v3 =	vor.u32 v0, v5;
	[sflag:s7] =	ssyncadd.s32 $0xFFFFE000  }
0x32f: {  	v6 =	vor.u32 $0x600, v4;
	[tilespmem:s6], [sflag:$0x1] =	stream.linear.gather [spmem:s2], $0x2000, $0x38;
	[tilespmem:$0x150A0] =	vst v63  }
0x330: {  	v4 =	vor.u32 v2, v5;
	_ =	swait.ge [sflag:s7], $0x2000  }
0x331: {  	[sflag:s7] =	ssyncset.done $0x0  }
0x332: {  	[sflag:s7] =	ssyncadd.s32 $0xFFFFE000  }
0x333: {  	v7 =	vld.idx.msk [tilespmem:v3+s6+$0x0], $0xffff  }
0x334: {  	v6 =	vld.idx.msk [tilespmem:v6+s9+$0x0], $0xffff  }
0x335: {  	s17 =	simm.s32 $0x1;
	v8 =	vld.idx.msk [tilespmem:v4+s6+$0x0], $0xffff  }
0x336: {  	v10 =	vmov s17  }
0x337: {  	v9 =	vshll.u32 v10, $0x5  }
0x338: {  	s13 =	simm.s32 $0x2;
	v5 =	vor.u32 v0, v9  }
.LBB2_40:
0x339: {  	p1 =	sne.s32 s13, $0xFF;
	v10 =	vor.u32 $0x600, v10;
	v7 =	vmul.f32 v7, v6  }
0x33a: {  	v9 =	vor.u32 v2, v9;
	v6 =	vmul.f32 v8, v6  }
0x33b: {  	[tilespmem:v3+s6+$0x0] =	vst.idx.msk $0xffff, v7;
	v3 =	vmov v5  }
0x33c: {  	[tilespmem:v4+s6+$0x0] =	vst.idx.msk $0xffff, v6;
	v4 =	vmov v9  }
0x33d: {  	v7 =	vld.idx.msk [tilespmem:v5+s6+$0x0], $0xffff  }
0x33e: {  	v6 =	vld.idx.msk [tilespmem:v10+s9+$0x0], $0xffff  }
.Ltmp19:
0x33f: {  	v8 =	vld.idx.msk [tilespmem:v9+s6+$0x0], $0xffff;
	(pc) =	sbr.rel @p1 .LBB2_40-.Ltmp19, $4  }
0x340: {  	_ = 	snop  }
0x341: {  	v10 =	vmov s13  }
0x342: {  	v9 =	vshll.u32 v10, $0x5  }
0x343: {  	s13 =	sadd.s32 $0x1, s13;
	v5 =	vor.u32 v0, v9  }
0x344: {  	_ =	sdelay $0x1  }
0x345: {  	v10 =	vor.u32 $0x600, v10;
	v7 =	vmul.f32 v7, v6  }
0x346: {  	v9 =	vor.u32 v2, v9;
	v6 =	vmul.f32 v8, v6  }
0x347: {  	[tilespmem:v3+s6+$0x0] =	vst.idx.msk $0xffff, v7  }
0x348: {  	[tilespmem:v4+s6+$0x0] =	vst.idx.msk $0xffff, v6  }
0x349: {  	v3 =	vld.idx.msk [tilespmem:v5+s6+$0x0], $0xffff  }
0x34a: {  	v4 =	vld.idx.msk [tilespmem:v10+s9+$0x0], $0xffff  }
0x34b: {  	v6 =	vld.idx.msk [tilespmem:v9+s6+$0x0], $0xffff;
	_ =	sdelay $0x3  }
0x34c: {  	v3 =	vmul.f32 v3, v4  }
0x34d: {  	v4 =	vmul.f32 v6, v4  }
0x34e: {  	[tilespmem:v5+s6+$0x0] =	vst.idx.msk $0xffff, v3  }
0x34f: {  	s13 =	simm.s32 $0x0;
	[tilespmem:v9+s6+$0x0] =	vst.idx.msk $0xffff, v4  }
0x350: {  	[hbm4b:s19+s13] =	stream.linear.scatter [tilespmem:s6], [sflag:$0x1], $0x2000, $0x38;
	[tilespmem:$0x150A0] =	vst v63  }
0x351: {  	_ =	swait.ge [sflag:s7], $0x2000  }
0x352: {  	[sflag:s7] =	ssyncset.done $0x0  }
0x353: {  	[sflag:s7] =	ssyncadd.s32 $0xFFFFE000  }
0x354: {  	[spmem:s2] =	stream.linear.scatter [tilespmem:s6], [sflag:$0x1], $0x2000, $0x38;
	[tilespmem:$0x150A0] =	vst v63  }
0x355: {  	v4 =	vmov s13;
	_ =	swait.ge [sflag:s7], $0x2000  }
0x356: {  	v5 =	vshll.u32 v4, $0x5;
	[sflag:s7] =	ssyncset.done $0x0  }
0x357: {  	v3 =	vor.u32 v0, v5;
	[sflag:s7] =	ssyncadd.s32 $0xFFFFE000  }
0x358: {  	v6 =	vor.u32 $0x700, v4;
	[tilespmem:s6], [sflag:$0x1] =	stream.linear.gather [spmem:s3], $0x2000, $0x38;
	[tilespmem:$0x150A0] =	vst v63  }
0x359: {  	v4 =	vor.u32 v2, v5;
	_ =	swait.ge [sflag:s7], $0x2000  }
0x35a: {  	[sflag:s7] =	ssyncset.done $0x0  }
0x35b: {  	[sflag:s7] =	ssyncadd.s32 $0xFFFFE000  }
0x35c: {  	v7 =	vld.idx.msk [tilespmem:v3+s6+$0x0], $0xffff  }
0x35d: {  	v6 =	vld.idx.msk [tilespmem:v6+s9+$0x0], $0xffff  }
0x35e: {  	s17 =	simm.s32 $0x1;
	v8 =	vld.idx.msk [tilespmem:v4+s6+$0x0], $0xffff  }
0x35f: {  	v10 =	vmov s17  }
0x360: {  	v9 =	vshll.u32 v10, $0x5  }
0x361: {  	s13 =	simm.s32 $0x2;
	v5 =	vor.u32 v0, v9  }
.LBB2_42:
0x362: {  	p1 =	sne.s32 s13, $0xFF;
	v10 =	vor.u32 $0x700, v10;
	v7 =	vmul.f32 v7, v6  }
0x363: {  	v9 =	vor.u32 v2, v9;
	v6 =	vmul.f32 v8, v6  }
0x364: {  	[tilespmem:v3+s6+$0x0] =	vst.idx.msk $0xffff, v7;
	v3 =	vmov v5  }
0x365: {  	[tilespmem:v4+s6+$0x0] =	vst.idx.msk $0xffff, v6;
	v4 =	vmov v9  }
0x366: {  	v7 =	vld.idx.msk [tilespmem:v5+s6+$0x0], $0xffff  }
0x367: {  	v6 =	vld.idx.msk [tilespmem:v10+s9+$0x0], $0xffff  }
.Ltmp20:
0x368: {  	v8 =	vld.idx.msk [tilespmem:v9+s6+$0x0], $0xffff;
	(pc) =	sbr.rel @p1 .LBB2_42-.Ltmp20, $4  }
0x369: {  	_ = 	snop  }
0x36a: {  	v10 =	vmov s13  }
0x36b: {  	v9 =	vshll.u32 v10, $0x5  }
0x36c: {  	s13 =	sadd.s32 $0x1, s13;
	v5 =	vor.u32 v0, v9  }
0x36d: {  	_ =	sdelay $0x1  }
0x36e: {  	v10 =	vor.u32 $0x700, v10;
	v7 =	vmul.f32 v7, v6  }
0x36f: {  	v9 =	vor.u32 v2, v9;
	v63 =	vmul.f32 v8, v6  }
0x370: {  	[tilespmem:v3+s6+$0x0] =	vst.idx.msk $0xffff, v7  }
0x371: {  	[tilespmem:v4+s6+$0x0] =	vst.idx.msk $0xffff, v63  }
0x372: {  	v3 =	vld.idx.msk [tilespmem:v5+s6+$0x0], $0xffff  }
0x373: {  	v4 =	vld.idx.msk [tilespmem:v10+s9+$0x0], $0xffff  }
0x374: {  	v6 =	vld.idx.msk [tilespmem:v9+s6+$0x0], $0xffff;
	_ =	sdelay $0x3  }
0x375: {  	v3 =	vmul.f32 v3, v4  }
0x376: {  	v4 =	vmul.f32 v6, v4  }
0x377: {  	[tilespmem:v5+s6+$0x0] =	vst.idx.msk $0xffff, v3  }
0x378: {  	s13 =	simm.s32 $0x0;
	[tilespmem:v9+s6+$0x0] =	vst.idx.msk $0xffff, v4  }
0x379: {  	[hbm4b:s20+s13] =	stream.linear.scatter [tilespmem:s6], [sflag:$0x1], $0x2000, $0x38;
	[tilespmem:$0x150A0] =	vst v63  }
0x37a: {  	_ =	swait.ge [sflag:s7], $0x2000  }
0x37b: {  	[sflag:s7] =	ssyncset.done $0x0  }
0x37c: {  	[sflag:s7] =	ssyncadd.s32 $0xFFFFE000  }
0x37d: {  	[spmem:s3] =	stream.linear.scatter [tilespmem:s6], [sflag:$0x1], $0x2000, $0x38;
	[tilespmem:$0x150A0] =	vst v63  }
0x37e: {  	_ =	swait.ge [sflag:s7], $0x2000  }
0x37f: {  	[sflag:s7] =	ssyncset.done $0x0  }
0x380: {  	[sflag:s7] =	ssyncadd.s32 $0xFFFFE000  }
0x381: {  	s16 =	simm.s32 $0x13020;
	[bflag:$0x0] =	sbarrier.arrive $0xFFFF  }
0x382: {  	[tilespmem:s10], [sflag:$0x1] =	stream.indirect.gather [spmem:s24], $0x20, s16, s11, $0xb8;
	[tilespmem:$0x150A0] =	vst v63  }
0x383: {  	_ =	swait.ge [sflag:s7], $0x1000  }
0x384: {  	[sflag:s7] =	ssyncset.done $0x0  }
0x385: {  	s17 =	sadd.s32 $0x0, s28;
	[sflag:s7] =	ssyncadd.s32 $0xFFFFF000  }
0x386: {  	[hbm4b:s17+s21] =	stream.linear.scatter [tilespmem:s10], [sflag:$0x1], $0x1000, $0x38;
	[tilespmem:$0x150A0] =	vst v63  }
0x387: {  	s14 =	simm.s32 $0x400;
	_ =	swait.ge [sflag:s7], $0x1000  }
0x388: {  	s15 =	simm.s32 $0x80;
	s13 =	simm.s32 $0x200;
	[sflag:s7] =	ssyncset.done $0x0  }
.LBB2_44:
0x389: {  	s15 =	sadd.s32 $0x13020, s15  }
0x38a: {  	[sflag:s7] =	ssyncadd.s32 $0xFFFFF000;
	s16 =	smov.u32 s14;
	s17 =	sadd.s32 $0x200, s14  }
0x38b: {  	[tilespmem:s10], [sflag:$0x1] =	stream.indirect.gather [spmem:s24], $0x20, s15, s11, $0xb8;
	[tilespmem:$0x150A0] =	vst v63  }
0x38c: {  	p1 =	sne.s32 s14, $0x6000;
	_ =	swait.ge [sflag:s7], $0x1000  }
.Ltmp21:
0x38d: {  	[sflag:s7] =	ssyncset.done $0x0;
	(pc) =	sbr.rel @p1 .LBB2_44-.Ltmp21, $4  }
0x38e: {  	s14 =	sadd.s32 s13, s28;
	s13 =	smov.u32 s16;
	[sflag:s7] =	ssyncadd.s32 $0xFFFFF000  }
0x38f: {  	[hbm4b:s14+s21] =	stream.linear.scatter [tilespmem:s10], [sflag:$0x1], $0x1000, $0x38;
	[tilespmem:$0x150A0] =	vst v63  }
0x390: {  	_ =	swait.ge [sflag:s7], $0x1000  }
0x391: {  	s15 =	sshra.s32 s13, $0x2;
	s14 =	smov.u32 s17;
	[sflag:s7] =	ssyncset.done $0x0  }
0x392: {  	s14 =	sadd.s32 $0x13020, s15;
	[sflag:s7] =	ssyncadd.s32 $0xFFFFF000  }
0x393: {  	[tilespmem:s10], [sflag:$0x1] =	stream.indirect.gather [spmem:s24], $0x20, s14, s11, $0xb8;
	[tilespmem:$0x150A0] =	vst v63  }
0x394: {  	_ =	swait.ge [sflag:s7], $0x1000  }
0x395: {  	s12 =	sadd.s32 $0x1, s12;
	[sflag:s7] =	ssyncset.done $0x0  }
0x396: {  	s13 =	sadd.s32 s13, s28;
	p1 =	sne.s32 s12, s18;
	[sflag:s7] =	ssyncadd.s32 $0xFFFFF000  }
0x397: {  	[hbm4b:s13+s21] =	stream.linear.scatter [tilespmem:s10], [sflag:$0x1], $0x1000, $0x38;
	[tilespmem:$0x150A0] =	vst v63  }
.Ltmp22:
0x398: {  	_ =	swait.ge [sflag:s7], $0x1000;
	(pc) =	sbr.rel @p1 .LBB2_1-.Ltmp22, $3  }
0x399: {  	[sflag:s7] =	ssyncset.done $0x0  }
0x39a: {  	[sflag:s7] =	ssyncadd.s32 $0xFFFFF000  }
0x39b: {  	[bflag:$0x0] =	sbarrier.arrive $0xFFFF;
	_ =	sdelay $0x1  }
0x39c: {  	_ =	sfence.sel $0x180000  }
0x39d: {  	[bflag:$0x0] =	sbarrier.arrive $0xFFFF  }
0x39e: {  	_ =	strace $0x9000004A  }
0x39f: {  	s0 =	stileid.u32;
	[bflag:$0x2] =	sbarrier.arrive $0xFFFF  }
0x3a0: {  	p0 =	sne.s32 s0, $0x0;
	s0 =	rddreg [dreg:$0x3]  }
0x3a1: {  	s0 =	sadd.s32 @!p0 $0x100000, s0  }
0x3a2: {  	[sflag:s0] =	ssyncadd.tile.s32 @!p0 $0x1;
	_ =	shalt  }
.Lfunc_end2:
_tile_overlayer_lowered:
.L_overlay_start_2:
0x3a3: {  	(tag) =	ssettag $0x2  }
0x3a4: {  	s0 =	rddreg [dreg:$0x0];
	s2 =	stileid.u32  }
0x3a5: {  	s1 =	rddreg [dreg:$0x1];
	p0 =	sne.s32 s2, $0x0  }
0x3a6: {  	s3 =	rddreg [dreg:$0x2];
	[bflag:$0x3] =	sbarrier.arrive $0xFFFF;
	s2 =	simm.s32 @!p0 $0x1C01  }
0x3a7: {  	[timem:s3], [sflag:s2] =	dma.local @!p0 [hbm:s0], s1  }
0x3a8: {  	s0 =	simm.s32 @!p0 $0x1  }
0x3a9: {  	_ =	swait.ge @!p0 [sflag:s0], s1  }
0x3aa: {  	s1 =	ssub.s32 @!p0 $0x0, s1;
	[sflag:s0] =	ssyncset.done @!p0 $0x0  }
0x3ab: {  	[sflag:s0] =	ssyncadd.s32 @!p0 s1  }
0x3ac: {  	[bflag:$0x3] =	sbarrier.arrive $0xFFFF  }
0x3ad: {  	_ =	shalt  }

// kernel: kernel.5.cloned.1.call-start
scs
__scs_entry_jumppad:
0x0: {  	(pc) =	sbr.rel $0x88, $3  }
0x1: {  	(tag) =	ssettag $0x0;
	lr =	simm.s32 $0x1  }
0x2: {  	[smem:$0x3F83] =	sst lr;
	_ =	strace $0xD0000000  }
0x3: {  	_ = 	snop  }
0x4: {  	_ = 	snop  }
0x5: {  	_ = 	snop  }
0x6: {  	_ = 	snop  }
0x7: {  	_ = 	snop  }
__scs_overlays_trampoline_lowered:
0x8: {  	[smem:$0x3F92] =	sst s0  }
0x9: {  	[smem:$0x3F93] =	sst s1  }
0xa: {  	[smem:$0x3F94] =	sst s2  }
0xb: {  	[smem:$0x3F95] =	sst s3  }
0xc: {  	[smem:$0x3F96] =	sst s4  }
0xd: {  	[smem:$0x3F97] =	sst s5  }
0xe: {  	[smem:$0x3F98] =	sst s6  }
0xf: {  	[smem:$0x3F99] =	sst s7  }
0x10: {  	[smem:$0x3F9A] =	sst s8  }
0x11: {  	[smem:$0x3F9B] =	sst s9;
	s0 =	simm.s32 @!p0 $0x0  }
0x12: {  	s1 =	sld [smem:$0x3F81];
	s0 =	simm.s32 @p0 $0x1  }
0x13: {  	[smem:$0x3F9C] =	sst s0;
	s0 =	simm.s32 @!p1 $0x0  }
0x14: {  	s2 =	sld [smem:$0x3F80];
	s0 =	simm.s32 @p1 $0x1  }
0x15: {  	[smem:$0x3F9D] =	sst s0;
	s0 =	simm.s32 @!p2 $0x0  }
0x16: {  	s3 =	sld [smem:$0x3FDB];
	s0 =	simm.s32 @p2 $0x1  }
0x17: {  	s4 =	simm.s32 $0x1BF5;
	[smem:$0x3F9F] =	sst s0  }
0x18: {  	s0 =	sld [smem:$0x3F82];
	_ =	swait.ge [sflag:s4], $0x0  }
0x19: {  	s7 =	sld [smem:$0x3F83]  }
0x1a: {  	s8 =	sadd.s32 $0xFFFFE003, lr  }
0x1b: {  	s9 =	sadd.s32 $0xFFFFFEF7, lr;
	s5 =	simm.s32 $0xFFFFFFFF;
	p2 =	slt.u32 s8, $0xFFFFF086  }
0x1c: {  	p1 =	slt.u32 s9, $0xF7A;
	s5 =	simm.s32 @!p2 $0x0  }
0x1d: {  	s5 =	simm.s32 @p1 $0x1;
	p0 =	seq.s32 s7, s2  }
0x1e: {  	s7 =	smul.u32 @!p0 $0xF7A, s2;
	p2 =	seq.s32 @!p0 s5, $0x0  }
0x1f: {  	s9 =	smul.u32 $0xF7A, s1;
	s8 =	simm.s32 @!p0 $0x1BF5;
	p2 =	por !p2, p0  }
0x20: {  	[sflag:s8] =	ssyncset.s32 @!p0 $0xFFFFF086;
	s6 =	sadd.s32 @!p0 s3, s7;
	s7 =	simm.s32 @!p0 $0x108  }
0x21: {  	s3 =	sadd.s32 s3, s9;
	s6 =	sadd.s32 @!p0 $0x88, s6;
	s7 =	simm.s32 @p2 $0x1082  }
0x22: {  	[simem:s7], [sflag:s8] =	dma.local @!p0 [hbm:s6], $0xF7A  }
0x23: {  	s9 =	sor.u32 $0xD0000000, s2;
	s6 =	simm.s32 $0x108;
	_ =	swait.ge @!p0 [sflag:s8], $0x0  }
0x24: {  	s3 =	sadd.s32 $0x88, s3;
	s6 =	simm.s32 @!p1 $0x1082;
	[sflag:s4] =	ssyncset.s32 $0xFFFFF086  }
0x25: {  	[simem:s6], [sflag:s4] =	dma.local [hbm:s3], $0xF7A  }
0x26: {  	[smem:$0x3F83] =	sst s1;
	(tag) =	ssettag s2;
	_ =	strace s9  }
0x27: {  	s1 =	sld [smem:$0x3F93]  }
0x28: {  	s2 =	sld [smem:$0x3F94]  }
0x29: {  	s4 =	sld [smem:$0x3F96]  }
0x2a: {  	p0 =	seq.s32 s5, $0x0;
	s5 =	sld [smem:$0x3F97]  }
0x2b: {  	s6 =	sld [smem:$0x3F98]  }
0x2c: {  	s7 =	sld [smem:$0x3F99]  }
0x2d: {  	s3 =	simm.s32 $0x108;
	s8 =	sld [smem:$0x3F9A]  }
0x2e: {  	s3 =	simm.s32 @!p0 $0x1082;
	s9 =	sld [smem:$0x3F9B]  }
0x2f: {  	lr =	sadd.s32 s0, s3;
	s0 =	sld [smem:$0x3F92]  }
0x30: {  	s3 =	sld [smem:$0x3F95]  }
0x31: {  	[smem:$0x3F9E] =	sst s10  }
0x32: {  	s10 =	sld [smem:$0x3F9C];
	_ =	sdelay $0x3  }
0x33: {  	p0 =	seq.s32 s10, $0x1;
	s10 =	sld [smem:$0x3F9E];
	_ =	sdelay $0x3  }
0x34: {  	[smem:$0x3F9E] =	sst s10  }
0x35: {  	s10 =	sld [smem:$0x3F9D];
	_ =	sdelay $0x3  }
0x36: {  	p1 =	seq.s32 s10, $0x1;
	s10 =	sld [smem:$0x3F9E];
	_ =	sdelay $0x3  }
0x37: {  	[smem:$0x3F9E] =	sst s10  }
0x38: {  	s10 =	sld [smem:$0x3F9F]  }
0x39: {  	_ = 	snop;
	(pc) =	sbr.ind lr, $3  }
0x3a: {  	_ = 	snop  }
0x3b: {  	_ = 	snop  }
0x3c: {  	p2 =	seq.s32 s10, $0x1;
	s10 =	sld [smem:$0x3F9E]  }
0x3d: {  	_ =	shalt  }
0x3e: {  	_ =	shalt  }
0x3f: {  	_ =	shalt  }
0x40: {  	_ =	shalt  }
0x41: {  	_ =	shalt  }
0x42: {  	_ =	shalt  }
0x43: {  	_ =	shalt  }
0x44: {  	_ =	shalt  }
0x45: {  	_ =	shalt  }
0x46: {  	_ =	shalt  }
0x47: {  	_ =	shalt  }
0x48: {  	_ =	shalt  }
0x49: {  	_ =	shalt  }
0x4a: {  	_ =	shalt  }
0x4b: {  	_ =	shalt  }
0x4c: {  	_ =	shalt  }
0x4d: {  	_ =	shalt  }
0x4e: {  	_ =	shalt  }
0x4f: {  	_ =	shalt  }
0x50: {  	_ =	shalt  }
0x51: {  	_ =	shalt  }
0x52: {  	_ =	shalt  }
0x53: {  	_ =	shalt  }
0x54: {  	_ =	shalt  }
0x55: {  	_ =	shalt  }
0x56: {  	_ =	shalt  }
0x57: {  	_ =	shalt  }
0x58: {  	_ =	shalt  }
0x59: {  	_ =	shalt  }
0x5a: {  	_ =	shalt  }
0x5b: {  	_ =	shalt  }
0x5c: {  	_ =	shalt  }
0x5d: {  	_ =	shalt  }
0x5e: {  	_ =	shalt  }
0x5f: {  	_ =	shalt  }
0x60: {  	_ =	shalt  }
0x61: {  	_ =	shalt  }
0x62: {  	_ =	shalt  }
0x63: {  	_ =	shalt  }
0x64: {  	_ =	shalt  }
0x65: {  	_ =	shalt  }
0x66: {  	_ =	shalt  }
0x67: {  	_ =	shalt  }
0x68: {  	_ =	shalt  }
0x69: {  	_ =	shalt  }
0x6a: {  	_ =	shalt  }
0x6b: {  	_ =	shalt  }
0x6c: {  	_ =	shalt  }
0x6d: {  	_ =	shalt  }
0x6e: {  	_ =	shalt  }
0x6f: {  	_ =	shalt  }
0x70: {  	_ =	shalt  }
0x71: {  	_ =	shalt  }
0x72: {  	_ =	shalt  }
0x73: {  	_ =	shalt  }
0x74: {  	_ =	shalt  }
0x75: {  	_ =	shalt  }
0x76: {  	_ =	shalt  }
0x77: {  	_ =	shalt  }
0x78: {  	_ =	shalt  }
0x79: {  	_ =	shalt  }
0x7a: {  	_ =	shalt  }
0x7b: {  	_ =	shalt  }
0x7c: {  	_ =	shalt  }
0x7d: {  	_ =	shalt  }
0x7e: {  	_ =	shalt  }
0x7f: {  	_ =	shalt  }
0x80: {  	_ =	shalt  }
0x81: {  	_ =	shalt  }
0x82: {  	_ =	shalt  }
0x83: {  	_ =	shalt  }
0x84: {  	_ =	shalt  }
0x85: {  	_ =	shalt  }
0x86: {  	_ =	shalt  }
0x87: {  	_ =	shalt  }
.Lfunc_end0:
.L_simem_size_0:
called_computation.1_lowered:
.L_overlay_start_0:
0x88: {  	s2 =	sld [smem:$0x3FD9]  }
0x89: {  	s3 =	sld [smem:$0x3FFE];
	_ =	sdelay $0x1  }
0x8a: {  	s1 =	srdreg.scid  }
0x8b: {  	s0 =	sand.u32 $0x1, s1  }
0x8c: {  	s16 =	sshll.u32 s0, $0xA;
	s2 =	sadd.s32 s3, s2  }
0x8d: {  	s2 =	sadd.s32 s2, s16  }
0x8e: {  	[smem:$0x3FAA] =	sst s2  }
0x8f: {  	_ = 	snop  }
0x90: {  	(tm) =	ssettm $0x1  }
0x91: {  	s17 =	sld [smem:$0x3FFB];
	_ =	sdelay $0x3  }
0x92: {  	_ =	strace s17  }
0x93: {  	s2 =	sld [smem:$0x3FFC];
	_ =	sdelay $0x3  }
0x94: {  	_ =	strace s2  }
0x95: {  	s2 =	sld [smem:$0x3FFD];
	_ =	sdelay $0x3  }
0x96: {  	_ =	strace s2  }
0x97: {  	_ =	strace $0x8FFFFFFF  }
0x98: {  	s18 =	sld [smem:$0x3FDB];
	_ =	sdelay $0x1  }
0x99: {  	s19 =	simm.s32 $_scs_section_size  }
0x9a: {  	s4 =	simm.s32 $_size__tile_overlayer_lowered;
	s5 =	simm.s32 $_tile_overlayer_lowered  }
0x9b: {  	s22 =	simm.s32 $0x1BFF;
	s21 =	sshll.u32 s5, $0x1;
	s2 =	sadd.s32 s19, s18  }
0x9c: {  	s6 =	simm.s32 $0x0;
	s20 =	sshll.u32 s4, $0x1;
	s4 =	sadd.s32 s21, s2  }
0x9d: {  	[timem:s6], [sflag:s22] =	dma.local [hbm:s4], s20  }
0x9e: {  	_ =	swait.ge [sflag:s22], s20  }
0x9f: {  	s3 =	ssub.s32 $0x0, s20;
	[sflag:s22] =	ssyncset.done $0x0  }
0xa0: {  	[sflag:s22] =	ssyncadd.s32 s3;
	_ =	sdelay $0x1  }
0xa1: {  	s23 =	simm.s32 $0x1B8B  }
0xa2: {  	_ =	swait.ge [sflag:s23], $0x1  }
0xa3: {  	[sflag:s23] =	ssyncset.done $0x0  }
0xa4: {  	s25 =	simm.s32 $0x1B8E;
	s24 =	sld [smem:$0x3FFE];
	[sflag:s23] =	ssyncadd.s32 $0xFFFFFFFF  }
0xa5: {  	s26 =	simm.s32 $execute0_lowered;
	[smem:$0x3FD2] =	sst s25  }
0xa6: {  	s4 =	sshll.u32 s26, $0x1;
	_ =	strace $0x80000046;
	[dreg:$0x1] =	wrdreg $0xFFFFFFFF  }
0xa7: {  	s28 =	simm.s32 $_size_execute0_lowered;
	s2 =	sadd.s32 s2, s4;
	[dreg:$0x0] =	wrdreg $0x0  }
0xa8: {  	s4 =	sshll.u32 s28, $0x1;
	[dreg:$0x2] =	wrdreg s2  }
0xa9: {  	[dreg:$0x3] =	wrdreg s4  }
0xaa: {  	[dreg:$0x4] =	wrdreg $0xC0  }
0xab: {  	_ =	task [dreg:s6], $0x5FFFF  }
0xac: {  	[dreg:$0x1] =	wrdreg $0xFFFFFFFF  }
0xad: {  	[dreg:$0x0] =	wrdreg $0x60  }
0xae: {  	[dreg:$0x2] =	wrdreg s24  }
0xaf: {  	[dreg:$0x3] =	wrdreg $0x0  }
0xb0: {  	[dreg:$0x4] =	wrdreg $0x9  }
0xb1: {  	_ =	task.clear_ibuf [dreg:s6], $0x5FFFF;
	_ =	strace $0x90000046  }
0xb2: {  	s29 =	simm.s32 $0x9;
	_ =	strace $0x80000048  }
0xb3: {  	_ =	swait.ge [sflag:s29], $0x1  }
0xb4: {  	[sflag:s29] =	ssyncadd.s32 $0xFFFFFFFF  }
0xb5: {  	_ =	strace $0x90000048  }
0xb6: {  	_ =	sfence  }
0xb7: {  	s30 =	sld [smem:$0x0];
	_ =	sdelay $0x2  }
0xb8: {  	s31 =	sshll.u32 s1, $0xD;
	s1 =	sshrl.u32 s1, $0x2  }
0xb9: {  	s3 =	sand.u32 $0x4000, s31;
	s1 =	sadd.s32 s1, s30  }
0xba: {  	s0 =	sor.u32 s3, s0;
	s1 =	sshll.u32 s1, $0x11  }
0xbb: {  	s0 =	sor.u32 s1, s0  }
0xbc: {  	s0 =	sadd.s32 $0x8F2B, s0  }
0xbd: {  	[sflag:s0] =	ssyncadd.remote.s32 $0x1  }
0xbe: {  	_ =	sfence.sel $0xFFFF  }
0xbf: {  	[dreg:$0x0] =	wrdreg $0xFFFFFFFF;
	(pc) =	sbr.abs _section_cstart, $3  }
0xc0: {  	[dreg:$0x1] =	wrdreg $0xFFFFFFFF  }
0xc1: {  	_ =	task.clear_ibuf [dreg:s6], $0x2FFFF;
	_ =	strace $0x9FFFFFFF  }
0xc2: {  	(tm) =	ssettm $0x7FFFFFFF  }
0xc3: {  	_ =	shalt  }
tec
execute0_lowered:
.L_overlay_start_1:
0x0: {  	(tag) =	ssettag $0x1  }
0x1: {  	s3 =	rddreg [dreg:$0x0]  }
0x2: {  	s0 =	srdreg.scid;
	s1 =	rddreg [dreg:$0x1];
	s2 =	simm.s32 $0x0  }
0x3: {  	s26 =	stileid.u32;
	s15 =	simm.s32 $0x8C90;
	s16 =	simm.s32 $0x1  }
0x4: {  	s17 =	simm.s32 $0x8010;
	s18 =	simm.s32 $0x80;
	s19 =	simm.s32 $0x8C10  }
0x5: {  	s20 =	simm.s32 $0x10C90;
	s21 =	simm.s32 $0x0;
	[smem:$0x7FF] =	sst s2  }
0x6: {  	v1 =	vimm.f32 $1.100999950e+00;
	v0 =	vlaneseq.u32;
	s4 =	sand.u32 $0x1, s0;
	s12 =	sadd.s32 $0x6D200, s3;
	_ =	strace $0x80000047  }
0x7: {  	s8 =	sadd.s32 $0x79600, s3;
	s9 =	sshll.u32 s26, $0xB;
	s28 =	sshll.u32 s26, $0xF;
	(erf) = vrcp.f32 v1;
	v1 =	vmul.u32 $0x8, v0  }
0x8: {  	v2 =	vimm.f32 $1.000000000e+00;
	v3 =	vimm.f32 $0.0e+00;
	s7 =	smul.u32 $0x31000, s4;
	s5 =	ssub.s32 $0x2, s4;
	s4 =	sshll.u32 s4, $0x10  }
0x9: {  	p0 =	sne.s32 s26, $0xF;
	v28 =	vmul.u32 $0x10, v0;
	s6 =	sshrl.u32 s5, $0x1;
	s9 =	sor.u32 s9, s4;
	v4 =	vor.u32 $0x1, v1;
	v5 =	vor.u32 $0x2, v1  }
0xa: {  	s4 =	sadd.s32 s28, s1;
	s10 =	ssub.s32 s5, s6;
	s5 =	smul.u32 $0x1880, s26;
	v6 =	vor.u32 $0x80, v1;
	v7 =	vor.u32 $0x81, v1;
	v8 =	vor.u32 $0x82, v1  }
0xb: {  	s11 =	sadd.s32 s7, s3;
	s13 =	sor.u32 $0x8000, s9;
	s6 =	sadd.s32 $0x80000, s1;
	v9 =	vor.u32 $0x100, v1;
	v10 =	vor.u32 $0x101, v1;
	v11 =	vor.u32 $0x102, v1  }
0xc: {  	s9 =	sshrl.u32 s9, $0x3;
	s13 =	sshrl.u32 s13, $0x3;
	v12 =	vor.u32 $0x180, v1;
	v13 =	vor.u32 $0x181, v1;
	v14 =	vor.u32 $0x182, v1;
	s14 =	sadd.s32 s7, s5  }
0xd: {  	v15 =	vor.u32 $0x200, v1;
	v16 =	vor.u32 $0x201, v1;
	v17 =	vor.u32 $0x202, v1;
	s7 =	sadd.s32 s8, s9;
	s8 =	sadd.s32 s8, s13;
	s9 =	smax.u32 s10, $0x1  }
0xe: {  	v18 =	vor.u32 $0x280, v1;
	v19 =	vor.u32 $0x281, v1;
	v20 =	vor.u32 $0x282, v1;
	s31 =	sadd.s32 s5, s11;
	s29 =	sshrl.u32 s14, $0x3;
	s30 =	sadd.s32 $0x18800, s14  }
0xf: {  	v21 =	vor.u32 $0x300, v1;
	v22 =	vor.u32 $0x301, v1;
	v23 =	vor.u32 $0x302, v1;
	s11 =	sadd.s32 $0xB200, s31;
	s14 =	simm.s32 $0x8410;
	s13 =	sshrl.u32 s30, $0x3  }
0x10: {  	v24 =	vor.u32 $0x380, v1;
	v26 =	vor.u32 $0x381, v1;
	v27 =	vor.u32 $0x382, v1;
	s10 =	sadd.s32 s29, s12;
	s12 =	sadd.s32 s13, s12;
	s13 =	sadd.s32 $0x23A00, s31;
	v25 =	vpop (erf)  }
.LBB2_1:
0x11: {  	s22 =	simm.s32 $0x0  }
.LBB2_2:
0x12: {  	s23 =	sshll.u32 s22, $0x4  }
0x13: {  	p1 =	sne.s32 s22, $0x7F;
	v29 =	vor.u32 s23, v0  }
.Ltmp0:
0x14: {  	_ = 	snop;
	(pc) =	sbr.rel @p1 .LBB2_2-.Ltmp0, $2  }
0x15: {  	_ =	sdelay $0x2  }
0x16: {  	s22 =	sadd.s32 $0x1, s22;
	[tilespmem:v29+s14+$0x0] =	vst.idx.msk $0xffff, v2  }
0x17: {  	s23 =	simm.s32 $0x0  }
0x18: {  	s22 =	simm.s32 $0x1;
	v29 =	vor.u32 s23, v0  }
.LBB2_4:
0x19: {  	p1 =	sne.s32 s22, $0x7FF  }
.Ltmp1:
0x1a: {  	_ = 	snop;
	(pc) =	sbr.rel @p1 .LBB2_4-.Ltmp1, $3  }
0x1b: {  	_ =	sdelay $0x1  }
0x1c: {  	s23 =	sshll.u32 s22, $0x4;
	s22 =	sadd.s32 $0x1, s22;
	[tilespmem:v29+s15+$0x0] =	vst.idx.msk $0xffff, v3  }
0x1d: {  	v29 =	vor.u32 s23, v0  }
0x1e: {  	_ =	sdelay $0x3  }
0x1f: {  	[tilespmem:v29+s15+$0x0] =	vst.idx.msk $0xffff, v3  }
0x20: {  	[spmem:s4] =	stream.linear.scatter [tilespmem:s15], [sflag:$0x1], $0x8000, $0x38;
	[tilespmem:$0x11490] =	vst v63  }
0x21: {  	_ =	swait.ge [sflag:s16], $0x8000  }
0x22: {  	[sflag:s16] =	ssyncset.done $0x0  }
0x23: {  	s22 =	simm.s32 @!p0 $0x8C90;
	[sflag:s16] =	ssyncadd.s32 $0xFFFF8000  }
0x24: {  	[spmem:s6] =	stream.linear.scatter @!p0 [tilespmem:s22], [sflag:$0x1], $0x100, $0x38;
	[tilespmem:$0x11490] =	vst v63  }
0x25: {  	s22 =	simm.s32 @!p0 $0x1  }
0x26: {  	_ =	swait.ge @!p0 [sflag:s22], $0x100  }
0x27: {  	[sflag:s22] =	ssyncset.done @!p0 $0x0  }
0x28: {  	[sflag:s22] =	ssyncadd.s32 @!p0 $0xFFFFFF00  }
0x29: {  	s24 =	sadd.s32 $0x0, s11;
	[bflag:$0x0] =	sbarrier.arrive $0xFFFF  }
0x2a: {  	[tilespmem:s17], [sflag:$0x1] =	stream.linear.gather [hbm4b:s24+s2], $0x400, $0x38;
	[tilespmem:$0x11490] =	vst v63  }
0x2b: {  	_ =	swait.ge [sflag:s16], $0x400  }
0x2c: {  	[sflag:s16] =	ssyncset.done $0x0  }
0x2d: {  	[sflag:s16] =	ssyncadd.s32 $0xFFFFFC00  }
0x2e: {  	v29 =	vld.idx.msk [tilespmem:v1+s17+$0x0], $0xffff  }
0x2f: {  	v30 =	vld.idx.msk [tilespmem:v4+s17+$0x0], $0xffff  }
0x30: {  	v31 =	vld.idx.msk [tilespmem:v5+s17+$0x0], $0xffff;
	_ =	sdelay $0x3  }
0x31: {  	v29 =	vmul.f32 v29, v25;
	v30 =	vmul.f32 v30, v25  }
0x32: {  	v31 =	vmul.f32 v31, v25  }
0x33: {  	v29 =	vadd.f32 $5.000000000e-01, v29;
	v30 =	vadd.f32 $5.000000000e-01, v30  }
0x34: {  	v31 =	vadd.f32 $5.000000000e-01, v31  }
0x35: {  	v29 =	vmax.f32 v29, $0.0e+00;
	v30 =	vmax.f32 v30, $0.0e+00  }
0x36: {  	v31 =	vmax.f32 v31, $0.0e+00;
	v29 =	vmin.f32 v29, $9.990000120e-01;
	v30 =	vmin.f32 v30, $9.990000120e-01  }
0x37: {  	v31 =	vmin.f32 v31, $9.990000120e-01;
	v29 =	vmul.f32 $3.200000000e+01, v29;
	v30 =	vmul.f32 $3.200000000e+01, v30  }
0x38: {  	v31 =	vmul.f32 $3.200000000e+01, v31  }
0x39: {  	v29 =	vtrunc.f32 v29;
	v30 =	vtrunc.f32 v30  }
0x3a: {  	v31 =	vtrunc.f32 v31;
	v30 =	vcvt.f32.s32 v30  }
0x3b: {  	v29 =	vcvt.f32.s32 v29;
	v31 =	vcvt.f32.s32 v31  }
0x3c: {  	v30 =	vshll.u32 v30, $0x5  }
0x3d: {  	s25 =	sadd.s32 $0x0, s5;
	v31 =	vshll.u32 v31, $0xA;
	v29 =	vadd.s32 v29, v30  }
0x3e: {  	p1 =	slt.u32 s25, $0x186A0;
	v29 =	vadd.s32 v31, v29  }
0x3f: {  	v29 =	vpsel !p1, $0x8000, v29  }
0x40: {  	[tilespmem:$0x8C10] =	vst v29  }
0x41: {  	v29 =	vld.idx.msk [tilespmem:v7+s17+$0x0], $0xffff  }
0x42: {  	v30 =	vld.idx.msk [tilespmem:v6+s17+$0x0], $0xffff  }
0x43: {  	v31 =	vld.idx.msk [tilespmem:v8+s17+$0x0], $0xffff;
	_ =	sdelay $0x3  }
0x44: {  	v29 =	vmul.f32 v29, v25;
	v30 =	vmul.f32 v30, v25  }
0x45: {  	v31 =	vmul.f32 v31, v25  }
0x46: {  	v29 =	vadd.f32 $5.000000000e-01, v29;
	v30 =	vadd.f32 $5.000000000e-01, v30  }
0x47: {  	v31 =	vadd.f32 $5.000000000e-01, v31  }
0x48: {  	v29 =	vmax.f32 v29, $0.0e+00;
	v30 =	vmax.f32 v30, $0.0e+00  }
0x49: {  	v31 =	vmax.f32 v31, $0.0e+00;
	v29 =	vmin.f32 v29, $9.990000120e-01;
	v30 =	vmin.f32 v30, $9.990000120e-01  }
0x4a: {  	v31 =	vmin.f32 v31, $9.990000120e-01;
	v29 =	vmul.f32 $3.200000000e+01, v29;
	v30 =	vmul.f32 $3.200000000e+01, v30  }
0x4b: {  	v31 =	vmul.f32 $3.200000000e+01, v31  }
0x4c: {  	v29 =	vtrunc.f32 v29;
	v30 =	vtrunc.f32 v30  }
0x4d: {  	v31 =	vtrunc.f32 v31;
	v29 =	vcvt.f32.s32 v29  }
0x4e: {  	v30 =	vcvt.f32.s32 v30;
	v31 =	vcvt.f32.s32 v31  }
0x4f: {  	v29 =	vshll.u32 v29, $0x5  }
0x50: {  	s23 =	sadd.s32 $0x10, s25;
	v29 =	vadd.s32 v30, v29;
	v30 =	vshll.u32 v31, $0xA  }
0x51: {  	p6 =	slt.u32 s23, $0x186A0;
	v29 =	vadd.s32 v30, v29  }
0x52: {  	v29 =	vpsel !p6, $0x8000, v29  }
0x53: {  	[tilespmem:$0x8C20] =	vst v29  }
0x54: {  	v29 =	vld.idx.msk [tilespmem:v10+s17+$0x0], $0xffff  }
0x55: {  	v30 =	vld.idx.msk [tilespmem:v9+s17+$0x0], $0xffff  }
0x56: {  	v31 =	vld.idx.msk [tilespmem:v11+s17+$0x0], $0xffff;
	_ =	sdelay $0x3  }
0x57: {  	v29 =	vmul.f32 v29, v25;
	v30 =	vmul.f32 v30, v25  }
0x58: {  	v31 =	vmul.f32 v31, v25  }
0x59: {  	v29 =	vadd.f32 $5.000000000e-01, v29;
	v30 =	vadd.f32 $5.000000000e-01, v30  }
0x5a: {  	v31 =	vadd.f32 $5.000000000e-01, v31  }
0x5b: {  	v29 =	vmax.f32 v29, $0.0e+00;
	v30 =	vmax.f32 v30, $0.0e+00  }
0x5c: {  	v31 =	vmax.f32 v31, $0.0e+00;
	v29 =	vmin.f32 v29, $9.990000120e-01;
	v30 =	vmin.f32 v30, $9.990000120e-01  }
0x5d: {  	v31 =	vmin.f32 v31, $9.990000120e-01;
	v29 =	vmul.f32 $3.200000000e+01, v29;
	v30 =	vmul.f32 $3.200000000e+01, v30  }
0x5e: {  	v31 =	vmul.f32 $3.200000000e+01, v31  }
0x5f: {  	v29 =	vtrunc.f32 v29;
	v30 =	vtrunc.f32 v30  }
0x60: {  	v31 =	vtrunc.f32 v31;
	v29 =	vcvt.f32.s32 v29  }
0x61: {  	v30 =	vcvt.f32.s32 v30;
	v31 =	vcvt.f32.s32 v31  }
0x62: {  	v29 =	vshll.u32 v29, $0x5  }
0x63: {  	s26 =	sadd.s32 $0x20, s25;
	v29 =	vadd.s32 v30, v29;
	v30 =	vshll.u32 v31, $0xA  }
0x64: {  	p2 =	slt.u32 s26, $0x186A0;
	v29 =	vadd.s32 v30, v29  }
0x65: {  	v29 =	vpsel !p2, $0x8000, v29  }
0x66: {  	[tilespmem:$0x8C30] =	vst v29  }
0x67: {  	v29 =	vld.idx.msk [tilespmem:v12+s17+$0x0], $0xffff  }
0x68: {  	v30 =	vld.idx.msk [tilespmem:v13+s17+$0x0], $0xffff  }
0x69: {  	v31 =	vld.idx.msk [tilespmem:v14+s17+$0x0], $0xffff;
	_ =	sdelay $0x3  }
0x6a: {  	v29 =	vmul.f32 v29, v25;
	v30 =	vmul.f32 v30, v25  }
0x6b: {  	v31 =	vmul.f32 v31, v25  }
0x6c: {  	v29 =	vadd.f32 $5.000000000e-01, v29;
	v30 =	vadd.f32 $5.000000000e-01, v30  }
0x6d: {  	v31 =	vadd.f32 $5.000000000e-01, v31  }
0x6e: {  	v29 =	vmax.f32 v29, $0.0e+00;
	v30 =	vmax.f32 v30, $0.0e+00  }
0x6f: {  	v31 =	vmax.f32 v31, $0.0e+00;
	v29 =	vmin.f32 v29, $9.990000120e-01;
	v30 =	vmin.f32 v30, $9.990000120e-01  }
0x70: {  	v31 =	vmin.f32 v31, $9.990000120e-01;
	v29 =	vmul.f32 $3.200000000e+01, v29;
	v30 =	vmul.f32 $3.200000000e+01, v30  }
0x71: {  	v31 =	vmul.f32 $3.200000000e+01, v31  }
0x72: {  	v29 =	vtrunc.f32 v29;
	v30 =	vtrunc.f32 v30  }
0x73: {  	v31 =	vtrunc.f32 v31;
	v30 =	vcvt.f32.s32 v30  }
0x74: {  	v29 =	vcvt.f32.s32 v29;
	v31 =	vcvt.f32.s32 v31  }
0x75: {  	v30 =	vshll.u32 v30, $0x5  }
0x76: {  	s28 =	sadd.s32 $0x30, s25;
	v31 =	vshll.u32 v31, $0xA;
	v29 =	vadd.s32 v29, v30  }
0x77: {  	p3 =	slt.u32 s28, $0x186A0;
	v29 =	vadd.s32 v31, v29  }
0x78: {  	v29 =	vpsel !p3, $0x8000, v29  }
0x79: {  	[tilespmem:$0x8C40] =	vst v29  }
0x7a: {  	v29 =	vld.idx.msk [tilespmem:v15+s17+$0x0], $0xffff  }
0x7b: {  	v30 =	vld.idx.msk [tilespmem:v16+s17+$0x0], $0xffff  }
0x7c: {  	v31 =	vld.idx.msk [tilespmem:v17+s17+$0x0], $0xffff;
	_ =	sdelay $0x3  }
0x7d: {  	v29 =	vmul.f32 v29, v25;
	v30 =	vmul.f32 v30, v25  }
0x7e: {  	v31 =	vmul.f32 v31, v25  }
0x7f: {  	v29 =	vadd.f32 $5.000000000e-01, v29;
	v30 =	vadd.f32 $5.000000000e-01, v30  }
0x80: {  	v31 =	vadd.f32 $5.000000000e-01, v31  }
0x81: {  	v29 =	vmax.f32 v29, $0.0e+00;
	v30 =	vmax.f32 v30, $0.0e+00  }
0x82: {  	v31 =	vmax.f32 v31, $0.0e+00;
	v29 =	vmin.f32 v29, $9.990000120e-01;
	v30 =	vmin.f32 v30, $9.990000120e-01  }
0x83: {  	v31 =	vmin.f32 v31, $9.990000120e-01;
	v29 =	vmul.f32 $3.200000000e+01, v29;
	v30 =	vmul.f32 $3.200000000e+01, v30  }
0x84: {  	v31 =	vmul.f32 $3.200000000e+01, v31  }
0x85: {  	v29 =	vtrunc.f32 v29;
	v30 =	vtrunc.f32 v30  }
0x86: {  	v31 =	vtrunc.f32 v31;
	v30 =	vcvt.f32.s32 v30  }
0x87: {  	v29 =	vcvt.f32.s32 v29;
	v31 =	vcvt.f32.s32 v31  }
0x88: {  	v30 =	vshll.u32 v30, $0x5  }
0x89: {  	s29 =	sadd.s32 $0x40, s25;
	v31 =	vshll.u32 v31, $0xA;
	v29 =	vadd.s32 v29, v30  }
0x8a: {  	p4 =	slt.u32 s29, $0x186A0;
	v29 =	vadd.s32 v31, v29  }
0x8b: {  	v29 =	vpsel !p4, $0x8000, v29  }
0x8c: {  	[tilespmem:$0x8C50] =	vst v29  }
0x8d: {  	v29 =	vld.idx.msk [tilespmem:v18+s17+$0x0], $0xffff  }
0x8e: {  	v30 =	vld.idx.msk [tilespmem:v19+s17+$0x0], $0xffff  }
0x8f: {  	v31 =	vld.idx.msk [tilespmem:v20+s17+$0x0], $0xffff;
	_ =	sdelay $0x3  }
0x90: {  	v29 =	vmul.f32 v29, v25;
	v30 =	vmul.f32 v30, v25  }
0x91: {  	v31 =	vmul.f32 v31, v25  }
0x92: {  	v29 =	vadd.f32 $5.000000000e-01, v29;
	v30 =	vadd.f32 $5.000000000e-01, v30  }
0x93: {  	v31 =	vadd.f32 $5.000000000e-01, v31  }
0x94: {  	v29 =	vmax.f32 v29, $0.0e+00;
	v30 =	vmax.f32 v30, $0.0e+00  }
0x95: {  	v31 =	vmax.f32 v31, $0.0e+00;
	v29 =	vmin.f32 v29, $9.990000120e-01;
	v30 =	vmin.f32 v30, $9.990000120e-01  }
0x96: {  	v31 =	vmin.f32 v31, $9.990000120e-01;
	v29 =	vmul.f32 $3.200000000e+01, v29;
	v30 =	vmul.f32 $3.200000000e+01, v30  }
0x97: {  	v31 =	vmul.f32 $3.200000000e+01, v31  }
0x98: {  	v29 =	vtrunc.f32 v29;
	v30 =	vtrunc.f32 v30  }
0x99: {  	v31 =	vtrunc.f32 v31;
	v30 =	vcvt.f32.s32 v30  }
0x9a: {  	v29 =	vcvt.f32.s32 v29;
	v31 =	vcvt.f32.s32 v31  }
0x9b: {  	v30 =	vshll.u32 v30, $0x5  }
0x9c: {  	s30 =	sadd.s32 $0x50, s25;
	v31 =	vshll.u32 v31, $0xA;
	v29 =	vadd.s32 v29, v30  }
0x9d: {  	p5 =	slt.u32 s30, $0x186A0;
	v29 =	vadd.s32 v31, v29  }
0x9e: {  	v29 =	vpsel !p5, $0x8000, v29  }
0x9f: {  	[tilespmem:$0x8C60] =	vst v29  }
0xa0: {  	v29 =	vld.idx.msk [tilespmem:v21+s17+$0x0], $0xffff  }
0xa1: {  	v30 =	vld.idx.msk [tilespmem:v22+s17+$0x0], $0xffff  }
0xa2: {  	v31 =	vld.idx.msk [tilespmem:v23+s17+$0x0], $0xffff;
	_ =	sdelay $0x3  }
0xa3: {  	v29 =	vmul.f32 v29, v25;
	v30 =	vmul.f32 v30, v25  }
0xa4: {  	v31 =	vmul.f32 v31, v25  }
0xa5: {  	v29 =	vadd.f32 $5.000000000e-01, v29;
	v30 =	vadd.f32 $5.000000000e-01, v30  }
0xa6: {  	v31 =	vadd.f32 $5.000000000e-01, v31  }
0xa7: {  	v29 =	vmax.f32 v29, $0.0e+00;
	v30 =	vmax.f32 v30, $0.0e+00  }
0xa8: {  	v31 =	vmax.f32 v31, $0.0e+00;
	v29 =	vmin.f32 v29, $9.990000120e-01;
	v30 =	vmin.f32 v30, $9.990000120e-01  }
0xa9: {  	v31 =	vmin.f32 v31, $9.990000120e-01;
	v29 =	vmul.f32 $3.200000000e+01, v29;
	v30 =	vmul.f32 $3.200000000e+01, v30  }
0xaa: {  	v31 =	vmul.f32 $3.200000000e+01, v31  }
0xab: {  	v29 =	vtrunc.f32 v29;
	v30 =	vtrunc.f32 v30  }
0xac: {  	v31 =	vtrunc.f32 v31;
	v30 =	vcvt.f32.s32 v30  }
0xad: {  	v29 =	vcvt.f32.s32 v29;
	v31 =	vcvt.f32.s32 v31  }
0xae: {  	v30 =	vshll.u32 v30, $0x5  }
0xaf: {  	s31 =	sadd.s32 $0x60, s25;
	v31 =	vshll.u32 v31, $0xA;
	v29 =	vadd.s32 v29, v30  }
0xb0: {  	p6 =	slt.u32 s31, $0x186A0;
	v29 =	vadd.s32 v31, v29  }
0xb1: {  	v29 =	vpsel !p6, $0x8000, v29  }
0xb2: {  	[tilespmem:$0x8C70] =	vst v29  }
0xb3: {  	v29 =	vld.idx.msk [tilespmem:v24+s17+$0x0], $0xffff  }
0xb4: {  	v30 =	vld.idx.msk [tilespmem:v26+s17+$0x0], $0xffff  }
0xb5: {  	v31 =	vld.idx.msk [tilespmem:v27+s17+$0x0], $0xffff;
	_ =	sdelay $0x3  }
0xb6: {  	v29 =	vmul.f32 v29, v25;
	v30 =	vmul.f32 v30, v25  }
0xb7: {  	v31 =	vmul.f32 v31, v25  }
0xb8: {  	v29 =	vadd.f32 $5.000000000e-01, v29;
	v30 =	vadd.f32 $5.000000000e-01, v30  }
0xb9: {  	v31 =	vadd.f32 $5.000000000e-01, v31  }
0xba: {  	v29 =	vmax.f32 v29, $0.0e+00;
	v30 =	vmax.f32 v30, $0.0e+00  }
0xbb: {  	v31 =	vmax.f32 v31, $0.0e+00;
	v29 =	vmin.f32 v29, $9.990000120e-01;
	v30 =	vmin.f32 v30, $9.990000120e-01  }
0xbc: {  	v31 =	vmin.f32 v31, $9.990000120e-01;
	v29 =	vmul.f32 $3.200000000e+01, v29;
	v30 =	vmul.f32 $3.200000000e+01, v30  }
0xbd: {  	v31 =	vmul.f32 $3.200000000e+01, v31  }
0xbe: {  	v29 =	vtrunc.f32 v29;
	v30 =	vtrunc.f32 v30  }
0xbf: {  	v31 =	vtrunc.f32 v31;
	v30 =	vcvt.f32.s32 v30  }
0xc0: {  	v29 =	vcvt.f32.s32 v29;
	v31 =	vcvt.f32.s32 v31  }
0xc1: {  	v30 =	vshll.u32 v30, $0x5  }
0xc2: {  	s23 =	simm.s32 $0x80;
	s22 =	sadd.s32 $0x70, s25;
	v31 =	vshll.u32 v31, $0xA;
	v29 =	vadd.s32 v29, v30  }
0xc3: {  	s24 =	smov.u32 s10;
	p2 =	slt.u32 s22, $0x186A0;
	s22 =	smov.u32 s10;
	v29 =	vadd.s32 v31, v29  }
.LBB2_6:
0xc4: {  	p1 =	sne.s32 s23, $0x1800  }
0xc5: {  	v29 =	vpsel !p2, $0x8000, v29;
	s24 =	sadd.s32 $0x10, s24;
	s25 =	smov.u32 s23;
	s23 =	sadd.s32 $0x80, s23  }
0xc6: {  	[tilespmem:$0x8C80] =	vst v29  }
0xc7: {  	[spmem:s1] =	stream.indirect.scatter.add.f32 [tilespmem:s14], [sflag:$0x1], $0x10, s19, s18, $0xb8;
	[tilespmem:$0x11490] =	vst v63  }
0xc8: {  	_ =	swait.ge [sflag:s16], $0x800  }
0xc9: {  	[sflag:s16] =	ssyncset.done $0x0  }
0xca: {  	[sflag:s16] =	ssyncadd.s32 $0xFFFFF800  }
0xcb: {  	[hbm4b:s22+s2] =	stream.linear.scatter [tilespmem:s19], [sflag:$0x1], $0x80, $0x38;
	[tilespmem:$0x11490] =	vst v63  }
0xcc: {  	s22 =	smov.u32 s24;
	_ =	swait.ge [sflag:s16], $0x80  }
0xcd: {  	[sflag:s16] =	ssyncset.done $0x0  }
0xce: {  	s26 =	sadd.s32 s25, s11;
	[sflag:s16] =	ssyncadd.s32 $0xFFFFFF80  }
0xcf: {  	[tilespmem:s17], [sflag:$0x1] =	stream.linear.gather [hbm4b:s26+s2], $0x400, $0x38;
	[tilespmem:$0x11490] =	vst v63  }
0xd0: {  	_ =	swait.ge [sflag:s16], $0x400  }
0xd1: {  	[sflag:s16] =	ssyncset.done $0x0  }
0xd2: {  	[sflag:s16] =	ssyncadd.s32 $0xFFFFFC00  }
0xd3: {  	v29 =	vld.idx.msk [tilespmem:v1+s17+$0x0], $0xffff  }
0xd4: {  	v30 =	vld.idx.msk [tilespmem:v4+s17+$0x0], $0xffff  }
0xd5: {  	v31 =	vld.idx.msk [tilespmem:v5+s17+$0x0], $0xffff;
	_ =	sdelay $0x4  }
0xd6: {  	v29 =	vmul.f32 v29, v25;
	v30 =	vmul.f32 v30, v25  }
0xd7: {  	v31 =	vmul.f32 v31, v25  }
0xd8: {  	v29 =	vadd.f32 $5.000000000e-01, v29;
	v30 =	vadd.f32 $5.000000000e-01, v30  }
0xd9: {  	v31 =	vadd.f32 $5.000000000e-01, v31  }
0xda: {  	v29 =	vmax.f32 v29, $0.0e+00;
	v30 =	vmax.f32 v30, $0.0e+00  }
0xdb: {  	v29 =	vmin.f32 v29, $9.990000120e-01;
	v30 =	vmin.f32 v30, $9.990000120e-01;
	v31 =	vmax.f32 v31, $0.0e+00  }
0xdc: {  	v29 =	vmul.f32 $3.200000000e+01, v29;
	v30 =	vmul.f32 $3.200000000e+01, v30;
	v31 =	vmin.f32 v31, $9.990000120e-01  }
0xdd: {  	v31 =	vmul.f32 $3.200000000e+01, v31  }
0xde: {  	v29 =	vtrunc.f32 v29;
	v30 =	vtrunc.f32 v30  }
0xdf: {  	v30 =	vcvt.f32.s32 v30;
	v31 =	vtrunc.f32 v31  }
0xe0: {  	v29 =	vcvt.f32.s32 v29;
	v31 =	vcvt.f32.s32 v31  }
0xe1: {  	v30 =	vshll.u32 v30, $0x5  }
0xe2: {  	s25 =	sadd.s32 s25, s5;
	v31 =	vshll.u32 v31, $0xA;
	v29 =	vadd.s32 v29, v30  }
0xe3: {  	p2 =	slt.u32 s25, $0x186A0;
	s0 =	sadd.s32 $0x10, s25;
	s31 =	sadd.s32 $0x20, s25;
	v29 =	vadd.s32 v31, v29  }
0xe4: {  	s30 =	sadd.s32 $0x30, s25;
	s29 =	sadd.s32 $0x40, s25;
	s28 =	sadd.s32 $0x50, s25;
	v29 =	vpsel !p2, $0x8000, v29  }
0xe5: {  	s26 =	sadd.s32 $0x60, s25;
	s25 =	sadd.s32 $0x70, s25;
	[tilespmem:$0x8C10] =	vst v29  }
0xe6: {  	v29 =	vld.idx.msk [tilespmem:v7+s17+$0x0], $0xffff  }
0xe7: {  	v30 =	vld.idx.msk [tilespmem:v6+s17+$0x0], $0xffff  }
0xe8: {  	v31 =	vld.idx.msk [tilespmem:v8+s17+$0x0], $0xffff;
	_ =	sdelay $0x3  }
0xe9: {  	v29 =	vmul.f32 v29, v25  }
0xea: {  	v30 =	vmul.f32 v30, v25  }
0xeb: {  	v29 =	vadd.f32 $5.000000000e-01, v29;
	v31 =	vmul.f32 v31, v25  }
0xec: {  	v30 =	vadd.f32 $5.000000000e-01, v30  }
0xed: {  	v29 =	vmax.f32 v29, $0.0e+00;
	v31 =	vadd.f32 $5.000000000e-01, v31  }
0xee: {  	v30 =	vmax.f32 v30, $0.0e+00;
	v29 =	vmin.f32 v29, $9.990000120e-01  }
0xef: {  	v30 =	vmin.f32 v30, $9.990000120e-01;
	v29 =	vmul.f32 $3.200000000e+01, v29;
	v31 =	vmax.f32 v31, $0.0e+00  }
0xf0: {  	v30 =	vmul.f32 $3.200000000e+01, v30;
	v31 =	vmin.f32 v31, $9.990000120e-01  }
0xf1: {  	v29 =	vtrunc.f32 v29;
	v31 =	vmul.f32 $3.200000000e+01, v31  }
0xf2: {  	v30 =	vtrunc.f32 v30;
	v29 =	vcvt.f32.s32 v29  }
0xf3: {  	v30 =	vcvt.f32.s32 v30;
	v31 =	vtrunc.f32 v31  }
0xf4: {  	v31 =	vcvt.f32.s32 v31;
	v29 =	vshll.u32 v29, $0x5  }
0xf5: {  	v29 =	vadd.s32 v30, v29  }
0xf6: {  	v30 =	vshll.u32 v31, $0xA  }
0xf7: {  	p2 =	slt.u32 s0, $0x186A0;
	v29 =	vadd.s32 v30, v29  }
0xf8: {  	v29 =	vpsel !p2, $0x8000, v29  }
0xf9: {  	[tilespmem:$0x8C20] =	vst v29  }
0xfa: {  	v29 =	vld.idx.msk [tilespmem:v10+s17+$0x0], $0xffff  }
0xfb: {  	v30 =	vld.idx.msk [tilespmem:v9+s17+$0x0], $0xffff;
	_ =	sdelay $0x1  }
0xfc: {  	v31 =	vld.idx.msk [tilespmem:v11+s17+$0x0], $0xffff;
	_ =	sdelay $0x2  }
0xfd: {  	v29 =	vmul.f32 v29, v25  }
0xfe: {  	v30 =	vmul.f32 v30, v25  }
0xff: {  	v29 =	vadd.f32 $5.000000000e-01, v29  }
0x100: {  	v30 =	vadd.f32 $5.000000000e-01, v30;
	v31 =	vmul.f32 v31, v25  }
0x101: {  	v29 =	vmax.f32 v29, $0.0e+00  }
0x102: {  	v30 =	vmax.f32 v30, $0.0e+00;
	v29 =	vmin.f32 v29, $9.990000120e-01;
	v31 =	vadd.f32 $5.000000000e-01, v31  }
0x103: {  	v30 =	vmin.f32 v30, $9.990000120e-01;
	v29 =	vmul.f32 $3.200000000e+01, v29  }
0x104: {  	v30 =	vmul.f32 $3.200000000e+01, v30;
	v31 =	vmax.f32 v31, $0.0e+00  }
0x105: {  	v29 =	vtrunc.f32 v29;
	v31 =	vmin.f32 v31, $9.990000120e-01  }
0x106: {  	v29 =	vcvt.f32.s32 v29;
	v31 =	vmul.f32 $3.200000000e+01, v31  }
0x107: {  	v30 =	vtrunc.f32 v30  }
0x108: {  	v30 =	vcvt.f32.s32 v30;
	v31 =	vtrunc.f32 v31;
	v29 =	vshll.u32 v29, $0x5  }
0x109: {  	v31 =	vcvt.f32.s32 v31  }
0x10a: {  	v29 =	vadd.s32 v30, v29  }
0x10b: {  	v30 =	vshll.u32 v31, $0xA  }
0x10c: {  	p2 =	slt.u32 s31, $0x186A0;
	v29 =	vadd.s32 v30, v29  }
0x10d: {  	v29 =	vpsel !p2, $0x8000, v29  }
0x10e: {  	[tilespmem:$0x8C30] =	vst v29  }
0x10f: {  	v29 =	vld.idx.msk [tilespmem:v12+s17+$0x0], $0xffff  }
0x110: {  	v30 =	vld.idx.msk [tilespmem:v13+s17+$0x0], $0xffff  }
0x111: {  	v31 =	vld.idx.msk [tilespmem:v14+s17+$0x0], $0xffff;
	_ =	sdelay $0x3  }
0x112: {  	v29 =	vmul.f32 v29, v25  }
0x113: {  	v30 =	vmul.f32 v30, v25  }
0x114: {  	v29 =	vadd.f32 $5.000000000e-01, v29;
	v31 =	vmul.f32 v31, v25  }
0x115: {  	v30 =	vadd.f32 $5.000000000e-01, v30  }
0x116: {  	v29 =	vmax.f32 v29, $0.0e+00;
	v31 =	vadd.f32 $5.000000000e-01, v31  }
0x117: {  	v29 =	vmin.f32 v29, $9.990000120e-01;
	v30 =	vmax.f32 v30, $0.0e+00  }
0x118: {  	v29 =	vmul.f32 $3.200000000e+01, v29;
	v30 =	vmin.f32 v30, $9.990000120e-01;
	v31 =	vmax.f32 v31, $0.0e+00  }
0x119: {  	v30 =	vmul.f32 $3.200000000e+01, v30;
	v31 =	vmin.f32 v31, $9.990000120e-01  }
0x11a: {  	v29 =	vtrunc.f32 v29;
	v31 =	vmul.f32 $3.200000000e+01, v31  }
0x11b: {  	v30 =	vtrunc.f32 v30  }
0x11c: {  	v30 =	vcvt.f32.s32 v30;
	v31 =	vtrunc.f32 v31  }
0x11d: {  	v29 =	vcvt.f32.s32 v29;
	v31 =	vcvt.f32.s32 v31  }
0x11e: {  	v30 =	vshll.u32 v30, $0x5  }
0x11f: {  	v31 =	vshll.u32 v31, $0xA;
	v29 =	vadd.s32 v29, v30  }
0x120: {  	p2 =	slt.u32 s30, $0x186A0;
	v29 =	vadd.s32 v31, v29  }
0x121: {  	v29 =	vpsel !p2, $0x8000, v29  }
0x122: {  	[tilespmem:$0x8C40] =	vst v29  }
0x123: {  	v29 =	vld.idx.msk [tilespmem:v15+s17+$0x0], $0xffff  }
0x124: {  	v30 =	vld.idx.msk [tilespmem:v16+s17+$0x0], $0xffff  }
0x125: {  	v31 =	vld.idx.msk [tilespmem:v17+s17+$0x0], $0xffff;
	_ =	sdelay $0x3  }
0x126: {  	v29 =	vmul.f32 v29, v25  }
0x127: {  	v30 =	vmul.f32 v30, v25  }
0x128: {  	v29 =	vadd.f32 $5.000000000e-01, v29;
	v31 =	vmul.f32 v31, v25  }
0x129: {  	v30 =	vadd.f32 $5.000000000e-01, v30  }
0x12a: {  	v29 =	vmax.f32 v29, $0.0e+00;
	v31 =	vadd.f32 $5.000000000e-01, v31  }
0x12b: {  	v29 =	vmin.f32 v29, $9.990000120e-01;
	v30 =	vmax.f32 v30, $0.0e+00  }
0x12c: {  	v29 =	vmul.f32 $3.200000000e+01, v29;
	v30 =	vmin.f32 v30, $9.990000120e-01;
	v31 =	vmax.f32 v31, $0.0e+00  }
0x12d: {  	v30 =	vmul.f32 $3.200000000e+01, v30;
	v31 =	vmin.f32 v31, $9.990000120e-01  }
0x12e: {  	v29 =	vtrunc.f32 v29;
	v31 =	vmul.f32 $3.200000000e+01, v31  }
0x12f: {  	v30 =	vtrunc.f32 v30  }
0x130: {  	v30 =	vcvt.f32.s32 v30;
	v31 =	vtrunc.f32 v31  }
0x131: {  	v29 =	vcvt.f32.s32 v29;
	v31 =	vcvt.f32.s32 v31  }
0x132: {  	v30 =	vshll.u32 v30, $0x5  }
0x133: {  	v31 =	vshll.u32 v31, $0xA;
	v29 =	vadd.s32 v29, v30  }
0x134: {  	p2 =	slt.u32 s29, $0x186A0;
	v29 =	vadd.s32 v31, v29  }
0x135: {  	v29 =	vpsel !p2, $0x8000, v29  }
0x136: {  	[tilespmem:$0x8C50] =	vst v29  }
0x137: {  	v29 =	vld.idx.msk [tilespmem:v18+s17+$0x0], $0xffff  }
0x138: {  	v30 =	vld.idx.msk [tilespmem:v19+s17+$0x0], $0xffff  }
0x139: {  	v31 =	vld.idx.msk [tilespmem:v20+s17+$0x0], $0xffff;
	_ =	sdelay $0x3  }
0x13a: {  	v29 =	vmul.f32 v29, v25  }
0x13b: {  	v30 =	vmul.f32 v30, v25  }
0x13c: {  	v29 =	vadd.f32 $5.000000000e-01, v29;
	v31 =	vmul.f32 v31, v25  }
0x13d: {  	v30 =	vadd.f32 $5.000000000e-01, v30  }
0x13e: {  	v29 =	vmax.f32 v29, $0.0e+00;
	v31 =	vadd.f32 $5.000000000e-01, v31  }
0x13f: {  	v29 =	vmin.f32 v29, $9.990000120e-01;
	v30 =	vmax.f32 v30, $0.0e+00  }
0x140: {  	v29 =	vmul.f32 $3.200000000e+01, v29;
	v30 =	vmin.f32 v30, $9.990000120e-01;
	v31 =	vmax.f32 v31, $0.0e+00  }
0x141: {  	v30 =	vmul.f32 $3.200000000e+01, v30;
	v31 =	vmin.f32 v31, $9.990000120e-01  }
0x142: {  	v29 =	vtrunc.f32 v29;
	v31 =	vmul.f32 $3.200000000e+01, v31  }
0x143: {  	v30 =	vtrunc.f32 v30  }
0x144: {  	v30 =	vcvt.f32.s32 v30;
	v31 =	vtrunc.f32 v31  }
0x145: {  	v29 =	vcvt.f32.s32 v29;
	v31 =	vcvt.f32.s32 v31  }
0x146: {  	v30 =	vshll.u32 v30, $0x5  }
0x147: {  	v31 =	vshll.u32 v31, $0xA;
	v29 =	vadd.s32 v29, v30  }
0x148: {  	p2 =	slt.u32 s28, $0x186A0;
	v29 =	vadd.s32 v31, v29  }
0x149: {  	v29 =	vpsel !p2, $0x8000, v29  }
0x14a: {  	[tilespmem:$0x8C60] =	vst v29  }
0x14b: {  	v29 =	vld.idx.msk [tilespmem:v21+s17+$0x0], $0xffff  }
0x14c: {  	v30 =	vld.idx.msk [tilespmem:v22+s17+$0x0], $0xffff  }
0x14d: {  	v31 =	vld.idx.msk [tilespmem:v23+s17+$0x0], $0xffff;
	_ =	sdelay $0x4  }
0x14e: {  	v29 =	vmul.f32 v29, v25;
	v30 =	vmul.f32 v30, v25  }
0x14f: {  	v31 =	vmul.f32 v31, v25  }
0x150: {  	v29 =	vadd.f32 $5.000000000e-01, v29;
	v30 =	vadd.f32 $5.000000000e-01, v30  }
0x151: {  	v31 =	vadd.f32 $5.000000000e-01, v31  }
0x152: {  	v29 =	vmax.f32 v29, $0.0e+00;
	v30 =	vmax.f32 v30, $0.0e+00  }
0x153: {  	v29 =	vmin.f32 v29, $9.990000120e-01;
	v30 =	vmin.f32 v30, $9.990000120e-01;
	v31 =	vmax.f32 v31, $0.0e+00  }
0x154: {  	v29 =	vmul.f32 $3.200000000e+01, v29;
	v30 =	vmul.f32 $3.200000000e+01, v30;
	v31 =	vmin.f32 v31, $9.990000120e-01  }
0x155: {  	v31 =	vmul.f32 $3.200000000e+01, v31  }
0x156: {  	v29 =	vtrunc.f32 v29;
	v30 =	vtrunc.f32 v30  }
0x157: {  	v30 =	vcvt.f32.s32 v30;
	v31 =	vtrunc.f32 v31  }
0x158: {  	v29 =	vcvt.f32.s32 v29;
	v31 =	vcvt.f32.s32 v31  }
0x159: {  	v30 =	vshll.u32 v30, $0x5  }
0x15a: {  	v31 =	vshll.u32 v31, $0xA;
	v29 =	vadd.s32 v29, v30  }
0x15b: {  	p2 =	slt.u32 s26, $0x186A0;
	v29 =	vadd.s32 v31, v29  }
0x15c: {  	v29 =	vpsel !p2, $0x8000, v29  }
0x15d: {  	[tilespmem:$0x8C70] =	vst v29  }
0x15e: {  	v29 =	vld.idx.msk [tilespmem:v24+s17+$0x0], $0xffff  }
0x15f: {  	v30 =	vld.idx.msk [tilespmem:v26+s17+$0x0], $0xffff  }
0x160: {  	v31 =	vld.idx.msk [tilespmem:v27+s17+$0x0], $0xffff;
	_ =	sdelay $0x4  }
0x161: {  	v29 =	vmul.f32 v29, v25;
	v30 =	vmul.f32 v30, v25  }
0x162: {  	v31 =	vmul.f32 v31, v25  }
0x163: {  	v29 =	vadd.f32 $5.000000000e-01, v29;
	v30 =	vadd.f32 $5.000000000e-01, v30  }
0x164: {  	v31 =	vadd.f32 $5.000000000e-01, v31  }
0x165: {  	v29 =	vmax.f32 v29, $0.0e+00;
	v30 =	vmax.f32 v30, $0.0e+00  }
0x166: {  	v29 =	vmin.f32 v29, $9.990000120e-01;
	v30 =	vmin.f32 v30, $9.990000120e-01;
	v31 =	vmax.f32 v31, $0.0e+00  }
0x167: {  	v29 =	vmul.f32 $3.200000000e+01, v29;
	v30 =	vmul.f32 $3.200000000e+01, v30;
	v31 =	vmin.f32 v31, $9.990000120e-01  }
0x168: {  	v31 =	vmul.f32 $3.200000000e+01, v31  }
0x169: {  	v29 =	vtrunc.f32 v29;
	v30 =	vtrunc.f32 v30  }
.Ltmp2:
0x16a: {  	v30 =	vcvt.f32.s32 v30;
	v31 =	vtrunc.f32 v31;
	(pc) =	sbr.rel @p1 .LBB2_6-.Ltmp2, $4  }
0x16b: {  	v29 =	vcvt.f32.s32 v29;
	v31 =	vcvt.f32.s32 v31  }
0x16c: {  	v30 =	vshll.u32 v30, $0x5  }
0x16d: {  	v31 =	vshll.u32 v31, $0xA;
	v29 =	vadd.s32 v29, v30  }
0x16e: {  	p2 =	slt.u32 s25, $0x186A0;
	v29 =	vadd.s32 v31, v29  }
0x16f: {  	v29 =	vpsel !p2, $0x8000, v29  }
0x170: {  	[tilespmem:$0x8C80] =	vst v29  }
0x171: {  	[spmem:s1] =	stream.indirect.scatter.add.f32 [tilespmem:s14], [sflag:$0x1], $0x10, s19, s18, $0xb8;
	[tilespmem:$0x11490] =	vst v63  }
0x172: {  	_ =	swait.ge [sflag:s16], $0x800  }
0x173: {  	[sflag:s16] =	ssyncset.done $0x0  }
0x174: {  	[sflag:s16] =	ssyncadd.s32 $0xFFFFF800  }
0x175: {  	[hbm4b:s22+s2] =	stream.linear.scatter [tilespmem:s19], [sflag:$0x1], $0x80, $0x38;
	[tilespmem:$0x11490] =	vst v63  }
0x176: {  	s0 =	simm.s32 $0x0;
	_ =	swait.ge [sflag:s16], $0x80  }
0x177: {  	v29 =	vmov s0;
	[sflag:s16] =	ssyncset.done $0x0  }
0x178: {  	v29 =	vshll.u32 v29, $0x4;
	[sflag:s16] =	ssyncadd.s32 $0xFFFFFF80  }
0x179: {  	v29 =	vor.u32 v28, v29;
	[bflag:$0x0] =	sbarrier.arrive $0xFFFF  }
0x17a: {  	[tilespmem:s15], [sflag:$0x1] =	stream.linear.gather [spmem:s4], $0x8000, $0x38;
	[tilespmem:$0x11490] =	vst v63  }
0x17b: {  	_ =	swait.ge [sflag:s16], $0x8000  }
0x17c: {  	[sflag:s16] =	ssyncset.done $0x0  }
0x17d: {  	[sflag:s16] =	ssyncadd.s32 $0xFFFF8000  }
0x17e: {  	v29 =	vld.idx.msk [tilespmem:v29+s15+$0x0], $0xffff;
	_ =	sdelay $0x4  }
0x17f: {  	v29 =	vmax.f32 v29, $1.000000000e+00  }
0x180: {  	(erf) = vrcp.f32 v29;
	_ =	sdelay $0x2  }
0x181: {  	s30 =	simm.s32 $0x10  }
0x182: {  	v29 =	vmov s30  }
0x183: {  	v29 =	vshll.u32 v29, $0x4  }
0x184: {  	v29 =	vor.u32 v28, v29;
	_ =	sdelay $0x2  }
0x185: {  	s22 =	simm.s32 $0x10C90;
	v30 =	vpop (erf)  }
0x186: {  	[tilespmem:s22+$0x0] =	vst v30  }
0x187: {  	v29 =	vld.idx.msk [tilespmem:v29+s15+$0x0], $0xffff;
	_ =	sdelay $0x4  }
0x188: {  	v29 =	vmax.f32 v29, $1.000000000e+00  }
0x189: {  	(erf) = vrcp.f32 v29;
	_ =	sdelay $0x2  }
0x18a: {  	s31 =	simm.s32 $0x20  }
0x18b: {  	s23 =	simm.s32 $0x30;
	v29 =	vmov s31  }
.LBB2_8:
0x18c: {  	p1 =	sne.s32 s23, $0x7F0;
	v29 =	vshll.u32 v29, $0x4  }
0x18d: {  	v29 =	vor.u32 v28, v29;
	_ =	sdelay $0x2  }
0x18e: {  	s22 =	sadd.s32 $0x10, s22;
	v30 =	vpop (erf)  }
0x18f: {  	[tilespmem:s22+$0x0] =	vst v30  }
0x190: {  	v29 =	vld.idx.msk [tilespmem:v29+s15+$0x0], $0xffff;
	_ =	sdelay $0x5  }
0x191: {  	v29 =	vmax.f32 v29, $1.000000000e+00  }
.Ltmp3:
0x192: {  	(erf) = vrcp.f32 v29;
	(pc) =	sbr.rel @p1 .LBB2_8-.Ltmp3, $2  }
0x193: {  	_ =	sdelay $0x2  }
0x194: {  	v29 =	vmov s23;
	s23 =	sadd.s32 $0x10, s23  }
0x195: {  	v29 =	vshll.u32 v29, $0x4  }
0x196: {  	v29 =	vor.u32 v28, v29;
	_ =	sdelay $0x2  }
0x197: {  	s0 =	sadd.s32 $0x10, s22;
	v30 =	vpop (erf)  }
0x198: {  	[tilespmem:s0+$0x0] =	vst v30  }
0x199: {  	v29 =	vld.idx.msk [tilespmem:v29+s15+$0x0], $0xffff;
	_ =	sdelay $0x4  }
0x19a: {  	v29 =	vmax.f32 v29, $1.000000000e+00  }
0x19b: {  	(erf) = vrcp.f32 v29;
	_ =	sdelay $0x8  }
0x19c: {  	s0 =	sadd.s32 $0x10, s0;
	v29 =	vpop (erf)  }
0x19d: {  	s30 =	simm.s32 $0x0;
	[tilespmem:s0+$0x0] =	vst v29  }
0x19e: {  	[hbm4b:s7+s30] =	stream.linear.scatter [tilespmem:s20], [sflag:$0x1], $0x800, $0x38;
	[tilespmem:$0x11490] =	vst v63  }
0x19f: {  	_ =	swait.ge [sflag:s16], $0x800  }
0x1a0: {  	[sflag:s16] =	ssyncset.done $0x0  }
0x1a1: {  	s31 =	simm.s32 $0x0;
	[sflag:s16] =	ssyncadd.s32 $0xFFFFF800  }
0x1a2: {  	s22 =	simm.s32 $0x1;
	v29 =	vor.u32 s31, v0;
	[bflag:$0x0] =	sbarrier.arrive $0xFFFF  }
.LBB2_10:
0x1a3: {  	p1 =	sne.s32 s22, $0x7FF  }
.Ltmp4:
0x1a4: {  	_ = 	snop;
	(pc) =	sbr.rel @p1 .LBB2_10-.Ltmp4, $3  }
0x1a5: {  	_ =	sdelay $0x1  }
0x1a6: {  	s0 =	sshll.u32 s22, $0x4;
	s22 =	sadd.s32 $0x1, s22;
	[tilespmem:v29+s15+$0x0] =	vst.idx.msk $0xffff, v3  }
0x1a7: {  	v29 =	vor.u32 s0, v0  }
0x1a8: {  	_ =	sdelay $0x3  }
0x1a9: {  	[tilespmem:v29+s15+$0x0] =	vst.idx.msk $0xffff, v3  }
0x1aa: {  	[spmem:s4] =	stream.linear.scatter [tilespmem:s15], [sflag:$0x1], $0x8000, $0x38;
	[tilespmem:$0x11490] =	vst v63  }
0x1ab: {  	_ =	swait.ge [sflag:s16], $0x8000  }
0x1ac: {  	[sflag:s16] =	ssyncset.done $0x0  }
0x1ad: {  	s0 =	simm.s32 @!p0 $0x8C90;
	[sflag:s16] =	ssyncadd.s32 $0xFFFF8000  }
0x1ae: {  	[spmem:s6] =	stream.linear.scatter @!p0 [tilespmem:s0], [sflag:$0x1], $0x100, $0x38;
	[tilespmem:$0x11490] =	vst v63  }
0x1af: {  	s0 =	simm.s32 @!p0 $0x1  }
0x1b0: {  	_ =	swait.ge @!p0 [sflag:s0], $0x100  }
0x1b1: {  	[sflag:s0] =	ssyncset.done @!p0 $0x0  }
0x1b2: {  	[sflag:s0] =	ssyncadd.s32 @!p0 $0xFFFFFF00  }
0x1b3: {  	s23 =	sadd.s32 $0x0, s13;
	[bflag:$0x0] =	sbarrier.arrive $0xFFFF  }
0x1b4: {  	[tilespmem:s17], [sflag:$0x1] =	stream.linear.gather [hbm4b:s23+s2], $0x400, $0x38;
	[tilespmem:$0x11490] =	vst v63  }
0x1b5: {  	_ =	swait.ge [sflag:s16], $0x400  }
0x1b6: {  	[sflag:s16] =	ssyncset.done $0x0  }
0x1b7: {  	[sflag:s16] =	ssyncadd.s32 $0xFFFFFC00  }
0x1b8: {  	v29 =	vld.idx.msk [tilespmem:v1+s17+$0x0], $0xffff  }
0x1b9: {  	v30 =	vld.idx.msk [tilespmem:v4+s17+$0x0], $0xffff  }
0x1ba: {  	v31 =	vld.idx.msk [tilespmem:v5+s17+$0x0], $0xffff;
	_ =	sdelay $0x3  }
0x1bb: {  	v29 =	vmul.f32 v29, v25;
	v30 =	vmul.f32 v30, v25  }
0x1bc: {  	v31 =	vmul.f32 v31, v25  }
0x1bd: {  	v29 =	vadd.f32 $5.000000000e-01, v29;
	v30 =	vadd.f32 $5.000000000e-01, v30  }
0x1be: {  	v31 =	vadd.f32 $5.000000000e-01, v31  }
0x1bf: {  	v29 =	vmax.f32 v29, $0.0e+00;
	v30 =	vmax.f32 v30, $0.0e+00  }
0x1c0: {  	v31 =	vmax.f32 v31, $0.0e+00;
	v29 =	vmin.f32 v29, $9.990000120e-01;
	v30 =	vmin.f32 v30, $9.990000120e-01  }
0x1c1: {  	v31 =	vmin.f32 v31, $9.990000120e-01;
	v29 =	vmul.f32 $3.200000000e+01, v29;
	v30 =	vmul.f32 $3.200000000e+01, v30  }
0x1c2: {  	v31 =	vmul.f32 $3.200000000e+01, v31  }
0x1c3: {  	v29 =	vtrunc.f32 v29;
	v30 =	vtrunc.f32 v30  }
0x1c4: {  	v31 =	vtrunc.f32 v31;
	v30 =	vcvt.f32.s32 v30  }
0x1c5: {  	v29 =	vcvt.f32.s32 v29;
	v31 =	vcvt.f32.s32 v31  }
0x1c6: {  	v30 =	vshll.u32 v30, $0x5  }
0x1c7: {  	s22 =	sadd.s32 $0x0, s5;
	v31 =	vshll.u32 v31, $0xA;
	v29 =	vadd.s32 v29, v30  }
0x1c8: {  	p1 =	slt.u32 s22, $0x186A0;
	v29 =	vadd.s32 v31, v29  }
0x1c9: {  	v29 =	vpsel !p1, $0x8000, v29  }
0x1ca: {  	[tilespmem:$0x8C10] =	vst v29  }
0x1cb: {  	v29 =	vld.idx.msk [tilespmem:v7+s17+$0x0], $0xffff  }
0x1cc: {  	v30 =	vld.idx.msk [tilespmem:v6+s17+$0x0], $0xffff  }
0x1cd: {  	v31 =	vld.idx.msk [tilespmem:v8+s17+$0x0], $0xffff;
	_ =	sdelay $0x3  }
0x1ce: {  	v29 =	vmul.f32 v29, v25;
	v30 =	vmul.f32 v30, v25  }
0x1cf: {  	v31 =	vmul.f32 v31, v25  }
0x1d0: {  	v29 =	vadd.f32 $5.000000000e-01, v29;
	v30 =	vadd.f32 $5.000000000e-01, v30  }
0x1d1: {  	v31 =	vadd.f32 $5.000000000e-01, v31  }
0x1d2: {  	v29 =	vmax.f32 v29, $0.0e+00;
	v30 =	vmax.f32 v30, $0.0e+00  }
0x1d3: {  	v31 =	vmax.f32 v31, $0.0e+00;
	v29 =	vmin.f32 v29, $9.990000120e-01;
	v30 =	vmin.f32 v30, $9.990000120e-01  }
0x1d4: {  	v31 =	vmin.f32 v31, $9.990000120e-01;
	v29 =	vmul.f32 $3.200000000e+01, v29;
	v30 =	vmul.f32 $3.200000000e+01, v30  }
0x1d5: {  	v31 =	vmul.f32 $3.200000000e+01, v31  }
0x1d6: {  	v29 =	vtrunc.f32 v29;
	v30 =	vtrunc.f32 v30  }
0x1d7: {  	v31 =	vtrunc.f32 v31;
	v29 =	vcvt.f32.s32 v29  }
0x1d8: {  	v30 =	vcvt.f32.s32 v30;
	v31 =	vcvt.f32.s32 v31  }
0x1d9: {  	v29 =	vshll.u32 v29, $0x5  }
0x1da: {  	s24 =	sadd.s32 $0x10, s22;
	v29 =	vadd.s32 v30, v29;
	v30 =	vshll.u32 v31, $0xA  }
0x1db: {  	p6 =	slt.u32 s24, $0x186A0;
	v29 =	vadd.s32 v30, v29  }
0x1dc: {  	v29 =	vpsel !p6, $0x8000, v29  }
0x1dd: {  	[tilespmem:$0x8C20] =	vst v29  }
0x1de: {  	v29 =	vld.idx.msk [tilespmem:v10+s17+$0x0], $0xffff  }
0x1df: {  	v30 =	vld.idx.msk [tilespmem:v9+s17+$0x0], $0xffff  }
0x1e0: {  	v31 =	vld.idx.msk [tilespmem:v11+s17+$0x0], $0xffff;
	_ =	sdelay $0x3  }
0x1e1: {  	v29 =	vmul.f32 v29, v25;
	v30 =	vmul.f32 v30, v25  }
0x1e2: {  	v31 =	vmul.f32 v31, v25  }
0x1e3: {  	v29 =	vadd.f32 $5.000000000e-01, v29;
	v30 =	vadd.f32 $5.000000000e-01, v30  }
0x1e4: {  	v31 =	vadd.f32 $5.000000000e-01, v31  }
0x1e5: {  	v29 =	vmax.f32 v29, $0.0e+00;
	v30 =	vmax.f32 v30, $0.0e+00  }
0x1e6: {  	v31 =	vmax.f32 v31, $0.0e+00;
	v29 =	vmin.f32 v29, $9.990000120e-01;
	v30 =	vmin.f32 v30, $9.990000120e-01  }
0x1e7: {  	v31 =	vmin.f32 v31, $9.990000120e-01;
	v29 =	vmul.f32 $3.200000000e+01, v29;
	v30 =	vmul.f32 $3.200000000e+01, v30  }
0x1e8: {  	v31 =	vmul.f32 $3.200000000e+01, v31  }
0x1e9: {  	v29 =	vtrunc.f32 v29;
	v30 =	vtrunc.f32 v30  }
0x1ea: {  	v31 =	vtrunc.f32 v31;
	v29 =	vcvt.f32.s32 v29  }
0x1eb: {  	v30 =	vcvt.f32.s32 v30;
	v31 =	vcvt.f32.s32 v31  }
0x1ec: {  	v29 =	vshll.u32 v29, $0x5  }
0x1ed: {  	s25 =	sadd.s32 $0x20, s22;
	v29 =	vadd.s32 v30, v29;
	v30 =	vshll.u32 v31, $0xA  }
0x1ee: {  	p2 =	slt.u32 s25, $0x186A0;
	v29 =	vadd.s32 v30, v29  }
0x1ef: {  	v29 =	vpsel !p2, $0x8000, v29  }
0x1f0: {  	[tilespmem:$0x8C30] =	vst v29  }
0x1f1: {  	v29 =	vld.idx.msk [tilespmem:v12+s17+$0x0], $0xffff  }
0x1f2: {  	v30 =	vld.idx.msk [tilespmem:v13+s17+$0x0], $0xffff  }
0x1f3: {  	v31 =	vld.idx.msk [tilespmem:v14+s17+$0x0], $0xffff;
	_ =	sdelay $0x3  }
0x1f4: {  	v29 =	vmul.f32 v29, v25;
	v30 =	vmul.f32 v30, v25  }
0x1f5: {  	v31 =	vmul.f32 v31, v25  }
0x1f6: {  	v29 =	vadd.f32 $5.000000000e-01, v29;
	v30 =	vadd.f32 $5.000000000e-01, v30  }
0x1f7: {  	v31 =	vadd.f32 $5.000000000e-01, v31  }
0x1f8: {  	v29 =	vmax.f32 v29, $0.0e+00;
	v30 =	vmax.f32 v30, $0.0e+00  }
0x1f9: {  	v31 =	vmax.f32 v31, $0.0e+00;
	v29 =	vmin.f32 v29, $9.990000120e-01;
	v30 =	vmin.f32 v30, $9.990000120e-01  }
0x1fa: {  	v31 =	vmin.f32 v31, $9.990000120e-01;
	v29 =	vmul.f32 $3.200000000e+01, v29;
	v30 =	vmul.f32 $3.200000000e+01, v30  }
0x1fb: {  	v31 =	vmul.f32 $3.200000000e+01, v31  }
0x1fc: {  	v29 =	vtrunc.f32 v29;
	v30 =	vtrunc.f32 v30  }
0x1fd: {  	v31 =	vtrunc.f32 v31;
	v30 =	vcvt.f32.s32 v30  }
0x1fe: {  	v29 =	vcvt.f32.s32 v29;
	v31 =	vcvt.f32.s32 v31  }
0x1ff: {  	v30 =	vshll.u32 v30, $0x5  }
0x200: {  	s26 =	sadd.s32 $0x30, s22;
	v31 =	vshll.u32 v31, $0xA;
	v29 =	vadd.s32 v29, v30  }
0x201: {  	p3 =	slt.u32 s26, $0x186A0;
	v29 =	vadd.s32 v31, v29  }
0x202: {  	v29 =	vpsel !p3, $0x8000, v29  }
0x203: {  	[tilespmem:$0x8C40] =	vst v29  }
0x204: {  	v29 =	vld.idx.msk [tilespmem:v15+s17+$0x0], $0xffff  }
0x205: {  	v30 =	vld.idx.msk [tilespmem:v16+s17+$0x0], $0xffff  }
0x206: {  	v31 =	vld.idx.msk [tilespmem:v17+s17+$0x0], $0xffff;
	_ =	sdelay $0x3  }
0x207: {  	v29 =	vmul.f32 v29, v25;
	v30 =	vmul.f32 v30, v25  }
0x208: {  	v31 =	vmul.f32 v31, v25  }
0x209: {  	v29 =	vadd.f32 $5.000000000e-01, v29;
	v30 =	vadd.f32 $5.000000000e-01, v30  }
0x20a: {  	v31 =	vadd.f32 $5.000000000e-01, v31  }
0x20b: {  	v29 =	vmax.f32 v29, $0.0e+00;
	v30 =	vmax.f32 v30, $0.0e+00  }
0x20c: {  	v31 =	vmax.f32 v31, $0.0e+00;
	v29 =	vmin.f32 v29, $9.990000120e-01;
	v30 =	vmin.f32 v30, $9.990000120e-01  }
0x20d: {  	v31 =	vmin.f32 v31, $9.990000120e-01;
	v29 =	vmul.f32 $3.200000000e+01, v29;
	v30 =	vmul.f32 $3.200000000e+01, v30  }
0x20e: {  	v31 =	vmul.f32 $3.200000000e+01, v31  }
0x20f: {  	v29 =	vtrunc.f32 v29;
	v30 =	vtrunc.f32 v30  }
0x210: {  	v31 =	vtrunc.f32 v31;
	v30 =	vcvt.f32.s32 v30  }
0x211: {  	v29 =	vcvt.f32.s32 v29;
	v31 =	vcvt.f32.s32 v31  }
0x212: {  	v30 =	vshll.u32 v30, $0x5  }
0x213: {  	s28 =	sadd.s32 $0x40, s22;
	v31 =	vshll.u32 v31, $0xA;
	v29 =	vadd.s32 v29, v30  }
0x214: {  	p4 =	slt.u32 s28, $0x186A0;
	v29 =	vadd.s32 v31, v29  }
0x215: {  	v29 =	vpsel !p4, $0x8000, v29  }
0x216: {  	[tilespmem:$0x8C50] =	vst v29  }
0x217: {  	v29 =	vld.idx.msk [tilespmem:v18+s17+$0x0], $0xffff  }
0x218: {  	v30 =	vld.idx.msk [tilespmem:v19+s17+$0x0], $0xffff  }
0x219: {  	v31 =	vld.idx.msk [tilespmem:v20+s17+$0x0], $0xffff;
	_ =	sdelay $0x3  }
0x21a: {  	v29 =	vmul.f32 v29, v25;
	v30 =	vmul.f32 v30, v25  }
0x21b: {  	v31 =	vmul.f32 v31, v25  }
0x21c: {  	v29 =	vadd.f32 $5.000000000e-01, v29;
	v30 =	vadd.f32 $5.000000000e-01, v30  }
0x21d: {  	v31 =	vadd.f32 $5.000000000e-01, v31  }
0x21e: {  	v29 =	vmax.f32 v29, $0.0e+00;
	v30 =	vmax.f32 v30, $0.0e+00  }
0x21f: {  	v31 =	vmax.f32 v31, $0.0e+00;
	v29 =	vmin.f32 v29, $9.990000120e-01;
	v30 =	vmin.f32 v30, $9.990000120e-01  }
0x220: {  	v31 =	vmin.f32 v31, $9.990000120e-01;
	v29 =	vmul.f32 $3.200000000e+01, v29;
	v30 =	vmul.f32 $3.200000000e+01, v30  }
0x221: {  	v31 =	vmul.f32 $3.200000000e+01, v31  }
0x222: {  	v29 =	vtrunc.f32 v29;
	v30 =	vtrunc.f32 v30  }
0x223: {  	v31 =	vtrunc.f32 v31;
	v30 =	vcvt.f32.s32 v30  }
0x224: {  	v29 =	vcvt.f32.s32 v29;
	v31 =	vcvt.f32.s32 v31  }
0x225: {  	v30 =	vshll.u32 v30, $0x5  }
0x226: {  	s29 =	sadd.s32 $0x50, s22;
	v31 =	vshll.u32 v31, $0xA;
	v29 =	vadd.s32 v29, v30  }
0x227: {  	p5 =	slt.u32 s29, $0x186A0;
	v29 =	vadd.s32 v31, v29  }
0x228: {  	v29 =	vpsel !p5, $0x8000, v29  }
0x229: {  	[tilespmem:$0x8C60] =	vst v29  }
0x22a: {  	v29 =	vld.idx.msk [tilespmem:v21+s17+$0x0], $0xffff  }
0x22b: {  	v30 =	vld.idx.msk [tilespmem:v22+s17+$0x0], $0xffff  }
0x22c: {  	v31 =	vld.idx.msk [tilespmem:v23+s17+$0x0], $0xffff;
	_ =	sdelay $0x3  }
0x22d: {  	v29 =	vmul.f32 v29, v25;
	v30 =	vmul.f32 v30, v25  }
0x22e: {  	v31 =	vmul.f32 v31, v25  }
0x22f: {  	v29 =	vadd.f32 $5.000000000e-01, v29;
	v30 =	vadd.f32 $5.000000000e-01, v30  }
0x230: {  	v31 =	vadd.f32 $5.000000000e-01, v31  }
0x231: {  	v29 =	vmax.f32 v29, $0.0e+00;
	v30 =	vmax.f32 v30, $0.0e+00  }
0x232: {  	v31 =	vmax.f32 v31, $0.0e+00;
	v29 =	vmin.f32 v29, $9.990000120e-01;
	v30 =	vmin.f32 v30, $9.990000120e-01  }
0x233: {  	v31 =	vmin.f32 v31, $9.990000120e-01;
	v29 =	vmul.f32 $3.200000000e+01, v29;
	v30 =	vmul.f32 $3.200000000e+01, v30  }
0x234: {  	v31 =	vmul.f32 $3.200000000e+01, v31  }
0x235: {  	v29 =	vtrunc.f32 v29;
	v30 =	vtrunc.f32 v30  }
0x236: {  	v31 =	vtrunc.f32 v31;
	v30 =	vcvt.f32.s32 v30  }
0x237: {  	v29 =	vcvt.f32.s32 v29;
	v31 =	vcvt.f32.s32 v31  }
0x238: {  	v30 =	vshll.u32 v30, $0x5  }
0x239: {  	s30 =	sadd.s32 $0x60, s22;
	v31 =	vshll.u32 v31, $0xA;
	v29 =	vadd.s32 v29, v30  }
0x23a: {  	p6 =	slt.u32 s30, $0x186A0;
	v29 =	vadd.s32 v31, v29  }
0x23b: {  	v29 =	vpsel !p6, $0x8000, v29  }
0x23c: {  	[tilespmem:$0x8C70] =	vst v29  }
0x23d: {  	v29 =	vld.idx.msk [tilespmem:v24+s17+$0x0], $0xffff  }
0x23e: {  	v30 =	vld.idx.msk [tilespmem:v26+s17+$0x0], $0xffff  }
0x23f: {  	v31 =	vld.idx.msk [tilespmem:v27+s17+$0x0], $0xffff;
	_ =	sdelay $0x3  }
0x240: {  	v29 =	vmul.f32 v29, v25;
	v30 =	vmul.f32 v30, v25  }
0x241: {  	v31 =	vmul.f32 v31, v25  }
0x242: {  	v29 =	vadd.f32 $5.000000000e-01, v29;
	v30 =	vadd.f32 $5.000000000e-01, v30  }
0x243: {  	v31 =	vadd.f32 $5.000000000e-01, v31  }
0x244: {  	v29 =	vmax.f32 v29, $0.0e+00;
	v30 =	vmax.f32 v30, $0.0e+00  }
0x245: {  	v31 =	vmax.f32 v31, $0.0e+00;
	v29 =	vmin.f32 v29, $9.990000120e-01;
	v30 =	vmin.f32 v30, $9.990000120e-01  }
0x246: {  	v31 =	vmin.f32 v31, $9.990000120e-01;
	v29 =	vmul.f32 $3.200000000e+01, v29;
	v30 =	vmul.f32 $3.200000000e+01, v30  }
0x247: {  	v31 =	vmul.f32 $3.200000000e+01, v31  }
0x248: {  	v29 =	vtrunc.f32 v29;
	v30 =	vtrunc.f32 v30  }
0x249: {  	v31 =	vtrunc.f32 v31;
	v30 =	vcvt.f32.s32 v30  }
0x24a: {  	v29 =	vcvt.f32.s32 v29;
	v31 =	vcvt.f32.s32 v31  }
0x24b: {  	v30 =	vshll.u32 v30, $0x5  }
0x24c: {  	s31 =	sadd.s32 $0x70, s22;
	s22 =	smov.u32 s12;
	v31 =	vshll.u32 v31, $0xA;
	v29 =	vadd.s32 v29, v30  }
0x24d: {  	s24 =	smov.u32 s12;
	s23 =	simm.s32 $0x80;
	p2 =	slt.u32 s31, $0x186A0;
	v29 =	vadd.s32 v31, v29  }
.LBB2_12:
0x24e: {  	p1 =	sne.s32 s23, $0x1800  }
0x24f: {  	v29 =	vpsel !p2, $0x8000, v29;
	s24 =	sadd.s32 $0x10, s24;
	s25 =	smov.u32 s23;
	s23 =	sadd.s32 $0x80, s23  }
0x250: {  	[tilespmem:$0x8C80] =	vst v29  }
0x251: {  	[spmem:s1] =	stream.indirect.scatter.add.f32 [tilespmem:s14], [sflag:$0x1], $0x10, s19, s18, $0xb8;
	[tilespmem:$0x11490] =	vst v63  }
0x252: {  	_ =	swait.ge [sflag:s16], $0x800  }
0x253: {  	[sflag:s16] =	ssyncset.done $0x0  }
0x254: {  	[sflag:s16] =	ssyncadd.s32 $0xFFFFF800  }
0x255: {  	[hbm4b:s22+s2] =	stream.linear.scatter [tilespmem:s19], [sflag:$0x1], $0x80, $0x38;
	[tilespmem:$0x11490] =	vst v63  }
0x256: {  	s22 =	smov.u32 s24;
	_ =	swait.ge [sflag:s16], $0x80  }
0x257: {  	[sflag:s16] =	ssyncset.done $0x0  }
0x258: {  	s0 =	sadd.s32 s25, s13;
	[sflag:s16] =	ssyncadd.s32 $0xFFFFFF80  }
0x259: {  	[tilespmem:s17], [sflag:$0x1] =	stream.linear.gather [hbm4b:s0+s2], $0x400, $0x38;
	[tilespmem:$0x11490] =	vst v63  }
0x25a: {  	_ =	swait.ge [sflag:s16], $0x400  }
0x25b: {  	[sflag:s16] =	ssyncset.done $0x0  }
0x25c: {  	[sflag:s16] =	ssyncadd.s32 $0xFFFFFC00  }
0x25d: {  	v29 =	vld.idx.msk [tilespmem:v1+s17+$0x0], $0xffff  }
0x25e: {  	v30 =	vld.idx.msk [tilespmem:v4+s17+$0x0], $0xffff  }
0x25f: {  	v31 =	vld.idx.msk [tilespmem:v5+s17+$0x0], $0xffff;
	_ =	sdelay $0x4  }
0x260: {  	v29 =	vmul.f32 v29, v25;
	v30 =	vmul.f32 v30, v25  }
0x261: {  	v31 =	vmul.f32 v31, v25  }
0x262: {  	v29 =	vadd.f32 $5.000000000e-01, v29;
	v30 =	vadd.f32 $5.000000000e-01, v30  }
0x263: {  	v31 =	vadd.f32 $5.000000000e-01, v31  }
0x264: {  	v29 =	vmax.f32 v29, $0.0e+00;
	v30 =	vmax.f32 v30, $0.0e+00  }
0x265: {  	v29 =	vmin.f32 v29, $9.990000120e-01;
	v30 =	vmin.f32 v30, $9.990000120e-01;
	v31 =	vmax.f32 v31, $0.0e+00  }
0x266: {  	v29 =	vmul.f32 $3.200000000e+01, v29;
	v30 =	vmul.f32 $3.200000000e+01, v30;
	v31 =	vmin.f32 v31, $9.990000120e-01  }
0x267: {  	v31 =	vmul.f32 $3.200000000e+01, v31  }
0x268: {  	v29 =	vtrunc.f32 v29;
	v30 =	vtrunc.f32 v30  }
0x269: {  	v30 =	vcvt.f32.s32 v30;
	v31 =	vtrunc.f32 v31  }
0x26a: {  	v29 =	vcvt.f32.s32 v29;
	v31 =	vcvt.f32.s32 v31  }
0x26b: {  	v30 =	vshll.u32 v30, $0x5  }
0x26c: {  	s0 =	sadd.s32 s25, s5;
	v31 =	vshll.u32 v31, $0xA;
	v29 =	vadd.s32 v29, v30  }
0x26d: {  	p2 =	slt.u32 s0, $0x186A0;
	s3 =	sadd.s32 $0x10, s0;
	s31 =	sadd.s32 $0x20, s0;
	v29 =	vadd.s32 v31, v29  }
0x26e: {  	s30 =	sadd.s32 $0x30, s0;
	s29 =	sadd.s32 $0x40, s0;
	s28 =	sadd.s32 $0x50, s0;
	v29 =	vpsel !p2, $0x8000, v29  }
0x26f: {  	s26 =	sadd.s32 $0x60, s0;
	s25 =	sadd.s32 $0x70, s0;
	[tilespmem:$0x8C10] =	vst v29  }
0x270: {  	v29 =	vld.idx.msk [tilespmem:v7+s17+$0x0], $0xffff  }
0x271: {  	v30 =	vld.idx.msk [tilespmem:v6+s17+$0x0], $0xffff  }
0x272: {  	v31 =	vld.idx.msk [tilespmem:v8+s17+$0x0], $0xffff;
	_ =	sdelay $0x3  }
0x273: {  	v29 =	vmul.f32 v29, v25  }
0x274: {  	v30 =	vmul.f32 v30, v25  }
0x275: {  	v29 =	vadd.f32 $5.000000000e-01, v29;
	v31 =	vmul.f32 v31, v25  }
0x276: {  	v30 =	vadd.f32 $5.000000000e-01, v30  }
0x277: {  	v29 =	vmax.f32 v29, $0.0e+00;
	v31 =	vadd.f32 $5.000000000e-01, v31  }
0x278: {  	v30 =	vmax.f32 v30, $0.0e+00;
	v29 =	vmin.f32 v29, $9.990000120e-01  }
0x279: {  	v30 =	vmin.f32 v30, $9.990000120e-01;
	v29 =	vmul.f32 $3.200000000e+01, v29;
	v31 =	vmax.f32 v31, $0.0e+00  }
0x27a: {  	v30 =	vmul.f32 $3.200000000e+01, v30;
	v31 =	vmin.f32 v31, $9.990000120e-01  }
0x27b: {  	v29 =	vtrunc.f32 v29;
	v31 =	vmul.f32 $3.200000000e+01, v31  }
0x27c: {  	v30 =	vtrunc.f32 v30;
	v29 =	vcvt.f32.s32 v29  }
0x27d: {  	v30 =	vcvt.f32.s32 v30;
	v31 =	vtrunc.f32 v31  }
0x27e: {  	v31 =	vcvt.f32.s32 v31;
	v29 =	vshll.u32 v29, $0x5  }
0x27f: {  	v29 =	vadd.s32 v30, v29  }
0x280: {  	v30 =	vshll.u32 v31, $0xA  }
0x281: {  	p2 =	slt.u32 s3, $0x186A0;
	v29 =	vadd.s32 v30, v29  }
0x282: {  	v29 =	vpsel !p2, $0x8000, v29  }
0x283: {  	[tilespmem:$0x8C20] =	vst v29  }
0x284: {  	v29 =	vld.idx.msk [tilespmem:v10+s17+$0x0], $0xffff  }
0x285: {  	v30 =	vld.idx.msk [tilespmem:v9+s17+$0x0], $0xffff;
	_ =	sdelay $0x1  }
0x286: {  	v31 =	vld.idx.msk [tilespmem:v11+s17+$0x0], $0xffff;
	_ =	sdelay $0x2  }
0x287: {  	v29 =	vmul.f32 v29, v25  }
0x288: {  	v30 =	vmul.f32 v30, v25  }
0x289: {  	v29 =	vadd.f32 $5.000000000e-01, v29  }
0x28a: {  	v30 =	vadd.f32 $5.000000000e-01, v30;
	v31 =	vmul.f32 v31, v25  }
0x28b: {  	v29 =	vmax.f32 v29, $0.0e+00  }
0x28c: {  	v30 =	vmax.f32 v30, $0.0e+00;
	v29 =	vmin.f32 v29, $9.990000120e-01;
	v31 =	vadd.f32 $5.000000000e-01, v31  }
0x28d: {  	v30 =	vmin.f32 v30, $9.990000120e-01;
	v29 =	vmul.f32 $3.200000000e+01, v29  }
0x28e: {  	v30 =	vmul.f32 $3.200000000e+01, v30;
	v31 =	vmax.f32 v31, $0.0e+00  }
0x28f: {  	v29 =	vtrunc.f32 v29;
	v31 =	vmin.f32 v31, $9.990000120e-01  }
0x290: {  	v29 =	vcvt.f32.s32 v29;
	v31 =	vmul.f32 $3.200000000e+01, v31  }
0x291: {  	v30 =	vtrunc.f32 v30  }
0x292: {  	v30 =	vcvt.f32.s32 v30;
	v31 =	vtrunc.f32 v31;
	v29 =	vshll.u32 v29, $0x5  }
0x293: {  	v31 =	vcvt.f32.s32 v31  }
0x294: {  	v29 =	vadd.s32 v30, v29  }
0x295: {  	v30 =	vshll.u32 v31, $0xA  }
0x296: {  	p2 =	slt.u32 s31, $0x186A0;
	v29 =	vadd.s32 v30, v29  }
0x297: {  	v29 =	vpsel !p2, $0x8000, v29  }
0x298: {  	[tilespmem:$0x8C30] =	vst v29  }
0x299: {  	v29 =	vld.idx.msk [tilespmem:v12+s17+$0x0], $0xffff  }
0x29a: {  	v30 =	vld.idx.msk [tilespmem:v13+s17+$0x0], $0xffff  }
0x29b: {  	v31 =	vld.idx.msk [tilespmem:v14+s17+$0x0], $0xffff;
	_ =	sdelay $0x3  }
0x29c: {  	v29 =	vmul.f32 v29, v25  }
0x29d: {  	v30 =	vmul.f32 v30, v25  }
0x29e: {  	v29 =	vadd.f32 $5.000000000e-01, v29;
	v31 =	vmul.f32 v31, v25  }
0x29f: {  	v30 =	vadd.f32 $5.000000000e-01, v30  }
0x2a0: {  	v29 =	vmax.f32 v29, $0.0e+00;
	v31 =	vadd.f32 $5.000000000e-01, v31  }
0x2a1: {  	v29 =	vmin.f32 v29, $9.990000120e-01;
	v30 =	vmax.f32 v30, $0.0e+00  }
0x2a2: {  	v29 =	vmul.f32 $3.200000000e+01, v29;
	v30 =	vmin.f32 v30, $9.990000120e-01;
	v31 =	vmax.f32 v31, $0.0e+00  }
0x2a3: {  	v30 =	vmul.f32 $3.200000000e+01, v30;
	v31 =	vmin.f32 v31, $9.990000120e-01  }
0x2a4: {  	v29 =	vtrunc.f32 v29;
	v31 =	vmul.f32 $3.200000000e+01, v31  }
0x2a5: {  	v30 =	vtrunc.f32 v30  }
0x2a6: {  	v30 =	vcvt.f32.s32 v30;
	v31 =	vtrunc.f32 v31  }
0x2a7: {  	v29 =	vcvt.f32.s32 v29;
	v31 =	vcvt.f32.s32 v31  }
0x2a8: {  	v30 =	vshll.u32 v30, $0x5  }
0x2a9: {  	v31 =	vshll.u32 v31, $0xA;
	v29 =	vadd.s32 v29, v30  }
0x2aa: {  	p2 =	slt.u32 s30, $0x186A0;
	v29 =	vadd.s32 v31, v29  }
0x2ab: {  	v29 =	vpsel !p2, $0x8000, v29  }
0x2ac: {  	[tilespmem:$0x8C40] =	vst v29  }
0x2ad: {  	v29 =	vld.idx.msk [tilespmem:v15+s17+$0x0], $0xffff  }
0x2ae: {  	v30 =	vld.idx.msk [tilespmem:v16+s17+$0x0], $0xffff  }
0x2af: {  	v31 =	vld.idx.msk [tilespmem:v17+s17+$0x0], $0xffff;
	_ =	sdelay $0x3  }
0x2b0: {  	v29 =	vmul.f32 v29, v25  }
0x2b1: {  	v30 =	vmul.f32 v30, v25  }
0x2b2: {  	v29 =	vadd.f32 $5.000000000e-01, v29;
	v31 =	vmul.f32 v31, v25  }
0x2b3: {  	v30 =	vadd.f32 $5.000000000e-01, v30  }
0x2b4: {  	v29 =	vmax.f32 v29, $0.0e+00;
	v31 =	vadd.f32 $5.000000000e-01, v31  }
0x2b5: {  	v29 =	vmin.f32 v29, $9.990000120e-01;
	v30 =	vmax.f32 v30, $0.0e+00  }
0x2b6: {  	v29 =	vmul.f32 $3.200000000e+01, v29;
	v30 =	vmin.f32 v30, $9.990000120e-01;
	v31 =	vmax.f32 v31, $0.0e+00  }
0x2b7: {  	v30 =	vmul.f32 $3.200000000e+01, v30;
	v31 =	vmin.f32 v31, $9.990000120e-01  }
0x2b8: {  	v29 =	vtrunc.f32 v29;
	v31 =	vmul.f32 $3.200000000e+01, v31  }
0x2b9: {  	v30 =	vtrunc.f32 v30  }
0x2ba: {  	v30 =	vcvt.f32.s32 v30;
	v31 =	vtrunc.f32 v31  }
0x2bb: {  	v29 =	vcvt.f32.s32 v29;
	v31 =	vcvt.f32.s32 v31  }
0x2bc: {  	v30 =	vshll.u32 v30, $0x5  }
0x2bd: {  	v31 =	vshll.u32 v31, $0xA;
	v29 =	vadd.s32 v29, v30  }
0x2be: {  	p2 =	slt.u32 s29, $0x186A0;
	v29 =	vadd.s32 v31, v29  }
0x2bf: {  	v29 =	vpsel !p2, $0x8000, v29  }
0x2c0: {  	[tilespmem:$0x8C50] =	vst v29  }
0x2c1: {  	v29 =	vld.idx.msk [tilespmem:v18+s17+$0x0], $0xffff  }
0x2c2: {  	v30 =	vld.idx.msk [tilespmem:v19+s17+$0x0], $0xffff  }
0x2c3: {  	v31 =	vld.idx.msk [tilespmem:v20+s17+$0x0], $0xffff;
	_ =	sdelay $0x3  }
0x2c4: {  	v29 =	vmul.f32 v29, v25  }
0x2c5: {  	v30 =	vmul.f32 v30, v25  }
0x2c6: {  	v29 =	vadd.f32 $5.000000000e-01, v29;
	v31 =	vmul.f32 v31, v25  }
0x2c7: {  	v30 =	vadd.f32 $5.000000000e-01, v30  }
0x2c8: {  	v29 =	vmax.f32 v29, $0.0e+00;
	v31 =	vadd.f32 $5.000000000e-01, v31  }
0x2c9: {  	v29 =	vmin.f32 v29, $9.990000120e-01;
	v30 =	vmax.f32 v30, $0.0e+00  }
0x2ca: {  	v29 =	vmul.f32 $3.200000000e+01, v29;
	v30 =	vmin.f32 v30, $9.990000120e-01;
	v31 =	vmax.f32 v31, $0.0e+00  }
0x2cb: {  	v30 =	vmul.f32 $3.200000000e+01, v30;
	v31 =	vmin.f32 v31, $9.990000120e-01  }
0x2cc: {  	v29 =	vtrunc.f32 v29;
	v31 =	vmul.f32 $3.200000000e+01, v31  }
0x2cd: {  	v30 =	vtrunc.f32 v30  }
0x2ce: {  	v30 =	vcvt.f32.s32 v30;
	v31 =	vtrunc.f32 v31  }
0x2cf: {  	v29 =	vcvt.f32.s32 v29;
	v31 =	vcvt.f32.s32 v31  }
0x2d0: {  	v30 =	vshll.u32 v30, $0x5  }
0x2d1: {  	v31 =	vshll.u32 v31, $0xA;
	v29 =	vadd.s32 v29, v30  }
0x2d2: {  	p2 =	slt.u32 s28, $0x186A0;
	v29 =	vadd.s32 v31, v29  }
0x2d3: {  	v29 =	vpsel !p2, $0x8000, v29  }
0x2d4: {  	[tilespmem:$0x8C60] =	vst v29  }
0x2d5: {  	v29 =	vld.idx.msk [tilespmem:v21+s17+$0x0], $0xffff  }
0x2d6: {  	v30 =	vld.idx.msk [tilespmem:v22+s17+$0x0], $0xffff  }
0x2d7: {  	v31 =	vld.idx.msk [tilespmem:v23+s17+$0x0], $0xffff;
	_ =	sdelay $0x4  }
0x2d8: {  	v29 =	vmul.f32 v29, v25;
	v30 =	vmul.f32 v30, v25  }
0x2d9: {  	v31 =	vmul.f32 v31, v25  }
0x2da: {  	v29 =	vadd.f32 $5.000000000e-01, v29;
	v30 =	vadd.f32 $5.000000000e-01, v30  }
0x2db: {  	v31 =	vadd.f32 $5.000000000e-01, v31  }
0x2dc: {  	v29 =	vmax.f32 v29, $0.0e+00;
	v30 =	vmax.f32 v30, $0.0e+00  }
0x2dd: {  	v29 =	vmin.f32 v29, $9.990000120e-01;
	v30 =	vmin.f32 v30, $9.990000120e-01;
	v31 =	vmax.f32 v31, $0.0e+00  }
0x2de: {  	v29 =	vmul.f32 $3.200000000e+01, v29;
	v30 =	vmul.f32 $3.200000000e+01, v30;
	v31 =	vmin.f32 v31, $9.990000120e-01  }
0x2df: {  	v31 =	vmul.f32 $3.200000000e+01, v31  }
0x2e0: {  	v29 =	vtrunc.f32 v29;
	v30 =	vtrunc.f32 v30  }
0x2e1: {  	v30 =	vcvt.f32.s32 v30;
	v31 =	vtrunc.f32 v31  }
0x2e2: {  	v29 =	vcvt.f32.s32 v29;
	v31 =	vcvt.f32.s32 v31  }
0x2e3: {  	v30 =	vshll.u32 v30, $0x5  }
0x2e4: {  	v31 =	vshll.u32 v31, $0xA;
	v29 =	vadd.s32 v29, v30  }
0x2e5: {  	p2 =	slt.u32 s26, $0x186A0;
	v29 =	vadd.s32 v31, v29  }
0x2e6: {  	v29 =	vpsel !p2, $0x8000, v29  }
0x2e7: {  	[tilespmem:$0x8C70] =	vst v29  }
0x2e8: {  	v29 =	vld.idx.msk [tilespmem:v24+s17+$0x0], $0xffff  }
0x2e9: {  	v30 =	vld.idx.msk [tilespmem:v26+s17+$0x0], $0xffff  }
0x2ea: {  	v31 =	vld.idx.msk [tilespmem:v27+s17+$0x0], $0xffff;
	_ =	sdelay $0x4  }
0x2eb: {  	v29 =	vmul.f32 v29, v25;
	v30 =	vmul.f32 v30, v25  }
0x2ec: {  	v31 =	vmul.f32 v31, v25  }
0x2ed: {  	v29 =	vadd.f32 $5.000000000e-01, v29;
	v30 =	vadd.f32 $5.000000000e-01, v30  }
0x2ee: {  	v31 =	vadd.f32 $5.000000000e-01, v31  }
0x2ef: {  	v29 =	vmax.f32 v29, $0.0e+00;
	v30 =	vmax.f32 v30, $0.0e+00  }
0x2f0: {  	v29 =	vmin.f32 v29, $9.990000120e-01;
	v30 =	vmin.f32 v30, $9.990000120e-01;
	v31 =	vmax.f32 v31, $0.0e+00  }
0x2f1: {  	v29 =	vmul.f32 $3.200000000e+01, v29;
	v30 =	vmul.f32 $3.200000000e+01, v30;
	v31 =	vmin.f32 v31, $9.990000120e-01  }
0x2f2: {  	v31 =	vmul.f32 $3.200000000e+01, v31  }
0x2f3: {  	v29 =	vtrunc.f32 v29;
	v30 =	vtrunc.f32 v30  }
.Ltmp5:
0x2f4: {  	v30 =	vcvt.f32.s32 v30;
	v31 =	vtrunc.f32 v31;
	(pc) =	sbr.rel @p1 .LBB2_12-.Ltmp5, $4  }
0x2f5: {  	v29 =	vcvt.f32.s32 v29;
	v31 =	vcvt.f32.s32 v31  }
0x2f6: {  	v30 =	vshll.u32 v30, $0x5  }
0x2f7: {  	v31 =	vshll.u32 v31, $0xA;
	v29 =	vadd.s32 v29, v30  }
0x2f8: {  	p2 =	slt.u32 s25, $0x186A0;
	v29 =	vadd.s32 v31, v29  }
0x2f9: {  	v29 =	vpsel !p2, $0x8000, v29  }
0x2fa: {  	[tilespmem:$0x8C80] =	vst v29  }
0x2fb: {  	[spmem:s1] =	stream.indirect.scatter.add.f32 [tilespmem:s14], [sflag:$0x1], $0x10, s19, s18, $0xb8;
	[tilespmem:$0x11490] =	vst v63  }
0x2fc: {  	_ =	swait.ge [sflag:s16], $0x800  }
0x2fd: {  	[sflag:s16] =	ssyncset.done $0x0  }
0x2fe: {  	[sflag:s16] =	ssyncadd.s32 $0xFFFFF800  }
0x2ff: {  	[hbm4b:s22+s2] =	stream.linear.scatter [tilespmem:s19], [sflag:$0x1], $0x80, $0x38;
	[tilespmem:$0x11490] =	vst v63  }
0x300: {  	s0 =	simm.s32 $0x0;
	_ =	swait.ge [sflag:s16], $0x80  }
0x301: {  	v29 =	vmov s0;
	[sflag:s16] =	ssyncset.done $0x0  }
0x302: {  	v29 =	vshll.u32 v29, $0x4;
	[sflag:s16] =	ssyncadd.s32 $0xFFFFFF80  }
0x303: {  	v29 =	vor.u32 v28, v29;
	[bflag:$0x0] =	sbarrier.arrive $0xFFFF  }
0x304: {  	[tilespmem:s15], [sflag:$0x1] =	stream.linear.gather [spmem:s4], $0x8000, $0x38;
	[tilespmem:$0x11490] =	vst v63  }
0x305: {  	_ =	swait.ge [sflag:s16], $0x8000  }
0x306: {  	[sflag:s16] =	ssyncset.done $0x0  }
0x307: {  	[sflag:s16] =	ssyncadd.s32 $0xFFFF8000  }
0x308: {  	v29 =	vld.idx.msk [tilespmem:v29+s15+$0x0], $0xffff;
	_ =	sdelay $0x4  }
0x309: {  	v29 =	vmax.f32 v29, $1.000000000e+00  }
0x30a: {  	(erf) = vrcp.f32 v29;
	_ =	sdelay $0x2  }
0x30b: {  	s30 =	simm.s32 $0x10  }
0x30c: {  	v29 =	vmov s30  }
0x30d: {  	v29 =	vshll.u32 v29, $0x4  }
0x30e: {  	v29 =	vor.u32 v28, v29;
	_ =	sdelay $0x2  }
0x30f: {  	s22 =	simm.s32 $0x10C90;
	v30 =	vpop (erf)  }
0x310: {  	[tilespmem:s22+$0x0] =	vst v30  }
0x311: {  	v29 =	vld.idx.msk [tilespmem:v29+s15+$0x0], $0xffff;
	_ =	sdelay $0x4  }
0x312: {  	v29 =	vmax.f32 v29, $1.000000000e+00  }
0x313: {  	(erf) = vrcp.f32 v29;
	_ =	sdelay $0x2  }
0x314: {  	s31 =	simm.s32 $0x20  }
0x315: {  	s23 =	simm.s32 $0x30;
	v29 =	vmov s31  }
.LBB2_14:
0x316: {  	p1 =	sne.s32 s23, $0x7F0;
	v29 =	vshll.u32 v29, $0x4  }
0x317: {  	v29 =	vor.u32 v28, v29;
	_ =	sdelay $0x2  }
0x318: {  	s22 =	sadd.s32 $0x10, s22;
	v30 =	vpop (erf)  }
0x319: {  	[tilespmem:s22+$0x0] =	vst v30  }
0x31a: {  	v29 =	vld.idx.msk [tilespmem:v29+s15+$0x0], $0xffff;
	_ =	sdelay $0x5  }
0x31b: {  	v29 =	vmax.f32 v29, $1.000000000e+00  }
.Ltmp6:
0x31c: {  	(erf) = vrcp.f32 v29;
	(pc) =	sbr.rel @p1 .LBB2_14-.Ltmp6, $2  }
0x31d: {  	_ =	sdelay $0x2  }
0x31e: {  	v29 =	vmov s23;
	s23 =	sadd.s32 $0x10, s23  }
0x31f: {  	v29 =	vshll.u32 v29, $0x4  }
0x320: {  	v29 =	vor.u32 v28, v29;
	_ =	sdelay $0x2  }
0x321: {  	s0 =	sadd.s32 $0x10, s22;
	v30 =	vpop (erf)  }
0x322: {  	[tilespmem:s0+$0x0] =	vst v30  }
0x323: {  	v29 =	vld.idx.msk [tilespmem:v29+s15+$0x0], $0xffff;
	_ =	sdelay $0x4  }
0x324: {  	v29 =	vmax.f32 v29, $1.000000000e+00  }
0x325: {  	(erf) = vrcp.f32 v29;
	_ =	sdelay $0x8  }
0x326: {  	s21 =	sadd.s32 $0x1, s21;
	s0 =	sadd.s32 $0x10, s0;
	v29 =	vpop (erf)  }
0x327: {  	p1 =	sne.s32 s21, s9;
	[tilespmem:s0+$0x0] =	vst v29  }
0x328: {  	[hbm4b:s8+s2] =	stream.linear.scatter [tilespmem:s20], [sflag:$0x1], $0x800, $0x38;
	[tilespmem:$0x11490] =	vst v63  }
.Ltmp7:
0x329: {  	_ =	swait.ge [sflag:s16], $0x800;
	(pc) =	sbr.rel @p1 .LBB2_1-.Ltmp7, $3  }
0x32a: {  	[sflag:s16] =	ssyncset.done $0x0  }
0x32b: {  	[sflag:s16] =	ssyncadd.s32 $0xFFFFF800  }
0x32c: {  	[bflag:$0x0] =	sbarrier.arrive $0xFFFF;
	_ =	sdelay $0x1  }
0x32d: {  	_ =	sfence.sel $0x180000  }
0x32e: {  	[bflag:$0x0] =	sbarrier.arrive $0xFFFF  }
0x32f: {  	_ =	strace $0x90000047  }
0x330: {  	s0 =	stileid.u32;
	[bflag:$0x2] =	sbarrier.arrive $0xFFFF  }
0x331: {  	p0 =	sne.s32 s0, $0x0;
	s0 =	rddreg [dreg:$0x2]  }
0x332: {  	s0 =	sadd.s32 @!p0 $0x100000, s0  }
0x333: {  	[sflag:s0] =	ssyncadd.tile.s32 @!p0 $0x1;
	_ =	shalt  }
.Lfunc_end2:
_tile_overlayer_lowered:
.L_overlay_start_2:
0x334: {  	(tag) =	ssettag $0x2  }
0x335: {  	s0 =	rddreg [dreg:$0x0];
	s2 =	stileid.u32  }
0x336: {  	s1 =	rddreg [dreg:$0x1];
	p0 =	sne.s32 s2, $0x0  }
0x337: {  	s3 =	rddreg [dreg:$0x2];
	[bflag:$0x3] =	sbarrier.arrive $0xFFFF;
	s2 =	simm.s32 @!p0 $0x1C01  }
0x338: {  	[timem:s3], [sflag:s2] =	dma.local @!p0 [hbm:s0], s1  }
0x339: {  	s0 =	simm.s32 @!p0 $0x1  }
0x33a: {  	_ =	swait.ge @!p0 [sflag:s0], s1  }
0x33b: {  	s1 =	ssub.s32 @!p0 $0x0, s1;
	[sflag:s0] =	ssyncset.done @!p0 $0x0  }
0x33c: {  	[sflag:s0] =	ssyncadd.s32 @!p0 s1  }
0x33d: {  	[bflag:$0x3] =	sbarrier.arrive $0xFFFF  }
0x33e: {  	_ =	shalt  }

</sc_bundles>
